<compile_context>
chip_gen: v7x
topology: tpu7x:2x2x1
jax: 0.10.2.dev20260603
libtpu: 0.0.44.dev20260713+nightly
codegen_flags: <defaults>
</compile_context>

<pallas_src>
import functools

import jax
import jax.numpy as jnp
from jax import lax
from jax.experimental import pallas as pl
from jax.experimental.pallas import tpu as pltpu
from jax.experimental.pallas import tpu_sc as plsc

N_NODES = 10000
N_EDGES = 320000
N_PAD = 10240
E_PAD = 327680
EPT = E_PAD // 32
G = 1024
NG = EPT // G
RPT = N_PAD // 16

_MESH = plsc.VectorSubcoreMesh(core_axis_name="c", subcore_axis_name="s")
_SC_PARAMS = pltpu.CompilerParams(
    use_tc_tiling_on_sc=False, needs_layout_passes=False)


def _rsqrt16(d):
    i = plsc.bitcast(d, jnp.int32)
    y = plsc.bitcast(0x5F3759DF - lax.shift_right_logical(i, 1), jnp.float32)
    for _ in range(3):
        y = y * (1.5 - 0.5 * d * y * y)
    return y


def _zero_rows(ref, n):
    z = jnp.zeros((16,), jnp.float32)

    def body(i, _):
        ref[i, :] = z
        return 0

    lax.fori_loop(0, n, body, 0, unroll=8)


@functools.partial(
    pl.kernel,
    out_type=jax.ShapeDtypeStruct((2, N_PAD), jnp.float32),
    mesh=_MESH,
    scratch_types=[
        pltpu.VMEM((EPT,), jnp.int32),
        pltpu.VMEM((EPT,), jnp.float32),
        pltpu.VMEM((RPT,), jnp.float32),
        pltpu.VMEM_SHARED((N_PAD,), jnp.float32),
    ],
    compiler_params=_SC_PARAMS,
)
def _sc_degree(dst_hbm, out_hbm, dst_v, ones_v, buf_v, deg_sh):
    c = lax.axis_index("c")
    s = lax.axis_index("s")

    one = jnp.ones((16,), jnp.float32)
    z = jnp.zeros((16,), jnp.float32)

    def ob(i, _):
        ones_v[pl.ds(i * 16, 16)] = one
        return 0

    lax.fori_loop(0, EPT // 16, ob, 0, unroll=8)

    def zb(i, _):
        buf_v[pl.ds(i * 16, 16)] = z
        return 0

    lax.fori_loop(0, RPT // 16, zb, 0, unroll=8)
    pltpu.sync_copy(buf_v, deg_sh.at[pl.ds(s * RPT, RPT)])
    plsc.subcore_barrier()

    for half in range(2):
        pltpu.sync_copy(dst_hbm.at[half * 16 + s], dst_v)
        pltpu.sync_copy(ones_v, deg_sh.at[dst_v], add=True)
    plsc.subcore_barrier()
    pltpu.sync_copy(deg_sh.at[pl.ds(s * RPT, RPT)], buf_v)
    pltpu.sync_copy(buf_v, out_hbm.at[c, pl.ds(s * RPT, RPT)])


def _propagate(w, src_hbm, dst_hbm, table_sh, acc_sh,
               sa, da, ra, gsa, isa, sb, db, rb, gsb, isb):
    def load_idx(g, srcb, dstb, isem):
        pltpu.async_copy(src_hbm.at[w, pl.ds(g * G, G)], srcb, isem)
        pltpu.async_copy(dst_hbm.at[w, pl.ds(g * G, G)], dstb, isem)

    def wait_idx(srcb, dstb, isem):
        pltpu.make_async_copy(src_hbm.at[w, pl.ds(0, G)], srcb, isem).wait()
        pltpu.make_async_copy(dst_hbm.at[w, pl.ds(0, G)], dstb, isem).wait()

    def wait_gather(rows, gsem):
        pltpu.make_async_copy(table_sh.at[sa], rows, gsem).wait()

    load_idx(0, sa, da, isa)
    wait_idx(sa, da, isa)
    pltpu.async_copy(table_sh.at[sa], ra, gsa)
    load_idx(1, sb, db, isb)

    def pair(p, _):
        wait_idx(sb, db, isb)
        pltpu.async_copy(table_sh.at[sb], rb, gsb)
        wait_gather(ra, gsa)
        pltpu.sync_copy(ra, acc_sh.at[da], add=True)
        load_idx(2 * p + 2, sa, da, isa)
        wait_gather(rb, gsb)
        pltpu.sync_copy(rb, acc_sh.at[db], add=True)
        load_idx(2 * p + 3, sb, db, isb)
        wait_idx(sa, da, isa)
        pltpu.async_copy(table_sh.at[sa], ra, gsa)
        return 0

    lax.fori_loop(0, NG // 2 - 1, pair, 0)
    wait_idx(sb, db, isb)
    pltpu.async_copy(table_sh.at[sb], rb, gsb)
    wait_gather(ra, gsa)
    pltpu.sync_copy(ra, acc_sh.at[da], add=True)
    wait_gather(rb, gsb)
    pltpu.sync_copy(rb, acc_sh.at[db], add=True)


_PROP_SCRATCH = [
    pltpu.VMEM((G,), jnp.int32),
    pltpu.VMEM((G,), jnp.int32),
    pltpu.VMEM((G, 16), jnp.float32),
    pltpu.SemaphoreType.DMA,
    pltpu.SemaphoreType.DMA,
    pltpu.VMEM((G,), jnp.int32),
    pltpu.VMEM((G,), jnp.int32),
    pltpu.VMEM((G, 16), jnp.float32),
    pltpu.SemaphoreType.DMA,
    pltpu.SemaphoreType.DMA,
]


@functools.partial(
    pl.kernel,
    out_type=(
        jax.ShapeDtypeStruct((2, N_PAD, 16), jnp.float32),
        jax.ShapeDtypeStruct((N_PAD,), jnp.float32),
    ),
    mesh=_MESH,
    scratch_types=[
        pltpu.VMEM((RPT,), jnp.float32),
        pltpu.VMEM((RPT,), jnp.float32),
        pltpu.VMEM((RPT, 16), jnp.float32),
        pltpu.VMEM_SHARED((N_PAD, 16), jnp.float32),
        pltpu.VMEM_SHARED((N_PAD, 16), jnp.float32),
    ] + _PROP_SCRATCH,
    compiler_params=_SC_PARAMS,
)
def _sc_layer1(src_hbm, dst_hbm, h1_hbm, deg_hbm, acc_out, dinv_out,
               deg_v, dinv_v, h1_v, table_sh, acc_sh,
               sa, da, ra, gsa, isa, sb, db, rb, gsb, isb):
    c = lax.axis_index("c")
    s = lax.axis_index("s")
    w = c * 16 + s

    sl = pl.ds(s * RPT, RPT)
    pltpu.sync_copy(deg_hbm.at[c, sl], deg_v)
    pltpu.sync_copy(h1_hbm.at[sl], h1_v)

    def dg(i, _):
        d = deg_v[pl.ds(i * 16, 16)] + 1.0
        dinv_v[pl.ds(i * 16, 16)] = _rsqrt16(d)
        return 0

    lax.fori_loop(0, RPT // 16, dg, 0)

    def rscale(g, _):
        dv = dinv_v[pl.ds(g * 16, 16)]
        for j in range(16):
            r = g * 16 + j
            h1_v[r, :] = h1_v[r, :] * dv[j]
        return 0

    lax.fori_loop(0, RPT // 16, rscale, 0)
    pltpu.sync_copy(h1_v, table_sh.at[sl])

    @pl.when(c == 0)
    def _():
        pltpu.sync_copy(h1_v, acc_sh.at[sl])
        pltpu.sync_copy(dinv_v, dinv_out.at[sl])

    @pl.when(c == 1)
    def _():
        _zero_rows(h1_v, RPT)
        pltpu.sync_copy(h1_v, acc_sh.at[sl])

    plsc.subcore_barrier()
    _propagate(w, src_hbm, dst_hbm, table_sh, acc_sh,
               sa, da, ra, gsa, isa, sb, db, rb, gsb, isb)
    plsc.subcore_barrier()
    rp = ra.at[pl.ds(0, 128)]
    rq = rb.at[pl.ds(0, 128)]
    pltpu.sync_copy(acc_sh.at[pl.ds(s * RPT, 128)], rp)
    for p in range(RPT // 128):
        buf = rp if p % 2 == 0 else rq
        nbuf = rq if p % 2 == 0 else rp
        sem = gsa if p % 2 == 0 else gsb
        pltpu.async_copy(buf, acc_out.at[c, pl.ds(s * RPT + p * 128, 128)],
                         sem)
        if p + 1 < RPT // 128:
            pltpu.sync_copy(
                acc_sh.at[pl.ds(s * RPT + (p + 1) * 128, 128)], nbuf)
        pltpu.make_async_copy(
            buf, acc_out.at[c, pl.ds(s * RPT, 128)], sem).wait()


@functools.partial(
    pl.kernel,
    out_type=jax.ShapeDtypeStruct((2, 16, N_PAD), jnp.float32),
    mesh=_MESH,
    scratch_types=[
        pltpu.VMEM((RPT, 16), jnp.float32),
        pltpu.VMEM((RPT, 16), jnp.float32),
        pltpu.VMEM((RPT,), jnp.float32),
        pltpu.VMEM((16,), jnp.float32),
        pltpu.VMEM((16, 128), jnp.float32),
        pltpu.VMEM_SHARED((N_PAD, 16), jnp.float32),
        pltpu.VMEM_SHARED((N_PAD, 16), jnp.float32),
    ] + _PROP_SCRATCH,
    compiler_params=_SC_PARAMS,
)
def _sc_layer2(src_hbm, dst_hbm, acc1_hbm, dinv_hbm, b1_hbm, acc_out,
               a0_v, a1_v, dinv_v, b1_v, t_v, table_sh, acc_sh,
               sa, da, ra, gsa, isa, sb, db, rb, gsb, isb):
    c = lax.axis_index("c")
    s = lax.axis_index("s")
    w = c * 16 + s

    sl = pl.ds(s * RPT, RPT)
    pltpu.async_copy(acc1_hbm.at[0, sl], a0_v, gsa)
    pltpu.async_copy(acc1_hbm.at[1, sl], a1_v, gsb)
    pltpu.sync_copy(dinv_hbm.at[sl], dinv_v)
    pltpu.sync_copy(b1_hbm, b1_v)
    pltpu.make_async_copy(acc1_hbm.at[0, sl], a0_v, gsa).wait()
    pltpu.make_async_copy(acc1_hbm.at[1, sl], a1_v, gsb).wait()
    b1 = b1_v[...]

    def r2row(g, _):
        dv = dinv_v[pl.ds(g * 16, 16)]
        for j in range(16):
            r = g * 16 + j
            t = dv[j] * (a0_v[r, :] + a1_v[r, :]) + b1
            a0_v[r, :] = dv[j] * jnp.maximum(t, 0.0)
        return 0

    lax.fori_loop(0, RPT // 16, r2row, 0)
    pltpu.sync_copy(a0_v, table_sh.at[sl])

    @pl.when(c == 0)
    def _():
        pltpu.sync_copy(a0_v, acc_sh.at[sl])

    @pl.when(c == 1)
    def _():
        _zero_rows(a0_v, RPT)
        pltpu.sync_copy(a0_v, acc_sh.at[sl])

    plsc.subcore_barrier()
    _propagate(w, src_hbm, dst_hbm, table_sh, acc_sh,
               sa, da, ra, gsa, isa, sb, db, rb, gsb, isb)
    plsc.subcore_barrier()

    lanes = lax.iota(jnp.int32, 16)
    rp = ra.at[pl.ds(0, 128)]
    rq = rb.at[pl.ds(0, 128)]
    pltpu.async_copy(acc_sh.at[pl.ds(s * RPT, 128)], rp, gsa)
    for p in range(RPT // 128):
        buf, nbuf, sem, nsem = ((ra, rb, gsa, gsb) if p % 2 == 0
                                else (rb, ra, gsb, gsa))
        pltpu.make_async_copy(
            acc_sh.at[pl.ds(s * RPT, 128)],
            rp if p % 2 == 0 else rq, sem).wait()
        if p + 1 < RPT // 128:
            pltpu.async_copy(acc_sh.at[pl.ds(s * RPT + (p + 1) * 128, 128)],
                             rq if p % 2 == 0 else rp, nsem)

        def tb(r, _):
            v = buf[r, :]
            plsc.store_scatter(t_v, [lanes, jnp.full((16,), r, jnp.int32)], v)
            return 0

        lax.fori_loop(0, 128, tb, 0, unroll=8)
        pltpu.sync_copy(
            t_v, acc_out.at[c, :, pl.ds(s * RPT + p * 128, 128)])


def _tc_mm1_body(x_ref, w1_ref, out_ref):
    h = jnp.dot(x_ref[...], w1_ref[...], preferred_element_type=jnp.float32)
    out_ref[...] = jnp.pad(h, ((0, N_PAD - N_NODES), (0, 0)))


def _tc_mm1(x, w1):
    return pl.pallas_call(
        _tc_mm1_body,
        out_shape=jax.ShapeDtypeStruct((N_PAD, 16), jnp.float32),
    )(x, w1)


def _tc_out_body(acc_ref, dinv_ref, w2_ref, b2_ref, out_ref):
    a = (acc_ref[0] + acc_ref[1]) * dinv_ref[...][None, :]
    z = lax.dot_general(w2_ref[...], a, (((0,), (0,)), ((), ())),
                        preferred_element_type=jnp.float32)
    z = z + b2_ref[...][:, None]
    m = jnp.max(z, axis=0, keepdims=True)
    t = z - m
    out_ref[...] = t - jnp.log(jnp.sum(jnp.exp(t), axis=0, keepdims=True))


def _tc_out(acc, dinv, w2, b2):
    return pl.pallas_call(
        _tc_out_body,
        out_shape=jax.ShapeDtypeStruct((7, N_PAD), jnp.float32),
    )(acc, dinv, w2, b2)


def kernel(x, edge_index, W1, b1, W2, b2):
    ei = edge_index.astype(jnp.int32)
    src, dst = ei[0], ei[1]
    npad = E_PAD - N_EDGES
    pad_idx = N_NODES + jnp.arange(npad, dtype=jnp.int32) % (N_PAD - N_NODES)
    srcp = jnp.concatenate([src, pad_idx]).reshape(32, EPT)
    dstp = jnp.concatenate([dst, pad_idx]).reshape(32, EPT)

    deg = _sc_degree(dstp)
    h1_pad = _tc_mm1(x, W1)
    acc1, dinv = _sc_layer1(srcp, dstp, h1_pad, deg)
    acc2 = _sc_layer2(srcp, dstp, acc1, dinv, b1)
    zt = _tc_out(acc2, dinv, W2, b2)
    return zt[:, :N_NODES].T

# --- scband reference (transcript-rebuilt; emitter-appended) ---
"""Pipeline reference for scband-method-gcn-11098195493080 (READ-ONLY COPY).

The authoritative reference and input builder live on the scoring server;
editing this copy changes nothing except your own understanding.
"""

import jax, jax.numpy as jnp
import numpy as np

N_NODES = 10000
N_EDGES = 320000
IN_DIM = 128
HID_DIM = 16
OUT_DIM = 7


def gcn_conv(x, edge_index, W, b):
    # Faithful GCNConv: linear transform, add self-loops, symmetric deg^-1/2 normalization,
    # gather messages by src, scatter-add by dst, add bias.
    n = x.shape[0]
    src = edge_index[0]
    dst = edge_index[1]
    loop = jnp.arange(n, dtype=src.dtype)
    src = jnp.concatenate([src, loop])
    dst = jnp.concatenate([dst, loop])
    h = x @ W
    deg = jnp.zeros((n,), dtype=h.dtype).at[dst].add(1.0)
    dinv = jnp.where(deg > 0, deg ** -0.5, 0.0)
    norm = dinv[src] * dinv[dst]
    msg = jnp.take(h, src, axis=0) * norm[:, None]
    out = jnp.zeros((n, h.shape[1]), dtype=h.dtype).at[dst].add(msg)
    return out + b


def setup_inputs(seed: int = 0) -> dict:
    key = jax.random.key(seed)
    k1, k2, k3, k4 = jax.random.split(key, 4)
    x = jax.random.normal(k1, (N_NODES, IN_DIM), dtype=jnp.float32)
    edge_index = jax.random.randint(k2, (2, N_EDGES), 0, N_NODES)
    # Glorot-style init for GCN weights
    W1 = jax.random.normal(k3, (IN_DIM, HID_DIM), dtype=jnp.float32) * (2.0 / (IN_DIM + HID_DIM)) ** 0.5
    b1 = jnp.zeros((HID_DIM,), dtype=jnp.float32)
    W2 = jax.random.normal(k4, (HID_DIM, OUT_DIM), dtype=jnp.float32) * (2.0 / (HID_DIM + OUT_DIM)) ** 0.5
    b2 = jnp.zeros((OUT_DIM,), dtype=jnp.float32)
    return {"x": x, "edge_index": edge_index, "W1": W1, "b1": b1, "W2": W2, "b2": b2}


def reference(x, edge_index, W1, b1, W2, b2):
    h = gcn_conv(x, edge_index, W1, b1)
    h = jax.nn.relu(h)
    # F.dropout(..., training=self.training) is identity in eval mode
    h = gcn_conv(h, edge_index, W2, b2)
    return jax.nn.log_softmax(h, axis=1)

if __name__ == "__main__":
    import jax
    _d = setup_inputs()
    print(jax.jit(kernel)(*tuple(_d.values())))

</pallas_src>

<mosaic_0001>
#map = affine_map<(d0, d1) -> (0, 0)>
#map1 = affine_map<(d0, d1) -> (0, 0, 0)>
#map2 = affine_map<(d0, d1) -> (0)>
module attributes {stable_mosaic.version = 14 : i64} {
  func.func @_sc_layer1(%arg0: i32, %arg1: i32, %arg2: memref<32x10240xi32, #tpu.memory_space<hbm>>, %arg3: memref<32x10240xi32, #tpu.memory_space<hbm>>, %arg4: memref<10240x16xf32, #tpu.memory_space<hbm>>, %arg5: memref<2x10240xf32, #tpu.memory_space<hbm>>, %arg6: memref<2x10240x16xf32, #tpu.memory_space<hbm>>, %arg7: memref<10240xf32, #tpu.memory_space<hbm>>, %arg8: memref<640xf32, #tpu.memory_space<vmem>>, %arg9: memref<640xf32, #tpu.memory_space<vmem>>, %arg10: memref<640x16xf32, #tpu.memory_space<vmem>>, %arg11: memref<10240x16xf32, #tpu.memory_space<vmem_shared>>, %arg12: memref<10240x16xf32, #tpu.memory_space<vmem_shared>>, %arg13: memref<1024xi32, #tpu.memory_space<vmem>>, %arg14: memref<1024xi32, #tpu.memory_space<vmem>>, %arg15: memref<1024x16xf32, #tpu.memory_space<vmem>>, %arg16: memref<!tpu.dma_semaphore, #tpu.memory_space<semaphore_mem>>, %arg17: memref<!tpu.dma_semaphore, #tpu.memory_space<semaphore_mem>>, %arg18: memref<1024xi32, #tpu.memory_space<vmem>>, %arg19: memref<1024xi32, #tpu.memory_space<vmem>>, %arg20: memref<1024x16xf32, #tpu.memory_space<vmem>>, %arg21: memref<!tpu.dma_semaphore, #tpu.memory_space<semaphore_mem>>, %arg22: memref<!tpu.dma_semaphore, #tpu.memory_space<semaphore_mem>>) attributes {dimension_semantics = [#tpu.dimension_semantics<core_parallel>, #tpu.dimension_semantics<subcore_parallel>], iteration_bounds = array<i64: 2, 16>, scalar_prefetch = 0 : i64, scratch_operands = 15 : i64, tpu.core_type = #tpu.core_type<sc_vector_subcore>, window_params = [{transform_indices = #map}, {transform_indices = #map}, {transform_indices = #map}, {transform_indices = #map}, {transform_indices = #map1}, {transform_indices = #map2}]} {
    %mul3A = arith.constant 16 : i32
    %mul3A_0 = arith.muli %arg0, %mul3A : i32
    %add3A = arith.addi %mul3A_0, %arg1 : i32
    %mul3A_1 = arith.constant 640 : i32
    %mul3A_2 = arith.muli %arg1, %mul3A_1 : i32
    "tpu.region"() ({
      %run_scoped3A = tpu.sem_alloc : memref<!tpu.dma_semaphore, #tpu.memory_space<semaphore_mem>>
      %dma_start3A_257 = tpu.memref_slice %arg5[%arg0, %mul3A_2] : memref<2x10240xf32, #tpu.memory_space<hbm>> -> memref<1x640xf32, #tpu.memory_space<hbm>>
      %dma_start3A_258 = tpu.memref_squeeze %dma_start3A_257 : memref<1x640xf32, #tpu.memory_space<hbm>> -> memref<640xf32, #tpu.memory_space<hbm>>
      %dma_start3A_259 = tpu.memref_slice %arg5[%arg0, %mul3A_2] : memref<2x10240xf32, #tpu.memory_space<hbm>> -> memref<1x640xf32, #tpu.memory_space<hbm>>
      %dma_start3A_260 = tpu.memref_squeeze %dma_start3A_259 : memref<1x640xf32, #tpu.memory_space<hbm>> -> memref<640xf32, #tpu.memory_space<hbm>>
      tpu.enqueue_dma source(%dma_start3A_260 : memref<640xf32, #tpu.memory_space<hbm>>) target(%arg8 : memref<640xf32, #tpu.memory_space<vmem>>) target_semaphore(%run_scoped3A : memref<!tpu.dma_semaphore, #tpu.memory_space<semaphore_mem>>)
      %dma_wait3A_261 = tpu.memref_slice %arg5[%arg0, %mul3A_2] : memref<2x10240xf32, #tpu.memory_space<hbm>> -> memref<1x640xf32, #tpu.memory_space<hbm>>
      %dma_wait3A_262 = tpu.memref_squeeze %dma_wait3A_261 : memref<1x640xf32, #tpu.memory_space<hbm>> -> memref<640xf32, #tpu.memory_space<hbm>>
      %dma_wait3A_263 = tpu.memref_slice %arg5[%arg0, %mul3A_2] : memref<2x10240xf32, #tpu.memory_space<hbm>> -> memref<1x640xf32, #tpu.memory_space<hbm>>
      %dma_wait3A_264 = tpu.memref_squeeze %dma_wait3A_263 : memref<1x640xf32, #tpu.memory_space<hbm>> -> memref<640xf32, #tpu.memory_space<hbm>>
      tpu.wait_dma2 semaphore(%run_scoped3A : memref<!tpu.dma_semaphore, #tpu.memory_space<semaphore_mem>>) src(%dma_wait3A_264 : memref<640xf32, #tpu.memory_space<hbm>>) dst(%arg8 : memref<640xf32, #tpu.memory_space<vmem>>)
      tpu.yield
    }) : () -> ()
    "tpu.region"() ({
      %run_scoped3A = tpu.sem_alloc : memref<!tpu.dma_semaphore, #tpu.memory_space<semaphore_mem>>
      %dma_start3A_257 = arith.constant 0 : i32
      %dma_start3A_258 = tpu.memref_slice %arg4[%mul3A_2, %dma_start3A_257] : memref<10240x16xf32, #tpu.memory_space<hbm>> -> memref<640x16xf32, #tpu.memory_space<hbm>>
      %dma_start3A_259 = arith.constant 0 : i32
      %dma_start3A_260 = tpu.memref_slice %arg4[%mul3A_2, %dma_start3A_259] : memref<10240x16xf32, #tpu.memory_space<hbm>> -> memref<640x16xf32, #tpu.memory_space<hbm>>
      tpu.enqueue_dma source(%dma_start3A_260 : memref<640x16xf32, #tpu.memory_space<hbm>>) target(%arg10 : memref<640x16xf32, #tpu.memory_space<vmem>>) target_semaphore(%run_scoped3A : memref<!tpu.dma_semaphore, #tpu.memory_space<semaphore_mem>>)
      %dma_wait3A_261 = arith.constant 0 : i32
      %dma_wait3A_262 = tpu.memref_slice %arg4[%mul3A_2, %dma_wait3A_261] : memref<10240x16xf32, #tpu.memory_space<hbm>> -> memref<640x16xf32, #tpu.memory_space<hbm>>
      %dma_wait3A_263 = arith.constant 0 : i32
      %dma_wait3A_264 = tpu.memref_slice %arg4[%mul3A_2, %dma_wait3A_263] : memref<10240x16xf32, #tpu.memory_space<hbm>> -> memref<640x16xf32, #tpu.memory_space<hbm>>
      tpu.wait_dma2 semaphore(%run_scoped3A : memref<!tpu.dma_semaphore, #tpu.memory_space<semaphore_mem>>) src(%dma_wait3A_264 : memref<640x16xf32, #tpu.memory_space<hbm>>) dst(%arg10 : memref<640x16xf32, #tpu.memory_space<vmem>>)
      tpu.yield
    }) : () -> ()
    %scan3A = arith.constant 0 : i32
    %scan3A_3 = arith.constant 0 : i32
    %scan3A_4 = arith.constant 40 : i32
    %scan3A_5 = arith.addi %scan3A_3, %scan3A_4 : i32
    %scan3A_6 = arith.constant 1 : i32
    %scan3A_7 = scf.for %scan3A_257 = %scan3A_3 to %scan3A_5 step %scan3A_6 iter_args(%scan3A_258 = %scan3A) -> (i32)  : i32 {
      %mul3A_259 = arith.constant 16 : i32
      %mul3A_260 = arith.muli %scan3A_257, %mul3A_259 : i32
      %get3A = arith.index_cast %mul3A_260 : i32 to index
      %get3A_261 = tpu.vector_load %arg8[%get3A] {strides = array<i32>} : memref<640xf32, #tpu.memory_space<vmem>>, vector<16xf32>,
      %add3A_262 = arith.constant 1.000000e+00 : f32
      %add3A_263 = vector.broadcast %add3A_262 : f32 to vector<16xf32>
      %add3A_264 = arith.addf %get3A_261, %add3A_263 : vector<16xf32>
      %bitcast3A = vector.bitcast %add3A_264 : vector<16xf32> to vector<16xi32>
      %shift_right_logical3A = arith.constant 1 : i32
      %shift_right_logical3A_265 = vector.broadcast %shift_right_logical3A : i32 to vector<16xi32>
      %shift_right_logical3A_266 = arith.shrui %bitcast3A, %shift_right_logical3A_265 : vector<16xi32>
      %sub3A = arith.constant 1597463007 : i32
      %sub3A_267 = vector.broadcast %sub3A : i32 to vector<16xi32>
      %sub3A_268 = arith.subi %sub3A_267, %shift_right_logical3A_266 : vector<16xi32>
      %bitcast3A_269 = vector.bitcast %sub3A_268 : vector<16xi32> to vector<16xf32>
      %mul3A_270 = arith.constant 5.000000e-01 : f32
      %mul3A_271 = vector.broadcast %mul3A_270 : f32 to vector<16xf32>
      %mul3A_272 = arith.mulf %mul3A_271, %add3A_264 : vector<16xf32>
      %mul3A_273 = arith.mulf %mul3A_272, %bitcast3A_269 : vector<16xf32>
      %mul3A_274 = arith.mulf %mul3A_273, %bitcast3A_269 : vector<16xf32>
      %sub3A_275 = arith.constant 1.500000e+00 : f32
      %sub3A_276 = vector.broadcast %sub3A_275 : f32 to vector<16xf32>
      %sub3A_277 = arith.subf %sub3A_276, %mul3A_274 : vector<16xf32>
      %mul3A_278 = arith.mulf %bitcast3A_269, %sub3A_277 : vector<16xf32>
      %mul3A_279 = arith.constant 5.000000e-01 : f32
      %mul3A_280 = vector.broadcast %mul3A_279 : f32 to vector<16xf32>
      %mul3A_281 = arith.mulf %mul3A_280, %add3A_264 : vector<16xf32>
      %mul3A_282 = arith.mulf %mul3A_281, %mul3A_278 : vector<16xf32>
      %mul3A_283 = arith.mulf %mul3A_282, %mul3A_278 : vector<16xf32>
      %sub3A_284 = arith.constant 1.500000e+00 : f32
      %sub3A_285 = vector.broadcast %sub3A_284 : f32 to vector<16xf32>
      %sub3A_286 = arith.subf %sub3A_285, %mul3A_283 : vector<16xf32>
      %mul3A_287 = arith.mulf %mul3A_278, %sub3A_286 : vector<16xf32>
      %mul3A_288 = arith.constant 5.000000e-01 : f32
      %mul3A_289 = vector.broadcast %mul3A_288 : f32 to vector<16xf32>
      %mul3A_290 = arith.mulf %mul3A_289, %add3A_264 : vector<16xf32>
      %mul3A_291 = arith.mulf %mul3A_290, %mul3A_287 : vector<16xf32>
      %mul3A_292 = arith.mulf %mul3A_291, %mul3A_287 : vector<16xf32>
      %sub3A_293 = arith.constant 1.500000e+00 : f32
      %sub3A_294 = vector.broadcast %sub3A_293 : f32 to vector<16xf32>
      %sub3A_295 = arith.subf %sub3A_294, %mul3A_292 : vector<16xf32>
      %mul3A_296 = arith.mulf %mul3A_287, %sub3A_295 : vector<16xf32>
      %mul3A_297 = arith.constant 16 : i32
      %mul3A_298 = arith.muli %scan3A_257, %mul3A_297 : i32
      %swap3A = arith.index_cast %mul3A_298 : i32 to index
      %swap3A_299 = tpu.vector_load %arg9[%swap3A] {strides = array<i32>} : memref<640xf32, #tpu.memory_space<vmem>>, vector<16xf32>,
      tpu.vector_store %arg9[%swap3A], %mul3A_296 {strides = array<i32>} : memref<640xf32, #tpu.memory_space<vmem>>, vector<16xf32>,
      %scan3A_300 = arith.constant 0 : i32
      scf.yield %scan3A_300 : i32
    }
    %scan3A_8 = arith.constant 40 : i32
    %scan3A_9 = arith.constant 0 : i32
    %scan3A_10 = arith.constant 0 : i32
    %scan3A_11 = arith.constant 40 : i32
    %scan3A_12 = arith.addi %scan3A_10, %scan3A_11 : i32
    %scan3A_13 = arith.constant 1 : i32
    %scan3A_14 = scf.for %scan3A_257 = %scan3A_10 to %scan3A_12 step %scan3A_13 iter_args(%scan3A_258 = %scan3A_9) -> (i32)  : i32 {
      %mul3A_259 = arith.constant 16 : i32
      %mul3A_260 = arith.muli %scan3A_257, %mul3A_259 : i32
      %get3A = arith.index_cast %mul3A_260 : i32 to index
      %get3A_261 = tpu.vector_load %arg9[%get3A] {strides = array<i32>} : memref<640xf32, #tpu.memory_space<vmem>>, vector<16xf32>,
      %mul3A_262 = arith.constant 16 : i32
      %mul3A_263 = arith.muli %scan3A_257, %mul3A_262 : i32
      %add3A_264 = arith.constant 0 : i32
      %add3A_265 = arith.addi %mul3A_263, %add3A_264 : i32
      %get3A_266 = arith.index_cast %add3A_265 : i32 to index
      %get3A_267 = arith.constant 0 : index
      %get3A_268 = tpu.vector_load %arg10[%get3A_266, %get3A_267] {strides = array<i32>} : memref<640x16xf32, #tpu.memory_space<vmem>>, vector<16xf32>,
      %slice3A = vector.extract_strided_slice %get3A_261 {offsets = [0], sizes = [1], strides = [1]} : vector<16xf32> to vector<1xf32>
      %squeeze3A = vector.extract %slice3A[0] : f32 from vector<1xf32>
      %mul3A_269 = vector.broadcast %squeeze3A : f32 to vector<16xf32>
      %mul3A_270 = arith.mulf %get3A_268, %mul3A_269 : vector<16xf32>
      %swap3A = arith.index_cast %add3A_265 : i32 to index
      %swap3A_271 = arith.constant 0 : index
      %swap3A_272 = tpu.vector_load %arg10[%swap3A, %swap3A_271] {strides = array<i32>} : memref<640x16xf32, #tpu.memory_space<vmem>>, vector<16xf32>,
      tpu.vector_store %arg10[%swap3A, %swap3A_271], %mul3A_270 {strides = array<i32>} : memref<640x16xf32, #tpu.memory_space<vmem>>, vector<16xf32>,
      %mul3A_273 = arith.constant 16 : i32
      %mul3A_274 = arith.muli %scan3A_257, %mul3A_273 : i32
      %add3A_275 = arith.constant 1 : i32
      %add3A_276 = arith.addi %mul3A_274, %add3A_275 : i32
      %get3A_277 = arith.index_cast %add3A_276 : i32 to index
      %get3A_278 = arith.constant 0 : index
      %get3A_279 = tpu.vector_load %arg10[%get3A_277, %get3A_278] {strides = array<i32>} : memref<640x16xf32, #tpu.memory_space<vmem>>, vector<16xf32>,
      %slice3A_280 = vector.extract_strided_slice %get3A_261 {offsets = [1], sizes = [1], strides = [1]} : vector<16xf32> to vector<1xf32>
      %squeeze3A_281 = vector.extract %slice3A_280[0] : f32 from vector<1xf32>
      %mul3A_282 = vector.broadcast %squeeze3A_281 : f32 to vector<16xf32>
      %mul3A_283 = arith.mulf %get3A_279, %mul3A_282 : vector<16xf32>
      %swap3A_284 = arith.index_cast %add3A_276 : i32 to index
      %swap3A_285 = arith.constant 0 : index
      %swap3A_286 = tpu.vector_load %arg10[%swap3A_284, %swap3A_285] {strides = array<i32>} : memref<640x16xf32, #tpu.memory_space<vmem>>, vector<16xf32>,
      tpu.vector_store %arg10[%swap3A_284, %swap3A_285], %mul3A_283 {strides = array<i32>} : memref<640x16xf32, #tpu.memory_space<vmem>>, vector<16xf32>,
      %mul3A_287 = arith.constant 16 : i32
      %mul3A_288 = arith.muli %scan3A_257, %mul3A_287 : i32
      %add3A_289 = arith.constant 2 : i32
      %add3A_290 = arith.addi %mul3A_288, %add3A_289 : i32
      %get3A_291 = arith.index_cast %add3A_290 : i32 to index
      %get3A_292 = arith.constant 0 : index
      %get3A_293 = tpu.vector_load %arg10[%get3A_291, %get3A_292] {strides = array<i32>} : memref<640x16xf32, #tpu.memory_space<vmem>>, vector<16xf32>,
      %slice3A_294 = vector.extract_strided_slice %get3A_261 {offsets = [2], sizes = [1], strides = [1]} : vector<16xf32> to vector<1xf32>
      %squeeze3A_295 = vector.extract %slice3A_294[0] : f32 from vector<1xf32>
      %mul3A_296 = vector.broadcast %squeeze3A_295 : f32 to vector<16xf32>
      %mul3A_297 = arith.mulf %get3A_293, %mul3A_296 : vector<16xf32>
      %swap3A_298 = arith.index_cast %add3A_290 : i32 to index
      %swap3A_299 = arith.constant 0 : index
      %swap3A_300 = tpu.vector_load %arg10[%swap3A_298, %swap3A_299] {strides = array<i32>} : memref<640x16xf32, #tpu.memory_space<vmem>>, vector<16xf32>,
      tpu.vector_store %arg10[%swap3A_298, %swap3A_299], %mul3A_297 {strides = array<i32>} : memref<640x16xf32, #tpu.memory_space<vmem>>, vector<16xf32>,
      %mul3A_301 = arith.constant 16 : i32
      %mul3A_302 = arith.muli %scan3A_257, %mul3A_301 : i32
      %add3A_303 = arith.constant 3 : i32
      %add3A_304 = arith.addi %mul3A_302, %add3A_303 : i32
      %get3A_305 = arith.index_cast %add3A_304 : i32 to index
      %get3A_306 = arith.constant 0 : index
      %get3A_307 = tpu.vector_load %arg10[%get3A_305, %get3A_306] {strides = array<i32>} : memref<640x16xf32, #tpu.memory_space<vmem>>, vector<16xf32>,
      %slice3A_308 = vector.extract_strided_slice %get3A_261 {offsets = [3], sizes = [1], strides = [1]} : vector<16xf32> to vector<1xf32>
      %squeeze3A_309 = vector.extract %slice3A_308[0] : f32 from vector<1xf32>
      %mul3A_310 = vector.broadcast %squeeze3A_309 : f32 to vector<16xf32>
      %mul3A_311 = arith.mulf %get3A_307, %mul3A_310 : vector<16xf32>
      %swap3A_312 = arith.index_cast %add3A_304 : i32 to index
      %swap3A_313 = arith.constant 0 : index
      %swap3A_314 = tpu.vector_load %arg10[%swap3A_312, %swap3A_313] {strides = array<i32>} : memref<640x16xf32, #tpu.memory_space<vmem>>, vector<16xf32>,
      tpu.vector_store %arg10[%swap3A_312, %swap3A_313], %mul3A_311 {strides = array<i32>} : memref<640x16xf32, #tpu.memory_space<vmem>>, vector<16xf32>,
      %mul3A_315 = arith.constant 16 : i32
      %mul3A_316 = arith.muli %scan3A_257, %mul3A_315 : i32
      %add3A_317 = arith.constant 4 : i32
      %add3A_318 = arith.addi %mul3A_316, %add3A_317 : i32
      %get3A_319 = arith.index_cast %add3A_318 : i32 to index
      %get3A_320 = arith.constant 0 : index
      %get3A_321 = tpu.vector_load %arg10[%get3A_319, %get3A_320] {strides = array<i32>} : memref<640x16xf32, #tpu.memory_space<vmem>>, vector<16xf32>,
      %slice3A_322 = vector.extract_strided_slice %get3A_261 {offsets = [4], sizes = [1], strides = [1]} : vector<16xf32> to vector<1xf32>
      %squeeze3A_323 = vector.extract %slice3A_322[0] : f32 from vector<1xf32>
      %mul3A_324 = vector.broadcast %squeeze3A_323 : f32 to vector<16xf32>
      %mul3A_325 = arith.mulf %get3A_321, %mul3A_324 : vector<16xf32>
      %swap3A_326 = arith.index_cast %add3A_318 : i32 to index
      %swap3A_327 = arith.constant 0 : index
      %swap3A_328 = tpu.vector_load %arg10[%swap3A_326, %swap3A_327] {strides = array<i32>} : memref<640x16xf32, #tpu.memory_space<vmem>>, vector<16xf32>,
      tpu.vector_store %arg10[%swap3A_326, %swap3A_327], %mul3A_325 {strides = array<i32>} : memref<640x16xf32, #tpu.memory_space<vmem>>, vector<16xf32>,
      %mul3A_329 = arith.constant 16 : i32
      %mul3A_330 = arith.muli %scan3A_257, %mul3A_329 : i32
      %add3A_331 = arith.constant 5 : i32
      %add3A_332 = arith.addi %mul3A_330, %add3A_331 : i32
      %get3A_333 = arith.index_cast %add3A_332 : i32 to index
      %get3A_334 = arith.constant 0 : index
      %get3A_335 = tpu.vector_load %arg10[%get3A_333, %get3A_334] {strides = array<i32>} : memref<640x16xf32, #tpu.memory_space<vmem>>, vector<16xf32>,
      %slice3A_336 = vector.extract_strided_slice %get3A_261 {offsets = [5], sizes = [1], strides = [1]} : vector<16xf32> to vector<1xf32>
      %squeeze3A_337 = vector.extract %slice3A_336[0] : f32 from vector<1xf32>
      %mul3A_338 = vector.broadcast %squeeze3A_337 : f32 to vector<16xf32>
      %mul3A_339 = arith.mulf %get3A_335, %mul3A_338 : vector<16xf32>
      %swap3A_340 = arith.index_cast %add3A_332 : i32 to index
      %swap3A_341 = arith.constant 0 : index
      %swap3A_342 = tpu.vector_load %arg10[%swap3A_340, %swap3A_341] {strides = array<i32>} : memref<640x16xf32, #tpu.memory_space<vmem>>, vector<16xf32>,
      tpu.vector_store %arg10[%swap3A_340, %swap3A_341], %mul3A_339 {strides = array<i32>} : memref<640x16xf32, #tpu.memory_space<vmem>>, vector<16xf32>,
      %mul3A_343 = arith.constant 16 : i32
      %mul3A_344 = arith.muli %scan3A_257, %mul3A_343 : i32
      %add3A_345 = arith.constant 6 : i32
      %add3A_346 = arith.addi %mul3A_344, %add3A_345 : i32
      %get3A_347 = arith.index_cast %add3A_346 : i32 to index
      %get3A_348 = arith.constant 0 : index
      %get3A_349 = tpu.vector_load %arg10[%get3A_347, %get3A_348] {strides = array<i32>} : memref<640x16xf32, #tpu.memory_space<vmem>>, vector<16xf32>,
      %slice3A_350 = vector.extract_strided_slice %get3A_261 {offsets = [6], sizes = [1], strides = [1]} : vector<16xf32> to vector<1xf32>
      %squeeze3A_351 = vector.extract %slice3A_350[0] : f32 from vector<1xf32>
      %mul3A_352 = vector.broadcast %squeeze3A_351 : f32 to vector<16xf32>
      %mul3A_353 = arith.mulf %get3A_349, %mul3A_352 : vector<16xf32>
      %swap3A_354 = arith.index_cast %add3A_346 : i32 to index
      %swap3A_355 = arith.constant 0 : index
      %swap3A_356 = tpu.vector_load %arg10[%swap3A_354, %swap3A_355] {strides = array<i32>} : memref<640x16xf32, #tpu.memory_space<vmem>>, vector<16xf32>,
      tpu.vector_store %arg10[%swap3A_354, %swap3A_355], %mul3A_353 {strides = array<i32>} : memref<640x16xf32, #tpu.memory_space<vmem>>, vector<16xf32>,
      %mul3A_357 = arith.constant 16 : i32
      %mul3A_358 = arith.muli %scan3A_257, %mul3A_357 : i32
      %add3A_359 = arith.constant 7 : i32
      %add3A_360 = arith.addi %mul3A_358, %add3A_359 : i32
      %get3A_361 = arith.index_cast %add3A_360 : i32 to index
      %get3A_362 = arith.constant 0 : index
      %get3A_363 = tpu.vector_load %arg10[%get3A_361, %get3A_362] {strides = array<i32>} : memref<640x16xf32, #tpu.memory_space<vmem>>, vector<16xf32>,
      %slice3A_364 = vector.extract_strided_slice %get3A_261 {offsets = [7], sizes = [1], strides = [1]} : vector<16xf32> to vector<1xf32>
      %squeeze3A_365 = vector.extract %slice3A_364[0] : f32 from vector<1xf32>
      %mul3A_366 = vector.broadcast %squeeze3A_365 : f32 to vector<16xf32>
      %mul3A_367 = arith.mulf %get3A_363, %mul3A_366 : vector<16xf32>
      %swap3A_368 = arith.index_cast %add3A_360 : i32 to index
      %swap3A_369 = arith.constant 0 : index
      %swap3A_370 = tpu.vector_load %arg10[%swap3A_368, %swap3A_369] {strides = array<i32>} : memref<640x16xf32, #tpu.memory_space<vmem>>, vector<16xf32>,
      tpu.vector_store %arg10[%swap3A_368, %swap3A_369], %mul3A_367 {strides = array<i32>} : memref<640x16xf32, #tpu.memory_space<vmem>>, vector<16xf32>,
      %mul3A_371 = arith.constant 16 : i32
      %mul3A_372 = arith.muli %scan3A_257, %mul3A_371 : i32
      %add3A_373 = arith.constant 8 : i32
      %add3A_374 = arith.addi %mul3A_372, %add3A_373 : i32
      %get3A_375 = arith.index_cast %add3A_374 : i32 to index
      %get3A_376 = arith.constant 0 : index
      %get3A_377 = tpu.vector_load %arg10[%get3A_375, %get3A_376] {strides = array<i32>} : memref<640x16xf32, #tpu.memory_space<vmem>>, vector<16xf32>,
      %slice3A_378 = vector.extract_strided_slice %get3A_261 {offsets = [8], sizes = [1], strides = [1]} : vector<16xf32> to vector<1xf32>
      %squeeze3A_379 = vector.extract %slice3A_378[0] : f32 from vector<1xf32>
      %mul3A_380 = vector.broadcast %squeeze3A_379 : f32 to vector<16xf32>
      %mul3A_381 = arith.mulf %get3A_377, %mul3A_380 : vector<16xf32>
      %swap3A_382 = arith.index_cast %add3A_374 : i32 to index
      %swap3A_383 = arith.constant 0 : index
      %swap3A_384 = tpu.vector_load %arg10[%swap3A_382, %swap3A_383] {strides = array<i32>} : memref<640x16xf32, #tpu.memory_space<vmem>>, vector<16xf32>,
      tpu.vector_store %arg10[%swap3A_382, %swap3A_383], %mul3A_381 {strides = array<i32>} : memref<640x16xf32, #tpu.memory_space<vmem>>, vector<16xf32>,
      %mul3A_385 = arith.constant 16 : i32
      %mul3A_386 = arith.muli %scan3A_257, %mul3A_385 : i32
      %add3A_387 = arith.constant 9 : i32
      %add3A_388 = arith.addi %mul3A_386, %add3A_387 : i32
      %get3A_389 = arith.index_cast %add3A_388 : i32 to index
      %get3A_390 = arith.constant 0 : index
      %get3A_391 = tpu.vector_load %arg10[%get3A_389, %get3A_390] {strides = array<i32>} : memref<640x16xf32, #tpu.memory_space<vmem>>, vector<16xf32>,
      %slice3A_392 = vector.extract_strided_slice %get3A_261 {offsets = [9], sizes = [1], strides = [1]} : vector<16xf32> to vector<1xf32>
      %squeeze3A_393 = vector.extract %slice3A_392[0] : f32 from vector<1xf32>
      %mul3A_394 = vector.broadcast %squeeze3A_393 : f32 to vector<16xf32>
      %mul3A_395 = arith.mulf %get3A_391, %mul3A_394 : vector<16xf32>
      %swap3A_396 = arith.index_cast %add3A_388 : i32 to index
      %swap3A_397 = arith.constant 0 : index
      %swap3A_398 = tpu.vector_load %arg10[%swap3A_396, %swap3A_397] {strides = array<i32>} : memref<640x16xf32, #tpu.memory_space<vmem>>, vector<16xf32>,
      tpu.vector_store %arg10[%swap3A_396, %swap3A_397], %mul3A_395 {strides = array<i32>} : memref<640x16xf32, #tpu.memory_space<vmem>>, vector<16xf32>,
      %mul3A_399 = arith.constant 16 : i32
      %mul3A_400 = arith.muli %scan3A_257, %mul3A_399 : i32
      %add3A_401 = arith.constant 10 : i32
      %add3A_402 = arith.addi %mul3A_400, %add3A_401 : i32
      %get3A_403 = arith.index_cast %add3A_402 : i32 to index
      %get3A_404 = arith.constant 0 : index
      %get3A_405 = tpu.vector_load %arg10[%get3A_403, %get3A_404] {strides = array<i32>} : memref<640x16xf32, #tpu.memory_space<vmem>>, vector<16xf32>,
      %slice3A_406 = vector.extract_strided_slice %get3A_261 {offsets = [10], sizes = [1], strides = [1]} : vector<16xf32> to vector<1xf32>
      %squeeze3A_407 = vector.extract %slice3A_406[0] : f32 from vector<1xf32>
      %mul3A_408 = vector.broadcast %squeeze3A_407 : f32 to vector<16xf32>
      %mul3A_409 = arith.mulf %get3A_405, %mul3A_408 : vector<16xf32>
      %swap3A_410 = arith.index_cast %add3A_402 : i32 to index
      %swap3A_411 = arith.constant 0 : index
      %swap3A_412 = tpu.vector_load %arg10[%swap3A_410, %swap3A_411] {strides = array<i32>} : memref<640x16xf32, #tpu.memory_space<vmem>>, vector<16xf32>,
      tpu.vector_store %arg10[%swap3A_410, %swap3A_411], %mul3A_409 {strides = array<i32>} : memref<640x16xf32, #tpu.memory_space<vmem>>, vector<16xf32>,
      %mul3A_413 = arith.constant 16 : i32
      %mul3A_414 = arith.muli %scan3A_257, %mul3A_413 : i32
      %add3A_415 = arith.constant 11 : i32
      %add3A_416 = arith.addi %mul3A_414, %add3A_415 : i32
      %get3A_417 = arith.index_cast %add3A_416 : i32 to index
      %get3A_418 = arith.constant 0 : index
      %get3A_419 = tpu.vector_load %arg10[%get3A_417, %get3A_418] {strides = array<i32>} : memref<640x16xf32, #tpu.memory_space<vmem>>, vector<16xf32>,
      %slice3A_420 = vector.extract_strided_slice %get3A_261 {offsets = [11], sizes = [1], strides = [1]} : vector<16xf32> to vector<1xf32>
      %squeeze3A_421 = vector.extract %slice3A_420[0] : f32 from vector<1xf32>
      %mul3A_422 = vector.broadcast %squeeze3A_421 : f32 to vector<16xf32>
      %mul3A_423 = arith.mulf %get3A_419, %mul3A_422 : vector<16xf32>
      %swap3A_424 = arith.index_cast %add3A_416 : i32 to index
      %swap3A_425 = arith.constant 0 : index
      %swap3A_426 = tpu.vector_load %arg10[%swap3A_424, %swap3A_425] {strides = array<i32>} : memref<640x16xf32, #tpu.memory_space<vmem>>, vector<16xf32>,
      tpu.vector_store %arg10[%swap3A_424, %swap3A_425], %mul3A_423 {strides = array<i32>} : memref<640x16xf32, #tpu.memory_space<vmem>>, vector<16xf32>,
      %mul3A_427 = arith.constant 16 : i32
      %mul3A_428 = arith.muli %scan3A_257, %mul3A_427 : i32
      %add3A_429 = arith.constant 12 : i32
      %add3A_430 = arith.addi %mul3A_428, %add3A_429 : i32
      %get3A_431 = arith.index_cast %add3A_430 : i32 to index
      %get3A_432 = arith.constant 0 : index
      %get3A_433 = tpu.vector_load %arg10[%get3A_431, %get3A_432] {strides = array<i32>} : memref<640x16xf32, #tpu.memory_space<vmem>>, vector<16xf32>,
      %slice3A_434 = vector.extract_strided_slice %get3A_261 {offsets = [12], sizes = [1], strides = [1]} : vector<16xf32> to vector<1xf32>
      %squeeze3A_435 = vector.extract %slice3A_434[0] : f32 from vector<1xf32>
      %mul3A_436 = vector.broadcast %squeeze3A_435 : f32 to vector<16xf32>
      %mul3A_437 = arith.mulf %get3A_433, %mul3A_436 : vector<16xf32>
      %swap3A_438 = arith.index_cast %add3A_430 : i32 to index
      %swap3A_439 = arith.constant 0 : index
      %swap3A_440 = tpu.vector_load %arg10[%swap3A_438, %swap3A_439] {strides = array<i32>} : memref<640x16xf32, #tpu.memory_space<vmem>>, vector<16xf32>,
      tpu.vector_store %arg10[%swap3A_438, %swap3A_439], %mul3A_437 {strides = array<i32>} : memref<640x16xf32, #tpu.memory_space<vmem>>, vector<16xf32>,
      %mul3A_441 = arith.constant 16 : i32
      %mul3A_442 = arith.muli %scan3A_257, %mul3A_441 : i32
      %add3A_443 = arith.constant 13 : i32
      %add3A_444 = arith.addi %mul3A_442, %add3A_443 : i32
      %get3A_445 = arith.index_cast %add3A_444 : i32 to index
      %get3A_446 = arith.constant 0 : index
      %get3A_447 = tpu.vector_load %arg10[%get3A_445, %get3A_446] {strides = array<i32>} : memref<640x16xf32, #tpu.memory_space<vmem>>, vector<16xf32>,
      %slice3A_448 = vector.extract_strided_slice %get3A_261 {offsets = [13], sizes = [1], strides = [1]} : vector<16xf32> to vector<1xf32>
      %squeeze3A_449 = vector.extract %slice3A_448[0] : f32 from vector<1xf32>
      %mul3A_450 = vector.broadcast %squeeze3A_449 : f32 to vector<16xf32>
      %mul3A_451 = arith.mulf %get3A_447, %mul3A_450 : vector<16xf32>
      %swap3A_452 = arith.index_cast %add3A_444 : i32 to index
      %swap3A_453 = arith.constant 0 : index
      %swap3A_454 = tpu.vector_load %arg10[%swap3A_452, %swap3A_453] {strides = array<i32>} : memref<640x16xf32, #tpu.memory_space<vmem>>, vector<16xf32>,
      tpu.vector_store %arg10[%swap3A_452, %swap3A_453], %mul3A_451 {strides = array<i32>} : memref<640x16xf32, #tpu.memory_space<vmem>>, vector<16xf32>,
      %mul3A_455 = arith.constant 16 : i32
      %mul3A_456 = arith.muli %scan3A_257, %mul3A_455 : i32
      %add3A_457 = arith.constant 14 : i32
      %add3A_458 = arith.addi %mul3A_456, %add3A_457 : i32
      %get3A_459 = arith.index_cast %add3A_458 : i32 to index
      %get3A_460 = arith.constant 0 : index
      %get3A_461 = tpu.vector_load %arg10[%get3A_459, %get3A_460] {strides = array<i32>} : memref<640x16xf32, #tpu.memory_space<vmem>>, vector<16xf32>,
      %slice3A_462 = vector.extract_strided_slice %get3A_261 {offsets = [14], sizes = [1], strides = [1]} : vector<16xf32> to vector<1xf32>
      %squeeze3A_463 = vector.extract %slice3A_462[0] : f32 from vector<1xf32>
      %mul3A_464 = vector.broadcast %squeeze3A_463 : f32 to vector<16xf32>
      %mul3A_465 = arith.mulf %get3A_461, %mul3A_464 : vector<16xf32>
      %swap3A_466 = arith.index_cast %add3A_458 : i32 to index
      %swap3A_467 = arith.constant 0 : index
      %swap3A_468 = tpu.vector_load %arg10[%swap3A_466, %swap3A_467] {strides = array<i32>} : memref<640x16xf32, #tpu.memory_space<vmem>>, vector<16xf32>,
      tpu.vector_store %arg10[%swap3A_466, %swap3A_467], %mul3A_465 {strides = array<i32>} : memref<640x16xf32, #tpu.memory_space<vmem>>, vector<16xf32>,
      %mul3A_469 = arith.constant 16 : i32
      %mul3A_470 = arith.muli %scan3A_257, %mul3A_469 : i32
      %add3A_471 = arith.constant 15 : i32
      %add3A_472 = arith.addi %mul3A_470, %add3A_471 : i32
      %get3A_473 = arith.index_cast %add3A_472 : i32 to index
      %get3A_474 = arith.constant 0 : index
      %get3A_475 = tpu.vector_load %arg10[%get3A_473, %get3A_474] {strides = array<i32>} : memref<640x16xf32, #tpu.memory_space<vmem>>, vector<16xf32>,
      %slice3A_476 = vector.extract_strided_slice %get3A_261 {offsets = [15], sizes = [1], strides = [1]} : vector<16xf32> to vector<1xf32>
      %squeeze3A_477 = vector.extract %slice3A_476[0] : f32 from vector<1xf32>
      %mul3A_478 = vector.broadcast %squeeze3A_477 : f32 to vector<16xf32>
      %mul3A_479 = arith.mulf %get3A_475, %mul3A_478 : vector<16xf32>
      %swap3A_480 = arith.index_cast %add3A_472 : i32 to index
      %swap3A_481 = arith.constant 0 : index
      %swap3A_482 = tpu.vector_load %arg10[%swap3A_480, %swap3A_481] {strides = array<i32>} : memref<640x16xf32, #tpu.memory_space<vmem>>, vector<16xf32>,
      tpu.vector_store %arg10[%swap3A_480, %swap3A_481], %mul3A_479 {strides = array<i32>} : memref<640x16xf32, #tpu.memory_space<vmem>>, vector<16xf32>,
      %scan3A_483 = arith.constant 0 : i32
      scf.yield %scan3A_483 : i32
    }
    %scan3A_15 = arith.constant 40 : i32
    "tpu.region"() ({
      %run_scoped3A = tpu.sem_alloc : memref<!tpu.dma_semaphore, #tpu.memory_space<semaphore_mem>>
      %dma_start3A_257 = arith.constant 0 : i32
      %dma_start3A_258 = tpu.memref_slice %arg11[%mul3A_2, %dma_start3A_257] : memref<10240x16xf32, #tpu.memory_space<vmem_shared>> -> memref<640x16xf32, #tpu.memory_space<vmem_shared>>
      %dma_start3A_259 = arith.constant 0 : i32
      %dma_start3A_260 = tpu.memref_slice %arg11[%mul3A_2, %dma_start3A_259] : memref<10240x16xf32, #tpu.memory_space<vmem_shared>> -> memref<640x16xf32, #tpu.memory_space<vmem_shared>>
      tpu.enqueue_dma source(%arg10 : memref<640x16xf32, #tpu.memory_space<vmem>>) target(%dma_start3A_260 : memref<640x16xf32, #tpu.memory_space<vmem_shared>>) target_semaphore(%run_scoped3A : memref<!tpu.dma_semaphore, #tpu.memory_space<semaphore_mem>>)
      %dma_wait3A_261 = arith.constant 0 : i32
      %dma_wait3A_262 = tpu.memref_slice %arg11[%mul3A_2, %dma_wait3A_261] : memref<10240x16xf32, #tpu.memory_space<vmem_shared>> -> memref<640x16xf32, #tpu.memory_space<vmem_shared>>
      %dma_wait3A_263 = arith.constant 0 : i32
      %dma_wait3A_264 = tpu.memref_slice %arg11[%mul3A_2, %dma_wait3A_263] : memref<10240x16xf32, #tpu.memory_space<vmem_shared>> -> memref<640x16xf32, #tpu.memory_space<vmem_shared>>
      tpu.wait_dma2 semaphore(%run_scoped3A : memref<!tpu.dma_semaphore, #tpu.memory_space<semaphore_mem>>) src(%arg10 : memref<640x16xf32, #tpu.memory_space<vmem>>) dst(%dma_wait3A_264 : memref<640x16xf32, #tpu.memory_space<vmem_shared>>)
      tpu.yield
    }) : () -> ()
    %eq3A = arith.constant 0 : i32
    %eq3A_16 = arith.cmpi eq, %arg0, %eq3A : i32
    %convert_element_type3A = arith.extui %eq3A_16 : i1 to i32
    %cond3A = arith.constant 0 : i32
    %cond3A_17 = arith.cmpi ne, %convert_element_type3A, %cond3A : i32
    scf.if %cond3A_17 {
      "tpu.region"() ({
        %run_scoped3A = tpu.sem_alloc : memref<!tpu.dma_semaphore, #tpu.memory_space<semaphore_mem>>
        %dma_start3A_257 = arith.constant 0 : i32
        %dma_start3A_258 = tpu.memref_slice %arg12[%mul3A_2, %dma_start3A_257] : memref<10240x16xf32, #tpu.memory_space<vmem_shared>> -> memref<640x16xf32, #tpu.memory_space<vmem_shared>>
        %dma_start3A_259 = arith.constant 0 : i32
        %dma_start3A_260 = tpu.memref_slice %arg12[%mul3A_2, %dma_start3A_259] : memref<10240x16xf32, #tpu.memory_space<vmem_shared>> -> memref<640x16xf32, #tpu.memory_space<vmem_shared>>
        tpu.enqueue_dma source(%arg10 : memref<640x16xf32, #tpu.memory_space<vmem>>) target(%dma_start3A_260 : memref<640x16xf32, #tpu.memory_space<vmem_shared>>) target_semaphore(%run_scoped3A : memref<!tpu.dma_semaphore, #tpu.memory_space<semaphore_mem>>)
        %dma_wait3A_261 = arith.constant 0 : i32
        %dma_wait3A_262 = tpu.memref_slice %arg12[%mul3A_2, %dma_wait3A_261] : memref<10240x16xf32, #tpu.memory_space<vmem_shared>> -> memref<640x16xf32, #tpu.memory_space<vmem_shared>>
        %dma_wait3A_263 = arith.constant 0 : i32
        %dma_wait3A_264 = tpu.memref_slice %arg12[%mul3A_2, %dma_wait3A_263] : memref<10240x16xf32, #tpu.memory_space<vmem_shared>> -> memref<640x16xf32, #tpu.memory_space<vmem_shared>>
        tpu.wait_dma2 semaphore(%run_scoped3A : memref<!tpu.dma_semaphore, #tpu.memory_space<semaphore_mem>>) src(%arg10 : memref<640x16xf32, #tpu.memory_space<vmem>>) dst(%dma_wait3A_264 : memref<640x16xf32, #tpu.memory_space<vmem_shared>>)
        tpu.yield
      }) : () -> ()
      "tpu.region"() ({
        %run_scoped3A = tpu.sem_alloc : memref<!tpu.dma_semaphore, #tpu.memory_space<semaphore_mem>>
        %dma_start3A_257 = tpu.memref_slice %arg7[%mul3A_2] : memref<10240xf32, #tpu.memory_space<hbm>> -> memref<640xf32, #tpu.memory_space<hbm>>
        %dma_start3A_258 = tpu.memref_slice %arg7[%mul3A_2] : memref<10240xf32, #tpu.memory_space<hbm>> -> memref<640xf32, #tpu.memory_space<hbm>>
        tpu.enqueue_dma source(%arg9 : memref<640xf32, #tpu.memory_space<vmem>>) target(%dma_start3A_258 : memref<640xf32, #tpu.memory_space<hbm>>) target_semaphore(%run_scoped3A : memref<!tpu.dma_semaphore, #tpu.memory_space<semaphore_mem>>)
        %dma_wait3A_259 = tpu.memref_slice %arg7[%mul3A_2] : memref<10240xf32, #tpu.memory_space<hbm>> -> memref<640xf32, #tpu.memory_space<hbm>>
        %dma_wait3A_260 = tpu.memref_slice %arg7[%mul3A_2] : memref<10240xf32, #tpu.memory_space<hbm>> -> memref<640xf32, #tpu.memory_space<hbm>>
        tpu.wait_dma2 semaphore(%run_scoped3A : memref<!tpu.dma_semaphore, #tpu.memory_space<semaphore_mem>>) src(%arg9 : memref<640xf32, #tpu.memory_space<vmem>>) dst(%dma_wait3A_260 : memref<640xf32, #tpu.memory_space<hbm>>)
        tpu.yield
      }) : () -> ()
    } else {
    }
    %eq3A_18 = arith.constant 1 : i32
    %eq3A_19 = arith.cmpi eq, %arg0, %eq3A_18 : i32
    %convert_element_type3A_20 = arith.extui %eq3A_19 : i1 to i32
    %cond3A_21 = arith.constant 0 : i32
    %cond3A_22 = arith.cmpi ne, %convert_element_type3A_20, %cond3A_21 : i32
    scf.if %cond3A_22 {
      %broadcast_in_dim3A = arith.constant 0.000000e+00 : f32
      %broadcast_in_dim3A_257 = vector.broadcast %broadcast_in_dim3A : f32 to vector<16xf32>
      %scan3A_258 = arith.constant 0 : i32
      %scan3A_259 = arith.constant 0 : i32
      %scan3A_260 = arith.constant 640 : i32
      %scan3A_261 = arith.addi %scan3A_259, %scan3A_260 : i32
      %scan3A_262 = arith.constant 8 : i32
      %scan3A_263 = scf.for %scan3A_265 = %scan3A_259 to %scan3A_261 step %scan3A_262 iter_args(%scan3A_266 = %scan3A_258) -> (i32)  : i32 {
        %swap3A = arith.index_cast %scan3A_265 : i32 to index
        %swap3A_267 = arith.constant 0 : index
        %swap3A_268 = tpu.vector_load %arg10[%swap3A, %swap3A_267] {strides = array<i32>} : memref<640x16xf32, #tpu.memory_space<vmem>>, vector<16xf32>,
        tpu.vector_store %arg10[%swap3A, %swap3A_267], %broadcast_in_dim3A_257 {strides = array<i32>} : memref<640x16xf32, #tpu.memory_space<vmem>>, vector<16xf32>,
        %scan3A_269 = arith.constant 0 : i32
        %scan3A_270 = arith.constant 1 : i32
        %scan3A_271 = arith.addi %scan3A_265, %scan3A_270 : i32
        %swap3A_272 = arith.index_cast %scan3A_271 : i32 to index
        %swap3A_273 = arith.constant 0 : index
        %swap3A_274 = tpu.vector_load %arg10[%swap3A_272, %swap3A_273] {strides = array<i32>} : memref<640x16xf32, #tpu.memory_space<vmem>>, vector<16xf32>,
        tpu.vector_store %arg10[%swap3A_272, %swap3A_273], %broadcast_in_dim3A_257 {strides = array<i32>} : memref<640x16xf32, #tpu.memory_space<vmem>>, vector<16xf32>,
        %scan3A_275 = arith.constant 0 : i32
        %scan3A_276 = arith.constant 2 : i32
        %scan3A_277 = arith.addi %scan3A_265, %scan3A_276 : i32
        %swap3A_278 = arith.index_cast %scan3A_277 : i32 to index
        %swap3A_279 = arith.constant 0 : index
        %swap3A_280 = tpu.vector_load %arg10[%swap3A_278, %swap3A_279] {strides = array<i32>} : memref<640x16xf32, #tpu.memory_space<vmem>>, vector<16xf32>,
        tpu.vector_store %arg10[%swap3A_278, %swap3A_279], %broadcast_in_dim3A_257 {strides = array<i32>} : memref<640x16xf32, #tpu.memory_space<vmem>>, vector<16xf32>,
        %scan3A_281 = arith.constant 0 : i32
        %scan3A_282 = arith.constant 3 : i32
        %scan3A_283 = arith.addi %scan3A_265, %scan3A_282 : i32
        %swap3A_284 = arith.index_cast %scan3A_283 : i32 to index
        %swap3A_285 = arith.constant 0 : index
        %swap3A_286 = tpu.vector_load %arg10[%swap3A_284, %swap3A_285] {strides = array<i32>} : memref<640x16xf32, #tpu.memory_space<vmem>>, vector<16xf32>,
        tpu.vector_store %arg10[%swap3A_284, %swap3A_285], %broadcast_in_dim3A_257 {strides = array<i32>} : memref<640x16xf32, #tpu.memory_space<vmem>>, vector<16xf32>,
        %scan3A_287 = arith.constant 0 : i32
        %scan3A_288 = arith.constant 4 : i32
        %scan3A_289 = arith.addi %scan3A_265, %scan3A_288 : i32
        %swap3A_290 = arith.index_cast %scan3A_289 : i32 to index
        %swap3A_291 = arith.constant 0 : index
        %swap3A_292 = tpu.vector_load %arg10[%swap3A_290, %swap3A_291] {strides = array<i32>} : memref<640x16xf32, #tpu.memory_space<vmem>>, vector<16xf32>,
        tpu.vector_store %arg10[%swap3A_290, %swap3A_291], %broadcast_in_dim3A_257 {strides = array<i32>} : memref<640x16xf32, #tpu.memory_space<vmem>>, vector<16xf32>,
        %scan3A_293 = arith.constant 0 : i32
        %scan3A_294 = arith.constant 5 : i32
        %scan3A_295 = arith.addi %scan3A_265, %scan3A_294 : i32
        %swap3A_296 = arith.index_cast %scan3A_295 : i32 to index
        %swap3A_297 = arith.constant 0 : index
        %swap3A_298 = tpu.vector_load %arg10[%swap3A_296, %swap3A_297] {strides = array<i32>} : memref<640x16xf32, #tpu.memory_space<vmem>>, vector<16xf32>,
        tpu.vector_store %arg10[%swap3A_296, %swap3A_297], %broadcast_in_dim3A_257 {strides = array<i32>} : memref<640x16xf32, #tpu.memory_space<vmem>>, vector<16xf32>,
        %scan3A_299 = arith.constant 0 : i32
        %scan3A_300 = arith.constant 6 : i32
        %scan3A_301 = arith.addi %scan3A_265, %scan3A_300 : i32
        %swap3A_302 = arith.index_cast %scan3A_301 : i32 to index
        %swap3A_303 = arith.constant 0 : index
        %swap3A_304 = tpu.vector_load %arg10[%swap3A_302, %swap3A_303] {strides = array<i32>} : memref<640x16xf32, #tpu.memory_space<vmem>>, vector<16xf32>,
        tpu.vector_store %arg10[%swap3A_302, %swap3A_303], %broadcast_in_dim3A_257 {strides = array<i32>} : memref<640x16xf32, #tpu.memory_space<vmem>>, vector<16xf32>,
        %scan3A_305 = arith.constant 0 : i32
        %scan3A_306 = arith.constant 7 : i32
        %scan3A_307 = arith.addi %scan3A_265, %scan3A_306 : i32
        %swap3A_308 = arith.index_cast %scan3A_307 : i32 to index
        %swap3A_309 = arith.constant 0 : index
        %swap3A_310 = tpu.vector_load %arg10[%swap3A_308, %swap3A_309] {strides = array<i32>} : memref<640x16xf32, #tpu.memory_space<vmem>>, vector<16xf32>,
        tpu.vector_store %arg10[%swap3A_308, %swap3A_309], %broadcast_in_dim3A_257 {strides = array<i32>} : memref<640x16xf32, #tpu.memory_space<vmem>>, vector<16xf32>,
        %scan3A_311 = arith.constant 0 : i32
        scf.yield %scan3A_311 : i32
      }
      %scan3A_264 = arith.constant 640 : i32
      "tpu.region"() ({
        %run_scoped3A = tpu.sem_alloc : memref<!tpu.dma_semaphore, #tpu.memory_space<semaphore_mem>>
        %dma_start3A_265 = arith.constant 0 : i32
        %dma_start3A_266 = tpu.memref_slice %arg12[%mul3A_2, %dma_start3A_265] : memref<10240x16xf32, #tpu.memory_space<vmem_shared>> -> memref<640x16xf32, #tpu.memory_space<vmem_shared>>
        %dma_start3A_267 = arith.constant 0 : i32
        %dma_start3A_268 = tpu.memref_slice %arg12[%mul3A_2, %dma_start3A_267] : memref<10240x16xf32, #tpu.memory_space<vmem_shared>> -> memref<640x16xf32, #tpu.memory_space<vmem_shared>>
        tpu.enqueue_dma source(%arg10 : memref<640x16xf32, #tpu.memory_space<vmem>>) target(%dma_start3A_268 : memref<640x16xf32, #tpu.memory_space<vmem_shared>>) target_semaphore(%run_scoped3A : memref<!tpu.dma_semaphore, #tpu.memory_space<semaphore_mem>>)
        %dma_wait3A_269 = arith.constant 0 : i32
        %dma_wait3A_270 = tpu.memref_slice %arg12[%mul3A_2, %dma_wait3A_269] : memref<10240x16xf32, #tpu.memory_space<vmem_shared>> -> memref<640x16xf32, #tpu.memory_space<vmem_shared>>
        %dma_wait3A_271 = arith.constant 0 : i32
        %dma_wait3A_272 = tpu.memref_slice %arg12[%mul3A_2, %dma_wait3A_271] : memref<10240x16xf32, #tpu.memory_space<vmem_shared>> -> memref<640x16xf32, #tpu.memory_space<vmem_shared>>
        tpu.wait_dma2 semaphore(%run_scoped3A : memref<!tpu.dma_semaphore, #tpu.memory_space<semaphore_mem>>) src(%arg10 : memref<640x16xf32, #tpu.memory_space<vmem>>) dst(%dma_wait3A_272 : memref<640x16xf32, #tpu.memory_space<vmem_shared>>)
        tpu.yield
      }) : () -> ()
    } else {
    }
    %barrier3A = arith.constant 0 : index
    tpu.barrier barrier_id(%barrier3A)
    %dma_start3A = arith.constant 0 : i32
    %dma_start3A_23 = tpu.memref_slice %arg2[%add3A, %dma_start3A] : memref<32x10240xi32, #tpu.memory_space<hbm>> -> memref<1x1024xi32, #tpu.memory_space<hbm>>
    %dma_start3A_24 = tpu.memref_squeeze %dma_start3A_23 : memref<1x1024xi32, #tpu.memory_space<hbm>> -> memref<1024xi32, #tpu.memory_space<hbm>>
    %dma_start3A_25 = arith.constant 0 : i32
    %dma_start3A_26 = tpu.memref_slice %arg2[%add3A, %dma_start3A_25] : memref<32x10240xi32, #tpu.memory_space<hbm>> -> memref<1x1024xi32, #tpu.memory_space<hbm>>
    %dma_start3A_27 = tpu.memref_squeeze %dma_start3A_26 : memref<1x1024xi32, #tpu.memory_space<hbm>> -> memref<1024xi32, #tpu.memory_space<hbm>>
    tpu.enqueue_dma source(%dma_start3A_27 : memref<1024xi32, #tpu.memory_space<hbm>>) target(%arg13 : memref<1024xi32, #tpu.memory_space<vmem>>) target_semaphore(%arg17 : memref<!tpu.dma_semaphore, #tpu.memory_space<semaphore_mem>>)
    %dma_start3A_28 = arith.constant 0 : i32
    %dma_start3A_29 = tpu.memref_slice %arg3[%add3A, %dma_start3A_28] : memref<32x10240xi32, #tpu.memory_space<hbm>> -> memref<1x1024xi32, #tpu.memory_space<hbm>>
    %dma_start3A_30 = tpu.memref_squeeze %dma_start3A_29 : memref<1x1024xi32, #tpu.memory_space<hbm>> -> memref<1024xi32, #tpu.memory_space<hbm>>
    %dma_start3A_31 = arith.constant 0 : i32
    %dma_start3A_32 = tpu.memref_slice %arg3[%add3A, %dma_start3A_31] : memref<32x10240xi32, #tpu.memory_space<hbm>> -> memref<1x1024xi32, #tpu.memory_space<hbm>>
    %dma_start3A_33 = tpu.memref_squeeze %dma_start3A_32 : memref<1x1024xi32, #tpu.memory_space<hbm>> -> memref<1024xi32, #tpu.memory_space<hbm>>
    tpu.enqueue_dma source(%dma_start3A_33 : memref<1024xi32, #tpu.memory_space<hbm>>) target(%arg14 : memref<1024xi32, #tpu.memory_space<vmem>>) target_semaphore(%arg17 : memref<!tpu.dma_semaphore, #tpu.memory_space<semaphore_mem>>)
    %dma_wait3A = arith.constant 0 : i32
    %dma_wait3A_34 = tpu.memref_slice %arg2[%add3A, %dma_wait3A] : memref<32x10240xi32, #tpu.memory_space<hbm>> -> memref<1x1024xi32, #tpu.memory_space<hbm>>
    %dma_wait3A_35 = tpu.memref_squeeze %dma_wait3A_34 : memref<1x1024xi32, #tpu.memory_space<hbm>> -> memref<1024xi32, #tpu.memory_space<hbm>>
    %dma_wait3A_36 = arith.constant 0 : i32
    %dma_wait3A_37 = tpu.memref_slice %arg2[%add3A, %dma_wait3A_36] : memref<32x10240xi32, #tpu.memory_space<hbm>> -> memref<1x1024xi32, #tpu.memory_space<hbm>>
    %dma_wait3A_38 = tpu.memref_squeeze %dma_wait3A_37 : memref<1x1024xi32, #tpu.memory_space<hbm>> -> memref<1024xi32, #tpu.memory_space<hbm>>
    tpu.wait_dma2 semaphore(%arg17 : memref<!tpu.dma_semaphore, #tpu.memory_space<semaphore_mem>>) src(%dma_wait3A_38 : memref<1024xi32, #tpu.memory_space<hbm>>) dst(%arg13 : memref<1024xi32, #tpu.memory_space<vmem>>)
    %dma_wait3A_39 = arith.constant 0 : i32
    %dma_wait3A_40 = tpu.memref_slice %arg3[%add3A, %dma_wait3A_39] : memref<32x10240xi32, #tpu.memory_space<hbm>> -> memref<1x1024xi32, #tpu.memory_space<hbm>>
    %dma_wait3A_41 = tpu.memref_squeeze %dma_wait3A_40 : memref<1x1024xi32, #tpu.memory_space<hbm>> -> memref<1024xi32, #tpu.memory_space<hbm>>
    %dma_wait3A_42 = arith.constant 0 : i32
    %dma_wait3A_43 = tpu.memref_slice %arg3[%add3A, %dma_wait3A_42] : memref<32x10240xi32, #tpu.memory_space<hbm>> -> memref<1x1024xi32, #tpu.memory_space<hbm>>
    %dma_wait3A_44 = tpu.memref_squeeze %dma_wait3A_43 : memref<1x1024xi32, #tpu.memory_space<hbm>> -> memref<1024xi32, #tpu.memory_space<hbm>>
    tpu.wait_dma2 semaphore(%arg17 : memref<!tpu.dma_semaphore, #tpu.memory_space<semaphore_mem>>) src(%dma_wait3A_44 : memref<1024xi32, #tpu.memory_space<hbm>>) dst(%arg14 : memref<1024xi32, #tpu.memory_space<vmem>>)
    %dma_start3A_45 = arith.constant 0 : i32
    %dma_start3A_46 = arith.constant 0 : i32
    %dma_start3A_47 = tpu.memref_slice %arg11[%dma_start3A_45, %dma_start3A_46] : memref<10240x16xf32, #tpu.memory_space<vmem_shared>> -> memref<10240x16xf32, #tpu.memory_space<vmem_shared>>
    tpu.enqueue_indirect_dma source(%dma_start3A_47 : memref<10240x16xf32, #tpu.memory_space<vmem_shared>>) target(%arg15 : memref<1024x16xf32, #tpu.memory_space<vmem>>) offsets(%arg13 : memref<1024xi32, #tpu.memory_space<vmem>>) semaphore(%arg16 : memref<!tpu.dma_semaphore, #tpu.memory_space<semaphore_mem>>)
    %dma_start3A_48 = arith.constant 1024 : i32
    %dma_start3A_49 = tpu.memref_slice %arg2[%add3A, %dma_start3A_48] : memref<32x10240xi32, #tpu.memory_space<hbm>> -> memref<1x1024xi32, #tpu.memory_space<hbm>>
    %dma_start3A_50 = tpu.memref_squeeze %dma_start3A_49 : memref<1x1024xi32, #tpu.memory_space<hbm>> -> memref<1024xi32, #tpu.memory_space<hbm>>
    %dma_start3A_51 = arith.constant 1024 : i32
    %dma_start3A_52 = tpu.memref_slice %arg2[%add3A, %dma_start3A_51] : memref<32x10240xi32, #tpu.memory_space<hbm>> -> memref<1x1024xi32, #tpu.memory_space<hbm>>
    %dma_start3A_53 = tpu.memref_squeeze %dma_start3A_52 : memref<1x1024xi32, #tpu.memory_space<hbm>> -> memref<1024xi32, #tpu.memory_space<hbm>>
    tpu.enqueue_dma source(%dma_start3A_53 : memref<1024xi32, #tpu.memory_space<hbm>>) target(%arg18 : memref<1024xi32, #tpu.memory_space<vmem>>) target_semaphore(%arg22 : memref<!tpu.dma_semaphore, #tpu.memory_space<semaphore_mem>>)
    %dma_start3A_54 = arith.constant 1024 : i32
    %dma_start3A_55 = tpu.memref_slice %arg3[%add3A, %dma_start3A_54] : memref<32x10240xi32, #tpu.memory_space<hbm>> -> memref<1x1024xi32, #tpu.memory_space<hbm>>
    %dma_start3A_56 = tpu.memref_squeeze %dma_start3A_55 : memref<1x1024xi32, #tpu.memory_space<hbm>> -> memref<1024xi32, #tpu.memory_space<hbm>>
    %dma_start3A_57 = arith.constant 1024 : i32
    %dma_start3A_58 = tpu.memref_slice %arg3[%add3A, %dma_start3A_57] : memref<32x10240xi32, #tpu.memory_space<hbm>> -> memref<1x1024xi32, #tpu.memory_space<hbm>>
    %dma_start3A_59 = tpu.memref_squeeze %dma_start3A_58 : memref<1x1024xi32, #tpu.memory_space<hbm>> -> memref<1024xi32, #tpu.memory_space<hbm>>
    tpu.enqueue_dma source(%dma_start3A_59 : memref<1024xi32, #tpu.memory_space<hbm>>) target(%arg19 : memref<1024xi32, #tpu.memory_space<vmem>>) target_semaphore(%arg22 : memref<!tpu.dma_semaphore, #tpu.memory_space<semaphore_mem>>)
    %scan3A_60 = arith.constant 0 : i32
    %scan3A_61 = arith.constant 0 : i32
    %scan3A_62 = arith.constant 4 : i32
    %scan3A_63 = arith.addi %scan3A_61, %scan3A_62 : i32
    %scan3A_64 = arith.constant 1 : i32
    %scan3A_65 = scf.for %scan3A_257 = %scan3A_61 to %scan3A_63 step %scan3A_64 iter_args(%scan3A_258 = %scan3A_60) -> (i32)  : i32 {
      %dma_wait3A_259 = arith.constant 0 : i32
      %dma_wait3A_260 = tpu.memref_slice %arg2[%add3A, %dma_wait3A_259] : memref<32x10240xi32, #tpu.memory_space<hbm>> -> memref<1x1024xi32, #tpu.memory_space<hbm>>
      %dma_wait3A_261 = tpu.memref_squeeze %dma_wait3A_260 : memref<1x1024xi32, #tpu.memory_space<hbm>> -> memref<1024xi32, #tpu.memory_space<hbm>>
      %dma_wait3A_262 = arith.constant 0 : i32
      %dma_wait3A_263 = tpu.memref_slice %arg2[%add3A, %dma_wait3A_262] : memref<32x10240xi32, #tpu.memory_space<hbm>> -> memref<1x1024xi32, #tpu.memory_space<hbm>>
      %dma_wait3A_264 = tpu.memref_squeeze %dma_wait3A_263 : memref<1x1024xi32, #tpu.memory_space<hbm>> -> memref<1024xi32, #tpu.memory_space<hbm>>
      tpu.wait_dma2 semaphore(%arg22 : memref<!tpu.dma_semaphore, #tpu.memory_space<semaphore_mem>>) src(%dma_wait3A_264 : memref<1024xi32, #tpu.memory_space<hbm>>) dst(%arg18 : memref<1024xi32, #tpu.memory_space<vmem>>)
      %dma_wait3A_265 = arith.constant 0 : i32
      %dma_wait3A_266 = tpu.memref_slice %arg3[%add3A, %dma_wait3A_265] : memref<32x10240xi32, #tpu.memory_space<hbm>> -> memref<1x1024xi32, #tpu.memory_space<hbm>>
      %dma_wait3A_267 = tpu.memref_squeeze %dma_wait3A_266 : memref<1x1024xi32, #tpu.memory_space<hbm>> -> memref<1024xi32, #tpu.memory_space<hbm>>
      %dma_wait3A_268 = arith.constant 0 : i32
      %dma_wait3A_269 = tpu.memref_slice %arg3[%add3A, %dma_wait3A_268] : memref<32x10240xi32, #tpu.memory_space<hbm>> -> memref<1x1024xi32, #tpu.memory_space<hbm>>
      %dma_wait3A_270 = tpu.memref_squeeze %dma_wait3A_269 : memref<1x1024xi32, #tpu.memory_space<hbm>> -> memref<1024xi32, #tpu.memory_space<hbm>>
      tpu.wait_dma2 semaphore(%arg22 : memref<!tpu.dma_semaphore, #tpu.memory_space<semaphore_mem>>) src(%dma_wait3A_270 : memref<1024xi32, #tpu.memory_space<hbm>>) dst(%arg19 : memref<1024xi32, #tpu.memory_space<vmem>>)
      %dma_start3A_271 = arith.constant 0 : i32
      %dma_start3A_272 = arith.constant 0 : i32
      %dma_start3A_273 = tpu.memref_slice %arg11[%dma_start3A_271, %dma_start3A_272] : memref<10240x16xf32, #tpu.memory_space<vmem_shared>> -> memref<10240x16xf32, #tpu.memory_space<vmem_shared>>
      tpu.enqueue_indirect_dma source(%dma_start3A_273 : memref<10240x16xf32, #tpu.memory_space<vmem_shared>>) target(%arg20 : memref<1024x16xf32, #tpu.memory_space<vmem>>) offsets(%arg18 : memref<1024xi32, #tpu.memory_space<vmem>>) semaphore(%arg21 : memref<!tpu.dma_semaphore, #tpu.memory_space<semaphore_mem>>)
      %dma_wait3A_274 = arith.constant 0 : i32
      %dma_wait3A_275 = arith.constant 0 : i32
      %dma_wait3A_276 = tpu.memref_slice %arg11[%dma_wait3A_274, %dma_wait3A_275] : memref<10240x16xf32, #tpu.memory_space<vmem_shared>> -> memref<10240x16xf32, #tpu.memory_space<vmem_shared>>
      tpu.wait_indirect_dma semaphore(%arg16 : memref<!tpu.dma_semaphore, #tpu.memory_space<semaphore_mem>>) src(%dma_wait3A_276 : memref<10240x16xf32, #tpu.memory_space<vmem_shared>>) dst(%arg15 : memref<1024x16xf32, #tpu.memory_space<vmem>>)
      "tpu.region"() ({
        %run_scoped3A = tpu.sem_alloc : memref<!tpu.dma_semaphore, #tpu.memory_space<semaphore_mem>>
        %dma_start3A_328 = arith.constant 0 : i32
        %dma_start3A_329 = arith.constant 0 : i32
        %dma_start3A_330 = tpu.memref_slice %arg12[%dma_start3A_328, %dma_start3A_329] : memref<10240x16xf32, #tpu.memory_space<vmem_shared>> -> memref<10240x16xf32, #tpu.memory_space<vmem_shared>>
        tpu.enqueue_indirect_dma source(%arg15 : memref<1024x16xf32, #tpu.memory_space<vmem>>) target(%dma_start3A_330 : memref<10240x16xf32, #tpu.memory_space<vmem_shared>>) offsets(%arg14 : memref<1024xi32, #tpu.memory_space<vmem>>) semaphore(%run_scoped3A : memref<!tpu.dma_semaphore, #tpu.memory_space<semaphore_mem>>) {add = true}
        %dma_wait3A_331 = arith.constant 0 : i32
        %dma_wait3A_332 = arith.constant 0 : i32
        %dma_wait3A_333 = tpu.memref_slice %arg12[%dma_wait3A_331, %dma_wait3A_332] : memref<10240x16xf32, #tpu.memory_space<vmem_shared>> -> memref<10240x16xf32, #tpu.memory_space<vmem_shared>>
        tpu.wait_indirect_dma semaphore(%run_scoped3A : memref<!tpu.dma_semaphore, #tpu.memory_space<semaphore_mem>>) src(%arg15 : memref<1024x16xf32, #tpu.memory_space<vmem>>) dst(%dma_wait3A_333 : memref<10240x16xf32, #tpu.memory_space<vmem_shared>>)
        tpu.yield
      }) : () -> ()
      %mul3A_277 = arith.constant 2 : i32
      %mul3A_278 = arith.muli %mul3A_277, %scan3A_257 : i32
      %add3A_279 = arith.constant 2 : i32
      %add3A_280 = arith.addi %mul3A_278, %add3A_279 : i32
      %mul3A_281 = arith.constant 1024 : i32
      %mul3A_282 = arith.muli %add3A_280, %mul3A_281 : i32
      %dma_start3A_283 = tpu.memref_slice %arg2[%add3A, %mul3A_282] : memref<32x10240xi32, #tpu.memory_space<hbm>> -> memref<1x1024xi32, #tpu.memory_space<hbm>>
      %dma_start3A_284 = tpu.memref_squeeze %dma_start3A_283 : memref<1x1024xi32, #tpu.memory_space<hbm>> -> memref<1024xi32, #tpu.memory_space<hbm>>
      %dma_start3A_285 = tpu.memref_slice %arg2[%add3A, %mul3A_282] : memref<32x10240xi32, #tpu.memory_space<hbm>> -> memref<1x1024xi32, #tpu.memory_space<hbm>>
      %dma_start3A_286 = tpu.memref_squeeze %dma_start3A_285 : memref<1x1024xi32, #tpu.memory_space<hbm>> -> memref<1024xi32, #tpu.memory_space<hbm>>
      tpu.enqueue_dma source(%dma_start3A_286 : memref<1024xi32, #tpu.memory_space<hbm>>) target(%arg13 : memref<1024xi32, #tpu.memory_space<vmem>>) target_semaphore(%arg17 : memref<!tpu.dma_semaphore, #tpu.memory_space<semaphore_mem>>)
      %mul3A_287 = arith.constant 1024 : i32
      %mul3A_288 = arith.muli %add3A_280, %mul3A_287 : i32
      %dma_start3A_289 = tpu.memref_slice %arg3[%add3A, %mul3A_288] : memref<32x10240xi32, #tpu.memory_space<hbm>> -> memref<1x1024xi32, #tpu.memory_space<hbm>>
      %dma_start3A_290 = tpu.memref_squeeze %dma_start3A_289 : memref<1x1024xi32, #tpu.memory_space<hbm>> -> memref<1024xi32, #tpu.memory_space<hbm>>
      %dma_start3A_291 = tpu.memref_slice %arg3[%add3A, %mul3A_288] : memref<32x10240xi32, #tpu.memory_space<hbm>> -> memref<1x1024xi32, #tpu.memory_space<hbm>>
      %dma_start3A_292 = tpu.memref_squeeze %dma_start3A_291 : memref<1x1024xi32, #tpu.memory_space<hbm>> -> memref<1024xi32, #tpu.memory_space<hbm>>
      tpu.enqueue_dma source(%dma_start3A_292 : memref<1024xi32, #tpu.memory_space<hbm>>) target(%arg14 : memref<1024xi32, #tpu.memory_space<vmem>>) target_semaphore(%arg17 : memref<!tpu.dma_semaphore, #tpu.memory_space<semaphore_mem>>)
      %dma_wait3A_293 = arith.constant 0 : i32
      %dma_wait3A_294 = arith.constant 0 : i32
      %dma_wait3A_295 = tpu.memref_slice %arg11[%dma_wait3A_293, %dma_wait3A_294] : memref<10240x16xf32, #tpu.memory_space<vmem_shared>> -> memref<10240x16xf32, #tpu.memory_space<vmem_shared>>
      tpu.wait_indirect_dma semaphore(%arg21 : memref<!tpu.dma_semaphore, #tpu.memory_space<semaphore_mem>>) src(%dma_wait3A_295 : memref<10240x16xf32, #tpu.memory_space<vmem_shared>>) dst(%arg20 : memref<1024x16xf32, #tpu.memory_space<vmem>>)
      "tpu.region"() ({
        %run_scoped3A = tpu.sem_alloc : memref<!tpu.dma_semaphore, #tpu.memory_space<semaphore_mem>>
        %dma_start3A_328 = arith.constant 0 : i32
        %dma_start3A_329 = arith.constant 0 : i32
        %dma_start3A_330 = tpu.memref_slice %arg12[%dma_start3A_328, %dma_start3A_329] : memref<10240x16xf32, #tpu.memory_space<vmem_shared>> -> memref<10240x16xf32, #tpu.memory_space<vmem_shared>>
        tpu.enqueue_indirect_dma source(%arg20 : memref<1024x16xf32, #tpu.memory_space<vmem>>) target(%dma_start3A_330 : memref<10240x16xf32, #tpu.memory_space<vmem_shared>>) offsets(%arg19 : memref<1024xi32, #tpu.memory_space<vmem>>) semaphore(%run_scoped3A : memref<!tpu.dma_semaphore, #tpu.memory_space<semaphore_mem>>) {add = true}
        %dma_wait3A_331 = arith.constant 0 : i32
        %dma_wait3A_332 = arith.constant 0 : i32
        %dma_wait3A_333 = tpu.memref_slice %arg12[%dma_wait3A_331, %dma_wait3A_332] : memref<10240x16xf32, #tpu.memory_space<vmem_shared>> -> memref<10240x16xf32, #tpu.memory_space<vmem_shared>>
        tpu.wait_indirect_dma semaphore(%run_scoped3A : memref<!tpu.dma_semaphore, #tpu.memory_space<semaphore_mem>>) src(%arg20 : memref<1024x16xf32, #tpu.memory_space<vmem>>) dst(%dma_wait3A_333 : memref<10240x16xf32, #tpu.memory_space<vmem_shared>>)
        tpu.yield
      }) : () -> ()
      %mul3A_296 = arith.constant 2 : i32
      %mul3A_297 = arith.muli %mul3A_296, %scan3A_257 : i32
      %add3A_298 = arith.constant 3 : i32
      %add3A_299 = arith.addi %mul3A_297, %add3A_298 : i32
      %mul3A_300 = arith.constant 1024 : i32
      %mul3A_301 = arith.muli %add3A_299, %mul3A_300 : i32
      %dma_start3A_302 = tpu.memref_slice %arg2[%add3A, %mul3A_301] : memref<32x10240xi32, #tpu.memory_space<hbm>> -> memref<1x1024xi32, #tpu.memory_space<hbm>>
      %dma_start3A_303 = tpu.memref_squeeze %dma_start3A_302 : memref<1x1024xi32, #tpu.memory_space<hbm>> -> memref<1024xi32, #tpu.memory_space<hbm>>
      %dma_start3A_304 = tpu.memref_slice %arg2[%add3A, %mul3A_301] : memref<32x10240xi32, #tpu.memory_space<hbm>> -> memref<1x1024xi32, #tpu.memory_space<hbm>>
      %dma_start3A_305 = tpu.memref_squeeze %dma_start3A_304 : memref<1x1024xi32, #tpu.memory_space<hbm>> -> memref<1024xi32, #tpu.memory_space<hbm>>
      tpu.enqueue_dma source(%dma_start3A_305 : memref<1024xi32, #tpu.memory_space<hbm>>) target(%arg18 : memref<1024xi32, #tpu.memory_space<vmem>>) target_semaphore(%arg22 : memref<!tpu.dma_semaphore, #tpu.memory_space<semaphore_mem>>)
      %mul3A_306 = arith.constant 1024 : i32
      %mul3A_307 = arith.muli %add3A_299, %mul3A_306 : i32
      %dma_start3A_308 = tpu.memref_slice %arg3[%add3A, %mul3A_307] : memref<32x10240xi32, #tpu.memory_space<hbm>> -> memref<1x1024xi32, #tpu.memory_space<hbm>>
      %dma_start3A_309 = tpu.memref_squeeze %dma_start3A_308 : memref<1x1024xi32, #tpu.memory_space<hbm>> -> memref<1024xi32, #tpu.memory_space<hbm>>
      %dma_start3A_310 = tpu.memref_slice %arg3[%add3A, %mul3A_307] : memref<32x10240xi32, #tpu.memory_space<hbm>> -> memref<1x1024xi32, #tpu.memory_space<hbm>>
      %dma_start3A_311 = tpu.memref_squeeze %dma_start3A_310 : memref<1x1024xi32, #tpu.memory_space<hbm>> -> memref<1024xi32, #tpu.memory_space<hbm>>
      tpu.enqueue_dma source(%dma_start3A_311 : memref<1024xi32, #tpu.memory_space<hbm>>) target(%arg19 : memref<1024xi32, #tpu.memory_space<vmem>>) target_semaphore(%arg22 : memref<!tpu.dma_semaphore, #tpu.memory_space<semaphore_mem>>)
      %dma_wait3A_312 = arith.constant 0 : i32
      %dma_wait3A_313 = tpu.memref_slice %arg2[%add3A, %dma_wait3A_312] : memref<32x10240xi32, #tpu.memory_space<hbm>> -> memref<1x1024xi32, #tpu.memory_space<hbm>>
      %dma_wait3A_314 = tpu.memref_squeeze %dma_wait3A_313 : memref<1x1024xi32, #tpu.memory_space<hbm>> -> memref<1024xi32, #tpu.memory_space<hbm>>
      %dma_wait3A_315 = arith.constant 0 : i32
      %dma_wait3A_316 = tpu.memref_slice %arg2[%add3A, %dma_wait3A_315] : memref<32x10240xi32, #tpu.memory_space<hbm>> -> memref<1x1024xi32, #tpu.memory_space<hbm>>
      %dma_wait3A_317 = tpu.memref_squeeze %dma_wait3A_316 : memref<1x1024xi32, #tpu.memory_space<hbm>> -> memref<1024xi32, #tpu.memory_space<hbm>>
      tpu.wait_dma2 semaphore(%arg17 : memref<!tpu.dma_semaphore, #tpu.memory_space<semaphore_mem>>) src(%dma_wait3A_317 : memref<1024xi32, #tpu.memory_space<hbm>>) dst(%arg13 : memref<1024xi32, #tpu.memory_space<vmem>>)
      %dma_wait3A_318 = arith.constant 0 : i32
      %dma_wait3A_319 = tpu.memref_slice %arg3[%add3A, %dma_wait3A_318] : memref<32x10240xi32, #tpu.memory_space<hbm>> -> memref<1x1024xi32, #tpu.memory_space<hbm>>
      %dma_wait3A_320 = tpu.memref_squeeze %dma_wait3A_319 : memref<1x1024xi32, #tpu.memory_space<hbm>> -> memref<1024xi32, #tpu.memory_space<hbm>>
      %dma_wait3A_321 = arith.constant 0 : i32
      %dma_wait3A_322 = tpu.memref_slice %arg3[%add3A, %dma_wait3A_321] : memref<32x10240xi32, #tpu.memory_space<hbm>> -> memref<1x1024xi32, #tpu.memory_space<hbm>>
      %dma_wait3A_323 = tpu.memref_squeeze %dma_wait3A_322 : memref<1x1024xi32, #tpu.memory_space<hbm>> -> memref<1024xi32, #tpu.memory_space<hbm>>
      tpu.wait_dma2 semaphore(%arg17 : memref<!tpu.dma_semaphore, #tpu.memory_space<semaphore_mem>>) src(%dma_wait3A_323 : memref<1024xi32, #tpu.memory_space<hbm>>) dst(%arg14 : memref<1024xi32, #tpu.memory_space<vmem>>)
      %dma_start3A_324 = arith.constant 0 : i32
      %dma_start3A_325 = arith.constant 0 : i32
      %dma_start3A_326 = tpu.memref_slice %arg11[%dma_start3A_324, %dma_start3A_325] : memref<10240x16xf32, #tpu.memory_space<vmem_shared>> -> memref<10240x16xf32, #tpu.memory_space<vmem_shared>>
      tpu.enqueue_indirect_dma source(%dma_start3A_326 : memref<10240x16xf32, #tpu.memory_space<vmem_shared>>) target(%arg15 : memref<1024x16xf32, #tpu.memory_space<vmem>>) offsets(%arg13 : memref<1024xi32, #tpu.memory_space<vmem>>) semaphore(%arg16 : memref<!tpu.dma_semaphore, #tpu.memory_space<semaphore_mem>>)
      %scan3A_327 = arith.constant 0 : i32
      scf.yield %scan3A_327 : i32
    }
    %scan3A_66 = arith.constant 4 : i32
    %dma_wait3A_67 = arith.constant 0 : i32
    %dma_wait3A_68 = tpu.memref_slice %arg2[%add3A, %dma_wait3A_67] : memref<32x10240xi32, #tpu.memory_space<hbm>> -> memref<1x1024xi32, #tpu.memory_space<hbm>>
    %dma_wait3A_69 = tpu.memref_squeeze %dma_wait3A_68 : memref<1x1024xi32, #tpu.memory_space<hbm>> -> memref<1024xi32, #tpu.memory_space<hbm>>
    %dma_wait3A_70 = arith.constant 0 : i32
    %dma_wait3A_71 = tpu.memref_slice %arg2[%add3A, %dma_wait3A_70] : memref<32x10240xi32, #tpu.memory_space<hbm>> -> memref<1x1024xi32, #tpu.memory_space<hbm>>
    %dma_wait3A_72 = tpu.memref_squeeze %dma_wait3A_71 : memref<1x1024xi32, #tpu.memory_space<hbm>> -> memref<1024xi32, #tpu.memory_space<hbm>>
    tpu.wait_dma2 semaphore(%arg22 : memref<!tpu.dma_semaphore, #tpu.memory_space<semaphore_mem>>) src(%dma_wait3A_72 : memref<1024xi32, #tpu.memory_space<hbm>>) dst(%arg18 : memref<1024xi32, #tpu.memory_space<vmem>>)
    %dma_wait3A_73 = arith.constant 0 : i32
    %dma_wait3A_74 = tpu.memref_slice %arg3[%add3A, %dma_wait3A_73] : memref<32x10240xi32, #tpu.memory_space<hbm>> -> memref<1x1024xi32, #tpu.memory_space<hbm>>
    %dma_wait3A_75 = tpu.memref_squeeze %dma_wait3A_74 : memref<1x1024xi32, #tpu.memory_space<hbm>> -> memref<1024xi32, #tpu.memory_space<hbm>>
    %dma_wait3A_76 = arith.constant 0 : i32
    %dma_wait3A_77 = tpu.memref_slice %arg3[%add3A, %dma_wait3A_76] : memref<32x10240xi32, #tpu.memory_space<hbm>> -> memref<1x1024xi32, #tpu.memory_space<hbm>>
    %dma_wait3A_78 = tpu.memref_squeeze %dma_wait3A_77 : memref<1x1024xi32, #tpu.memory_space<hbm>> -> memref<1024xi32, #tpu.memory_space<hbm>>
    tpu.wait_dma2 semaphore(%arg22 : memref<!tpu.dma_semaphore, #tpu.memory_space<semaphore_mem>>) src(%dma_wait3A_78 : memref<1024xi32, #tpu.memory_space<hbm>>) dst(%arg19 : memref<1024xi32, #tpu.memory_space<vmem>>)
    %dma_start3A_79 = arith.constant 0 : i32
    %dma_start3A_80 = arith.constant 0 : i32
    %dma_start3A_81 = tpu.memref_slice %arg11[%dma_start3A_79, %dma_start3A_80] : memref<10240x16xf32, #tpu.memory_space<vmem_shared>> -> memref<10240x16xf32, #tpu.memory_space<vmem_shared>>
    tpu.enqueue_indirect_dma source(%dma_start3A_81 : memref<10240x16xf32, #tpu.memory_space<vmem_shared>>) target(%arg20 : memref<1024x16xf32, #tpu.memory_space<vmem>>) offsets(%arg18 : memref<1024xi32, #tpu.memory_space<vmem>>) semaphore(%arg21 : memref<!tpu.dma_semaphore, #tpu.memory_space<semaphore_mem>>)
    %dma_wait3A_82 = arith.constant 0 : i32
    %dma_wait3A_83 = arith.constant 0 : i32
    %dma_wait3A_84 = tpu.memref_slice %arg11[%dma_wait3A_82, %dma_wait3A_83] : memref<10240x16xf32, #tpu.memory_space<vmem_shared>> -> memref<10240x16xf32, #tpu.memory_space<vmem_shared>>
    tpu.wait_indirect_dma semaphore(%arg16 : memref<!tpu.dma_semaphore, #tpu.memory_space<semaphore_mem>>) src(%dma_wait3A_84 : memref<10240x16xf32, #tpu.memory_space<vmem_shared>>) dst(%arg15 : memref<1024x16xf32, #tpu.memory_space<vmem>>)
    "tpu.region"() ({
      %run_scoped3A = tpu.sem_alloc : memref<!tpu.dma_semaphore, #tpu.memory_space<semaphore_mem>>
      %dma_start3A_257 = arith.constant 0 : i32
      %dma_start3A_258 = arith.constant 0 : i32
      %dma_start3A_259 = tpu.memref_slice %arg12[%dma_start3A_257, %dma_start3A_258] : memref<10240x16xf32, #tpu.memory_space<vmem_shared>> -> memref<10240x16xf32, #tpu.memory_space<vmem_shared>>
      tpu.enqueue_indirect_dma source(%arg15 : memref<1024x16xf32, #tpu.memory_space<vmem>>) target(%dma_start3A_259 : memref<10240x16xf32, #tpu.memory_space<vmem_shared>>) offsets(%arg14 : memref<1024xi32, #tpu.memory_space<vmem>>) semaphore(%run_scoped3A : memref<!tpu.dma_semaphore, #tpu.memory_space<semaphore_mem>>) {add = true}
      %dma_wait3A_260 = arith.constant 0 : i32
      %dma_wait3A_261 = arith.constant 0 : i32
      %dma_wait3A_262 = tpu.memref_slice %arg12[%dma_wait3A_260, %dma_wait3A_261] : memref<10240x16xf32, #tpu.memory_space<vmem_shared>> -> memref<10240x16xf32, #tpu.memory_space<vmem_shared>>
      tpu.wait_indirect_dma semaphore(%run_scoped3A : memref<!tpu.dma_semaphore, #tpu.memory_space<semaphore_mem>>) src(%arg15 : memref<1024x16xf32, #tpu.memory_space<vmem>>) dst(%dma_wait3A_262 : memref<10240x16xf32, #tpu.memory_space<vmem_shared>>)
      tpu.yield
    }) : () -> ()
    %dma_wait3A_85 = arith.constant 0 : i32
    %dma_wait3A_86 = arith.constant 0 : i32
    %dma_wait3A_87 = tpu.memref_slice %arg11[%dma_wait3A_85, %dma_wait3A_86] : memref<10240x16xf32, #tpu.memory_space<vmem_shared>> -> memref<10240x16xf32, #tpu.memory_space<vmem_shared>>
    tpu.wait_indirect_dma semaphore(%arg21 : memref<!tpu.dma_semaphore, #tpu.memory_space<semaphore_mem>>) src(%dma_wait3A_87 : memref<10240x16xf32, #tpu.memory_space<vmem_shared>>) dst(%arg20 : memref<1024x16xf32, #tpu.memory_space<vmem>>)
    "tpu.region"() ({
      %run_scoped3A = tpu.sem_alloc : memref<!tpu.dma_semaphore, #tpu.memory_space<semaphore_mem>>
      %dma_start3A_257 = arith.constant 0 : i32
      %dma_start3A_258 = arith.constant 0 : i32
      %dma_start3A_259 = tpu.memref_slice %arg12[%dma_start3A_257, %dma_start3A_258] : memref<10240x16xf32, #tpu.memory_space<vmem_shared>> -> memref<10240x16xf32, #tpu.memory_space<vmem_shared>>
      tpu.enqueue_indirect_dma source(%arg20 : memref<1024x16xf32, #tpu.memory_space<vmem>>) target(%dma_start3A_259 : memref<10240x16xf32, #tpu.memory_space<vmem_shared>>) offsets(%arg19 : memref<1024xi32, #tpu.memory_space<vmem>>) semaphore(%run_scoped3A : memref<!tpu.dma_semaphore, #tpu.memory_space<semaphore_mem>>) {add = true}
      %dma_wait3A_260 = arith.constant 0 : i32
      %dma_wait3A_261 = arith.constant 0 : i32
      %dma_wait3A_262 = tpu.memref_slice %arg12[%dma_wait3A_260, %dma_wait3A_261] : memref<10240x16xf32, #tpu.memory_space<vmem_shared>> -> memref<10240x16xf32, #tpu.memory_space<vmem_shared>>
      tpu.wait_indirect_dma semaphore(%run_scoped3A : memref<!tpu.dma_semaphore, #tpu.memory_space<semaphore_mem>>) src(%arg20 : memref<1024x16xf32, #tpu.memory_space<vmem>>) dst(%dma_wait3A_262 : memref<10240x16xf32, #tpu.memory_space<vmem_shared>>)
      tpu.yield
    }) : () -> ()
    %barrier3A_88 = arith.constant 0 : index
    tpu.barrier barrier_id(%barrier3A_88)
    %mul3A_89 = arith.constant 640 : i32
    %mul3A_90 = arith.muli %arg1, %mul3A_89 : i32
    "tpu.region"() ({
      %run_scoped3A = tpu.sem_alloc : memref<!tpu.dma_semaphore, #tpu.memory_space<semaphore_mem>>
      %dma_start3A_257 = arith.constant 0 : i32
      %dma_start3A_258 = arith.constant 0 : i32
      %dma_start3A_259 = tpu.memref_slice %arg15[%dma_start3A_257, %dma_start3A_258] : memref<1024x16xf32, #tpu.memory_space<vmem>> -> memref<128x16xf32, #tpu.memory_space<vmem>>
      %dma_start3A_260 = arith.constant 0 : i32
      %dma_start3A_261 = tpu.memref_slice %arg12[%mul3A_90, %dma_start3A_260] : memref<10240x16xf32, #tpu.memory_space<vmem_shared>> -> memref<128x16xf32, #tpu.memory_space<vmem_shared>>
      %dma_start3A_262 = arith.constant 0 : i32
      %dma_start3A_263 = arith.constant 0 : i32
      %dma_start3A_264 = tpu.memref_slice %arg15[%dma_start3A_262, %dma_start3A_263] : memref<1024x16xf32, #tpu.memory_space<vmem>> -> memref<128x16xf32, #tpu.memory_space<vmem>>
      %dma_start3A_265 = arith.constant 0 : i32
      %dma_start3A_266 = tpu.memref_slice %arg12[%mul3A_90, %dma_start3A_265] : memref<10240x16xf32, #tpu.memory_space<vmem_shared>> -> memref<128x16xf32, #tpu.memory_space<vmem_shared>>
      tpu.enqueue_dma source(%dma_start3A_266 : memref<128x16xf32, #tpu.memory_space<vmem_shared>>) target(%dma_start3A_264 : memref<128x16xf32, #tpu.memory_space<vmem>>) target_semaphore(%run_scoped3A : memref<!tpu.dma_semaphore, #tpu.memory_space<semaphore_mem>>)
      %dma_wait3A_267 = arith.constant 0 : i32
      %dma_wait3A_268 = arith.constant 0 : i32
      %dma_wait3A_269 = tpu.memref_slice %arg15[%dma_wait3A_267, %dma_wait3A_268] : memref<1024x16xf32, #tpu.memory_space<vmem>> -> memref<128x16xf32, #tpu.memory_space<vmem>>
      %dma_wait3A_270 = arith.constant 0 : i32
      %dma_wait3A_271 = tpu.memref_slice %arg12[%mul3A_90, %dma_wait3A_270] : memref<10240x16xf32, #tpu.memory_space<vmem_shared>> -> memref<128x16xf32, #tpu.memory_space<vmem_shared>>
      %dma_wait3A_272 = arith.constant 0 : i32
      %dma_wait3A_273 = arith.constant 0 : i32
      %dma_wait3A_274 = tpu.memref_slice %arg15[%dma_wait3A_272, %dma_wait3A_273] : memref<1024x16xf32, #tpu.memory_space<vmem>> -> memref<128x16xf32, #tpu.memory_space<vmem>>
      %dma_wait3A_275 = arith.constant 0 : i32
      %dma_wait3A_276 = tpu.memref_slice %arg12[%mul3A_90, %dma_wait3A_275] : memref<10240x16xf32, #tpu.memory_space<vmem_shared>> -> memref<128x16xf32, #tpu.memory_space<vmem_shared>>
      tpu.wait_dma2 semaphore(%run_scoped3A : memref<!tpu.dma_semaphore, #tpu.memory_space<semaphore_mem>>) src(%dma_wait3A_276 : memref<128x16xf32, #tpu.memory_space<vmem_shared>>) dst(%dma_wait3A_274 : memref<128x16xf32, #tpu.memory_space<vmem>>)
      tpu.yield
    }) : () -> ()
    %mul3A_91 = arith.constant 640 : i32
    %mul3A_92 = arith.muli %arg1, %mul3A_91 : i32
    %add3A_93 = arith.constant 0 : i32
    %add3A_94 = arith.addi %mul3A_92, %add3A_93 : i32
    %dma_start3A_95 = arith.constant 0 : i32
    %dma_start3A_96 = arith.constant 0 : i32
    %dma_start3A_97 = tpu.memref_slice %arg15[%dma_start3A_95, %dma_start3A_96] : memref<1024x16xf32, #tpu.memory_space<vmem>> -> memref<128x16xf32, #tpu.memory_space<vmem>>
    %dma_start3A_98 = arith.constant 0 : i32
    %dma_start3A_99 = tpu.memref_slice %arg6[%arg0, %add3A_94, %dma_start3A_98] : memref<2x10240x16xf32, #tpu.memory_space<hbm>> -> memref<1x128x16xf32, #tpu.memory_space<hbm>>
    %dma_start3A_100 = tpu.memref_squeeze %dma_start3A_99 : memref<1x128x16xf32, #tpu.memory_space<hbm>> -> memref<128x16xf32, #tpu.memory_space<hbm>>
    %dma_start3A_101 = arith.constant 0 : i32
    %dma_start3A_102 = tpu.memref_slice %arg6[%arg0, %add3A_94, %dma_start3A_101] : memref<2x10240x16xf32, #tpu.memory_space<hbm>> -> memref<1x128x16xf32, #tpu.memory_space<hbm>>
    %dma_start3A_103 = tpu.memref_squeeze %dma_start3A_102 : memref<1x128x16xf32, #tpu.memory_space<hbm>> -> memref<128x16xf32, #tpu.memory_space<hbm>>
    %dma_start3A_104 = arith.constant 0 : i32
    %dma_start3A_105 = arith.constant 0 : i32
    %dma_start3A_106 = tpu.memref_slice %arg15[%dma_start3A_104, %dma_start3A_105] : memref<1024x16xf32, #tpu.memory_space<vmem>> -> memref<128x16xf32, #tpu.memory_space<vmem>>
    tpu.enqueue_dma source(%dma_start3A_106 : memref<128x16xf32, #tpu.memory_space<vmem>>) target(%dma_start3A_103 : memref<128x16xf32, #tpu.memory_space<hbm>>) target_semaphore(%arg16 : memref<!tpu.dma_semaphore, #tpu.memory_space<semaphore_mem>>)
    %mul3A_107 = arith.constant 640 : i32
    %mul3A_108 = arith.muli %arg1, %mul3A_107 : i32
    %add3A_109 = arith.constant 128 : i32
    %add3A_110 = arith.addi %mul3A_108, %add3A_109 : i32
    "tpu.region"() ({
      %run_scoped3A = tpu.sem_alloc : memref<!tpu.dma_semaphore, #tpu.memory_space<semaphore_mem>>
      %dma_start3A_257 = arith.constant 0 : i32
      %dma_start3A_258 = arith.constant 0 : i32
      %dma_start3A_259 = tpu.memref_slice %arg20[%dma_start3A_257, %dma_start3A_258] : memref<1024x16xf32, #tpu.memory_space<vmem>> -> memref<128x16xf32, #tpu.memory_space<vmem>>
      %dma_start3A_260 = arith.constant 0 : i32
      %dma_start3A_261 = tpu.memref_slice %arg12[%add3A_110, %dma_start3A_260] : memref<10240x16xf32, #tpu.memory_space<vmem_shared>> -> memref<128x16xf32, #tpu.memory_space<vmem_shared>>
      %dma_start3A_262 = arith.constant 0 : i32
      %dma_start3A_263 = arith.constant 0 : i32
      %dma_start3A_264 = tpu.memref_slice %arg20[%dma_start3A_262, %dma_start3A_263] : memref<1024x16xf32, #tpu.memory_space<vmem>> -> memref<128x16xf32, #tpu.memory_space<vmem>>
      %dma_start3A_265 = arith.constant 0 : i32
      %dma_start3A_266 = tpu.memref_slice %arg12[%add3A_110, %dma_start3A_265] : memref<10240x16xf32, #tpu.memory_space<vmem_shared>> -> memref<128x16xf32, #tpu.memory_space<vmem_shared>>
      tpu.enqueue_dma source(%dma_start3A_266 : memref<128x16xf32, #tpu.memory_space<vmem_shared>>) target(%dma_start3A_264 : memref<128x16xf32, #tpu.memory_space<vmem>>) target_semaphore(%run_scoped3A : memref<!tpu.dma_semaphore, #tpu.memory_space<semaphore_mem>>)
      %dma_wait3A_267 = arith.constant 0 : i32
      %dma_wait3A_268 = arith.constant 0 : i32
      %dma_wait3A_269 = tpu.memref_slice %arg20[%dma_wait3A_267, %dma_wait3A_268] : memref<1024x16xf32, #tpu.memory_space<vmem>> -> memref<128x16xf32, #tpu.memory_space<vmem>>
      %dma_wait3A_270 = arith.constant 0 : i32
      %dma_wait3A_271 = tpu.memref_slice %arg12[%add3A_110, %dma_wait3A_270] : memref<10240x16xf32, #tpu.memory_space<vmem_shared>> -> memref<128x16xf32, #tpu.memory_space<vmem_shared>>
      %dma_wait3A_272 = arith.constant 0 : i32
      %dma_wait3A_273 = arith.constant 0 : i32
      %dma_wait3A_274 = tpu.memref_slice %arg20[%dma_wait3A_272, %dma_wait3A_273] : memref<1024x16xf32, #tpu.memory_space<vmem>> -> memref<128x16xf32, #tpu.memory_space<vmem>>
      %dma_wait3A_275 = arith.constant 0 : i32
      %dma_wait3A_276 = tpu.memref_slice %arg12[%add3A_110, %dma_wait3A_275] : memref<10240x16xf32, #tpu.memory_space<vmem_shared>> -> memref<128x16xf32, #tpu.memory_space<vmem_shared>>
      tpu.wait_dma2 semaphore(%run_scoped3A : memref<!tpu.dma_semaphore, #tpu.memory_space<semaphore_mem>>) src(%dma_wait3A_276 : memref<128x16xf32, #tpu.memory_space<vmem_shared>>) dst(%dma_wait3A_274 : memref<128x16xf32, #tpu.memory_space<vmem>>)
      tpu.yield
    }) : () -> ()
    %mul3A_111 = arith.constant 640 : i32
    %mul3A_112 = arith.muli %arg1, %mul3A_111 : i32
    %dma_wait3A_113 = arith.constant 0 : i32
    %dma_wait3A_114 = arith.constant 0 : i32
    %dma_wait3A_115 = tpu.memref_slice %arg15[%dma_wait3A_113, %dma_wait3A_114] : memref<1024x16xf32, #tpu.memory_space<vmem>> -> memref<128x16xf32, #tpu.memory_space<vmem>>
    %dma_wait3A_116 = arith.constant 0 : i32
    %dma_wait3A_117 = tpu.memref_slice %arg6[%arg0, %mul3A_112, %dma_wait3A_116] : memref<2x10240x16xf32, #tpu.memory_space<hbm>> -> memref<1x128x16xf32, #tpu.memory_space<hbm>>
    %dma_wait3A_118 = tpu.memref_squeeze %dma_wait3A_117 : memref<1x128x16xf32, #tpu.memory_space<hbm>> -> memref<128x16xf32, #tpu.memory_space<hbm>>
    %dma_wait3A_119 = arith.constant 0 : i32
    %dma_wait3A_120 = tpu.memref_slice %arg6[%arg0, %mul3A_112, %dma_wait3A_119] : memref<2x10240x16xf32, #tpu.memory_space<hbm>> -> memref<1x128x16xf32, #tpu.memory_space<hbm>>
    %dma_wait3A_121 = tpu.memref_squeeze %dma_wait3A_120 : memref<1x128x16xf32, #tpu.memory_space<hbm>> -> memref<128x16xf32, #tpu.memory_space<hbm>>
    %dma_wait3A_122 = arith.constant 0 : i32
    %dma_wait3A_123 = arith.constant 0 : i32
    %dma_wait3A_124 = tpu.memref_slice %arg15[%dma_wait3A_122, %dma_wait3A_123] : memref<1024x16xf32, #tpu.memory_space<vmem>> -> memref<128x16xf32, #tpu.memory_space<vmem>>
    tpu.wait_dma2 semaphore(%arg16 : memref<!tpu.dma_semaphore, #tpu.memory_space<semaphore_mem>>) src(%dma_wait3A_124 : memref<128x16xf32, #tpu.memory_space<vmem>>) dst(%dma_wait3A_121 : memref<128x16xf32, #tpu.memory_space<hbm>>)
    %mul3A_125 = arith.constant 640 : i32
    %mul3A_126 = arith.muli %arg1, %mul3A_125 : i32
    %add3A_127 = arith.constant 128 : i32
    %add3A_128 = arith.addi %mul3A_126, %add3A_127 : i32
    %dma_start3A_129 = arith.constant 0 : i32
    %dma_start3A_130 = arith.constant 0 : i32
    %dma_start3A_131 = tpu.memref_slice %arg20[%dma_start3A_129, %dma_start3A_130] : memref<1024x16xf32, #tpu.memory_space<vmem>> -> memref<128x16xf32, #tpu.memory_space<vmem>>
    %dma_start3A_132 = arith.constant 0 : i32
    %dma_start3A_133 = tpu.memref_slice %arg6[%arg0, %add3A_128, %dma_start3A_132] : memref<2x10240x16xf32, #tpu.memory_space<hbm>> -> memref<1x128x16xf32, #tpu.memory_space<hbm>>
    %dma_start3A_134 = tpu.memref_squeeze %dma_start3A_133 : memref<1x128x16xf32, #tpu.memory_space<hbm>> -> memref<128x16xf32, #tpu.memory_space<hbm>>
    %dma_start3A_135 = arith.constant 0 : i32
    %dma_start3A_136 = tpu.memref_slice %arg6[%arg0, %add3A_128, %dma_start3A_135] : memref<2x10240x16xf32, #tpu.memory_space<hbm>> -> memref<1x128x16xf32, #tpu.memory_space<hbm>>
    %dma_start3A_137 = tpu.memref_squeeze %dma_start3A_136 : memref<1x128x16xf32, #tpu.memory_space<hbm>> -> memref<128x16xf32, #tpu.memory_space<hbm>>
    %dma_start3A_138 = arith.constant 0 : i32
    %dma_start3A_139 = arith.constant 0 : i32
    %dma_start3A_140 = tpu.memref_slice %arg20[%dma_start3A_138, %dma_start3A_139] : memref<1024x16xf32, #tpu.memory_space<vmem>> -> memref<128x16xf32, #tpu.memory_space<vmem>>
    tpu.enqueue_dma source(%dma_start3A_140 : memref<128x16xf32, #tpu.memory_space<vmem>>) target(%dma_start3A_137 : memref<128x16xf32, #tpu.memory_space<hbm>>) target_semaphore(%arg21 : memref<!tpu.dma_semaphore, #tpu.memory_space<semaphore_mem>>)
    %mul3A_141 = arith.constant 640 : i32
    %mul3A_142 = arith.muli %arg1, %mul3A_141 : i32
    %add3A_143 = arith.constant 256 : i32
    %add3A_144 = arith.addi %mul3A_142, %add3A_143 : i32
    "tpu.region"() ({
      %run_scoped3A = tpu.sem_alloc : memref<!tpu.dma_semaphore, #tpu.memory_space<semaphore_mem>>
      %dma_start3A_257 = arith.constant 0 : i32
      %dma_start3A_258 = arith.constant 0 : i32
      %dma_start3A_259 = tpu.memref_slice %arg15[%dma_start3A_257, %dma_start3A_258] : memref<1024x16xf32, #tpu.memory_space<vmem>> -> memref<128x16xf32, #tpu.memory_space<vmem>>
      %dma_start3A_260 = arith.constant 0 : i32
      %dma_start3A_261 = tpu.memref_slice %arg12[%add3A_144, %dma_start3A_260] : memref<10240x16xf32, #tpu.memory_space<vmem_shared>> -> memref<128x16xf32, #tpu.memory_space<vmem_shared>>
      %dma_start3A_262 = arith.constant 0 : i32
      %dma_start3A_263 = arith.constant 0 : i32
      %dma_start3A_264 = tpu.memref_slice %arg15[%dma_start3A_262, %dma_start3A_263] : memref<1024x16xf32, #tpu.memory_space<vmem>> -> memref<128x16xf32, #tpu.memory_space<vmem>>
      %dma_start3A_265 = arith.constant 0 : i32
      %dma_start3A_266 = tpu.memref_slice %arg12[%add3A_144, %dma_start3A_265] : memref<10240x16xf32, #tpu.memory_space<vmem_shared>> -> memref<128x16xf32, #tpu.memory_space<vmem_shared>>
      tpu.enqueue_dma source(%dma_start3A_266 : memref<128x16xf32, #tpu.memory_space<vmem_shared>>) target(%dma_start3A_264 : memref<128x16xf32, #tpu.memory_space<vmem>>) target_semaphore(%run_scoped3A : memref<!tpu.dma_semaphore, #tpu.memory_space<semaphore_mem>>)
      %dma_wait3A_267 = arith.constant 0 : i32
      %dma_wait3A_268 = arith.constant 0 : i32
      %dma_wait3A_269 = tpu.memref_slice %arg15[%dma_wait3A_267, %dma_wait3A_268] : memref<1024x16xf32, #tpu.memory_space<vmem>> -> memref<128x16xf32, #tpu.memory_space<vmem>>
      %dma_wait3A_270 = arith.constant 0 : i32
      %dma_wait3A_271 = tpu.memref_slice %arg12[%add3A_144, %dma_wait3A_270] : memref<10240x16xf32, #tpu.memory_space<vmem_shared>> -> memref<128x16xf32, #tpu.memory_space<vmem_shared>>
      %dma_wait3A_272 = arith.constant 0 : i32
      %dma_wait3A_273 = arith.constant 0 : i32
      %dma_wait3A_274 = tpu.memref_slice %arg15[%dma_wait3A_272, %dma_wait3A_273] : memref<1024x16xf32, #tpu.memory_space<vmem>> -> memref<128x16xf32, #tpu.memory_space<vmem>>
      %dma_wait3A_275 = arith.constant 0 : i32
      %dma_wait3A_276 = tpu.memref_slice %arg12[%add3A_144, %dma_wait3A_275] : memref<10240x16xf32, #tpu.memory_space<vmem_shared>> -> memref<128x16xf32, #tpu.memory_space<vmem_shared>>
      tpu.wait_dma2 semaphore(%run_scoped3A : memref<!tpu.dma_semaphore, #tpu.memory_space<semaphore_mem>>) src(%dma_wait3A_276 : memref<128x16xf32, #tpu.memory_space<vmem_shared>>) dst(%dma_wait3A_274 : memref<128x16xf32, #tpu.memory_space<vmem>>)
      tpu.yield
    }) : () -> ()
    %mul3A_145 = arith.constant 640 : i32
    %mul3A_146 = arith.muli %arg1, %mul3A_145 : i32
    %dma_wait3A_147 = arith.constant 0 : i32
    %dma_wait3A_148 = arith.constant 0 : i32
    %dma_wait3A_149 = tpu.memref_slice %arg20[%dma_wait3A_147, %dma_wait3A_148] : memref<1024x16xf32, #tpu.memory_space<vmem>> -> memref<128x16xf32, #tpu.memory_space<vmem>>
    %dma_wait3A_150 = arith.constant 0 : i32
    %dma_wait3A_151 = tpu.memref_slice %arg6[%arg0, %mul3A_146, %dma_wait3A_150] : memref<2x10240x16xf32, #tpu.memory_space<hbm>> -> memref<1x128x16xf32, #tpu.memory_space<hbm>>
    %dma_wait3A_152 = tpu.memref_squeeze %dma_wait3A_151 : memref<1x128x16xf32, #tpu.memory_space<hbm>> -> memref<128x16xf32, #tpu.memory_space<hbm>>
    %dma_wait3A_153 = arith.constant 0 : i32
    %dma_wait3A_154 = tpu.memref_slice %arg6[%arg0, %mul3A_146, %dma_wait3A_153] : memref<2x10240x16xf32, #tpu.memory_space<hbm>> -> memref<1x128x16xf32, #tpu.memory_space<hbm>>
    %dma_wait3A_155 = tpu.memref_squeeze %dma_wait3A_154 : memref<1x128x16xf32, #tpu.memory_space<hbm>> -> memref<128x16xf32, #tpu.memory_space<hbm>>
    %dma_wait3A_156 = arith.constant 0 : i32
    %dma_wait3A_157 = arith.constant 0 : i32
    %dma_wait3A_158 = tpu.memref_slice %arg20[%dma_wait3A_156, %dma_wait3A_157] : memref<1024x16xf32, #tpu.memory_space<vmem>> -> memref<128x16xf32, #tpu.memory_space<vmem>>
    tpu.wait_dma2 semaphore(%arg21 : memref<!tpu.dma_semaphore, #tpu.memory_space<semaphore_mem>>) src(%dma_wait3A_158 : memref<128x16xf32, #tpu.memory_space<vmem>>) dst(%dma_wait3A_155 : memref<128x16xf32, #tpu.memory_space<hbm>>)
    %mul3A_159 = arith.constant 640 : i32
    %mul3A_160 = arith.muli %arg1, %mul3A_159 : i32
    %add3A_161 = arith.constant 256 : i32
    %add3A_162 = arith.addi %mul3A_160, %add3A_161 : i32
    %dma_start3A_163 = arith.constant 0 : i32
    %dma_start3A_164 = arith.constant 0 : i32
    %dma_start3A_165 = tpu.memref_slice %arg15[%dma_start3A_163, %dma_start3A_164] : memref<1024x16xf32, #tpu.memory_space<vmem>> -> memref<128x16xf32, #tpu.memory_space<vmem>>
    %dma_start3A_166 = arith.constant 0 : i32
    %dma_start3A_167 = tpu.memref_slice %arg6[%arg0, %add3A_162, %dma_start3A_166] : memref<2x10240x16xf32, #tpu.memory_space<hbm>> -> memref<1x128x16xf32, #tpu.memory_space<hbm>>
    %dma_start3A_168 = tpu.memref_squeeze %dma_start3A_167 : memref<1x128x16xf32, #tpu.memory_space<hbm>> -> memref<128x16xf32, #tpu.memory_space<hbm>>
    %dma_start3A_169 = arith.constant 0 : i32
    %dma_start3A_170 = tpu.memref_slice %arg6[%arg0, %add3A_162, %dma_start3A_169] : memref<2x10240x16xf32, #tpu.memory_space<hbm>> -> memref<1x128x16xf32, #tpu.memory_space<hbm>>
    %dma_start3A_171 = tpu.memref_squeeze %dma_start3A_170 : memref<1x128x16xf32, #tpu.memory_space<hbm>> -> memref<128x16xf32, #tpu.memory_space<hbm>>
    %dma_start3A_172 = arith.constant 0 : i32
    %dma_start3A_173 = arith.constant 0 : i32
    %dma_start3A_174 = tpu.memref_slice %arg15[%dma_start3A_172, %dma_start3A_173] : memref<1024x16xf32, #tpu.memory_space<vmem>> -> memref<128x16xf32, #tpu.memory_space<vmem>>
    tpu.enqueue_dma source(%dma_start3A_174 : memref<128x16xf32, #tpu.memory_space<vmem>>) target(%dma_start3A_171 : memref<128x16xf32, #tpu.memory_space<hbm>>) target_semaphore(%arg16 : memref<!tpu.dma_semaphore, #tpu.memory_space<semaphore_mem>>)
    %mul3A_175 = arith.constant 640 : i32
    %mul3A_176 = arith.muli %arg1, %mul3A_175 : i32
    %add3A_177 = arith.constant 384 : i32
    %add3A_178 = arith.addi %mul3A_176, %add3A_177 : i32
    "tpu.region"() ({
      %run_scoped3A = tpu.sem_alloc : memref<!tpu.dma_semaphore, #tpu.memory_space<semaphore_mem>>
      %dma_start3A_257 = arith.constant 0 : i32
      %dma_start3A_258 = arith.constant 0 : i32
      %dma_start3A_259 = tpu.memref_slice %arg20[%dma_start3A_257, %dma_start3A_258] : memref<1024x16xf32, #tpu.memory_space<vmem>> -> memref<128x16xf32, #tpu.memory_space<vmem>>
      %dma_start3A_260 = arith.constant 0 : i32
      %dma_start3A_261 = tpu.memref_slice %arg12[%add3A_178, %dma_start3A_260] : memref<10240x16xf32, #tpu.memory_space<vmem_shared>> -> memref<128x16xf32, #tpu.memory_space<vmem_shared>>
      %dma_start3A_262 = arith.constant 0 : i32
      %dma_start3A_263 = arith.constant 0 : i32
      %dma_start3A_264 = tpu.memref_slice %arg20[%dma_start3A_262, %dma_start3A_263] : memref<1024x16xf32, #tpu.memory_space<vmem>> -> memref<128x16xf32, #tpu.memory_space<vmem>>
      %dma_start3A_265 = arith.constant 0 : i32
      %dma_start3A_266 = tpu.memref_slice %arg12[%add3A_178, %dma_start3A_265] : memref<10240x16xf32, #tpu.memory_space<vmem_shared>> -> memref<128x16xf32, #tpu.memory_space<vmem_shared>>
      tpu.enqueue_dma source(%dma_start3A_266 : memref<128x16xf32, #tpu.memory_space<vmem_shared>>) target(%dma_start3A_264 : memref<128x16xf32, #tpu.memory_space<vmem>>) target_semaphore(%run_scoped3A : memref<!tpu.dma_semaphore, #tpu.memory_space<semaphore_mem>>)
      %dma_wait3A_267 = arith.constant 0 : i32
      %dma_wait3A_268 = arith.constant 0 : i32
      %dma_wait3A_269 = tpu.memref_slice %arg20[%dma_wait3A_267, %dma_wait3A_268] : memref<1024x16xf32, #tpu.memory_space<vmem>> -> memref<128x16xf32, #tpu.memory_space<vmem>>
      %dma_wait3A_270 = arith.constant 0 : i32
      %dma_wait3A_271 = tpu.memref_slice %arg12[%add3A_178, %dma_wait3A_270] : memref<10240x16xf32, #tpu.memory_space<vmem_shared>> -> memref<128x16xf32, #tpu.memory_space<vmem_shared>>
      %dma_wait3A_272 = arith.constant 0 : i32
      %dma_wait3A_273 = arith.constant 0 : i32
      %dma_wait3A_274 = tpu.memref_slice %arg20[%dma_wait3A_272, %dma_wait3A_273] : memref<1024x16xf32, #tpu.memory_space<vmem>> -> memref<128x16xf32, #tpu.memory_space<vmem>>
      %dma_wait3A_275 = arith.constant 0 : i32
      %dma_wait3A_276 = tpu.memref_slice %arg12[%add3A_178, %dma_wait3A_275] : memref<10240x16xf32, #tpu.memory_space<vmem_shared>> -> memref<128x16xf32, #tpu.memory_space<vmem_shared>>
      tpu.wait_dma2 semaphore(%run_scoped3A : memref<!tpu.dma_semaphore, #tpu.memory_space<semaphore_mem>>) src(%dma_wait3A_276 : memref<128x16xf32, #tpu.memory_space<vmem_shared>>) dst(%dma_wait3A_274 : memref<128x16xf32, #tpu.memory_space<vmem>>)
      tpu.yield
    }) : () -> ()
    %mul3A_179 = arith.constant 640 : i32
    %mul3A_180 = arith.muli %arg1, %mul3A_179 : i32
    %dma_wait3A_181 = arith.constant 0 : i32
    %dma_wait3A_182 = arith.constant 0 : i32
    %dma_wait3A_183 = tpu.memref_slice %arg15[%dma_wait3A_181, %dma_wait3A_182] : memref<1024x16xf32, #tpu.memory_space<vmem>> -> memref<128x16xf32, #tpu.memory_space<vmem>>
    %dma_wait3A_184 = arith.constant 0 : i32
    %dma_wait3A_185 = tpu.memref_slice %arg6[%arg0, %mul3A_180, %dma_wait3A_184] : memref<2x10240x16xf32, #tpu.memory_space<hbm>> -> memref<1x128x16xf32, #tpu.memory_space<hbm>>
    %dma_wait3A_186 = tpu.memref_squeeze %dma_wait3A_185 : memref<1x128x16xf32, #tpu.memory_space<hbm>> -> memref<128x16xf32, #tpu.memory_space<hbm>>
    %dma_wait3A_187 = arith.constant 0 : i32
    %dma_wait3A_188 = tpu.memref_slice %arg6[%arg0, %mul3A_180, %dma_wait3A_187] : memref<2x10240x16xf32, #tpu.memory_space<hbm>> -> memref<1x128x16xf32, #tpu.memory_space<hbm>>
    %dma_wait3A_189 = tpu.memref_squeeze %dma_wait3A_188 : memref<1x128x16xf32, #tpu.memory_space<hbm>> -> memref<128x16xf32, #tpu.memory_space<hbm>>
    %dma_wait3A_190 = arith.constant 0 : i32
    %dma_wait3A_191 = arith.constant 0 : i32
    %dma_wait3A_192 = tpu.memref_slice %arg15[%dma_wait3A_190, %dma_wait3A_191] : memref<1024x16xf32, #tpu.memory_space<vmem>> -> memref<128x16xf32, #tpu.memory_space<vmem>>
    tpu.wait_dma2 semaphore(%arg16 : memref<!tpu.dma_semaphore, #tpu.memory_space<semaphore_mem>>) src(%dma_wait3A_192 : memref<128x16xf32, #tpu.memory_space<vmem>>) dst(%dma_wait3A_189 : memref<128x16xf32, #tpu.memory_space<hbm>>)
    %mul3A_193 = arith.constant 640 : i32
    %mul3A_194 = arith.muli %arg1, %mul3A_193 : i32
    %add3A_195 = arith.constant 384 : i32
    %add3A_196 = arith.addi %mul3A_194, %add3A_195 : i32
    %dma_start3A_197 = arith.constant 0 : i32
    %dma_start3A_198 = arith.constant 0 : i32
    %dma_start3A_199 = tpu.memref_slice %arg20[%dma_start3A_197, %dma_start3A_198] : memref<1024x16xf32, #tpu.memory_space<vmem>> -> memref<128x16xf32, #tpu.memory_space<vmem>>
    %dma_start3A_200 = arith.constant 0 : i32
    %dma_start3A_201 = tpu.memref_slice %arg6[%arg0, %add3A_196, %dma_start3A_200] : memref<2x10240x16xf32, #tpu.memory_space<hbm>> -> memref<1x128x16xf32, #tpu.memory_space<hbm>>
    %dma_start3A_202 = tpu.memref_squeeze %dma_start3A_201 : memref<1x128x16xf32, #tpu.memory_space<hbm>> -> memref<128x16xf32, #tpu.memory_space<hbm>>
    %dma_start3A_203 = arith.constant 0 : i32
    %dma_start3A_204 = tpu.memref_slice %arg6[%arg0, %add3A_196, %dma_start3A_203] : memref<2x10240x16xf32, #tpu.memory_space<hbm>> -> memref<1x128x16xf32, #tpu.memory_space<hbm>>
    %dma_start3A_205 = tpu.memref_squeeze %dma_start3A_204 : memref<1x128x16xf32, #tpu.memory_space<hbm>> -> memref<128x16xf32, #tpu.memory_space<hbm>>
    %dma_start3A_206 = arith.constant 0 : i32
    %dma_start3A_207 = arith.constant 0 : i32
    %dma_start3A_208 = tpu.memref_slice %arg20[%dma_start3A_206, %dma_start3A_207] : memref<1024x16xf32, #tpu.memory_space<vmem>> -> memref<128x16xf32, #tpu.memory_space<vmem>>
    tpu.enqueue_dma source(%dma_start3A_208 : memref<128x16xf32, #tpu.memory_space<vmem>>) target(%dma_start3A_205 : memref<128x16xf32, #tpu.memory_space<hbm>>) target_semaphore(%arg21 : memref<!tpu.dma_semaphore, #tpu.memory_space<semaphore_mem>>)
    %mul3A_209 = arith.constant 640 : i32
    %mul3A_210 = arith.muli %arg1, %mul3A_209 : i32
    %add3A_211 = arith.constant 512 : i32
    %add3A_212 = arith.addi %mul3A_210, %add3A_211 : i32
    "tpu.region"() ({
      %run_scoped3A = tpu.sem_alloc : memref<!tpu.dma_semaphore, #tpu.memory_space<semaphore_mem>>
      %dma_start3A_257 = arith.constant 0 : i32
      %dma_start3A_258 = arith.constant 0 : i32
      %dma_start3A_259 = tpu.memref_slice %arg15[%dma_start3A_257, %dma_start3A_258] : memref<1024x16xf32, #tpu.memory_space<vmem>> -> memref<128x16xf32, #tpu.memory_space<vmem>>
      %dma_start3A_260 = arith.constant 0 : i32
      %dma_start3A_261 = tpu.memref_slice %arg12[%add3A_212, %dma_start3A_260] : memref<10240x16xf32, #tpu.memory_space<vmem_shared>> -> memref<128x16xf32, #tpu.memory_space<vmem_shared>>
      %dma_start3A_262 = arith.constant 0 : i32
      %dma_start3A_263 = arith.constant 0 : i32
      %dma_start3A_264 = tpu.memref_slice %arg15[%dma_start3A_262, %dma_start3A_263] : memref<1024x16xf32, #tpu.memory_space<vmem>> -> memref<128x16xf32, #tpu.memory_space<vmem>>
      %dma_start3A_265 = arith.constant 0 : i32
      %dma_start3A_266 = tpu.memref_slice %arg12[%add3A_212, %dma_start3A_265] : memref<10240x16xf32, #tpu.memory_space<vmem_shared>> -> memref<128x16xf32, #tpu.memory_space<vmem_shared>>
      tpu.enqueue_dma source(%dma_start3A_266 : memref<128x16xf32, #tpu.memory_space<vmem_shared>>) target(%dma_start3A_264 : memref<128x16xf32, #tpu.memory_space<vmem>>) target_semaphore(%run_scoped3A : memref<!tpu.dma_semaphore, #tpu.memory_space<semaphore_mem>>)
      %dma_wait3A_267 = arith.constant 0 : i32
      %dma_wait3A_268 = arith.constant 0 : i32
      %dma_wait3A_269 = tpu.memref_slice %arg15[%dma_wait3A_267, %dma_wait3A_268] : memref<1024x16xf32, #tpu.memory_space<vmem>> -> memref<128x16xf32, #tpu.memory_space<vmem>>
      %dma_wait3A_270 = arith.constant 0 : i32
      %dma_wait3A_271 = tpu.memref_slice %arg12[%add3A_212, %dma_wait3A_270] : memref<10240x16xf32, #tpu.memory_space<vmem_shared>> -> memref<128x16xf32, #tpu.memory_space<vmem_shared>>
      %dma_wait3A_272 = arith.constant 0 : i32
      %dma_wait3A_273 = arith.constant 0 : i32
      %dma_wait3A_274 = tpu.memref_slice %arg15[%dma_wait3A_272, %dma_wait3A_273] : memref<1024x16xf32, #tpu.memory_space<vmem>> -> memref<128x16xf32, #tpu.memory_space<vmem>>
      %dma_wait3A_275 = arith.constant 0 : i32
      %dma_wait3A_276 = tpu.memref_slice %arg12[%add3A_212, %dma_wait3A_275] : memref<10240x16xf32, #tpu.memory_space<vmem_shared>> -> memref<128x16xf32, #tpu.memory_space<vmem_shared>>
      tpu.wait_dma2 semaphore(%run_scoped3A : memref<!tpu.dma_semaphore, #tpu.memory_space<semaphore_mem>>) src(%dma_wait3A_276 : memref<128x16xf32, #tpu.memory_space<vmem_shared>>) dst(%dma_wait3A_274 : memref<128x16xf32, #tpu.memory_space<vmem>>)
      tpu.yield
    }) : () -> ()
    %mul3A_213 = arith.constant 640 : i32
    %mul3A_214 = arith.muli %arg1, %mul3A_213 : i32
    %dma_wait3A_215 = arith.constant 0 : i32
    %dma_wait3A_216 = arith.constant 0 : i32
    %dma_wait3A_217 = tpu.memref_slice %arg20[%dma_wait3A_215, %dma_wait3A_216] : memref<1024x16xf32, #tpu.memory_space<vmem>> -> memref<128x16xf32, #tpu.memory_space<vmem>>
    %dma_wait3A_218 = arith.constant 0 : i32
    %dma_wait3A_219 = tpu.memref_slice %arg6[%arg0, %mul3A_214, %dma_wait3A_218] : memref<2x10240x16xf32, #tpu.memory_space<hbm>> -> memref<1x128x16xf32, #tpu.memory_space<hbm>>
    %dma_wait3A_220 = tpu.memref_squeeze %dma_wait3A_219 : memref<1x128x16xf32, #tpu.memory_space<hbm>> -> memref<128x16xf32, #tpu.memory_space<hbm>>
    %dma_wait3A_221 = arith.constant 0 : i32
    %dma_wait3A_222 = tpu.memref_slice %arg6[%arg0, %mul3A_214, %dma_wait3A_221] : memref<2x10240x16xf32, #tpu.memory_space<hbm>> -> memref<1x128x16xf32, #tpu.memory_space<hbm>>
    %dma_wait3A_223 = tpu.memref_squeeze %dma_wait3A_222 : memref<1x128x16xf32, #tpu.memory_space<hbm>> -> memref<128x16xf32, #tpu.memory_space<hbm>>
    %dma_wait3A_224 = arith.constant 0 : i32
    %dma_wait3A_225 = arith.constant 0 : i32
    %dma_wait3A_226 = tpu.memref_slice %arg20[%dma_wait3A_224, %dma_wait3A_225] : memref<1024x16xf32, #tpu.memory_space<vmem>> -> memref<128x16xf32, #tpu.memory_space<vmem>>
    tpu.wait_dma2 semaphore(%arg21 : memref<!tpu.dma_semaphore, #tpu.memory_space<semaphore_mem>>) src(%dma_wait3A_226 : memref<128x16xf32, #tpu.memory_space<vmem>>) dst(%dma_wait3A_223 : memref<128x16xf32, #tpu.memory_space<hbm>>)
    %mul3A_227 = arith.constant 640 : i32
    %mul3A_228 = arith.muli %arg1, %mul3A_227 : i32
    %add3A_229 = arith.constant 512 : i32
    %add3A_230 = arith.addi %mul3A_228, %add3A_229 : i32
    %dma_start3A_231 = arith.constant 0 : i32
    %dma_start3A_232 = arith.constant 0 : i32
    %dma_start3A_233 = tpu.memref_slice %arg15[%dma_start3A_231, %dma_start3A_232] : memref<1024x16xf32, #tpu.memory_space<vmem>> -> memref<128x16xf32, #tpu.memory_space<vmem>>
    %dma_start3A_234 = arith.constant 0 : i32
    %dma_start3A_235 = tpu.memref_slice %arg6[%arg0, %add3A_230, %dma_start3A_234] : memref<2x10240x16xf32, #tpu.memory_space<hbm>> -> memref<1x128x16xf32, #tpu.memory_space<hbm>>
    %dma_start3A_236 = tpu.memref_squeeze %dma_start3A_235 : memref<1x128x16xf32, #tpu.memory_space<hbm>> -> memref<128x16xf32, #tpu.memory_space<hbm>>
    %dma_start3A_237 = arith.constant 0 : i32
    %dma_start3A_238 = tpu.memref_slice %arg6[%arg0, %add3A_230, %dma_start3A_237] : memref<2x10240x16xf32, #tpu.memory_space<hbm>> -> memref<1x128x16xf32, #tpu.memory_space<hbm>>
    %dma_start3A_239 = tpu.memref_squeeze %dma_start3A_238 : memref<1x128x16xf32, #tpu.memory_space<hbm>> -> memref<128x16xf32, #tpu.memory_space<hbm>>
    %dma_start3A_240 = arith.constant 0 : i32
    %dma_start3A_241 = arith.constant 0 : i32
    %dma_start3A_242 = tpu.memref_slice %arg15[%dma_start3A_240, %dma_start3A_241] : memref<1024x16xf32, #tpu.memory_space<vmem>> -> memref<128x16xf32, #tpu.memory_space<vmem>>
    tpu.enqueue_dma source(%dma_start3A_242 : memref<128x16xf32, #tpu.memory_space<vmem>>) target(%dma_start3A_239 : memref<128x16xf32, #tpu.memory_space<hbm>>) target_semaphore(%arg16 : memref<!tpu.dma_semaphore, #tpu.memory_space<semaphore_mem>>)
    %mul3A_243 = arith.constant 640 : i32
    %mul3A_244 = arith.muli %arg1, %mul3A_243 : i32
    %dma_wait3A_245 = arith.constant 0 : i32
    %dma_wait3A_246 = arith.constant 0 : i32
    %dma_wait3A_247 = tpu.memref_slice %arg15[%dma_wait3A_245, %dma_wait3A_246] : memref<1024x16xf32, #tpu.memory_space<vmem>> -> memref<128x16xf32, #tpu.memory_space<vmem>>
    %dma_wait3A_248 = arith.constant 0 : i32
    %dma_wait3A_249 = tpu.memref_slice %arg6[%arg0, %mul3A_244, %dma_wait3A_248] : memref<2x10240x16xf32, #tpu.memory_space<hbm>> -> memref<1x128x16xf32, #tpu.memory_space<hbm>>
    %dma_wait3A_250 = tpu.memref_squeeze %dma_wait3A_249 : memref<1x128x16xf32, #tpu.memory_space<hbm>> -> memref<128x16xf32, #tpu.memory_space<hbm>>
    %dma_wait3A_251 = arith.constant 0 : i32
    %dma_wait3A_252 = tpu.memref_slice %arg6[%arg0, %mul3A_244, %dma_wait3A_251] : memref<2x10240x16xf32, #tpu.memory_space<hbm>> -> memref<1x128x16xf32, #tpu.memory_space<hbm>>
    %dma_wait3A_253 = tpu.memref_squeeze %dma_wait3A_252 : memref<1x128x16xf32, #tpu.memory_space<hbm>> -> memref<128x16xf32, #tpu.memory_space<hbm>>
    %dma_wait3A_254 = arith.constant 0 : i32
    %dma_wait3A_255 = arith.constant 0 : i32
    %dma_wait3A_256 = tpu.memref_slice %arg15[%dma_wait3A_254, %dma_wait3A_255] : memref<1024x16xf32, #tpu.memory_space<vmem>> -> memref<128x16xf32, #tpu.memory_space<vmem>>
    tpu.wait_dma2 semaphore(%arg16 : memref<!tpu.dma_semaphore, #tpu.memory_space<semaphore_mem>>) src(%dma_wait3A_256 : memref<128x16xf32, #tpu.memory_space<vmem>>) dst(%dma_wait3A_253 : memref<128x16xf32, #tpu.memory_space<hbm>>)
    return
  }
}

#map = affine_map<(d0, d1) -> (0, 0)>
module attributes {stable_mosaic.version = 14 : i64} {
  func.func @_sc_degree(%arg0: i32, %arg1: i32, %arg2: memref<32x10240xi32, #tpu.memory_space<hbm>>, %arg3: memref<2x10240xf32, #tpu.memory_space<hbm>>, %arg4: memref<10240xi32, #tpu.memory_space<vmem>>, %arg5: memref<10240xf32, #tpu.memory_space<vmem>>, %arg6: memref<640xf32, #tpu.memory_space<vmem>>, %arg7: memref<10240xf32, #tpu.memory_space<vmem_shared>>) attributes {dimension_semantics = [#tpu.dimension_semantics<core_parallel>, #tpu.dimension_semantics<subcore_parallel>], iteration_bounds = array<i64: 2, 16>, scalar_prefetch = 0 : i64, scratch_operands = 4 : i64, tpu.core_type = #tpu.core_type<sc_vector_subcore>, window_params = [{transform_indices = #map}, {transform_indices = #map}]} {
    %broadcast_in_dim3A = arith.constant 1.000000e+00 : f32
    %broadcast_in_dim3A_0 = vector.broadcast %broadcast_in_dim3A : f32 to vector<16xf32>
    %broadcast_in_dim3A_1 = arith.constant 0.000000e+00 : f32
    %broadcast_in_dim3A_2 = vector.broadcast %broadcast_in_dim3A_1 : f32 to vector<16xf32>
    %scan3A = arith.constant 0 : i32
    %scan3A_3 = arith.constant 0 : i32
    %scan3A_4 = arith.constant 640 : i32
    %scan3A_5 = arith.addi %scan3A_3, %scan3A_4 : i32
    %scan3A_6 = arith.constant 8 : i32
    %scan3A_7 = scf.for %scan3A_25 = %scan3A_3 to %scan3A_5 step %scan3A_6 iter_args(%scan3A_26 = %scan3A) -> (i32)  : i32 {
      %mul3A_27 = arith.constant 16 : i32
      %mul3A_28 = arith.muli %scan3A_25, %mul3A_27 : i32
      %swap3A = arith.index_cast %mul3A_28 : i32 to index
      %swap3A_29 = tpu.vector_load %arg5[%swap3A] {strides = array<i32>} : memref<10240xf32, #tpu.memory_space<vmem>>, vector<16xf32>,
      tpu.vector_store %arg5[%swap3A], %broadcast_in_dim3A_0 {strides = array<i32>} : memref<10240xf32, #tpu.memory_space<vmem>>, vector<16xf32>,
      %scan3A_30 = arith.constant 0 : i32
      %scan3A_31 = arith.constant 1 : i32
      %scan3A_32 = arith.addi %scan3A_25, %scan3A_31 : i32
      %mul3A_33 = arith.constant 16 : i32
      %mul3A_34 = arith.muli %scan3A_32, %mul3A_33 : i32
      %swap3A_35 = arith.index_cast %mul3A_34 : i32 to index
      %swap3A_36 = tpu.vector_load %arg5[%swap3A_35] {strides = array<i32>} : memref<10240xf32, #tpu.memory_space<vmem>>, vector<16xf32>,
      tpu.vector_store %arg5[%swap3A_35], %broadcast_in_dim3A_0 {strides = array<i32>} : memref<10240xf32, #tpu.memory_space<vmem>>, vector<16xf32>,
      %scan3A_37 = arith.constant 0 : i32
      %scan3A_38 = arith.constant 2 : i32
      %scan3A_39 = arith.addi %scan3A_25, %scan3A_38 : i32
      %mul3A_40 = arith.constant 16 : i32
      %mul3A_41 = arith.muli %scan3A_39, %mul3A_40 : i32
      %swap3A_42 = arith.index_cast %mul3A_41 : i32 to index
      %swap3A_43 = tpu.vector_load %arg5[%swap3A_42] {strides = array<i32>} : memref<10240xf32, #tpu.memory_space<vmem>>, vector<16xf32>,
      tpu.vector_store %arg5[%swap3A_42], %broadcast_in_dim3A_0 {strides = array<i32>} : memref<10240xf32, #tpu.memory_space<vmem>>, vector<16xf32>,
      %scan3A_44 = arith.constant 0 : i32
      %scan3A_45 = arith.constant 3 : i32
      %scan3A_46 = arith.addi %scan3A_25, %scan3A_45 : i32
      %mul3A_47 = arith.constant 16 : i32
      %mul3A_48 = arith.muli %scan3A_46, %mul3A_47 : i32
      %swap3A_49 = arith.index_cast %mul3A_48 : i32 to index
      %swap3A_50 = tpu.vector_load %arg5[%swap3A_49] {strides = array<i32>} : memref<10240xf32, #tpu.memory_space<vmem>>, vector<16xf32>,
      tpu.vector_store %arg5[%swap3A_49], %broadcast_in_dim3A_0 {strides = array<i32>} : memref<10240xf32, #tpu.memory_space<vmem>>, vector<16xf32>,
      %scan3A_51 = arith.constant 0 : i32
      %scan3A_52 = arith.constant 4 : i32
      %scan3A_53 = arith.addi %scan3A_25, %scan3A_52 : i32
      %mul3A_54 = arith.constant 16 : i32
      %mul3A_55 = arith.muli %scan3A_53, %mul3A_54 : i32
      %swap3A_56 = arith.index_cast %mul3A_55 : i32 to index
      %swap3A_57 = tpu.vector_load %arg5[%swap3A_56] {strides = array<i32>} : memref<10240xf32, #tpu.memory_space<vmem>>, vector<16xf32>,
      tpu.vector_store %arg5[%swap3A_56], %broadcast_in_dim3A_0 {strides = array<i32>} : memref<10240xf32, #tpu.memory_space<vmem>>, vector<16xf32>,
      %scan3A_58 = arith.constant 0 : i32
      %scan3A_59 = arith.constant 5 : i32
      %scan3A_60 = arith.addi %scan3A_25, %scan3A_59 : i32
      %mul3A_61 = arith.constant 16 : i32
      %mul3A_62 = arith.muli %scan3A_60, %mul3A_61 : i32
      %swap3A_63 = arith.index_cast %mul3A_62 : i32 to index
      %swap3A_64 = tpu.vector_load %arg5[%swap3A_63] {strides = array<i32>} : memref<10240xf32, #tpu.memory_space<vmem>>, vector<16xf32>,
      tpu.vector_store %arg5[%swap3A_63], %broadcast_in_dim3A_0 {strides = array<i32>} : memref<10240xf32, #tpu.memory_space<vmem>>, vector<16xf32>,
      %scan3A_65 = arith.constant 0 : i32
      %scan3A_66 = arith.constant 6 : i32
      %scan3A_67 = arith.addi %scan3A_25, %scan3A_66 : i32
      %mul3A_68 = arith.constant 16 : i32
      %mul3A_69 = arith.muli %scan3A_67, %mul3A_68 : i32
      %swap3A_70 = arith.index_cast %mul3A_69 : i32 to index
      %swap3A_71 = tpu.vector_load %arg5[%swap3A_70] {strides = array<i32>} : memref<10240xf32, #tpu.memory_space<vmem>>, vector<16xf32>,
      tpu.vector_store %arg5[%swap3A_70], %broadcast_in_dim3A_0 {strides = array<i32>} : memref<10240xf32, #tpu.memory_space<vmem>>, vector<16xf32>,
      %scan3A_72 = arith.constant 0 : i32
      %scan3A_73 = arith.constant 7 : i32
      %scan3A_74 = arith.addi %scan3A_25, %scan3A_73 : i32
      %mul3A_75 = arith.constant 16 : i32
      %mul3A_76 = arith.muli %scan3A_74, %mul3A_75 : i32
      %swap3A_77 = arith.index_cast %mul3A_76 : i32 to index
      %swap3A_78 = tpu.vector_load %arg5[%swap3A_77] {strides = array<i32>} : memref<10240xf32, #tpu.memory_space<vmem>>, vector<16xf32>,
      tpu.vector_store %arg5[%swap3A_77], %broadcast_in_dim3A_0 {strides = array<i32>} : memref<10240xf32, #tpu.memory_space<vmem>>, vector<16xf32>,
      %scan3A_79 = arith.constant 0 : i32
      scf.yield %scan3A_79 : i32
    }
    %scan3A_8 = arith.constant 640 : i32
    %scan3A_9 = arith.constant 0 : i32
    %scan3A_10 = arith.constant 0 : i32
    %scan3A_11 = arith.constant 40 : i32
    %scan3A_12 = arith.addi %scan3A_10, %scan3A_11 : i32
    %scan3A_13 = arith.constant 8 : i32
    %scan3A_14 = scf.for %scan3A_25 = %scan3A_10 to %scan3A_12 step %scan3A_13 iter_args(%scan3A_26 = %scan3A_9) -> (i32)  : i32 {
      %mul3A_27 = arith.constant 16 : i32
      %mul3A_28 = arith.muli %scan3A_25, %mul3A_27 : i32
      %swap3A = arith.index_cast %mul3A_28 : i32 to index
      %swap3A_29 = tpu.vector_load %arg6[%swap3A] {strides = array<i32>} : memref<640xf32, #tpu.memory_space<vmem>>, vector<16xf32>,
      tpu.vector_store %arg6[%swap3A], %broadcast_in_dim3A_2 {strides = array<i32>} : memref<640xf32, #tpu.memory_space<vmem>>, vector<16xf32>,
      %scan3A_30 = arith.constant 0 : i32
      %scan3A_31 = arith.constant 1 : i32
      %scan3A_32 = arith.addi %scan3A_25, %scan3A_31 : i32
      %mul3A_33 = arith.constant 16 : i32
      %mul3A_34 = arith.muli %scan3A_32, %mul3A_33 : i32
      %swap3A_35 = arith.index_cast %mul3A_34 : i32 to index
      %swap3A_36 = tpu.vector_load %arg6[%swap3A_35] {strides = array<i32>} : memref<640xf32, #tpu.memory_space<vmem>>, vector<16xf32>,
      tpu.vector_store %arg6[%swap3A_35], %broadcast_in_dim3A_2 {strides = array<i32>} : memref<640xf32, #tpu.memory_space<vmem>>, vector<16xf32>,
      %scan3A_37 = arith.constant 0 : i32
      %scan3A_38 = arith.constant 2 : i32
      %scan3A_39 = arith.addi %scan3A_25, %scan3A_38 : i32
      %mul3A_40 = arith.constant 16 : i32
      %mul3A_41 = arith.muli %scan3A_39, %mul3A_40 : i32
      %swap3A_42 = arith.index_cast %mul3A_41 : i32 to index
      %swap3A_43 = tpu.vector_load %arg6[%swap3A_42] {strides = array<i32>} : memref<640xf32, #tpu.memory_space<vmem>>, vector<16xf32>,
      tpu.vector_store %arg6[%swap3A_42], %broadcast_in_dim3A_2 {strides = array<i32>} : memref<640xf32, #tpu.memory_space<vmem>>, vector<16xf32>,
      %scan3A_44 = arith.constant 0 : i32
      %scan3A_45 = arith.constant 3 : i32
      %scan3A_46 = arith.addi %scan3A_25, %scan3A_45 : i32
      %mul3A_47 = arith.constant 16 : i32
      %mul3A_48 = arith.muli %scan3A_46, %mul3A_47 : i32
      %swap3A_49 = arith.index_cast %mul3A_48 : i32 to index
      %swap3A_50 = tpu.vector_load %arg6[%swap3A_49] {strides = array<i32>} : memref<640xf32, #tpu.memory_space<vmem>>, vector<16xf32>,
      tpu.vector_store %arg6[%swap3A_49], %broadcast_in_dim3A_2 {strides = array<i32>} : memref<640xf32, #tpu.memory_space<vmem>>, vector<16xf32>,
      %scan3A_51 = arith.constant 0 : i32
      %scan3A_52 = arith.constant 4 : i32
      %scan3A_53 = arith.addi %scan3A_25, %scan3A_52 : i32
      %mul3A_54 = arith.constant 16 : i32
      %mul3A_55 = arith.muli %scan3A_53, %mul3A_54 : i32
      %swap3A_56 = arith.index_cast %mul3A_55 : i32 to index
      %swap3A_57 = tpu.vector_load %arg6[%swap3A_56] {strides = array<i32>} : memref<640xf32, #tpu.memory_space<vmem>>, vector<16xf32>,
      tpu.vector_store %arg6[%swap3A_56], %broadcast_in_dim3A_2 {strides = array<i32>} : memref<640xf32, #tpu.memory_space<vmem>>, vector<16xf32>,
      %scan3A_58 = arith.constant 0 : i32
      %scan3A_59 = arith.constant 5 : i32
      %scan3A_60 = arith.addi %scan3A_25, %scan3A_59 : i32
      %mul3A_61 = arith.constant 16 : i32
      %mul3A_62 = arith.muli %scan3A_60, %mul3A_61 : i32
      %swap3A_63 = arith.index_cast %mul3A_62 : i32 to index
      %swap3A_64 = tpu.vector_load %arg6[%swap3A_63] {strides = array<i32>} : memref<640xf32, #tpu.memory_space<vmem>>, vector<16xf32>,
      tpu.vector_store %arg6[%swap3A_63], %broadcast_in_dim3A_2 {strides = array<i32>} : memref<640xf32, #tpu.memory_space<vmem>>, vector<16xf32>,
      %scan3A_65 = arith.constant 0 : i32
      %scan3A_66 = arith.constant 6 : i32
      %scan3A_67 = arith.addi %scan3A_25, %scan3A_66 : i32
      %mul3A_68 = arith.constant 16 : i32
      %mul3A_69 = arith.muli %scan3A_67, %mul3A_68 : i32
      %swap3A_70 = arith.index_cast %mul3A_69 : i32 to index
      %swap3A_71 = tpu.vector_load %arg6[%swap3A_70] {strides = array<i32>} : memref<640xf32, #tpu.memory_space<vmem>>, vector<16xf32>,
      tpu.vector_store %arg6[%swap3A_70], %broadcast_in_dim3A_2 {strides = array<i32>} : memref<640xf32, #tpu.memory_space<vmem>>, vector<16xf32>,
      %scan3A_72 = arith.constant 0 : i32
      %scan3A_73 = arith.constant 7 : i32
      %scan3A_74 = arith.addi %scan3A_25, %scan3A_73 : i32
      %mul3A_75 = arith.constant 16 : i32
      %mul3A_76 = arith.muli %scan3A_74, %mul3A_75 : i32
      %swap3A_77 = arith.index_cast %mul3A_76 : i32 to index
      %swap3A_78 = tpu.vector_load %arg6[%swap3A_77] {strides = array<i32>} : memref<640xf32, #tpu.memory_space<vmem>>, vector<16xf32>,
      tpu.vector_store %arg6[%swap3A_77], %broadcast_in_dim3A_2 {strides = array<i32>} : memref<640xf32, #tpu.memory_space<vmem>>, vector<16xf32>,
      %scan3A_79 = arith.constant 0 : i32
      scf.yield %scan3A_79 : i32
    }
    %scan3A_15 = arith.constant 40 : i32
    %mul3A = arith.constant 640 : i32
    %mul3A_16 = arith.muli %arg1, %mul3A : i32
    "tpu.region"() ({
      %run_scoped3A = tpu.sem_alloc : memref<!tpu.dma_semaphore, #tpu.memory_space<semaphore_mem>>
      %dma_start3A = tpu.memref_slice %arg7[%mul3A_16] : memref<10240xf32, #tpu.memory_space<vmem_shared>> -> memref<640xf32, #tpu.memory_space<vmem_shared>>
      %dma_start3A_25 = tpu.memref_slice %arg7[%mul3A_16] : memref<10240xf32, #tpu.memory_space<vmem_shared>> -> memref<640xf32, #tpu.memory_space<vmem_shared>>
      tpu.enqueue_dma source(%arg6 : memref<640xf32, #tpu.memory_space<vmem>>) target(%dma_start3A_25 : memref<640xf32, #tpu.memory_space<vmem_shared>>) target_semaphore(%run_scoped3A : memref<!tpu.dma_semaphore, #tpu.memory_space<semaphore_mem>>)
      %dma_wait3A = tpu.memref_slice %arg7[%mul3A_16] : memref<10240xf32, #tpu.memory_space<vmem_shared>> -> memref<640xf32, #tpu.memory_space<vmem_shared>>
      %dma_wait3A_26 = tpu.memref_slice %arg7[%mul3A_16] : memref<10240xf32, #tpu.memory_space<vmem_shared>> -> memref<640xf32, #tpu.memory_space<vmem_shared>>
      tpu.wait_dma2 semaphore(%run_scoped3A : memref<!tpu.dma_semaphore, #tpu.memory_space<semaphore_mem>>) src(%arg6 : memref<640xf32, #tpu.memory_space<vmem>>) dst(%dma_wait3A_26 : memref<640xf32, #tpu.memory_space<vmem_shared>>)
      tpu.yield
    }) : () -> ()
    %barrier3A = arith.constant 0 : index
    tpu.barrier barrier_id(%barrier3A)
    %add3A = arith.constant 0 : i32
    %add3A_17 = arith.addi %add3A, %arg1 : i32
    "tpu.region"() ({
      %run_scoped3A = tpu.sem_alloc : memref<!tpu.dma_semaphore, #tpu.memory_space<semaphore_mem>>
      %dma_start3A = arith.constant 0 : i32
      %dma_start3A_25 = tpu.memref_slice %arg2[%add3A_17, %dma_start3A] : memref<32x10240xi32, #tpu.memory_space<hbm>> -> memref<1x10240xi32, #tpu.memory_space<hbm>>
      %dma_start3A_26 = tpu.memref_squeeze %dma_start3A_25 : memref<1x10240xi32, #tpu.memory_space<hbm>> -> memref<10240xi32, #tpu.memory_space<hbm>>
      %dma_start3A_27 = arith.constant 0 : i32
      %dma_start3A_28 = tpu.memref_slice %arg2[%add3A_17, %dma_start3A_27] : memref<32x10240xi32, #tpu.memory_space<hbm>> -> memref<1x10240xi32, #tpu.memory_space<hbm>>
      %dma_start3A_29 = tpu.memref_squeeze %dma_start3A_28 : memref<1x10240xi32, #tpu.memory_space<hbm>> -> memref<10240xi32, #tpu.memory_space<hbm>>
      tpu.enqueue_dma source(%dma_start3A_29 : memref<10240xi32, #tpu.memory_space<hbm>>) target(%arg4 : memref<10240xi32, #tpu.memory_space<vmem>>) target_semaphore(%run_scoped3A : memref<!tpu.dma_semaphore, #tpu.memory_space<semaphore_mem>>)
      %dma_wait3A = arith.constant 0 : i32
      %dma_wait3A_30 = tpu.memref_slice %arg2[%add3A_17, %dma_wait3A] : memref<32x10240xi32, #tpu.memory_space<hbm>> -> memref<1x10240xi32, #tpu.memory_space<hbm>>
      %dma_wait3A_31 = tpu.memref_squeeze %dma_wait3A_30 : memref<1x10240xi32, #tpu.memory_space<hbm>> -> memref<10240xi32, #tpu.memory_space<hbm>>
      %dma_wait3A_32 = arith.constant 0 : i32
      %dma_wait3A_33 = tpu.memref_slice %arg2[%add3A_17, %dma_wait3A_32] : memref<32x10240xi32, #tpu.memory_space<hbm>> -> memref<1x10240xi32, #tpu.memory_space<hbm>>
      %dma_wait3A_34 = tpu.memref_squeeze %dma_wait3A_33 : memref<1x10240xi32, #tpu.memory_space<hbm>> -> memref<10240xi32, #tpu.memory_space<hbm>>
      tpu.wait_dma2 semaphore(%run_scoped3A : memref<!tpu.dma_semaphore, #tpu.memory_space<semaphore_mem>>) src(%dma_wait3A_34 : memref<10240xi32, #tpu.memory_space<hbm>>) dst(%arg4 : memref<10240xi32, #tpu.memory_space<vmem>>)
      tpu.yield
    }) : () -> ()
    "tpu.region"() ({
      %run_scoped3A = tpu.sem_alloc : memref<!tpu.dma_semaphore, #tpu.memory_space<semaphore_mem>>
      %dma_start3A = arith.constant 0 : i32
      %dma_start3A_25 = tpu.memref_slice %arg7[%dma_start3A] : memref<10240xf32, #tpu.memory_space<vmem_shared>> -> memref<10240xf32, #tpu.memory_space<vmem_shared>>
      tpu.enqueue_indirect_dma source(%arg5 : memref<10240xf32, #tpu.memory_space<vmem>>) target(%dma_start3A_25 : memref<10240xf32, #tpu.memory_space<vmem_shared>>) offsets(%arg4 : memref<10240xi32, #tpu.memory_space<vmem>>) semaphore(%run_scoped3A : memref<!tpu.dma_semaphore, #tpu.memory_space<semaphore_mem>>) {add = true}
      %dma_wait3A = arith.constant 0 : i32
      %dma_wait3A_26 = tpu.memref_slice %arg7[%dma_wait3A] : memref<10240xf32, #tpu.memory_space<vmem_shared>> -> memref<10240xf32, #tpu.memory_space<vmem_shared>>
      tpu.wait_indirect_dma semaphore(%run_scoped3A : memref<!tpu.dma_semaphore, #tpu.memory_space<semaphore_mem>>) src(%arg5 : memref<10240xf32, #tpu.memory_space<vmem>>) dst(%dma_wait3A_26 : memref<10240xf32, #tpu.memory_space<vmem_shared>>)
      tpu.yield
    }) : () -> ()
    %add3A_18 = arith.constant 16 : i32
    %add3A_19 = arith.addi %add3A_18, %arg1 : i32
    "tpu.region"() ({
      %run_scoped3A = tpu.sem_alloc : memref<!tpu.dma_semaphore, #tpu.memory_space<semaphore_mem>>
      %dma_start3A = arith.constant 0 : i32
      %dma_start3A_25 = tpu.memref_slice %arg2[%add3A_19, %dma_start3A] : memref<32x10240xi32, #tpu.memory_space<hbm>> -> memref<1x10240xi32, #tpu.memory_space<hbm>>
      %dma_start3A_26 = tpu.memref_squeeze %dma_start3A_25 : memref<1x10240xi32, #tpu.memory_space<hbm>> -> memref<10240xi32, #tpu.memory_space<hbm>>
      %dma_start3A_27 = arith.constant 0 : i32
      %dma_start3A_28 = tpu.memref_slice %arg2[%add3A_19, %dma_start3A_27] : memref<32x10240xi32, #tpu.memory_space<hbm>> -> memref<1x10240xi32, #tpu.memory_space<hbm>>
      %dma_start3A_29 = tpu.memref_squeeze %dma_start3A_28 : memref<1x10240xi32, #tpu.memory_space<hbm>> -> memref<10240xi32, #tpu.memory_space<hbm>>
      tpu.enqueue_dma source(%dma_start3A_29 : memref<10240xi32, #tpu.memory_space<hbm>>) target(%arg4 : memref<10240xi32, #tpu.memory_space<vmem>>) target_semaphore(%run_scoped3A : memref<!tpu.dma_semaphore, #tpu.memory_space<semaphore_mem>>)
      %dma_wait3A = arith.constant 0 : i32
      %dma_wait3A_30 = tpu.memref_slice %arg2[%add3A_19, %dma_wait3A] : memref<32x10240xi32, #tpu.memory_space<hbm>> -> memref<1x10240xi32, #tpu.memory_space<hbm>>
      %dma_wait3A_31 = tpu.memref_squeeze %dma_wait3A_30 : memref<1x10240xi32, #tpu.memory_space<hbm>> -> memref<10240xi32, #tpu.memory_space<hbm>>
      %dma_wait3A_32 = arith.constant 0 : i32
      %dma_wait3A_33 = tpu.memref_slice %arg2[%add3A_19, %dma_wait3A_32] : memref<32x10240xi32, #tpu.memory_space<hbm>> -> memref<1x10240xi32, #tpu.memory_space<hbm>>
      %dma_wait3A_34 = tpu.memref_squeeze %dma_wait3A_33 : memref<1x10240xi32, #tpu.memory_space<hbm>> -> memref<10240xi32, #tpu.memory_space<hbm>>
      tpu.wait_dma2 semaphore(%run_scoped3A : memref<!tpu.dma_semaphore, #tpu.memory_space<semaphore_mem>>) src(%dma_wait3A_34 : memref<10240xi32, #tpu.memory_space<hbm>>) dst(%arg4 : memref<10240xi32, #tpu.memory_space<vmem>>)
      tpu.yield
    }) : () -> ()
    "tpu.region"() ({
      %run_scoped3A = tpu.sem_alloc : memref<!tpu.dma_semaphore, #tpu.memory_space<semaphore_mem>>
      %dma_start3A = arith.constant 0 : i32
      %dma_start3A_25 = tpu.memref_slice %arg7[%dma_start3A] : memref<10240xf32, #tpu.memory_space<vmem_shared>> -> memref<10240xf32, #tpu.memory_space<vmem_shared>>
      tpu.enqueue_indirect_dma source(%arg5 : memref<10240xf32, #tpu.memory_space<vmem>>) target(%dma_start3A_25 : memref<10240xf32, #tpu.memory_space<vmem_shared>>) offsets(%arg4 : memref<10240xi32, #tpu.memory_space<vmem>>) semaphore(%run_scoped3A : memref<!tpu.dma_semaphore, #tpu.memory_space<semaphore_mem>>) {add = true}
      %dma_wait3A = arith.constant 0 : i32
      %dma_wait3A_26 = tpu.memref_slice %arg7[%dma_wait3A] : memref<10240xf32, #tpu.memory_space<vmem_shared>> -> memref<10240xf32, #tpu.memory_space<vmem_shared>>
      tpu.wait_indirect_dma semaphore(%run_scoped3A : memref<!tpu.dma_semaphore, #tpu.memory_space<semaphore_mem>>) src(%arg5 : memref<10240xf32, #tpu.memory_space<vmem>>) dst(%dma_wait3A_26 : memref<10240xf32, #tpu.memory_space<vmem_shared>>)
      tpu.yield
    }) : () -> ()
    %barrier3A_20 = arith.constant 0 : index
    tpu.barrier barrier_id(%barrier3A_20)
    %mul3A_21 = arith.constant 640 : i32
    %mul3A_22 = arith.muli %arg1, %mul3A_21 : i32
    "tpu.region"() ({
      %run_scoped3A = tpu.sem_alloc : memref<!tpu.dma_semaphore, #tpu.memory_space<semaphore_mem>>
      %dma_start3A = tpu.memref_slice %arg7[%mul3A_22] : memref<10240xf32, #tpu.memory_space<vmem_shared>> -> memref<640xf32, #tpu.memory_space<vmem_shared>>
      %dma_start3A_25 = tpu.memref_slice %arg7[%mul3A_22] : memref<10240xf32, #tpu.memory_space<vmem_shared>> -> memref<640xf32, #tpu.memory_space<vmem_shared>>
      tpu.enqueue_dma source(%dma_start3A_25 : memref<640xf32, #tpu.memory_space<vmem_shared>>) target(%arg6 : memref<640xf32, #tpu.memory_space<vmem>>) target_semaphore(%run_scoped3A : memref<!tpu.dma_semaphore, #tpu.memory_space<semaphore_mem>>)
      %dma_wait3A = tpu.memref_slice %arg7[%mul3A_22] : memref<10240xf32, #tpu.memory_space<vmem_shared>> -> memref<640xf32, #tpu.memory_space<vmem_shared>>
      %dma_wait3A_26 = tpu.memref_slice %arg7[%mul3A_22] : memref<10240xf32, #tpu.memory_space<vmem_shared>> -> memref<640xf32, #tpu.memory_space<vmem_shared>>
      tpu.wait_dma2 semaphore(%run_scoped3A : memref<!tpu.dma_semaphore, #tpu.memory_space<semaphore_mem>>) src(%dma_wait3A_26 : memref<640xf32, #tpu.memory_space<vmem_shared>>) dst(%arg6 : memref<640xf32, #tpu.memory_space<vmem>>)
      tpu.yield
    }) : () -> ()
    %mul3A_23 = arith.constant 640 : i32
    %mul3A_24 = arith.muli %arg1, %mul3A_23 : i32
    "tpu.region"() ({
      %run_scoped3A = tpu.sem_alloc : memref<!tpu.dma_semaphore, #tpu.memory_space<semaphore_mem>>
      %dma_start3A = tpu.memref_slice %arg3[%arg0, %mul3A_24] : memref<2x10240xf32, #tpu.memory_space<hbm>> -> memref<1x640xf32, #tpu.memory_space<hbm>>
      %dma_start3A_25 = tpu.memref_squeeze %dma_start3A : memref<1x640xf32, #tpu.memory_space<hbm>> -> memref<640xf32, #tpu.memory_space<hbm>>
      %dma_start3A_26 = tpu.memref_slice %arg3[%arg0, %mul3A_24] : memref<2x10240xf32, #tpu.memory_space<hbm>> -> memref<1x640xf32, #tpu.memory_space<hbm>>
      %dma_start3A_27 = tpu.memref_squeeze %dma_start3A_26 : memref<1x640xf32, #tpu.memory_space<hbm>> -> memref<640xf32, #tpu.memory_space<hbm>>
      tpu.enqueue_dma source(%arg6 : memref<640xf32, #tpu.memory_space<vmem>>) target(%dma_start3A_27 : memref<640xf32, #tpu.memory_space<hbm>>) target_semaphore(%run_scoped3A : memref<!tpu.dma_semaphore, #tpu.memory_space<semaphore_mem>>)
      %dma_wait3A = tpu.memref_slice %arg3[%arg0, %mul3A_24] : memref<2x10240xf32, #tpu.memory_space<hbm>> -> memref<1x640xf32, #tpu.memory_space<hbm>>
      %dma_wait3A_28 = tpu.memref_squeeze %dma_wait3A : memref<1x640xf32, #tpu.memory_space<hbm>> -> memref<640xf32, #tpu.memory_space<hbm>>
      %dma_wait3A_29 = tpu.memref_slice %arg3[%arg0, %mul3A_24] : memref<2x10240xf32, #tpu.memory_space<hbm>> -> memref<1x640xf32, #tpu.memory_space<hbm>>
      %dma_wait3A_30 = tpu.memref_squeeze %dma_wait3A_29 : memref<1x640xf32, #tpu.memory_space<hbm>> -> memref<640xf32, #tpu.memory_space<hbm>>
      tpu.wait_dma2 semaphore(%run_scoped3A : memref<!tpu.dma_semaphore, #tpu.memory_space<semaphore_mem>>) src(%arg6 : memref<640xf32, #tpu.memory_space<vmem>>) dst(%dma_wait3A_30 : memref<640xf32, #tpu.memory_space<hbm>>)
      tpu.yield
    }) : () -> ()
    return
  }
}

#map = affine_map<(d0, d1) -> (0, 0)>
#map1 = affine_map<(d0, d1) -> (0, 0, 0)>
#map2 = affine_map<(d0, d1) -> (0)>
module attributes {stable_mosaic.version = 14 : i64} {
  func.func @_sc_layer2(%arg0: i32, %arg1: i32, %arg2: memref<32x10240xi32, #tpu.memory_space<hbm>>, %arg3: memref<32x10240xi32, #tpu.memory_space<hbm>>, %arg4: memref<2x10240x16xf32, #tpu.memory_space<hbm>>, %arg5: memref<10240xf32, #tpu.memory_space<hbm>>, %arg6: memref<16xf32, #tpu.memory_space<hbm>>, %arg7: memref<2x16x10240xf32, #tpu.memory_space<hbm>>, %arg8: memref<640x16xf32, #tpu.memory_space<vmem>>, %arg9: memref<640x16xf32, #tpu.memory_space<vmem>>, %arg10: memref<640xf32, #tpu.memory_space<vmem>>, %arg11: memref<16xf32, #tpu.memory_space<vmem>>, %arg12: memref<16x128xf32, #tpu.memory_space<vmem>>, %arg13: memref<10240x16xf32, #tpu.memory_space<vmem_shared>>, %arg14: memref<10240x16xf32, #tpu.memory_space<vmem_shared>>, %arg15: memref<1024xi32, #tpu.memory_space<vmem>>, %arg16: memref<1024xi32, #tpu.memory_space<vmem>>, %arg17: memref<1024x16xf32, #tpu.memory_space<vmem>>, %arg18: memref<!tpu.dma_semaphore, #tpu.memory_space<semaphore_mem>>, %arg19: memref<!tpu.dma_semaphore, #tpu.memory_space<semaphore_mem>>, %arg20: memref<1024xi32, #tpu.memory_space<vmem>>, %arg21: memref<1024xi32, #tpu.memory_space<vmem>>, %arg22: memref<1024x16xf32, #tpu.memory_space<vmem>>, %arg23: memref<!tpu.dma_semaphore, #tpu.memory_space<semaphore_mem>>, %arg24: memref<!tpu.dma_semaphore, #tpu.memory_space<semaphore_mem>>) attributes {dimension_semantics = [#tpu.dimension_semantics<core_parallel>, #tpu.dimension_semantics<subcore_parallel>], iteration_bounds = array<i64: 2, 16>, scalar_prefetch = 0 : i64, scratch_operands = 17 : i64, tpu.core_type = #tpu.core_type<sc_vector_subcore>, window_params = [{transform_indices = #map}, {transform_indices = #map}, {transform_indices = #map1}, {transform_indices = #map2}, {transform_indices = #map2}, {transform_indices = #map1}]} {
    %mul3A = arith.constant 16 : i32
    %mul3A_0 = arith.muli %arg0, %mul3A : i32
    %add3A = arith.addi %mul3A_0, %arg1 : i32
    %mul3A_1 = arith.constant 640 : i32
    %mul3A_2 = arith.muli %arg1, %mul3A_1 : i32
    %dma_start3A = arith.constant 0 : i32
    %dma_start3A_3 = arith.constant 0 : i32
    %dma_start3A_4 = tpu.memref_slice %arg4[%dma_start3A, %mul3A_2, %dma_start3A_3] : memref<2x10240x16xf32, #tpu.memory_space<hbm>> -> memref<1x640x16xf32, #tpu.memory_space<hbm>>
    %dma_start3A_5 = tpu.memref_squeeze %dma_start3A_4 : memref<1x640x16xf32, #tpu.memory_space<hbm>> -> memref<640x16xf32, #tpu.memory_space<hbm>>
    %dma_start3A_6 = arith.constant 0 : i32
    %dma_start3A_7 = tpu.memref_slice %arg4[%dma_start3A, %mul3A_2, %dma_start3A_6] : memref<2x10240x16xf32, #tpu.memory_space<hbm>> -> memref<1x640x16xf32, #tpu.memory_space<hbm>>
    %dma_start3A_8 = tpu.memref_squeeze %dma_start3A_7 : memref<1x640x16xf32, #tpu.memory_space<hbm>> -> memref<640x16xf32, #tpu.memory_space<hbm>>
    tpu.enqueue_dma source(%dma_start3A_8 : memref<640x16xf32, #tpu.memory_space<hbm>>) target(%arg8 : memref<640x16xf32, #tpu.memory_space<vmem>>) target_semaphore(%arg18 : memref<!tpu.dma_semaphore, #tpu.memory_space<semaphore_mem>>)
    %dma_start3A_9 = arith.constant 1 : i32
    %dma_start3A_10 = arith.constant 0 : i32
    %dma_start3A_11 = tpu.memref_slice %arg4[%dma_start3A_9, %mul3A_2, %dma_start3A_10] : memref<2x10240x16xf32, #tpu.memory_space<hbm>> -> memref<1x640x16xf32, #tpu.memory_space<hbm>>
    %dma_start3A_12 = tpu.memref_squeeze %dma_start3A_11 : memref<1x640x16xf32, #tpu.memory_space<hbm>> -> memref<640x16xf32, #tpu.memory_space<hbm>>
    %dma_start3A_13 = arith.constant 0 : i32
    %dma_start3A_14 = tpu.memref_slice %arg4[%dma_start3A_9, %mul3A_2, %dma_start3A_13] : memref<2x10240x16xf32, #tpu.memory_space<hbm>> -> memref<1x640x16xf32, #tpu.memory_space<hbm>>
    %dma_start3A_15 = tpu.memref_squeeze %dma_start3A_14 : memref<1x640x16xf32, #tpu.memory_space<hbm>> -> memref<640x16xf32, #tpu.memory_space<hbm>>
    tpu.enqueue_dma source(%dma_start3A_15 : memref<640x16xf32, #tpu.memory_space<hbm>>) target(%arg9 : memref<640x16xf32, #tpu.memory_space<vmem>>) target_semaphore(%arg23 : memref<!tpu.dma_semaphore, #tpu.memory_space<semaphore_mem>>)
    "tpu.region"() ({
      %run_scoped3A = tpu.sem_alloc : memref<!tpu.dma_semaphore, #tpu.memory_space<semaphore_mem>>
      %dma_start3A_294 = tpu.memref_slice %arg5[%mul3A_2] : memref<10240xf32, #tpu.memory_space<hbm>> -> memref<640xf32, #tpu.memory_space<hbm>>
      %dma_start3A_295 = tpu.memref_slice %arg5[%mul3A_2] : memref<10240xf32, #tpu.memory_space<hbm>> -> memref<640xf32, #tpu.memory_space<hbm>>
      tpu.enqueue_dma source(%dma_start3A_295 : memref<640xf32, #tpu.memory_space<hbm>>) target(%arg10 : memref<640xf32, #tpu.memory_space<vmem>>) target_semaphore(%run_scoped3A : memref<!tpu.dma_semaphore, #tpu.memory_space<semaphore_mem>>)
      %dma_wait3A_296 = tpu.memref_slice %arg5[%mul3A_2] : memref<10240xf32, #tpu.memory_space<hbm>> -> memref<640xf32, #tpu.memory_space<hbm>>
      %dma_wait3A_297 = tpu.memref_slice %arg5[%mul3A_2] : memref<10240xf32, #tpu.memory_space<hbm>> -> memref<640xf32, #tpu.memory_space<hbm>>
      tpu.wait_dma2 semaphore(%run_scoped3A : memref<!tpu.dma_semaphore, #tpu.memory_space<semaphore_mem>>) src(%dma_wait3A_297 : memref<640xf32, #tpu.memory_space<hbm>>) dst(%arg10 : memref<640xf32, #tpu.memory_space<vmem>>)
      tpu.yield
    }) : () -> ()
    "tpu.region"() ({
      %run_scoped3A = tpu.sem_alloc : memref<!tpu.dma_semaphore, #tpu.memory_space<semaphore_mem>>
      tpu.enqueue_dma source(%arg6 : memref<16xf32, #tpu.memory_space<hbm>>) target(%arg11 : memref<16xf32, #tpu.memory_space<vmem>>) target_semaphore(%run_scoped3A : memref<!tpu.dma_semaphore, #tpu.memory_space<semaphore_mem>>)
      tpu.wait_dma2 semaphore(%run_scoped3A : memref<!tpu.dma_semaphore, #tpu.memory_space<semaphore_mem>>) src(%arg6 : memref<16xf32, #tpu.memory_space<hbm>>) dst(%arg11 : memref<16xf32, #tpu.memory_space<vmem>>)
      tpu.yield
    }) : () -> ()
    %dma_wait3A = arith.constant 0 : i32
    %dma_wait3A_16 = arith.constant 0 : i32
    %dma_wait3A_17 = tpu.memref_slice %arg4[%dma_wait3A, %mul3A_2, %dma_wait3A_16] : memref<2x10240x16xf32, #tpu.memory_space<hbm>> -> memref<1x640x16xf32, #tpu.memory_space<hbm>>
    %dma_wait3A_18 = tpu.memref_squeeze %dma_wait3A_17 : memref<1x640x16xf32, #tpu.memory_space<hbm>> -> memref<640x16xf32, #tpu.memory_space<hbm>>
    %dma_wait3A_19 = arith.constant 0 : i32
    %dma_wait3A_20 = tpu.memref_slice %arg4[%dma_wait3A, %mul3A_2, %dma_wait3A_19] : memref<2x10240x16xf32, #tpu.memory_space<hbm>> -> memref<1x640x16xf32, #tpu.memory_space<hbm>>
    %dma_wait3A_21 = tpu.memref_squeeze %dma_wait3A_20 : memref<1x640x16xf32, #tpu.memory_space<hbm>> -> memref<640x16xf32, #tpu.memory_space<hbm>>
    tpu.wait_dma2 semaphore(%arg18 : memref<!tpu.dma_semaphore, #tpu.memory_space<semaphore_mem>>) src(%dma_wait3A_21 : memref<640x16xf32, #tpu.memory_space<hbm>>) dst(%arg8 : memref<640x16xf32, #tpu.memory_space<vmem>>)
    %dma_wait3A_22 = arith.constant 1 : i32
    %dma_wait3A_23 = arith.constant 0 : i32
    %dma_wait3A_24 = tpu.memref_slice %arg4[%dma_wait3A_22, %mul3A_2, %dma_wait3A_23] : memref<2x10240x16xf32, #tpu.memory_space<hbm>> -> memref<1x640x16xf32, #tpu.memory_space<hbm>>
    %dma_wait3A_25 = tpu.memref_squeeze %dma_wait3A_24 : memref<1x640x16xf32, #tpu.memory_space<hbm>> -> memref<640x16xf32, #tpu.memory_space<hbm>>
    %dma_wait3A_26 = arith.constant 0 : i32
    %dma_wait3A_27 = tpu.memref_slice %arg4[%dma_wait3A_22, %mul3A_2, %dma_wait3A_26] : memref<2x10240x16xf32, #tpu.memory_space<hbm>> -> memref<1x640x16xf32, #tpu.memory_space<hbm>>
    %dma_wait3A_28 = tpu.memref_squeeze %dma_wait3A_27 : memref<1x640x16xf32, #tpu.memory_space<hbm>> -> memref<640x16xf32, #tpu.memory_space<hbm>>
    tpu.wait_dma2 semaphore(%arg23 : memref<!tpu.dma_semaphore, #tpu.memory_space<semaphore_mem>>) src(%dma_wait3A_28 : memref<640x16xf32, #tpu.memory_space<hbm>>) dst(%arg9 : memref<640x16xf32, #tpu.memory_space<vmem>>)
    %get3A = arith.constant 0 : index
    %get3A_29 = tpu.vector_load %arg11[%get3A] {strides = array<i32>} : memref<16xf32, #tpu.memory_space<vmem>>, vector<16xf32>,
    %scan3A = arith.constant 0 : i32
    %scan3A_30 = arith.constant 0 : i32
    %scan3A_31 = arith.constant 40 : i32
    %scan3A_32 = arith.addi %scan3A_30, %scan3A_31 : i32
    %scan3A_33 = arith.constant 1 : i32
    %scan3A_34 = scf.for %scan3A_294 = %scan3A_30 to %scan3A_32 step %scan3A_33 iter_args(%scan3A_295 = %scan3A) -> (i32)  : i32 {
      %mul3A_296 = arith.constant 16 : i32
      %mul3A_297 = arith.muli %scan3A_294, %mul3A_296 : i32
      %get3A_298 = arith.index_cast %mul3A_297 : i32 to index
      %get3A_299 = tpu.vector_load %arg10[%get3A_298] {strides = array<i32>} : memref<640xf32, #tpu.memory_space<vmem>>, vector<16xf32>,
      %mul3A_300 = arith.constant 16 : i32
      %mul3A_301 = arith.muli %scan3A_294, %mul3A_300 : i32
      %add3A_302 = arith.constant 0 : i32
      %add3A_303 = arith.addi %mul3A_301, %add3A_302 : i32
      %slice3A = vector.extract_strided_slice %get3A_299 {offsets = [0], sizes = [1], strides = [1]} : vector<16xf32> to vector<1xf32>
      %squeeze3A = vector.extract %slice3A[0] : f32 from vector<1xf32>
      %get3A_304 = arith.index_cast %add3A_303 : i32 to index
      %get3A_305 = arith.constant 0 : index
      %get3A_306 = tpu.vector_load %arg8[%get3A_304, %get3A_305] {strides = array<i32>} : memref<640x16xf32, #tpu.memory_space<vmem>>, vector<16xf32>,
      %get3A_307 = arith.index_cast %add3A_303 : i32 to index
      %get3A_308 = arith.constant 0 : index
      %get3A_309 = tpu.vector_load %arg9[%get3A_307, %get3A_308] {strides = array<i32>} : memref<640x16xf32, #tpu.memory_space<vmem>>, vector<16xf32>,
      %add3A_310 = arith.addf %get3A_306, %get3A_309 : vector<16xf32>
      %mul3A_311 = vector.broadcast %squeeze3A : f32 to vector<16xf32>
      %mul3A_312 = arith.mulf %mul3A_311, %add3A_310 : vector<16xf32>
      %add3A_313 = arith.addf %mul3A_312, %get3A_29 : vector<16xf32>
      %slice3A_314 = vector.extract_strided_slice %get3A_299 {offsets = [0], sizes = [1], strides = [1]} : vector<16xf32> to vector<1xf32>
      %squeeze3A_315 = vector.extract %slice3A_314[0] : f32 from vector<1xf32>
      %max3A = arith.constant 0.000000e+00 : f32
      %max3A_316 = vector.broadcast %max3A : f32 to vector<16xf32>
      %max3A_317 = arith.maximumf %add3A_313, %max3A_316 : vector<16xf32>
      %mul3A_318 = vector.broadcast %squeeze3A_315 : f32 to vector<16xf32>
      %mul3A_319 = arith.mulf %mul3A_318, %max3A_317 : vector<16xf32>
      %swap3A = arith.index_cast %add3A_303 : i32 to index
      %swap3A_320 = arith.constant 0 : index
      %swap3A_321 = tpu.vector_load %arg8[%swap3A, %swap3A_320] {strides = array<i32>} : memref<640x16xf32, #tpu.memory_space<vmem>>, vector<16xf32>,
      tpu.vector_store %arg8[%swap3A, %swap3A_320], %mul3A_319 {strides = array<i32>} : memref<640x16xf32, #tpu.memory_space<vmem>>, vector<16xf32>,
      %mul3A_322 = arith.constant 16 : i32
      %mul3A_323 = arith.muli %scan3A_294, %mul3A_322 : i32
      %add3A_324 = arith.constant 1 : i32
      %add3A_325 = arith.addi %mul3A_323, %add3A_324 : i32
      %slice3A_326 = vector.extract_strided_slice %get3A_299 {offsets = [1], sizes = [1], strides = [1]} : vector<16xf32> to vector<1xf32>
      %squeeze3A_327 = vector.extract %slice3A_326[0] : f32 from vector<1xf32>
      %get3A_328 = arith.index_cast %add3A_325 : i32 to index
      %get3A_329 = arith.constant 0 : index
      %get3A_330 = tpu.vector_load %arg8[%get3A_328, %get3A_329] {strides = array<i32>} : memref<640x16xf32, #tpu.memory_space<vmem>>, vector<16xf32>,
      %get3A_331 = arith.index_cast %add3A_325 : i32 to index
      %get3A_332 = arith.constant 0 : index
      %get3A_333 = tpu.vector_load %arg9[%get3A_331, %get3A_332] {strides = array<i32>} : memref<640x16xf32, #tpu.memory_space<vmem>>, vector<16xf32>,
      %add3A_334 = arith.addf %get3A_330, %get3A_333 : vector<16xf32>
      %mul3A_335 = vector.broadcast %squeeze3A_327 : f32 to vector<16xf32>
      %mul3A_336 = arith.mulf %mul3A_335, %add3A_334 : vector<16xf32>
      %add3A_337 = arith.addf %mul3A_336, %get3A_29 : vector<16xf32>
      %slice3A_338 = vector.extract_strided_slice %get3A_299 {offsets = [1], sizes = [1], strides = [1]} : vector<16xf32> to vector<1xf32>
      %squeeze3A_339 = vector.extract %slice3A_338[0] : f32 from vector<1xf32>
      %max3A_340 = arith.constant 0.000000e+00 : f32
      %max3A_341 = vector.broadcast %max3A_340 : f32 to vector<16xf32>
      %max3A_342 = arith.maximumf %add3A_337, %max3A_341 : vector<16xf32>
      %mul3A_343 = vector.broadcast %squeeze3A_339 : f32 to vector<16xf32>
      %mul3A_344 = arith.mulf %mul3A_343, %max3A_342 : vector<16xf32>
      %swap3A_345 = arith.index_cast %add3A_325 : i32 to index
      %swap3A_346 = arith.constant 0 : index
      %swap3A_347 = tpu.vector_load %arg8[%swap3A_345, %swap3A_346] {strides = array<i32>} : memref<640x16xf32, #tpu.memory_space<vmem>>, vector<16xf32>,
      tpu.vector_store %arg8[%swap3A_345, %swap3A_346], %mul3A_344 {strides = array<i32>} : memref<640x16xf32, #tpu.memory_space<vmem>>, vector<16xf32>,
      %mul3A_348 = arith.constant 16 : i32
      %mul3A_349 = arith.muli %scan3A_294, %mul3A_348 : i32
      %add3A_350 = arith.constant 2 : i32
      %add3A_351 = arith.addi %mul3A_349, %add3A_350 : i32
      %slice3A_352 = vector.extract_strided_slice %get3A_299 {offsets = [2], sizes = [1], strides = [1]} : vector<16xf32> to vector<1xf32>
      %squeeze3A_353 = vector.extract %slice3A_352[0] : f32 from vector<1xf32>
      %get3A_354 = arith.index_cast %add3A_351 : i32 to index
      %get3A_355 = arith.constant 0 : index
      %get3A_356 = tpu.vector_load %arg8[%get3A_354, %get3A_355] {strides = array<i32>} : memref<640x16xf32, #tpu.memory_space<vmem>>, vector<16xf32>,
      %get3A_357 = arith.index_cast %add3A_351 : i32 to index
      %get3A_358 = arith.constant 0 : index
      %get3A_359 = tpu.vector_load %arg9[%get3A_357, %get3A_358] {strides = array<i32>} : memref<640x16xf32, #tpu.memory_space<vmem>>, vector<16xf32>,
      %add3A_360 = arith.addf %get3A_356, %get3A_359 : vector<16xf32>
      %mul3A_361 = vector.broadcast %squeeze3A_353 : f32 to vector<16xf32>
      %mul3A_362 = arith.mulf %mul3A_361, %add3A_360 : vector<16xf32>
      %add3A_363 = arith.addf %mul3A_362, %get3A_29 : vector<16xf32>
      %slice3A_364 = vector.extract_strided_slice %get3A_299 {offsets = [2], sizes = [1], strides = [1]} : vector<16xf32> to vector<1xf32>
      %squeeze3A_365 = vector.extract %slice3A_364[0] : f32 from vector<1xf32>
      %max3A_366 = arith.constant 0.000000e+00 : f32
      %max3A_367 = vector.broadcast %max3A_366 : f32 to vector<16xf32>
      %max3A_368 = arith.maximumf %add3A_363, %max3A_367 : vector<16xf32>
      %mul3A_369 = vector.broadcast %squeeze3A_365 : f32 to vector<16xf32>
      %mul3A_370 = arith.mulf %mul3A_369, %max3A_368 : vector<16xf32>
      %swap3A_371 = arith.index_cast %add3A_351 : i32 to index
      %swap3A_372 = arith.constant 0 : index
      %swap3A_373 = tpu.vector_load %arg8[%swap3A_371, %swap3A_372] {strides = array<i32>} : memref<640x16xf32, #tpu.memory_space<vmem>>, vector<16xf32>,
      tpu.vector_store %arg8[%swap3A_371, %swap3A_372], %mul3A_370 {strides = array<i32>} : memref<640x16xf32, #tpu.memory_space<vmem>>, vector<16xf32>,
      %mul3A_374 = arith.constant 16 : i32
      %mul3A_375 = arith.muli %scan3A_294, %mul3A_374 : i32
      %add3A_376 = arith.constant 3 : i32
      %add3A_377 = arith.addi %mul3A_375, %add3A_376 : i32
      %slice3A_378 = vector.extract_strided_slice %get3A_299 {offsets = [3], sizes = [1], strides = [1]} : vector<16xf32> to vector<1xf32>
      %squeeze3A_379 = vector.extract %slice3A_378[0] : f32 from vector<1xf32>
      %get3A_380 = arith.index_cast %add3A_377 : i32 to index
      %get3A_381 = arith.constant 0 : index
      %get3A_382 = tpu.vector_load %arg8[%get3A_380, %get3A_381] {strides = array<i32>} : memref<640x16xf32, #tpu.memory_space<vmem>>, vector<16xf32>,
      %get3A_383 = arith.index_cast %add3A_377 : i32 to index
      %get3A_384 = arith.constant 0 : index
      %get3A_385 = tpu.vector_load %arg9[%get3A_383, %get3A_384] {strides = array<i32>} : memref<640x16xf32, #tpu.memory_space<vmem>>, vector<16xf32>,
      %add3A_386 = arith.addf %get3A_382, %get3A_385 : vector<16xf32>
      %mul3A_387 = vector.broadcast %squeeze3A_379 : f32 to vector<16xf32>
      %mul3A_388 = arith.mulf %mul3A_387, %add3A_386 : vector<16xf32>
      %add3A_389 = arith.addf %mul3A_388, %get3A_29 : vector<16xf32>
      %slice3A_390 = vector.extract_strided_slice %get3A_299 {offsets = [3], sizes = [1], strides = [1]} : vector<16xf32> to vector<1xf32>
      %squeeze3A_391 = vector.extract %slice3A_390[0] : f32 from vector<1xf32>
      %max3A_392 = arith.constant 0.000000e+00 : f32
      %max3A_393 = vector.broadcast %max3A_392 : f32 to vector<16xf32>
      %max3A_394 = arith.maximumf %add3A_389, %max3A_393 : vector<16xf32>
      %mul3A_395 = vector.broadcast %squeeze3A_391 : f32 to vector<16xf32>
      %mul3A_396 = arith.mulf %mul3A_395, %max3A_394 : vector<16xf32>
      %swap3A_397 = arith.index_cast %add3A_377 : i32 to index
      %swap3A_398 = arith.constant 0 : index
      %swap3A_399 = tpu.vector_load %arg8[%swap3A_397, %swap3A_398] {strides = array<i32>} : memref<640x16xf32, #tpu.memory_space<vmem>>, vector<16xf32>,
      tpu.vector_store %arg8[%swap3A_397, %swap3A_398], %mul3A_396 {strides = array<i32>} : memref<640x16xf32, #tpu.memory_space<vmem>>, vector<16xf32>,
      %mul3A_400 = arith.constant 16 : i32
      %mul3A_401 = arith.muli %scan3A_294, %mul3A_400 : i32
      %add3A_402 = arith.constant 4 : i32
      %add3A_403 = arith.addi %mul3A_401, %add3A_402 : i32
      %slice3A_404 = vector.extract_strided_slice %get3A_299 {offsets = [4], sizes = [1], strides = [1]} : vector<16xf32> to vector<1xf32>
      %squeeze3A_405 = vector.extract %slice3A_404[0] : f32 from vector<1xf32>
      %get3A_406 = arith.index_cast %add3A_403 : i32 to index
      %get3A_407 = arith.constant 0 : index
      %get3A_408 = tpu.vector_load %arg8[%get3A_406, %get3A_407] {strides = array<i32>} : memref<640x16xf32, #tpu.memory_space<vmem>>, vector<16xf32>,
      %get3A_409 = arith.index_cast %add3A_403 : i32 to index
      %get3A_410 = arith.constant 0 : index
      %get3A_411 = tpu.vector_load %arg9[%get3A_409, %get3A_410] {strides = array<i32>} : memref<640x16xf32, #tpu.memory_space<vmem>>, vector<16xf32>,
      %add3A_412 = arith.addf %get3A_408, %get3A_411 : vector<16xf32>
      %mul3A_413 = vector.broadcast %squeeze3A_405 : f32 to vector<16xf32>
      %mul3A_414 = arith.mulf %mul3A_413, %add3A_412 : vector<16xf32>
      %add3A_415 = arith.addf %mul3A_414, %get3A_29 : vector<16xf32>
      %slice3A_416 = vector.extract_strided_slice %get3A_299 {offsets = [4], sizes = [1], strides = [1]} : vector<16xf32> to vector<1xf32>
      %squeeze3A_417 = vector.extract %slice3A_416[0] : f32 from vector<1xf32>
      %max3A_418 = arith.constant 0.000000e+00 : f32
      %max3A_419 = vector.broadcast %max3A_418 : f32 to vector<16xf32>
      %max3A_420 = arith.maximumf %add3A_415, %max3A_419 : vector<16xf32>
      %mul3A_421 = vector.broadcast %squeeze3A_417 : f32 to vector<16xf32>
      %mul3A_422 = arith.mulf %mul3A_421, %max3A_420 : vector<16xf32>
      %swap3A_423 = arith.index_cast %add3A_403 : i32 to index
      %swap3A_424 = arith.constant 0 : index
      %swap3A_425 = tpu.vector_load %arg8[%swap3A_423, %swap3A_424] {strides = array<i32>} : memref<640x16xf32, #tpu.memory_space<vmem>>, vector<16xf32>,
      tpu.vector_store %arg8[%swap3A_423, %swap3A_424], %mul3A_422 {strides = array<i32>} : memref<640x16xf32, #tpu.memory_space<vmem>>, vector<16xf32>,
      %mul3A_426 = arith.constant 16 : i32
      %mul3A_427 = arith.muli %scan3A_294, %mul3A_426 : i32
      %add3A_428 = arith.constant 5 : i32
      %add3A_429 = arith.addi %mul3A_427, %add3A_428 : i32
      %slice3A_430 = vector.extract_strided_slice %get3A_299 {offsets = [5], sizes = [1], strides = [1]} : vector<16xf32> to vector<1xf32>
      %squeeze3A_431 = vector.extract %slice3A_430[0] : f32 from vector<1xf32>
      %get3A_432 = arith.index_cast %add3A_429 : i32 to index
      %get3A_433 = arith.constant 0 : index
      %get3A_434 = tpu.vector_load %arg8[%get3A_432, %get3A_433] {strides = array<i32>} : memref<640x16xf32, #tpu.memory_space<vmem>>, vector<16xf32>,
      %get3A_435 = arith.index_cast %add3A_429 : i32 to index
      %get3A_436 = arith.constant 0 : index
      %get3A_437 = tpu.vector_load %arg9[%get3A_435, %get3A_436] {strides = array<i32>} : memref<640x16xf32, #tpu.memory_space<vmem>>, vector<16xf32>,
      %add3A_438 = arith.addf %get3A_434, %get3A_437 : vector<16xf32>
      %mul3A_439 = vector.broadcast %squeeze3A_431 : f32 to vector<16xf32>
      %mul3A_440 = arith.mulf %mul3A_439, %add3A_438 : vector<16xf32>
      %add3A_441 = arith.addf %mul3A_440, %get3A_29 : vector<16xf32>
      %slice3A_442 = vector.extract_strided_slice %get3A_299 {offsets = [5], sizes = [1], strides = [1]} : vector<16xf32> to vector<1xf32>
      %squeeze3A_443 = vector.extract %slice3A_442[0] : f32 from vector<1xf32>
      %max3A_444 = arith.constant 0.000000e+00 : f32
      %max3A_445 = vector.broadcast %max3A_444 : f32 to vector<16xf32>
      %max3A_446 = arith.maximumf %add3A_441, %max3A_445 : vector<16xf32>
      %mul3A_447 = vector.broadcast %squeeze3A_443 : f32 to vector<16xf32>
      %mul3A_448 = arith.mulf %mul3A_447, %max3A_446 : vector<16xf32>
      %swap3A_449 = arith.index_cast %add3A_429 : i32 to index
      %swap3A_450 = arith.constant 0 : index
      %swap3A_451 = tpu.vector_load %arg8[%swap3A_449, %swap3A_450] {strides = array<i32>} : memref<640x16xf32, #tpu.memory_space<vmem>>, vector<16xf32>,
      tpu.vector_store %arg8[%swap3A_449, %swap3A_450], %mul3A_448 {strides = array<i32>} : memref<640x16xf32, #tpu.memory_space<vmem>>, vector<16xf32>,
      %mul3A_452 = arith.constant 16 : i32
      %mul3A_453 = arith.muli %scan3A_294, %mul3A_452 : i32
      %add3A_454 = arith.constant 6 : i32
      %add3A_455 = arith.addi %mul3A_453, %add3A_454 : i32
      %slice3A_456 = vector.extract_strided_slice %get3A_299 {offsets = [6], sizes = [1], strides = [1]} : vector<16xf32> to vector<1xf32>
      %squeeze3A_457 = vector.extract %slice3A_456[0] : f32 from vector<1xf32>
      %get3A_458 = arith.index_cast %add3A_455 : i32 to index
      %get3A_459 = arith.constant 0 : index
      %get3A_460 = tpu.vector_load %arg8[%get3A_458, %get3A_459] {strides = array<i32>} : memref<640x16xf32, #tpu.memory_space<vmem>>, vector<16xf32>,
      %get3A_461 = arith.index_cast %add3A_455 : i32 to index
      %get3A_462 = arith.constant 0 : index
      %get3A_463 = tpu.vector_load %arg9[%get3A_461, %get3A_462] {strides = array<i32>} : memref<640x16xf32, #tpu.memory_space<vmem>>, vector<16xf32>,
      %add3A_464 = arith.addf %get3A_460, %get3A_463 : vector<16xf32>
      %mul3A_465 = vector.broadcast %squeeze3A_457 : f32 to vector<16xf32>
      %mul3A_466 = arith.mulf %mul3A_465, %add3A_464 : vector<16xf32>
      %add3A_467 = arith.addf %mul3A_466, %get3A_29 : vector<16xf32>
      %slice3A_468 = vector.extract_strided_slice %get3A_299 {offsets = [6], sizes = [1], strides = [1]} : vector<16xf32> to vector<1xf32>
      %squeeze3A_469 = vector.extract %slice3A_468[0] : f32 from vector<1xf32>
      %max3A_470 = arith.constant 0.000000e+00 : f32
      %max3A_471 = vector.broadcast %max3A_470 : f32 to vector<16xf32>
      %max3A_472 = arith.maximumf %add3A_467, %max3A_471 : vector<16xf32>
      %mul3A_473 = vector.broadcast %squeeze3A_469 : f32 to vector<16xf32>
      %mul3A_474 = arith.mulf %mul3A_473, %max3A_472 : vector<16xf32>
      %swap3A_475 = arith.index_cast %add3A_455 : i32 to index
      %swap3A_476 = arith.constant 0 : index
      %swap3A_477 = tpu.vector_load %arg8[%swap3A_475, %swap3A_476] {strides = array<i32>} : memref<640x16xf32, #tpu.memory_space<vmem>>, vector<16xf32>,
      tpu.vector_store %arg8[%swap3A_475, %swap3A_476], %mul3A_474 {strides = array<i32>} : memref<640x16xf32, #tpu.memory_space<vmem>>, vector<16xf32>,
      %mul3A_478 = arith.constant 16 : i32
      %mul3A_479 = arith.muli %scan3A_294, %mul3A_478 : i32
      %add3A_480 = arith.constant 7 : i32
      %add3A_481 = arith.addi %mul3A_479, %add3A_480 : i32
      %slice3A_482 = vector.extract_strided_slice %get3A_299 {offsets = [7], sizes = [1], strides = [1]} : vector<16xf32> to vector<1xf32>
      %squeeze3A_483 = vector.extract %slice3A_482[0] : f32 from vector<1xf32>
      %get3A_484 = arith.index_cast %add3A_481 : i32 to index
      %get3A_485 = arith.constant 0 : index
      %get3A_486 = tpu.vector_load %arg8[%get3A_484, %get3A_485] {strides = array<i32>} : memref<640x16xf32, #tpu.memory_space<vmem>>, vector<16xf32>,
      %get3A_487 = arith.index_cast %add3A_481 : i32 to index
      %get3A_488 = arith.constant 0 : index
      %get3A_489 = tpu.vector_load %arg9[%get3A_487, %get3A_488] {strides = array<i32>} : memref<640x16xf32, #tpu.memory_space<vmem>>, vector<16xf32>,
      %add3A_490 = arith.addf %get3A_486, %get3A_489 : vector<16xf32>
      %mul3A_491 = vector.broadcast %squeeze3A_483 : f32 to vector<16xf32>
      %mul3A_492 = arith.mulf %mul3A_491, %add3A_490 : vector<16xf32>
      %add3A_493 = arith.addf %mul3A_492, %get3A_29 : vector<16xf32>
      %slice3A_494 = vector.extract_strided_slice %get3A_299 {offsets = [7], sizes = [1], strides = [1]} : vector<16xf32> to vector<1xf32>
      %squeeze3A_495 = vector.extract %slice3A_494[0] : f32 from vector<1xf32>
      %max3A_496 = arith.constant 0.000000e+00 : f32
      %max3A_497 = vector.broadcast %max3A_496 : f32 to vector<16xf32>
      %max3A_498 = arith.maximumf %add3A_493, %max3A_497 : vector<16xf32>
      %mul3A_499 = vector.broadcast %squeeze3A_495 : f32 to vector<16xf32>
      %mul3A_500 = arith.mulf %mul3A_499, %max3A_498 : vector<16xf32>
      %swap3A_501 = arith.index_cast %add3A_481 : i32 to index
      %swap3A_502 = arith.constant 0 : index
      %swap3A_503 = tpu.vector_load %arg8[%swap3A_501, %swap3A_502] {strides = array<i32>} : memref<640x16xf32, #tpu.memory_space<vmem>>, vector<16xf32>,
      tpu.vector_store %arg8[%swap3A_501, %swap3A_502], %mul3A_500 {strides = array<i32>} : memref<640x16xf32, #tpu.memory_space<vmem>>, vector<16xf32>,
      %mul3A_504 = arith.constant 16 : i32
      %mul3A_505 = arith.muli %scan3A_294, %mul3A_504 : i32
      %add3A_506 = arith.constant 8 : i32
      %add3A_507 = arith.addi %mul3A_505, %add3A_506 : i32
      %slice3A_508 = vector.extract_strided_slice %get3A_299 {offsets = [8], sizes = [1], strides = [1]} : vector<16xf32> to vector<1xf32>
      %squeeze3A_509 = vector.extract %slice3A_508[0] : f32 from vector<1xf32>
      %get3A_510 = arith.index_cast %add3A_507 : i32 to index
      %get3A_511 = arith.constant 0 : index
      %get3A_512 = tpu.vector_load %arg8[%get3A_510, %get3A_511] {strides = array<i32>} : memref<640x16xf32, #tpu.memory_space<vmem>>, vector<16xf32>,
      %get3A_513 = arith.index_cast %add3A_507 : i32 to index
      %get3A_514 = arith.constant 0 : index
      %get3A_515 = tpu.vector_load %arg9[%get3A_513, %get3A_514] {strides = array<i32>} : memref<640x16xf32, #tpu.memory_space<vmem>>, vector<16xf32>,
      %add3A_516 = arith.addf %get3A_512, %get3A_515 : vector<16xf32>
      %mul3A_517 = vector.broadcast %squeeze3A_509 : f32 to vector<16xf32>
      %mul3A_518 = arith.mulf %mul3A_517, %add3A_516 : vector<16xf32>
      %add3A_519 = arith.addf %mul3A_518, %get3A_29 : vector<16xf32>
      %slice3A_520 = vector.extract_strided_slice %get3A_299 {offsets = [8], sizes = [1], strides = [1]} : vector<16xf32> to vector<1xf32>
      %squeeze3A_521 = vector.extract %slice3A_520[0] : f32 from vector<1xf32>
      %max3A_522 = arith.constant 0.000000e+00 : f32
      %max3A_523 = vector.broadcast %max3A_522 : f32 to vector<16xf32>
      %max3A_524 = arith.maximumf %add3A_519, %max3A_523 : vector<16xf32>
      %mul3A_525 = vector.broadcast %squeeze3A_521 : f32 to vector<16xf32>
      %mul3A_526 = arith.mulf %mul3A_525, %max3A_524 : vector<16xf32>
      %swap3A_527 = arith.index_cast %add3A_507 : i32 to index
      %swap3A_528 = arith.constant 0 : index
      %swap3A_529 = tpu.vector_load %arg8[%swap3A_527, %swap3A_528] {strides = array<i32>} : memref<640x16xf32, #tpu.memory_space<vmem>>, vector<16xf32>,
      tpu.vector_store %arg8[%swap3A_527, %swap3A_528], %mul3A_526 {strides = array<i32>} : memref<640x16xf32, #tpu.memory_space<vmem>>, vector<16xf32>,
      %mul3A_530 = arith.constant 16 : i32
      %mul3A_531 = arith.muli %scan3A_294, %mul3A_530 : i32
      %add3A_532 = arith.constant 9 : i32
      %add3A_533 = arith.addi %mul3A_531, %add3A_532 : i32
      %slice3A_534 = vector.extract_strided_slice %get3A_299 {offsets = [9], sizes = [1], strides = [1]} : vector<16xf32> to vector<1xf32>
      %squeeze3A_535 = vector.extract %slice3A_534[0] : f32 from vector<1xf32>
      %get3A_536 = arith.index_cast %add3A_533 : i32 to index
      %get3A_537 = arith.constant 0 : index
      %get3A_538 = tpu.vector_load %arg8[%get3A_536, %get3A_537] {strides = array<i32>} : memref<640x16xf32, #tpu.memory_space<vmem>>, vector<16xf32>,
      %get3A_539 = arith.index_cast %add3A_533 : i32 to index
      %get3A_540 = arith.constant 0 : index
      %get3A_541 = tpu.vector_load %arg9[%get3A_539, %get3A_540] {strides = array<i32>} : memref<640x16xf32, #tpu.memory_space<vmem>>, vector<16xf32>,
      %add3A_542 = arith.addf %get3A_538, %get3A_541 : vector<16xf32>
      %mul3A_543 = vector.broadcast %squeeze3A_535 : f32 to vector<16xf32>
      %mul3A_544 = arith.mulf %mul3A_543, %add3A_542 : vector<16xf32>
      %add3A_545 = arith.addf %mul3A_544, %get3A_29 : vector<16xf32>
      %slice3A_546 = vector.extract_strided_slice %get3A_299 {offsets = [9], sizes = [1], strides = [1]} : vector<16xf32> to vector<1xf32>
      %squeeze3A_547 = vector.extract %slice3A_546[0] : f32 from vector<1xf32>
      %max3A_548 = arith.constant 0.000000e+00 : f32
      %max3A_549 = vector.broadcast %max3A_548 : f32 to vector<16xf32>
      %max3A_550 = arith.maximumf %add3A_545, %max3A_549 : vector<16xf32>
      %mul3A_551 = vector.broadcast %squeeze3A_547 : f32 to vector<16xf32>
      %mul3A_552 = arith.mulf %mul3A_551, %max3A_550 : vector<16xf32>
      %swap3A_553 = arith.index_cast %add3A_533 : i32 to index
      %swap3A_554 = arith.constant 0 : index
      %swap3A_555 = tpu.vector_load %arg8[%swap3A_553, %swap3A_554] {strides = array<i32>} : memref<640x16xf32, #tpu.memory_space<vmem>>, vector<16xf32>,
      tpu.vector_store %arg8[%swap3A_553, %swap3A_554], %mul3A_552 {strides = array<i32>} : memref<640x16xf32, #tpu.memory_space<vmem>>, vector<16xf32>,
      %mul3A_556 = arith.constant 16 : i32
      %mul3A_557 = arith.muli %scan3A_294, %mul3A_556 : i32
      %add3A_558 = arith.constant 10 : i32
      %add3A_559 = arith.addi %mul3A_557, %add3A_558 : i32
      %slice3A_560 = vector.extract_strided_slice %get3A_299 {offsets = [10], sizes = [1], strides = [1]} : vector<16xf32> to vector<1xf32>
      %squeeze3A_561 = vector.extract %slice3A_560[0] : f32 from vector<1xf32>
      %get3A_562 = arith.index_cast %add3A_559 : i32 to index
      %get3A_563 = arith.constant 0 : index
      %get3A_564 = tpu.vector_load %arg8[%get3A_562, %get3A_563] {strides = array<i32>} : memref<640x16xf32, #tpu.memory_space<vmem>>, vector<16xf32>,
      %get3A_565 = arith.index_cast %add3A_559 : i32 to index
      %get3A_566 = arith.constant 0 : index
      %get3A_567 = tpu.vector_load %arg9[%get3A_565, %get3A_566] {strides = array<i32>} : memref<640x16xf32, #tpu.memory_space<vmem>>, vector<16xf32>,
      %add3A_568 = arith.addf %get3A_564, %get3A_567 : vector<16xf32>
      %mul3A_569 = vector.broadcast %squeeze3A_561 : f32 to vector<16xf32>
      %mul3A_570 = arith.mulf %mul3A_569, %add3A_568 : vector<16xf32>
      %add3A_571 = arith.addf %mul3A_570, %get3A_29 : vector<16xf32>
      %slice3A_572 = vector.extract_strided_slice %get3A_299 {offsets = [10], sizes = [1], strides = [1]} : vector<16xf32> to vector<1xf32>
      %squeeze3A_573 = vector.extract %slice3A_572[0] : f32 from vector<1xf32>
      %max3A_574 = arith.constant 0.000000e+00 : f32
      %max3A_575 = vector.broadcast %max3A_574 : f32 to vector<16xf32>
      %max3A_576 = arith.maximumf %add3A_571, %max3A_575 : vector<16xf32>
      %mul3A_577 = vector.broadcast %squeeze3A_573 : f32 to vector<16xf32>
      %mul3A_578 = arith.mulf %mul3A_577, %max3A_576 : vector<16xf32>
      %swap3A_579 = arith.index_cast %add3A_559 : i32 to index
      %swap3A_580 = arith.constant 0 : index
      %swap3A_581 = tpu.vector_load %arg8[%swap3A_579, %swap3A_580] {strides = array<i32>} : memref<640x16xf32, #tpu.memory_space<vmem>>, vector<16xf32>,
      tpu.vector_store %arg8[%swap3A_579, %swap3A_580], %mul3A_578 {strides = array<i32>} : memref<640x16xf32, #tpu.memory_space<vmem>>, vector<16xf32>,
      %mul3A_582 = arith.constant 16 : i32
      %mul3A_583 = arith.muli %scan3A_294, %mul3A_582 : i32
      %add3A_584 = arith.constant 11 : i32
      %add3A_585 = arith.addi %mul3A_583, %add3A_584 : i32
      %slice3A_586 = vector.extract_strided_slice %get3A_299 {offsets = [11], sizes = [1], strides = [1]} : vector<16xf32> to vector<1xf32>
      %squeeze3A_587 = vector.extract %slice3A_586[0] : f32 from vector<1xf32>
      %get3A_588 = arith.index_cast %add3A_585 : i32 to index
      %get3A_589 = arith.constant 0 : index
      %get3A_590 = tpu.vector_load %arg8[%get3A_588, %get3A_589] {strides = array<i32>} : memref<640x16xf32, #tpu.memory_space<vmem>>, vector<16xf32>,
      %get3A_591 = arith.index_cast %add3A_585 : i32 to index
      %get3A_592 = arith.constant 0 : index
      %get3A_593 = tpu.vector_load %arg9[%get3A_591, %get3A_592] {strides = array<i32>} : memref<640x16xf32, #tpu.memory_space<vmem>>, vector<16xf32>,
      %add3A_594 = arith.addf %get3A_590, %get3A_593 : vector<16xf32>
      %mul3A_595 = vector.broadcast %squeeze3A_587 : f32 to vector<16xf32>
      %mul3A_596 = arith.mulf %mul3A_595, %add3A_594 : vector<16xf32>
      %add3A_597 = arith.addf %mul3A_596, %get3A_29 : vector<16xf32>
      %slice3A_598 = vector.extract_strided_slice %get3A_299 {offsets = [11], sizes = [1], strides = [1]} : vector<16xf32> to vector<1xf32>
      %squeeze3A_599 = vector.extract %slice3A_598[0] : f32 from vector<1xf32>
      %max3A_600 = arith.constant 0.000000e+00 : f32
      %max3A_601 = vector.broadcast %max3A_600 : f32 to vector<16xf32>
      %max3A_602 = arith.maximumf %add3A_597, %max3A_601 : vector<16xf32>
      %mul3A_603 = vector.broadcast %squeeze3A_599 : f32 to vector<16xf32>
      %mul3A_604 = arith.mulf %mul3A_603, %max3A_602 : vector<16xf32>
      %swap3A_605 = arith.index_cast %add3A_585 : i32 to index
      %swap3A_606 = arith.constant 0 : index
      %swap3A_607 = tpu.vector_load %arg8[%swap3A_605, %swap3A_606] {strides = array<i32>} : memref<640x16xf32, #tpu.memory_space<vmem>>, vector<16xf32>,
      tpu.vector_store %arg8[%swap3A_605, %swap3A_606], %mul3A_604 {strides = array<i32>} : memref<640x16xf32, #tpu.memory_space<vmem>>, vector<16xf32>,
      %mul3A_608 = arith.constant 16 : i32
      %mul3A_609 = arith.muli %scan3A_294, %mul3A_608 : i32
      %add3A_610 = arith.constant 12 : i32
      %add3A_611 = arith.addi %mul3A_609, %add3A_610 : i32
      %slice3A_612 = vector.extract_strided_slice %get3A_299 {offsets = [12], sizes = [1], strides = [1]} : vector<16xf32> to vector<1xf32>
      %squeeze3A_613 = vector.extract %slice3A_612[0] : f32 from vector<1xf32>
      %get3A_614 = arith.index_cast %add3A_611 : i32 to index
      %get3A_615 = arith.constant 0 : index
      %get3A_616 = tpu.vector_load %arg8[%get3A_614, %get3A_615] {strides = array<i32>} : memref<640x16xf32, #tpu.memory_space<vmem>>, vector<16xf32>,
      %get3A_617 = arith.index_cast %add3A_611 : i32 to index
      %get3A_618 = arith.constant 0 : index
      %get3A_619 = tpu.vector_load %arg9[%get3A_617, %get3A_618] {strides = array<i32>} : memref<640x16xf32, #tpu.memory_space<vmem>>, vector<16xf32>,
      %add3A_620 = arith.addf %get3A_616, %get3A_619 : vector<16xf32>
      %mul3A_621 = vector.broadcast %squeeze3A_613 : f32 to vector<16xf32>
      %mul3A_622 = arith.mulf %mul3A_621, %add3A_620 : vector<16xf32>
      %add3A_623 = arith.addf %mul3A_622, %get3A_29 : vector<16xf32>
      %slice3A_624 = vector.extract_strided_slice %get3A_299 {offsets = [12], sizes = [1], strides = [1]} : vector<16xf32> to vector<1xf32>
      %squeeze3A_625 = vector.extract %slice3A_624[0] : f32 from vector<1xf32>
      %max3A_626 = arith.constant 0.000000e+00 : f32
      %max3A_627 = vector.broadcast %max3A_626 : f32 to vector<16xf32>
      %max3A_628 = arith.maximumf %add3A_623, %max3A_627 : vector<16xf32>
      %mul3A_629 = vector.broadcast %squeeze3A_625 : f32 to vector<16xf32>
      %mul3A_630 = arith.mulf %mul3A_629, %max3A_628 : vector<16xf32>
      %swap3A_631 = arith.index_cast %add3A_611 : i32 to index
      %swap3A_632 = arith.constant 0 : index
      %swap3A_633 = tpu.vector_load %arg8[%swap3A_631, %swap3A_632] {strides = array<i32>} : memref<640x16xf32, #tpu.memory_space<vmem>>, vector<16xf32>,
      tpu.vector_store %arg8[%swap3A_631, %swap3A_632], %mul3A_630 {strides = array<i32>} : memref<640x16xf32, #tpu.memory_space<vmem>>, vector<16xf32>,
      %mul3A_634 = arith.constant 16 : i32
      %mul3A_635 = arith.muli %scan3A_294, %mul3A_634 : i32
      %add3A_636 = arith.constant 13 : i32
      %add3A_637 = arith.addi %mul3A_635, %add3A_636 : i32
      %slice3A_638 = vector.extract_strided_slice %get3A_299 {offsets = [13], sizes = [1], strides = [1]} : vector<16xf32> to vector<1xf32>
      %squeeze3A_639 = vector.extract %slice3A_638[0] : f32 from vector<1xf32>
      %get3A_640 = arith.index_cast %add3A_637 : i32 to index
      %get3A_641 = arith.constant 0 : index
      %get3A_642 = tpu.vector_load %arg8[%get3A_640, %get3A_641] {strides = array<i32>} : memref<640x16xf32, #tpu.memory_space<vmem>>, vector<16xf32>,
      %get3A_643 = arith.index_cast %add3A_637 : i32 to index
      %get3A_644 = arith.constant 0 : index
      %get3A_645 = tpu.vector_load %arg9[%get3A_643, %get3A_644] {strides = array<i32>} : memref<640x16xf32, #tpu.memory_space<vmem>>, vector<16xf32>,
      %add3A_646 = arith.addf %get3A_642, %get3A_645 : vector<16xf32>
      %mul3A_647 = vector.broadcast %squeeze3A_639 : f32 to vector<16xf32>
      %mul3A_648 = arith.mulf %mul3A_647, %add3A_646 : vector<16xf32>
      %add3A_649 = arith.addf %mul3A_648, %get3A_29 : vector<16xf32>
      %slice3A_650 = vector.extract_strided_slice %get3A_299 {offsets = [13], sizes = [1], strides = [1]} : vector<16xf32> to vector<1xf32>
      %squeeze3A_651 = vector.extract %slice3A_650[0] : f32 from vector<1xf32>
      %max3A_652 = arith.constant 0.000000e+00 : f32
      %max3A_653 = vector.broadcast %max3A_652 : f32 to vector<16xf32>
      %max3A_654 = arith.maximumf %add3A_649, %max3A_653 : vector<16xf32>
      %mul3A_655 = vector.broadcast %squeeze3A_651 : f32 to vector<16xf32>
      %mul3A_656 = arith.mulf %mul3A_655, %max3A_654 : vector<16xf32>
      %swap3A_657 = arith.index_cast %add3A_637 : i32 to index
      %swap3A_658 = arith.constant 0 : index
      %swap3A_659 = tpu.vector_load %arg8[%swap3A_657, %swap3A_658] {strides = array<i32>} : memref<640x16xf32, #tpu.memory_space<vmem>>, vector<16xf32>,
      tpu.vector_store %arg8[%swap3A_657, %swap3A_658], %mul3A_656 {strides = array<i32>} : memref<640x16xf32, #tpu.memory_space<vmem>>, vector<16xf32>,
      %mul3A_660 = arith.constant 16 : i32
      %mul3A_661 = arith.muli %scan3A_294, %mul3A_660 : i32
      %add3A_662 = arith.constant 14 : i32
      %add3A_663 = arith.addi %mul3A_661, %add3A_662 : i32
      %slice3A_664 = vector.extract_strided_slice %get3A_299 {offsets = [14], sizes = [1], strides = [1]} : vector<16xf32> to vector<1xf32>
      %squeeze3A_665 = vector.extract %slice3A_664[0] : f32 from vector<1xf32>
      %get3A_666 = arith.index_cast %add3A_663 : i32 to index
      %get3A_667 = arith.constant 0 : index
      %get3A_668 = tpu.vector_load %arg8[%get3A_666, %get3A_667] {strides = array<i32>} : memref<640x16xf32, #tpu.memory_space<vmem>>, vector<16xf32>,
      %get3A_669 = arith.index_cast %add3A_663 : i32 to index
      %get3A_670 = arith.constant 0 : index
      %get3A_671 = tpu.vector_load %arg9[%get3A_669, %get3A_670] {strides = array<i32>} : memref<640x16xf32, #tpu.memory_space<vmem>>, vector<16xf32>,
      %add3A_672 = arith.addf %get3A_668, %get3A_671 : vector<16xf32>
      %mul3A_673 = vector.broadcast %squeeze3A_665 : f32 to vector<16xf32>
      %mul3A_674 = arith.mulf %mul3A_673, %add3A_672 : vector<16xf32>
      %add3A_675 = arith.addf %mul3A_674, %get3A_29 : vector<16xf32>
      %slice3A_676 = vector.extract_strided_slice %get3A_299 {offsets = [14], sizes = [1], strides = [1]} : vector<16xf32> to vector<1xf32>
      %squeeze3A_677 = vector.extract %slice3A_676[0] : f32 from vector<1xf32>
      %max3A_678 = arith.constant 0.000000e+00 : f32
      %max3A_679 = vector.broadcast %max3A_678 : f32 to vector<16xf32>
      %max3A_680 = arith.maximumf %add3A_675, %max3A_679 : vector<16xf32>
      %mul3A_681 = vector.broadcast %squeeze3A_677 : f32 to vector<16xf32>
      %mul3A_682 = arith.mulf %mul3A_681, %max3A_680 : vector<16xf32>
      %swap3A_683 = arith.index_cast %add3A_663 : i32 to index
      %swap3A_684 = arith.constant 0 : index
      %swap3A_685 = tpu.vector_load %arg8[%swap3A_683, %swap3A_684] {strides = array<i32>} : memref<640x16xf32, #tpu.memory_space<vmem>>, vector<16xf32>,
      tpu.vector_store %arg8[%swap3A_683, %swap3A_684], %mul3A_682 {strides = array<i32>} : memref<640x16xf32, #tpu.memory_space<vmem>>, vector<16xf32>,
      %mul3A_686 = arith.constant 16 : i32
      %mul3A_687 = arith.muli %scan3A_294, %mul3A_686 : i32
      %add3A_688 = arith.constant 15 : i32
      %add3A_689 = arith.addi %mul3A_687, %add3A_688 : i32
      %slice3A_690 = vector.extract_strided_slice %get3A_299 {offsets = [15], sizes = [1], strides = [1]} : vector<16xf32> to vector<1xf32>
      %squeeze3A_691 = vector.extract %slice3A_690[0] : f32 from vector<1xf32>
      %get3A_692 = arith.index_cast %add3A_689 : i32 to index
      %get3A_693 = arith.constant 0 : index
      %get3A_694 = tpu.vector_load %arg8[%get3A_692, %get3A_693] {strides = array<i32>} : memref<640x16xf32, #tpu.memory_space<vmem>>, vector<16xf32>,
      %get3A_695 = arith.index_cast %add3A_689 : i32 to index
      %get3A_696 = arith.constant 0 : index
      %get3A_697 = tpu.vector_load %arg9[%get3A_695, %get3A_696] {strides = array<i32>} : memref<640x16xf32, #tpu.memory_space<vmem>>, vector<16xf32>,
      %add3A_698 = arith.addf %get3A_694, %get3A_697 : vector<16xf32>
      %mul3A_699 = vector.broadcast %squeeze3A_691 : f32 to vector<16xf32>
      %mul3A_700 = arith.mulf %mul3A_699, %add3A_698 : vector<16xf32>
      %add3A_701 = arith.addf %mul3A_700, %get3A_29 : vector<16xf32>
      %slice3A_702 = vector.extract_strided_slice %get3A_299 {offsets = [15], sizes = [1], strides = [1]} : vector<16xf32> to vector<1xf32>
      %squeeze3A_703 = vector.extract %slice3A_702[0] : f32 from vector<1xf32>
      %max3A_704 = arith.constant 0.000000e+00 : f32
      %max3A_705 = vector.broadcast %max3A_704 : f32 to vector<16xf32>
      %max3A_706 = arith.maximumf %add3A_701, %max3A_705 : vector<16xf32>
      %mul3A_707 = vector.broadcast %squeeze3A_703 : f32 to vector<16xf32>
      %mul3A_708 = arith.mulf %mul3A_707, %max3A_706 : vector<16xf32>
      %swap3A_709 = arith.index_cast %add3A_689 : i32 to index
      %swap3A_710 = arith.constant 0 : index
      %swap3A_711 = tpu.vector_load %arg8[%swap3A_709, %swap3A_710] {strides = array<i32>} : memref<640x16xf32, #tpu.memory_space<vmem>>, vector<16xf32>,
      tpu.vector_store %arg8[%swap3A_709, %swap3A_710], %mul3A_708 {strides = array<i32>} : memref<640x16xf32, #tpu.memory_space<vmem>>, vector<16xf32>,
      %scan3A_712 = arith.constant 0 : i32
      scf.yield %scan3A_712 : i32
    }
    %scan3A_35 = arith.constant 40 : i32
    "tpu.region"() ({
      %run_scoped3A = tpu.sem_alloc : memref<!tpu.dma_semaphore, #tpu.memory_space<semaphore_mem>>
      %dma_start3A_294 = arith.constant 0 : i32
      %dma_start3A_295 = tpu.memref_slice %arg13[%mul3A_2, %dma_start3A_294] : memref<10240x16xf32, #tpu.memory_space<vmem_shared>> -> memref<640x16xf32, #tpu.memory_space<vmem_shared>>
      %dma_start3A_296 = arith.constant 0 : i32
      %dma_start3A_297 = tpu.memref_slice %arg13[%mul3A_2, %dma_start3A_296] : memref<10240x16xf32, #tpu.memory_space<vmem_shared>> -> memref<640x16xf32, #tpu.memory_space<vmem_shared>>
      tpu.enqueue_dma source(%arg8 : memref<640x16xf32, #tpu.memory_space<vmem>>) target(%dma_start3A_297 : memref<640x16xf32, #tpu.memory_space<vmem_shared>>) target_semaphore(%run_scoped3A : memref<!tpu.dma_semaphore, #tpu.memory_space<semaphore_mem>>)
      %dma_wait3A_298 = arith.constant 0 : i32
      %dma_wait3A_299 = tpu.memref_slice %arg13[%mul3A_2, %dma_wait3A_298] : memref<10240x16xf32, #tpu.memory_space<vmem_shared>> -> memref<640x16xf32, #tpu.memory_space<vmem_shared>>
      %dma_wait3A_300 = arith.constant 0 : i32
      %dma_wait3A_301 = tpu.memref_slice %arg13[%mul3A_2, %dma_wait3A_300] : memref<10240x16xf32, #tpu.memory_space<vmem_shared>> -> memref<640x16xf32, #tpu.memory_space<vmem_shared>>
      tpu.wait_dma2 semaphore(%run_scoped3A : memref<!tpu.dma_semaphore, #tpu.memory_space<semaphore_mem>>) src(%arg8 : memref<640x16xf32, #tpu.memory_space<vmem>>) dst(%dma_wait3A_301 : memref<640x16xf32, #tpu.memory_space<vmem_shared>>)
      tpu.yield
    }) : () -> ()
    %eq3A = arith.constant 0 : i32
    %eq3A_36 = arith.cmpi eq, %arg0, %eq3A : i32
    %convert_element_type3A = arith.extui %eq3A_36 : i1 to i32
    %cond3A = arith.constant 0 : i32
    %cond3A_37 = arith.cmpi ne, %convert_element_type3A, %cond3A : i32
    scf.if %cond3A_37 {
      "tpu.region"() ({
        %run_scoped3A = tpu.sem_alloc : memref<!tpu.dma_semaphore, #tpu.memory_space<semaphore_mem>>
        %dma_start3A_294 = arith.constant 0 : i32
        %dma_start3A_295 = tpu.memref_slice %arg14[%mul3A_2, %dma_start3A_294] : memref<10240x16xf32, #tpu.memory_space<vmem_shared>> -> memref<640x16xf32, #tpu.memory_space<vmem_shared>>
        %dma_start3A_296 = arith.constant 0 : i32
        %dma_start3A_297 = tpu.memref_slice %arg14[%mul3A_2, %dma_start3A_296] : memref<10240x16xf32, #tpu.memory_space<vmem_shared>> -> memref<640x16xf32, #tpu.memory_space<vmem_shared>>
        tpu.enqueue_dma source(%arg8 : memref<640x16xf32, #tpu.memory_space<vmem>>) target(%dma_start3A_297 : memref<640x16xf32, #tpu.memory_space<vmem_shared>>) target_semaphore(%run_scoped3A : memref<!tpu.dma_semaphore, #tpu.memory_space<semaphore_mem>>)
        %dma_wait3A_298 = arith.constant 0 : i32
        %dma_wait3A_299 = tpu.memref_slice %arg14[%mul3A_2, %dma_wait3A_298] : memref<10240x16xf32, #tpu.memory_space<vmem_shared>> -> memref<640x16xf32, #tpu.memory_space<vmem_shared>>
        %dma_wait3A_300 = arith.constant 0 : i32
        %dma_wait3A_301 = tpu.memref_slice %arg14[%mul3A_2, %dma_wait3A_300] : memref<10240x16xf32, #tpu.memory_space<vmem_shared>> -> memref<640x16xf32, #tpu.memory_space<vmem_shared>>
        tpu.wait_dma2 semaphore(%run_scoped3A : memref<!tpu.dma_semaphore, #tpu.memory_space<semaphore_mem>>) src(%arg8 : memref<640x16xf32, #tpu.memory_space<vmem>>) dst(%dma_wait3A_301 : memref<640x16xf32, #tpu.memory_space<vmem_shared>>)
        tpu.yield
      }) : () -> ()
    } else {
    }
    %eq3A_38 = arith.constant 1 : i32
    %eq3A_39 = arith.cmpi eq, %arg0, %eq3A_38 : i32
    %convert_element_type3A_40 = arith.extui %eq3A_39 : i1 to i32
    %cond3A_41 = arith.constant 0 : i32
    %cond3A_42 = arith.cmpi ne, %convert_element_type3A_40, %cond3A_41 : i32
    scf.if %cond3A_42 {
      %broadcast_in_dim3A = arith.constant 0.000000e+00 : f32
      %broadcast_in_dim3A_294 = vector.broadcast %broadcast_in_dim3A : f32 to vector<16xf32>
      %scan3A_295 = arith.constant 0 : i32
      %scan3A_296 = arith.constant 0 : i32
      %scan3A_297 = arith.constant 640 : i32
      %scan3A_298 = arith.addi %scan3A_296, %scan3A_297 : i32
      %scan3A_299 = arith.constant 8 : i32
      %scan3A_300 = scf.for %scan3A_302 = %scan3A_296 to %scan3A_298 step %scan3A_299 iter_args(%scan3A_303 = %scan3A_295) -> (i32)  : i32 {
        %swap3A = arith.index_cast %scan3A_302 : i32 to index
        %swap3A_304 = arith.constant 0 : index
        %swap3A_305 = tpu.vector_load %arg8[%swap3A, %swap3A_304] {strides = array<i32>} : memref<640x16xf32, #tpu.memory_space<vmem>>, vector<16xf32>,
        tpu.vector_store %arg8[%swap3A, %swap3A_304], %broadcast_in_dim3A_294 {strides = array<i32>} : memref<640x16xf32, #tpu.memory_space<vmem>>, vector<16xf32>,
        %scan3A_306 = arith.constant 0 : i32
        %scan3A_307 = arith.constant 1 : i32
        %scan3A_308 = arith.addi %scan3A_302, %scan3A_307 : i32
        %swap3A_309 = arith.index_cast %scan3A_308 : i32 to index
        %swap3A_310 = arith.constant 0 : index
        %swap3A_311 = tpu.vector_load %arg8[%swap3A_309, %swap3A_310] {strides = array<i32>} : memref<640x16xf32, #tpu.memory_space<vmem>>, vector<16xf32>,
        tpu.vector_store %arg8[%swap3A_309, %swap3A_310], %broadcast_in_dim3A_294 {strides = array<i32>} : memref<640x16xf32, #tpu.memory_space<vmem>>, vector<16xf32>,
        %scan3A_312 = arith.constant 0 : i32
        %scan3A_313 = arith.constant 2 : i32
        %scan3A_314 = arith.addi %scan3A_302, %scan3A_313 : i32
        %swap3A_315 = arith.index_cast %scan3A_314 : i32 to index
        %swap3A_316 = arith.constant 0 : index
        %swap3A_317 = tpu.vector_load %arg8[%swap3A_315, %swap3A_316] {strides = array<i32>} : memref<640x16xf32, #tpu.memory_space<vmem>>, vector<16xf32>,
        tpu.vector_store %arg8[%swap3A_315, %swap3A_316], %broadcast_in_dim3A_294 {strides = array<i32>} : memref<640x16xf32, #tpu.memory_space<vmem>>, vector<16xf32>,
        %scan3A_318 = arith.constant 0 : i32
        %scan3A_319 = arith.constant 3 : i32
        %scan3A_320 = arith.addi %scan3A_302, %scan3A_319 : i32
        %swap3A_321 = arith.index_cast %scan3A_320 : i32 to index
        %swap3A_322 = arith.constant 0 : index
        %swap3A_323 = tpu.vector_load %arg8[%swap3A_321, %swap3A_322] {strides = array<i32>} : memref<640x16xf32, #tpu.memory_space<vmem>>, vector<16xf32>,
        tpu.vector_store %arg8[%swap3A_321, %swap3A_322], %broadcast_in_dim3A_294 {strides = array<i32>} : memref<640x16xf32, #tpu.memory_space<vmem>>, vector<16xf32>,
        %scan3A_324 = arith.constant 0 : i32
        %scan3A_325 = arith.constant 4 : i32
        %scan3A_326 = arith.addi %scan3A_302, %scan3A_325 : i32
        %swap3A_327 = arith.index_cast %scan3A_326 : i32 to index
        %swap3A_328 = arith.constant 0 : index
        %swap3A_329 = tpu.vector_load %arg8[%swap3A_327, %swap3A_328] {strides = array<i32>} : memref<640x16xf32, #tpu.memory_space<vmem>>, vector<16xf32>,
        tpu.vector_store %arg8[%swap3A_327, %swap3A_328], %broadcast_in_dim3A_294 {strides = array<i32>} : memref<640x16xf32, #tpu.memory_space<vmem>>, vector<16xf32>,
        %scan3A_330 = arith.constant 0 : i32
        %scan3A_331 = arith.constant 5 : i32
        %scan3A_332 = arith.addi %scan3A_302, %scan3A_331 : i32
        %swap3A_333 = arith.index_cast %scan3A_332 : i32 to index
        %swap3A_334 = arith.constant 0 : index
        %swap3A_335 = tpu.vector_load %arg8[%swap3A_333, %swap3A_334] {strides = array<i32>} : memref<640x16xf32, #tpu.memory_space<vmem>>, vector<16xf32>,
        tpu.vector_store %arg8[%swap3A_333, %swap3A_334], %broadcast_in_dim3A_294 {strides = array<i32>} : memref<640x16xf32, #tpu.memory_space<vmem>>, vector<16xf32>,
        %scan3A_336 = arith.constant 0 : i32
        %scan3A_337 = arith.constant 6 : i32
        %scan3A_338 = arith.addi %scan3A_302, %scan3A_337 : i32
        %swap3A_339 = arith.index_cast %scan3A_338 : i32 to index
        %swap3A_340 = arith.constant 0 : index
        %swap3A_341 = tpu.vector_load %arg8[%swap3A_339, %swap3A_340] {strides = array<i32>} : memref<640x16xf32, #tpu.memory_space<vmem>>, vector<16xf32>,
        tpu.vector_store %arg8[%swap3A_339, %swap3A_340], %broadcast_in_dim3A_294 {strides = array<i32>} : memref<640x16xf32, #tpu.memory_space<vmem>>, vector<16xf32>,
        %scan3A_342 = arith.constant 0 : i32
        %scan3A_343 = arith.constant 7 : i32
        %scan3A_344 = arith.addi %scan3A_302, %scan3A_343 : i32
        %swap3A_345 = arith.index_cast %scan3A_344 : i32 to index
        %swap3A_346 = arith.constant 0 : index
        %swap3A_347 = tpu.vector_load %arg8[%swap3A_345, %swap3A_346] {strides = array<i32>} : memref<640x16xf32, #tpu.memory_space<vmem>>, vector<16xf32>,
        tpu.vector_store %arg8[%swap3A_345, %swap3A_346], %broadcast_in_dim3A_294 {strides = array<i32>} : memref<640x16xf32, #tpu.memory_space<vmem>>, vector<16xf32>,
        %scan3A_348 = arith.constant 0 : i32
        scf.yield %scan3A_348 : i32
      }
      %scan3A_301 = arith.constant 640 : i32
      "tpu.region"() ({
        %run_scoped3A = tpu.sem_alloc : memref<!tpu.dma_semaphore, #tpu.memory_space<semaphore_mem>>
        %dma_start3A_302 = arith.constant 0 : i32
        %dma_start3A_303 = tpu.memref_slice %arg14[%mul3A_2, %dma_start3A_302] : memref<10240x16xf32, #tpu.memory_space<vmem_shared>> -> memref<640x16xf32, #tpu.memory_space<vmem_shared>>
        %dma_start3A_304 = arith.constant 0 : i32
        %dma_start3A_305 = tpu.memref_slice %arg14[%mul3A_2, %dma_start3A_304] : memref<10240x16xf32, #tpu.memory_space<vmem_shared>> -> memref<640x16xf32, #tpu.memory_space<vmem_shared>>
        tpu.enqueue_dma source(%arg8 : memref<640x16xf32, #tpu.memory_space<vmem>>) target(%dma_start3A_305 : memref<640x16xf32, #tpu.memory_space<vmem_shared>>) target_semaphore(%run_scoped3A : memref<!tpu.dma_semaphore, #tpu.memory_space<semaphore_mem>>)
        %dma_wait3A_306 = arith.constant 0 : i32
        %dma_wait3A_307 = tpu.memref_slice %arg14[%mul3A_2, %dma_wait3A_306] : memref<10240x16xf32, #tpu.memory_space<vmem_shared>> -> memref<640x16xf32, #tpu.memory_space<vmem_shared>>
        %dma_wait3A_308 = arith.constant 0 : i32
        %dma_wait3A_309 = tpu.memref_slice %arg14[%mul3A_2, %dma_wait3A_308] : memref<10240x16xf32, #tpu.memory_space<vmem_shared>> -> memref<640x16xf32, #tpu.memory_space<vmem_shared>>
        tpu.wait_dma2 semaphore(%run_scoped3A : memref<!tpu.dma_semaphore, #tpu.memory_space<semaphore_mem>>) src(%arg8 : memref<640x16xf32, #tpu.memory_space<vmem>>) dst(%dma_wait3A_309 : memref<640x16xf32, #tpu.memory_space<vmem_shared>>)
        tpu.yield
      }) : () -> ()
    } else {
    }
    %barrier3A = arith.constant 0 : index
    tpu.barrier barrier_id(%barrier3A)
    %dma_start3A_43 = arith.constant 0 : i32
    %dma_start3A_44 = tpu.memref_slice %arg2[%add3A, %dma_start3A_43] : memref<32x10240xi32, #tpu.memory_space<hbm>> -> memref<1x1024xi32, #tpu.memory_space<hbm>>
    %dma_start3A_45 = tpu.memref_squeeze %dma_start3A_44 : memref<1x1024xi32, #tpu.memory_space<hbm>> -> memref<1024xi32, #tpu.memory_space<hbm>>
    %dma_start3A_46 = arith.constant 0 : i32
    %dma_start3A_47 = tpu.memref_slice %arg2[%add3A, %dma_start3A_46] : memref<32x10240xi32, #tpu.memory_space<hbm>> -> memref<1x1024xi32, #tpu.memory_space<hbm>>
    %dma_start3A_48 = tpu.memref_squeeze %dma_start3A_47 : memref<1x1024xi32, #tpu.memory_space<hbm>> -> memref<1024xi32, #tpu.memory_space<hbm>>
    tpu.enqueue_dma source(%dma_start3A_48 : memref<1024xi32, #tpu.memory_space<hbm>>) target(%arg15 : memref<1024xi32, #tpu.memory_space<vmem>>) target_semaphore(%arg19 : memref<!tpu.dma_semaphore, #tpu.memory_space<semaphore_mem>>)
    %dma_start3A_49 = arith.constant 0 : i32
    %dma_start3A_50 = tpu.memref_slice %arg3[%add3A, %dma_start3A_49] : memref<32x10240xi32, #tpu.memory_space<hbm>> -> memref<1x1024xi32, #tpu.memory_space<hbm>>
    %dma_start3A_51 = tpu.memref_squeeze %dma_start3A_50 : memref<1x1024xi32, #tpu.memory_space<hbm>> -> memref<1024xi32, #tpu.memory_space<hbm>>
    %dma_start3A_52 = arith.constant 0 : i32
    %dma_start3A_53 = tpu.memref_slice %arg3[%add3A, %dma_start3A_52] : memref<32x10240xi32, #tpu.memory_space<hbm>> -> memref<1x1024xi32, #tpu.memory_space<hbm>>
    %dma_start3A_54 = tpu.memref_squeeze %dma_start3A_53 : memref<1x1024xi32, #tpu.memory_space<hbm>> -> memref<1024xi32, #tpu.memory_space<hbm>>
    tpu.enqueue_dma source(%dma_start3A_54 : memref<1024xi32, #tpu.memory_space<hbm>>) target(%arg16 : memref<1024xi32, #tpu.memory_space<vmem>>) target_semaphore(%arg19 : memref<!tpu.dma_semaphore, #tpu.memory_space<semaphore_mem>>)
    %dma_wait3A_55 = arith.constant 0 : i32
    %dma_wait3A_56 = tpu.memref_slice %arg2[%add3A, %dma_wait3A_55] : memref<32x10240xi32, #tpu.memory_space<hbm>> -> memref<1x1024xi32, #tpu.memory_space<hbm>>
    %dma_wait3A_57 = tpu.memref_squeeze %dma_wait3A_56 : memref<1x1024xi32, #tpu.memory_space<hbm>> -> memref<1024xi32, #tpu.memory_space<hbm>>
    %dma_wait3A_58 = arith.constant 0 : i32
    %dma_wait3A_59 = tpu.memref_slice %arg2[%add3A, %dma_wait3A_58] : memref<32x10240xi32, #tpu.memory_space<hbm>> -> memref<1x1024xi32, #tpu.memory_space<hbm>>
    %dma_wait3A_60 = tpu.memref_squeeze %dma_wait3A_59 : memref<1x1024xi32, #tpu.memory_space<hbm>> -> memref<1024xi32, #tpu.memory_space<hbm>>
    tpu.wait_dma2 semaphore(%arg19 : memref<!tpu.dma_semaphore, #tpu.memory_space<semaphore_mem>>) src(%dma_wait3A_60 : memref<1024xi32, #tpu.memory_space<hbm>>) dst(%arg15 : memref<1024xi32, #tpu.memory_space<vmem>>)
    %dma_wait3A_61 = arith.constant 0 : i32
    %dma_wait3A_62 = tpu.memref_slice %arg3[%add3A, %dma_wait3A_61] : memref<32x10240xi32, #tpu.memory_space<hbm>> -> memref<1x1024xi32, #tpu.memory_space<hbm>>
    %dma_wait3A_63 = tpu.memref_squeeze %dma_wait3A_62 : memref<1x1024xi32, #tpu.memory_space<hbm>> -> memref<1024xi32, #tpu.memory_space<hbm>>
    %dma_wait3A_64 = arith.constant 0 : i32
    %dma_wait3A_65 = tpu.memref_slice %arg3[%add3A, %dma_wait3A_64] : memref<32x10240xi32, #tpu.memory_space<hbm>> -> memref<1x1024xi32, #tpu.memory_space<hbm>>
    %dma_wait3A_66 = tpu.memref_squeeze %dma_wait3A_65 : memref<1x1024xi32, #tpu.memory_space<hbm>> -> memref<1024xi32, #tpu.memory_space<hbm>>
    tpu.wait_dma2 semaphore(%arg19 : memref<!tpu.dma_semaphore, #tpu.memory_space<semaphore_mem>>) src(%dma_wait3A_66 : memref<1024xi32, #tpu.memory_space<hbm>>) dst(%arg16 : memref<1024xi32, #tpu.memory_space<vmem>>)
    %dma_start3A_67 = arith.constant 0 : i32
    %dma_start3A_68 = arith.constant 0 : i32
    %dma_start3A_69 = tpu.memref_slice %arg13[%dma_start3A_67, %dma_start3A_68] : memref<10240x16xf32, #tpu.memory_space<vmem_shared>> -> memref<10240x16xf32, #tpu.memory_space<vmem_shared>>
    tpu.enqueue_indirect_dma source(%dma_start3A_69 : memref<10240x16xf32, #tpu.memory_space<vmem_shared>>) target(%arg17 : memref<1024x16xf32, #tpu.memory_space<vmem>>) offsets(%arg15 : memref<1024xi32, #tpu.memory_space<vmem>>) semaphore(%arg18 : memref<!tpu.dma_semaphore, #tpu.memory_space<semaphore_mem>>)
    %dma_start3A_70 = arith.constant 1024 : i32
    %dma_start3A_71 = tpu.memref_slice %arg2[%add3A, %dma_start3A_70] : memref<32x10240xi32, #tpu.memory_space<hbm>> -> memref<1x1024xi32, #tpu.memory_space<hbm>>
    %dma_start3A_72 = tpu.memref_squeeze %dma_start3A_71 : memref<1x1024xi32, #tpu.memory_space<hbm>> -> memref<1024xi32, #tpu.memory_space<hbm>>
    %dma_start3A_73 = arith.constant 1024 : i32
    %dma_start3A_74 = tpu.memref_slice %arg2[%add3A, %dma_start3A_73] : memref<32x10240xi32, #tpu.memory_space<hbm>> -> memref<1x1024xi32, #tpu.memory_space<hbm>>
    %dma_start3A_75 = tpu.memref_squeeze %dma_start3A_74 : memref<1x1024xi32, #tpu.memory_space<hbm>> -> memref<1024xi32, #tpu.memory_space<hbm>>
    tpu.enqueue_dma source(%dma_start3A_75 : memref<1024xi32, #tpu.memory_space<hbm>>) target(%arg20 : memref<1024xi32, #tpu.memory_space<vmem>>) target_semaphore(%arg24 : memref<!tpu.dma_semaphore, #tpu.memory_space<semaphore_mem>>)
    %dma_start3A_76 = arith.constant 1024 : i32
    %dma_start3A_77 = tpu.memref_slice %arg3[%add3A, %dma_start3A_76] : memref<32x10240xi32, #tpu.memory_space<hbm>> -> memref<1x1024xi32, #tpu.memory_space<hbm>>
    %dma_start3A_78 = tpu.memref_squeeze %dma_start3A_77 : memref<1x1024xi32, #tpu.memory_space<hbm>> -> memref<1024xi32, #tpu.memory_space<hbm>>
    %dma_start3A_79 = arith.constant 1024 : i32
    %dma_start3A_80 = tpu.memref_slice %arg3[%add3A, %dma_start3A_79] : memref<32x10240xi32, #tpu.memory_space<hbm>> -> memref<1x1024xi32, #tpu.memory_space<hbm>>
    %dma_start3A_81 = tpu.memref_squeeze %dma_start3A_80 : memref<1x1024xi32, #tpu.memory_space<hbm>> -> memref<1024xi32, #tpu.memory_space<hbm>>
    tpu.enqueue_dma source(%dma_start3A_81 : memref<1024xi32, #tpu.memory_space<hbm>>) target(%arg21 : memref<1024xi32, #tpu.memory_space<vmem>>) target_semaphore(%arg24 : memref<!tpu.dma_semaphore, #tpu.memory_space<semaphore_mem>>)
    %scan3A_82 = arith.constant 0 : i32
    %scan3A_83 = arith.constant 0 : i32
    %scan3A_84 = arith.constant 4 : i32
    %scan3A_85 = arith.addi %scan3A_83, %scan3A_84 : i32
    %scan3A_86 = arith.constant 1 : i32
    %scan3A_87 = scf.for %scan3A_294 = %scan3A_83 to %scan3A_85 step %scan3A_86 iter_args(%scan3A_295 = %scan3A_82) -> (i32)  : i32 {
      %dma_wait3A_296 = arith.constant 0 : i32
      %dma_wait3A_297 = tpu.memref_slice %arg2[%add3A, %dma_wait3A_296] : memref<32x10240xi32, #tpu.memory_space<hbm>> -> memref<1x1024xi32, #tpu.memory_space<hbm>>
      %dma_wait3A_298 = tpu.memref_squeeze %dma_wait3A_297 : memref<1x1024xi32, #tpu.memory_space<hbm>> -> memref<1024xi32, #tpu.memory_space<hbm>>
      %dma_wait3A_299 = arith.constant 0 : i32
      %dma_wait3A_300 = tpu.memref_slice %arg2[%add3A, %dma_wait3A_299] : memref<32x10240xi32, #tpu.memory_space<hbm>> -> memref<1x1024xi32, #tpu.memory_space<hbm>>
      %dma_wait3A_301 = tpu.memref_squeeze %dma_wait3A_300 : memref<1x1024xi32, #tpu.memory_space<hbm>> -> memref<1024xi32, #tpu.memory_space<hbm>>
      tpu.wait_dma2 semaphore(%arg24 : memref<!tpu.dma_semaphore, #tpu.memory_space<semaphore_mem>>) src(%dma_wait3A_301 : memref<1024xi32, #tpu.memory_space<hbm>>) dst(%arg20 : memref<1024xi32, #tpu.memory_space<vmem>>)
      %dma_wait3A_302 = arith.constant 0 : i32
      %dma_wait3A_303 = tpu.memref_slice %arg3[%add3A, %dma_wait3A_302] : memref<32x10240xi32, #tpu.memory_space<hbm>> -> memref<1x1024xi32, #tpu.memory_space<hbm>>
      %dma_wait3A_304 = tpu.memref_squeeze %dma_wait3A_303 : memref<1x1024xi32, #tpu.memory_space<hbm>> -> memref<1024xi32, #tpu.memory_space<hbm>>
      %dma_wait3A_305 = arith.constant 0 : i32
      %dma_wait3A_306 = tpu.memref_slice %arg3[%add3A, %dma_wait3A_305] : memref<32x10240xi32, #tpu.memory_space<hbm>> -> memref<1x1024xi32, #tpu.memory_space<hbm>>
      %dma_wait3A_307 = tpu.memref_squeeze %dma_wait3A_306 : memref<1x1024xi32, #tpu.memory_space<hbm>> -> memref<1024xi32, #tpu.memory_space<hbm>>
      tpu.wait_dma2 semaphore(%arg24 : memref<!tpu.dma_semaphore, #tpu.memory_space<semaphore_mem>>) src(%dma_wait3A_307 : memref<1024xi32, #tpu.memory_space<hbm>>) dst(%arg21 : memref<1024xi32, #tpu.memory_space<vmem>>)
      %dma_start3A_308 = arith.constant 0 : i32
      %dma_start3A_309 = arith.constant 0 : i32
      %dma_start3A_310 = tpu.memref_slice %arg13[%dma_start3A_308, %dma_start3A_309] : memref<10240x16xf32, #tpu.memory_space<vmem_shared>> -> memref<10240x16xf32, #tpu.memory_space<vmem_shared>>
      tpu.enqueue_indirect_dma source(%dma_start3A_310 : memref<10240x16xf32, #tpu.memory_space<vmem_shared>>) target(%arg22 : memref<1024x16xf32, #tpu.memory_space<vmem>>) offsets(%arg20 : memref<1024xi32, #tpu.memory_space<vmem>>) semaphore(%arg23 : memref<!tpu.dma_semaphore, #tpu.memory_space<semaphore_mem>>)
      %dma_wait3A_311 = arith.constant 0 : i32
      %dma_wait3A_312 = arith.constant 0 : i32
      %dma_wait3A_313 = tpu.memref_slice %arg13[%dma_wait3A_311, %dma_wait3A_312] : memref<10240x16xf32, #tpu.memory_space<vmem_shared>> -> memref<10240x16xf32, #tpu.memory_space<vmem_shared>>
      tpu.wait_indirect_dma semaphore(%arg18 : memref<!tpu.dma_semaphore, #tpu.memory_space<semaphore_mem>>) src(%dma_wait3A_313 : memref<10240x16xf32, #tpu.memory_space<vmem_shared>>) dst(%arg17 : memref<1024x16xf32, #tpu.memory_space<vmem>>)
      "tpu.region"() ({
        %run_scoped3A = tpu.sem_alloc : memref<!tpu.dma_semaphore, #tpu.memory_space<semaphore_mem>>
        %dma_start3A_365 = arith.constant 0 : i32
        %dma_start3A_366 = arith.constant 0 : i32
        %dma_start3A_367 = tpu.memref_slice %arg14[%dma_start3A_365, %dma_start3A_366] : memref<10240x16xf32, #tpu.memory_space<vmem_shared>> -> memref<10240x16xf32, #tpu.memory_space<vmem_shared>>
        tpu.enqueue_indirect_dma source(%arg17 : memref<1024x16xf32, #tpu.memory_space<vmem>>) target(%dma_start3A_367 : memref<10240x16xf32, #tpu.memory_space<vmem_shared>>) offsets(%arg16 : memref<1024xi32, #tpu.memory_space<vmem>>) semaphore(%run_scoped3A : memref<!tpu.dma_semaphore, #tpu.memory_space<semaphore_mem>>) {add = true}
        %dma_wait3A_368 = arith.constant 0 : i32
        %dma_wait3A_369 = arith.constant 0 : i32
        %dma_wait3A_370 = tpu.memref_slice %arg14[%dma_wait3A_368, %dma_wait3A_369] : memref<10240x16xf32, #tpu.memory_space<vmem_shared>> -> memref<10240x16xf32, #tpu.memory_space<vmem_shared>>
        tpu.wait_indirect_dma semaphore(%run_scoped3A : memref<!tpu.dma_semaphore, #tpu.memory_space<semaphore_mem>>) src(%arg17 : memref<1024x16xf32, #tpu.memory_space<vmem>>) dst(%dma_wait3A_370 : memref<10240x16xf32, #tpu.memory_space<vmem_shared>>)
        tpu.yield
      }) : () -> ()
      %mul3A_314 = arith.constant 2 : i32
      %mul3A_315 = arith.muli %mul3A_314, %scan3A_294 : i32
      %add3A_316 = arith.constant 2 : i32
      %add3A_317 = arith.addi %mul3A_315, %add3A_316 : i32
      %mul3A_318 = arith.constant 1024 : i32
      %mul3A_319 = arith.muli %add3A_317, %mul3A_318 : i32
      %dma_start3A_320 = tpu.memref_slice %arg2[%add3A, %mul3A_319] : memref<32x10240xi32, #tpu.memory_space<hbm>> -> memref<1x1024xi32, #tpu.memory_space<hbm>>
      %dma_start3A_321 = tpu.memref_squeeze %dma_start3A_320 : memref<1x1024xi32, #tpu.memory_space<hbm>> -> memref<1024xi32, #tpu.memory_space<hbm>>
      %dma_start3A_322 = tpu.memref_slice %arg2[%add3A, %mul3A_319] : memref<32x10240xi32, #tpu.memory_space<hbm>> -> memref<1x1024xi32, #tpu.memory_space<hbm>>
      %dma_start3A_323 = tpu.memref_squeeze %dma_start3A_322 : memref<1x1024xi32, #tpu.memory_space<hbm>> -> memref<1024xi32, #tpu.memory_space<hbm>>
      tpu.enqueue_dma source(%dma_start3A_323 : memref<1024xi32, #tpu.memory_space<hbm>>) target(%arg15 : memref<1024xi32, #tpu.memory_space<vmem>>) target_semaphore(%arg19 : memref<!tpu.dma_semaphore, #tpu.memory_space<semaphore_mem>>)
      %mul3A_324 = arith.constant 1024 : i32
      %mul3A_325 = arith.muli %add3A_317, %mul3A_324 : i32
      %dma_start3A_326 = tpu.memref_slice %arg3[%add3A, %mul3A_325] : memref<32x10240xi32, #tpu.memory_space<hbm>> -> memref<1x1024xi32, #tpu.memory_space<hbm>>
      %dma_start3A_327 = tpu.memref_squeeze %dma_start3A_326 : memref<1x1024xi32, #tpu.memory_space<hbm>> -> memref<1024xi32, #tpu.memory_space<hbm>>
      %dma_start3A_328 = tpu.memref_slice %arg3[%add3A, %mul3A_325] : memref<32x10240xi32, #tpu.memory_space<hbm>> -> memref<1x1024xi32, #tpu.memory_space<hbm>>
      %dma_start3A_329 = tpu.memref_squeeze %dma_start3A_328 : memref<1x1024xi32, #tpu.memory_space<hbm>> -> memref<1024xi32, #tpu.memory_space<hbm>>
      tpu.enqueue_dma source(%dma_start3A_329 : memref<1024xi32, #tpu.memory_space<hbm>>) target(%arg16 : memref<1024xi32, #tpu.memory_space<vmem>>) target_semaphore(%arg19 : memref<!tpu.dma_semaphore, #tpu.memory_space<semaphore_mem>>)
      %dma_wait3A_330 = arith.constant 0 : i32
      %dma_wait3A_331 = arith.constant 0 : i32
      %dma_wait3A_332 = tpu.memref_slice %arg13[%dma_wait3A_330, %dma_wait3A_331] : memref<10240x16xf32, #tpu.memory_space<vmem_shared>> -> memref<10240x16xf32, #tpu.memory_space<vmem_shared>>
      tpu.wait_indirect_dma semaphore(%arg23 : memref<!tpu.dma_semaphore, #tpu.memory_space<semaphore_mem>>) src(%dma_wait3A_332 : memref<10240x16xf32, #tpu.memory_space<vmem_shared>>) dst(%arg22 : memref<1024x16xf32, #tpu.memory_space<vmem>>)
      "tpu.region"() ({
        %run_scoped3A = tpu.sem_alloc : memref<!tpu.dma_semaphore, #tpu.memory_space<semaphore_mem>>
        %dma_start3A_365 = arith.constant 0 : i32
        %dma_start3A_366 = arith.constant 0 : i32
        %dma_start3A_367 = tpu.memref_slice %arg14[%dma_start3A_365, %dma_start3A_366] : memref<10240x16xf32, #tpu.memory_space<vmem_shared>> -> memref<10240x16xf32, #tpu.memory_space<vmem_shared>>
        tpu.enqueue_indirect_dma source(%arg22 : memref<1024x16xf32, #tpu.memory_space<vmem>>) target(%dma_start3A_367 : memref<10240x16xf32, #tpu.memory_space<vmem_shared>>) offsets(%arg21 : memref<1024xi32, #tpu.memory_space<vmem>>) semaphore(%run_scoped3A : memref<!tpu.dma_semaphore, #tpu.memory_space<semaphore_mem>>) {add = true}
        %dma_wait3A_368 = arith.constant 0 : i32
        %dma_wait3A_369 = arith.constant 0 : i32
        %dma_wait3A_370 = tpu.memref_slice %arg14[%dma_wait3A_368, %dma_wait3A_369] : memref<10240x16xf32, #tpu.memory_space<vmem_shared>> -> memref<10240x16xf32, #tpu.memory_space<vmem_shared>>
        tpu.wait_indirect_dma semaphore(%run_scoped3A : memref<!tpu.dma_semaphore, #tpu.memory_space<semaphore_mem>>) src(%arg22 : memref<1024x16xf32, #tpu.memory_space<vmem>>) dst(%dma_wait3A_370 : memref<10240x16xf32, #tpu.memory_space<vmem_shared>>)
        tpu.yield
      }) : () -> ()
      %mul3A_333 = arith.constant 2 : i32
      %mul3A_334 = arith.muli %mul3A_333, %scan3A_294 : i32
      %add3A_335 = arith.constant 3 : i32
      %add3A_336 = arith.addi %mul3A_334, %add3A_335 : i32
      %mul3A_337 = arith.constant 1024 : i32
      %mul3A_338 = arith.muli %add3A_336, %mul3A_337 : i32
      %dma_start3A_339 = tpu.memref_slice %arg2[%add3A, %mul3A_338] : memref<32x10240xi32, #tpu.memory_space<hbm>> -> memref<1x1024xi32, #tpu.memory_space<hbm>>
      %dma_start3A_340 = tpu.memref_squeeze %dma_start3A_339 : memref<1x1024xi32, #tpu.memory_space<hbm>> -> memref<1024xi32, #tpu.memory_space<hbm>>
      %dma_start3A_341 = tpu.memref_slice %arg2[%add3A, %mul3A_338] : memref<32x10240xi32, #tpu.memory_space<hbm>> -> memref<1x1024xi32, #tpu.memory_space<hbm>>
      %dma_start3A_342 = tpu.memref_squeeze %dma_start3A_341 : memref<1x1024xi32, #tpu.memory_space<hbm>> -> memref<1024xi32, #tpu.memory_space<hbm>>
      tpu.enqueue_dma source(%dma_start3A_342 : memref<1024xi32, #tpu.memory_space<hbm>>) target(%arg20 : memref<1024xi32, #tpu.memory_space<vmem>>) target_semaphore(%arg24 : memref<!tpu.dma_semaphore, #tpu.memory_space<semaphore_mem>>)
      %mul3A_343 = arith.constant 1024 : i32
      %mul3A_344 = arith.muli %add3A_336, %mul3A_343 : i32
      %dma_start3A_345 = tpu.memref_slice %arg3[%add3A, %mul3A_344] : memref<32x10240xi32, #tpu.memory_space<hbm>> -> memref<1x1024xi32, #tpu.memory_space<hbm>>
      %dma_start3A_346 = tpu.memref_squeeze %dma_start3A_345 : memref<1x1024xi32, #tpu.memory_space<hbm>> -> memref<1024xi32, #tpu.memory_space<hbm>>
      %dma_start3A_347 = tpu.memref_slice %arg3[%add3A, %mul3A_344] : memref<32x10240xi32, #tpu.memory_space<hbm>> -> memref<1x1024xi32, #tpu.memory_space<hbm>>
      %dma_start3A_348 = tpu.memref_squeeze %dma_start3A_347 : memref<1x1024xi32, #tpu.memory_space<hbm>> -> memref<1024xi32, #tpu.memory_space<hbm>>
      tpu.enqueue_dma source(%dma_start3A_348 : memref<1024xi32, #tpu.memory_space<hbm>>) target(%arg21 : memref<1024xi32, #tpu.memory_space<vmem>>) target_semaphore(%arg24 : memref<!tpu.dma_semaphore, #tpu.memory_space<semaphore_mem>>)
      %dma_wait3A_349 = arith.constant 0 : i32
      %dma_wait3A_350 = tpu.memref_slice %arg2[%add3A, %dma_wait3A_349] : memref<32x10240xi32, #tpu.memory_space<hbm>> -> memref<1x1024xi32, #tpu.memory_space<hbm>>
      %dma_wait3A_351 = tpu.memref_squeeze %dma_wait3A_350 : memref<1x1024xi32, #tpu.memory_space<hbm>> -> memref<1024xi32, #tpu.memory_space<hbm>>
      %dma_wait3A_352 = arith.constant 0 : i32
      %dma_wait3A_353 = tpu.memref_slice %arg2[%add3A, %dma_wait3A_352] : memref<32x10240xi32, #tpu.memory_space<hbm>> -> memref<1x1024xi32, #tpu.memory_space<hbm>>
      %dma_wait3A_354 = tpu.memref_squeeze %dma_wait3A_353 : memref<1x1024xi32, #tpu.memory_space<hbm>> -> memref<1024xi32, #tpu.memory_space<hbm>>
      tpu.wait_dma2 semaphore(%arg19 : memref<!tpu.dma_semaphore, #tpu.memory_space<semaphore_mem>>) src(%dma_wait3A_354 : memref<1024xi32, #tpu.memory_space<hbm>>) dst(%arg15 : memref<1024xi32, #tpu.memory_space<vmem>>)
      %dma_wait3A_355 = arith.constant 0 : i32
      %dma_wait3A_356 = tpu.memref_slice %arg3[%add3A, %dma_wait3A_355] : memref<32x10240xi32, #tpu.memory_space<hbm>> -> memref<1x1024xi32, #tpu.memory_space<hbm>>
      %dma_wait3A_357 = tpu.memref_squeeze %dma_wait3A_356 : memref<1x1024xi32, #tpu.memory_space<hbm>> -> memref<1024xi32, #tpu.memory_space<hbm>>
      %dma_wait3A_358 = arith.constant 0 : i32
      %dma_wait3A_359 = tpu.memref_slice %arg3[%add3A, %dma_wait3A_358] : memref<32x10240xi32, #tpu.memory_space<hbm>> -> memref<1x1024xi32, #tpu.memory_space<hbm>>
      %dma_wait3A_360 = tpu.memref_squeeze %dma_wait3A_359 : memref<1x1024xi32, #tpu.memory_space<hbm>> -> memref<1024xi32, #tpu.memory_space<hbm>>
      tpu.wait_dma2 semaphore(%arg19 : memref<!tpu.dma_semaphore, #tpu.memory_space<semaphore_mem>>) src(%dma_wait3A_360 : memref<1024xi32, #tpu.memory_space<hbm>>) dst(%arg16 : memref<1024xi32, #tpu.memory_space<vmem>>)
      %dma_start3A_361 = arith.constant 0 : i32
      %dma_start3A_362 = arith.constant 0 : i32
      %dma_start3A_363 = tpu.memref_slice %arg13[%dma_start3A_361, %dma_start3A_362] : memref<10240x16xf32, #tpu.memory_space<vmem_shared>> -> memref<10240x16xf32, #tpu.memory_space<vmem_shared>>
      tpu.enqueue_indirect_dma source(%dma_start3A_363 : memref<10240x16xf32, #tpu.memory_space<vmem_shared>>) target(%arg17 : memref<1024x16xf32, #tpu.memory_space<vmem>>) offsets(%arg15 : memref<1024xi32, #tpu.memory_space<vmem>>) semaphore(%arg18 : memref<!tpu.dma_semaphore, #tpu.memory_space<semaphore_mem>>)
      %scan3A_364 = arith.constant 0 : i32
      scf.yield %scan3A_364 : i32
    }
    %scan3A_88 = arith.constant 4 : i32
    %dma_wait3A_89 = arith.constant 0 : i32
    %dma_wait3A_90 = tpu.memref_slice %arg2[%add3A, %dma_wait3A_89] : memref<32x10240xi32, #tpu.memory_space<hbm>> -> memref<1x1024xi32, #tpu.memory_space<hbm>>
    %dma_wait3A_91 = tpu.memref_squeeze %dma_wait3A_90 : memref<1x1024xi32, #tpu.memory_space<hbm>> -> memref<1024xi32, #tpu.memory_space<hbm>>
    %dma_wait3A_92 = arith.constant 0 : i32
    %dma_wait3A_93 = tpu.memref_slice %arg2[%add3A, %dma_wait3A_92] : memref<32x10240xi32, #tpu.memory_space<hbm>> -> memref<1x1024xi32, #tpu.memory_space<hbm>>
    %dma_wait3A_94 = tpu.memref_squeeze %dma_wait3A_93 : memref<1x1024xi32, #tpu.memory_space<hbm>> -> memref<1024xi32, #tpu.memory_space<hbm>>
    tpu.wait_dma2 semaphore(%arg24 : memref<!tpu.dma_semaphore, #tpu.memory_space<semaphore_mem>>) src(%dma_wait3A_94 : memref<1024xi32, #tpu.memory_space<hbm>>) dst(%arg20 : memref<1024xi32, #tpu.memory_space<vmem>>)
    %dma_wait3A_95 = arith.constant 0 : i32
    %dma_wait3A_96 = tpu.memref_slice %arg3[%add3A, %dma_wait3A_95] : memref<32x10240xi32, #tpu.memory_space<hbm>> -> memref<1x1024xi32, #tpu.memory_space<hbm>>
    %dma_wait3A_97 = tpu.memref_squeeze %dma_wait3A_96 : memref<1x1024xi32, #tpu.memory_space<hbm>> -> memref<1024xi32, #tpu.memory_space<hbm>>
    %dma_wait3A_98 = arith.constant 0 : i32
    %dma_wait3A_99 = tpu.memref_slice %arg3[%add3A, %dma_wait3A_98] : memref<32x10240xi32, #tpu.memory_space<hbm>> -> memref<1x1024xi32, #tpu.memory_space<hbm>>
    %dma_wait3A_100 = tpu.memref_squeeze %dma_wait3A_99 : memref<1x1024xi32, #tpu.memory_space<hbm>> -> memref<1024xi32, #tpu.memory_space<hbm>>
    tpu.wait_dma2 semaphore(%arg24 : memref<!tpu.dma_semaphore, #tpu.memory_space<semaphore_mem>>) src(%dma_wait3A_100 : memref<1024xi32, #tpu.memory_space<hbm>>) dst(%arg21 : memref<1024xi32, #tpu.memory_space<vmem>>)
    %dma_start3A_101 = arith.constant 0 : i32
    %dma_start3A_102 = arith.constant 0 : i32
    %dma_start3A_103 = tpu.memref_slice %arg13[%dma_start3A_101, %dma_start3A_102] : memref<10240x16xf32, #tpu.memory_space<vmem_shared>> -> memref<10240x16xf32, #tpu.memory_space<vmem_shared>>
    tpu.enqueue_indirect_dma source(%dma_start3A_103 : memref<10240x16xf32, #tpu.memory_space<vmem_shared>>) target(%arg22 : memref<1024x16xf32, #tpu.memory_space<vmem>>) offsets(%arg20 : memref<1024xi32, #tpu.memory_space<vmem>>) semaphore(%arg23 : memref<!tpu.dma_semaphore, #tpu.memory_space<semaphore_mem>>)
    %dma_wait3A_104 = arith.constant 0 : i32
    %dma_wait3A_105 = arith.constant 0 : i32
    %dma_wait3A_106 = tpu.memref_slice %arg13[%dma_wait3A_104, %dma_wait3A_105] : memref<10240x16xf32, #tpu.memory_space<vmem_shared>> -> memref<10240x16xf32, #tpu.memory_space<vmem_shared>>
    tpu.wait_indirect_dma semaphore(%arg18 : memref<!tpu.dma_semaphore, #tpu.memory_space<semaphore_mem>>) src(%dma_wait3A_106 : memref<10240x16xf32, #tpu.memory_space<vmem_shared>>) dst(%arg17 : memref<1024x16xf32, #tpu.memory_space<vmem>>)
    "tpu.region"() ({
      %run_scoped3A = tpu.sem_alloc : memref<!tpu.dma_semaphore, #tpu.memory_space<semaphore_mem>>
      %dma_start3A_294 = arith.constant 0 : i32
      %dma_start3A_295 = arith.constant 0 : i32
      %dma_start3A_296 = tpu.memref_slice %arg14[%dma_start3A_294, %dma_start3A_295] : memref<10240x16xf32, #tpu.memory_space<vmem_shared>> -> memref<10240x16xf32, #tpu.memory_space<vmem_shared>>
      tpu.enqueue_indirect_dma source(%arg17 : memref<1024x16xf32, #tpu.memory_space<vmem>>) target(%dma_start3A_296 : memref<10240x16xf32, #tpu.memory_space<vmem_shared>>) offsets(%arg16 : memref<1024xi32, #tpu.memory_space<vmem>>) semaphore(%run_scoped3A : memref<!tpu.dma_semaphore, #tpu.memory_space<semaphore_mem>>) {add = true}
      %dma_wait3A_297 = arith.constant 0 : i32
      %dma_wait3A_298 = arith.constant 0 : i32
      %dma_wait3A_299 = tpu.memref_slice %arg14[%dma_wait3A_297, %dma_wait3A_298] : memref<10240x16xf32, #tpu.memory_space<vmem_shared>> -> memref<10240x16xf32, #tpu.memory_space<vmem_shared>>
      tpu.wait_indirect_dma semaphore(%run_scoped3A : memref<!tpu.dma_semaphore, #tpu.memory_space<semaphore_mem>>) src(%arg17 : memref<1024x16xf32, #tpu.memory_space<vmem>>) dst(%dma_wait3A_299 : memref<10240x16xf32, #tpu.memory_space<vmem_shared>>)
      tpu.yield
    }) : () -> ()
    %dma_wait3A_107 = arith.constant 0 : i32
    %dma_wait3A_108 = arith.constant 0 : i32
    %dma_wait3A_109 = tpu.memref_slice %arg13[%dma_wait3A_107, %dma_wait3A_108] : memref<10240x16xf32, #tpu.memory_space<vmem_shared>> -> memref<10240x16xf32, #tpu.memory_space<vmem_shared>>
    tpu.wait_indirect_dma semaphore(%arg23 : memref<!tpu.dma_semaphore, #tpu.memory_space<semaphore_mem>>) src(%dma_wait3A_109 : memref<10240x16xf32, #tpu.memory_space<vmem_shared>>) dst(%arg22 : memref<1024x16xf32, #tpu.memory_space<vmem>>)
    "tpu.region"() ({
      %run_scoped3A = tpu.sem_alloc : memref<!tpu.dma_semaphore, #tpu.memory_space<semaphore_mem>>
      %dma_start3A_294 = arith.constant 0 : i32
      %dma_start3A_295 = arith.constant 0 : i32
      %dma_start3A_296 = tpu.memref_slice %arg14[%dma_start3A_294, %dma_start3A_295] : memref<10240x16xf32, #tpu.memory_space<vmem_shared>> -> memref<10240x16xf32, #tpu.memory_space<vmem_shared>>
      tpu.enqueue_indirect_dma source(%arg22 : memref<1024x16xf32, #tpu.memory_space<vmem>>) target(%dma_start3A_296 : memref<10240x16xf32, #tpu.memory_space<vmem_shared>>) offsets(%arg21 : memref<1024xi32, #tpu.memory_space<vmem>>) semaphore(%run_scoped3A : memref<!tpu.dma_semaphore, #tpu.memory_space<semaphore_mem>>) {add = true}
      %dma_wait3A_297 = arith.constant 0 : i32
      %dma_wait3A_298 = arith.constant 0 : i32
      %dma_wait3A_299 = tpu.memref_slice %arg14[%dma_wait3A_297, %dma_wait3A_298] : memref<10240x16xf32, #tpu.memory_space<vmem_shared>> -> memref<10240x16xf32, #tpu.memory_space<vmem_shared>>
      tpu.wait_indirect_dma semaphore(%run_scoped3A : memref<!tpu.dma_semaphore, #tpu.memory_space<semaphore_mem>>) src(%arg22 : memref<1024x16xf32, #tpu.memory_space<vmem>>) dst(%dma_wait3A_299 : memref<10240x16xf32, #tpu.memory_space<vmem_shared>>)
      tpu.yield
    }) : () -> ()
    %barrier3A_110 = arith.constant 0 : index
    tpu.barrier barrier_id(%barrier3A_110)
    %iota3A = tpu.iota {dimensions = array<i32: 0>} : vector<16xi32>
    %mul3A_111 = arith.constant 640 : i32
    %mul3A_112 = arith.muli %arg1, %mul3A_111 : i32
    %dma_start3A_113 = arith.constant 0 : i32
    %dma_start3A_114 = arith.constant 0 : i32
    %dma_start3A_115 = tpu.memref_slice %arg17[%dma_start3A_113, %dma_start3A_114] : memref<1024x16xf32, #tpu.memory_space<vmem>> -> memref<128x16xf32, #tpu.memory_space<vmem>>
    %dma_start3A_116 = arith.constant 0 : i32
    %dma_start3A_117 = tpu.memref_slice %arg14[%mul3A_112, %dma_start3A_116] : memref<10240x16xf32, #tpu.memory_space<vmem_shared>> -> memref<128x16xf32, #tpu.memory_space<vmem_shared>>
    %dma_start3A_118 = arith.constant 0 : i32
    %dma_start3A_119 = arith.constant 0 : i32
    %dma_start3A_120 = tpu.memref_slice %arg17[%dma_start3A_118, %dma_start3A_119] : memref<1024x16xf32, #tpu.memory_space<vmem>> -> memref<128x16xf32, #tpu.memory_space<vmem>>
    %dma_start3A_121 = arith.constant 0 : i32
    %dma_start3A_122 = tpu.memref_slice %arg14[%mul3A_112, %dma_start3A_121] : memref<10240x16xf32, #tpu.memory_space<vmem_shared>> -> memref<128x16xf32, #tpu.memory_space<vmem_shared>>
    tpu.enqueue_dma source(%dma_start3A_122 : memref<128x16xf32, #tpu.memory_space<vmem_shared>>) target(%dma_start3A_120 : memref<128x16xf32, #tpu.memory_space<vmem>>) target_semaphore(%arg18 : memref<!tpu.dma_semaphore, #tpu.memory_space<semaphore_mem>>)
    %mul3A_123 = arith.constant 640 : i32
    %mul3A_124 = arith.muli %arg1, %mul3A_123 : i32
    %dma_wait3A_125 = arith.constant 0 : i32
    %dma_wait3A_126 = arith.constant 0 : i32
    %dma_wait3A_127 = tpu.memref_slice %arg17[%dma_wait3A_125, %dma_wait3A_126] : memref<1024x16xf32, #tpu.memory_space<vmem>> -> memref<128x16xf32, #tpu.memory_space<vmem>>
    %dma_wait3A_128 = arith.constant 0 : i32
    %dma_wait3A_129 = tpu.memref_slice %arg14[%mul3A_124, %dma_wait3A_128] : memref<10240x16xf32, #tpu.memory_space<vmem_shared>> -> memref<128x16xf32, #tpu.memory_space<vmem_shared>>
    %dma_wait3A_130 = arith.constant 0 : i32
    %dma_wait3A_131 = arith.constant 0 : i32
    %dma_wait3A_132 = tpu.memref_slice %arg17[%dma_wait3A_130, %dma_wait3A_131] : memref<1024x16xf32, #tpu.memory_space<vmem>> -> memref<128x16xf32, #tpu.memory_space<vmem>>
    %dma_wait3A_133 = arith.constant 0 : i32
    %dma_wait3A_134 = tpu.memref_slice %arg14[%mul3A_124, %dma_wait3A_133] : memref<10240x16xf32, #tpu.memory_space<vmem_shared>> -> memref<128x16xf32, #tpu.memory_space<vmem_shared>>
    tpu.wait_dma2 semaphore(%arg18 : memref<!tpu.dma_semaphore, #tpu.memory_space<semaphore_mem>>) src(%dma_wait3A_134 : memref<128x16xf32, #tpu.memory_space<vmem_shared>>) dst(%dma_wait3A_132 : memref<128x16xf32, #tpu.memory_space<vmem>>)
    %mul3A_135 = arith.constant 640 : i32
    %mul3A_136 = arith.muli %arg1, %mul3A_135 : i32
    %add3A_137 = arith.constant 128 : i32
    %add3A_138 = arith.addi %mul3A_136, %add3A_137 : i32
    %dma_start3A_139 = arith.constant 0 : i32
    %dma_start3A_140 = arith.constant 0 : i32
    %dma_start3A_141 = tpu.memref_slice %arg22[%dma_start3A_139, %dma_start3A_140] : memref<1024x16xf32, #tpu.memory_space<vmem>> -> memref<128x16xf32, #tpu.memory_space<vmem>>
    %dma_start3A_142 = arith.constant 0 : i32
    %dma_start3A_143 = tpu.memref_slice %arg14[%add3A_138, %dma_start3A_142] : memref<10240x16xf32, #tpu.memory_space<vmem_shared>> -> memref<128x16xf32, #tpu.memory_space<vmem_shared>>
    %dma_start3A_144 = arith.constant 0 : i32
    %dma_start3A_145 = arith.constant 0 : i32
    %dma_start3A_146 = tpu.memref_slice %arg22[%dma_start3A_144, %dma_start3A_145] : memref<1024x16xf32, #tpu.memory_space<vmem>> -> memref<128x16xf32, #tpu.memory_space<vmem>>
    %dma_start3A_147 = arith.constant 0 : i32
    %dma_start3A_148 = tpu.memref_slice %arg14[%add3A_138, %dma_start3A_147] : memref<10240x16xf32, #tpu.memory_space<vmem_shared>> -> memref<128x16xf32, #tpu.memory_space<vmem_shared>>
    tpu.enqueue_dma source(%dma_start3A_148 : memref<128x16xf32, #tpu.memory_space<vmem_shared>>) target(%dma_start3A_146 : memref<128x16xf32, #tpu.memory_space<vmem>>) target_semaphore(%arg23 : memref<!tpu.dma_semaphore, #tpu.memory_space<semaphore_mem>>)
    %scan3A_149 = arith.constant 0 : i32
    %scan3A_150 = arith.constant 0 : i32
    %scan3A_151 = arith.constant 128 : i32
    %scan3A_152 = arith.addi %scan3A_150, %scan3A_151 : i32
    %scan3A_153 = arith.constant 8 : i32
    %scan3A_154 = scf.for %scan3A_294 = %scan3A_150 to %scan3A_152 step %scan3A_153 iter_args(%scan3A_295 = %scan3A_149) -> (i32)  : i32 {
      %get3A_296 = arith.index_cast %scan3A_294 : i32 to index
      %get3A_297 = arith.constant 0 : index
      %get3A_298 = tpu.vector_load %arg17[%get3A_296, %get3A_297] {strides = array<i32>} : memref<1024x16xf32, #tpu.memory_space<vmem>>, vector<16xf32>,
      %broadcast_in_dim3A = vector.broadcast %scan3A_294 : i32 to vector<16xi32>
      tpu.vector_store_idx %arg12[%iota3A, %broadcast_in_dim3A], %get3A_298 : memref<16x128xf32, #tpu.memory_space<vmem>>[vector<16xi32>, vector<16xi32>], vector<16xf32>,
      %scan3A_299 = arith.constant 0 : i32
      %scan3A_300 = arith.constant 1 : i32
      %scan3A_301 = arith.addi %scan3A_294, %scan3A_300 : i32
      %get3A_302 = arith.index_cast %scan3A_301 : i32 to index
      %get3A_303 = arith.constant 0 : index
      %get3A_304 = tpu.vector_load %arg17[%get3A_302, %get3A_303] {strides = array<i32>} : memref<1024x16xf32, #tpu.memory_space<vmem>>, vector<16xf32>,
      %broadcast_in_dim3A_305 = vector.broadcast %scan3A_301 : i32 to vector<16xi32>
      tpu.vector_store_idx %arg12[%iota3A, %broadcast_in_dim3A_305], %get3A_304 : memref<16x128xf32, #tpu.memory_space<vmem>>[vector<16xi32>, vector<16xi32>], vector<16xf32>,
      %scan3A_306 = arith.constant 0 : i32
      %scan3A_307 = arith.constant 2 : i32
      %scan3A_308 = arith.addi %scan3A_294, %scan3A_307 : i32
      %get3A_309 = arith.index_cast %scan3A_308 : i32 to index
      %get3A_310 = arith.constant 0 : index
      %get3A_311 = tpu.vector_load %arg17[%get3A_309, %get3A_310] {strides = array<i32>} : memref<1024x16xf32, #tpu.memory_space<vmem>>, vector<16xf32>,
      %broadcast_in_dim3A_312 = vector.broadcast %scan3A_308 : i32 to vector<16xi32>
      tpu.vector_store_idx %arg12[%iota3A, %broadcast_in_dim3A_312], %get3A_311 : memref<16x128xf32, #tpu.memory_space<vmem>>[vector<16xi32>, vector<16xi32>], vector<16xf32>,
      %scan3A_313 = arith.constant 0 : i32
      %scan3A_314 = arith.constant 3 : i32
      %scan3A_315 = arith.addi %scan3A_294, %scan3A_314 : i32
      %get3A_316 = arith.index_cast %scan3A_315 : i32 to index
      %get3A_317 = arith.constant 0 : index
      %get3A_318 = tpu.vector_load %arg17[%get3A_316, %get3A_317] {strides = array<i32>} : memref<1024x16xf32, #tpu.memory_space<vmem>>, vector<16xf32>,
      %broadcast_in_dim3A_319 = vector.broadcast %scan3A_315 : i32 to vector<16xi32>
      tpu.vector_store_idx %arg12[%iota3A, %broadcast_in_dim3A_319], %get3A_318 : memref<16x128xf32, #tpu.memory_space<vmem>>[vector<16xi32>, vector<16xi32>], vector<16xf32>,
      %scan3A_320 = arith.constant 0 : i32
      %scan3A_321 = arith.constant 4 : i32
      %scan3A_322 = arith.addi %scan3A_294, %scan3A_321 : i32
      %get3A_323 = arith.index_cast %scan3A_322 : i32 to index
      %get3A_324 = arith.constant 0 : index
      %get3A_325 = tpu.vector_load %arg17[%get3A_323, %get3A_324] {strides = array<i32>} : memref<1024x16xf32, #tpu.memory_space<vmem>>, vector<16xf32>,
      %broadcast_in_dim3A_326 = vector.broadcast %scan3A_322 : i32 to vector<16xi32>
      tpu.vector_store_idx %arg12[%iota3A, %broadcast_in_dim3A_326], %get3A_325 : memref<16x128xf32, #tpu.memory_space<vmem>>[vector<16xi32>, vector<16xi32>], vector<16xf32>,
      %scan3A_327 = arith.constant 0 : i32
      %scan3A_328 = arith.constant 5 : i32
      %scan3A_329 = arith.addi %scan3A_294, %scan3A_328 : i32
      %get3A_330 = arith.index_cast %scan3A_329 : i32 to index
      %get3A_331 = arith.constant 0 : index
      %get3A_332 = tpu.vector_load %arg17[%get3A_330, %get3A_331] {strides = array<i32>} : memref<1024x16xf32, #tpu.memory_space<vmem>>, vector<16xf32>,
      %broadcast_in_dim3A_333 = vector.broadcast %scan3A_329 : i32 to vector<16xi32>
      tpu.vector_store_idx %arg12[%iota3A, %broadcast_in_dim3A_333], %get3A_332 : memref<16x128xf32, #tpu.memory_space<vmem>>[vector<16xi32>, vector<16xi32>], vector<16xf32>,
      %scan3A_334 = arith.constant 0 : i32
      %scan3A_335 = arith.constant 6 : i32
      %scan3A_336 = arith.addi %scan3A_294, %scan3A_335 : i32
      %get3A_337 = arith.index_cast %scan3A_336 : i32 to index
      %get3A_338 = arith.constant 0 : index
      %get3A_339 = tpu.vector_load %arg17[%get3A_337, %get3A_338] {strides = array<i32>} : memref<1024x16xf32, #tpu.memory_space<vmem>>, vector<16xf32>,
      %broadcast_in_dim3A_340 = vector.broadcast %scan3A_336 : i32 to vector<16xi32>
      tpu.vector_store_idx %arg12[%iota3A, %broadcast_in_dim3A_340], %get3A_339 : memref<16x128xf32, #tpu.memory_space<vmem>>[vector<16xi32>, vector<16xi32>], vector<16xf32>,
      %scan3A_341 = arith.constant 0 : i32
      %scan3A_342 = arith.constant 7 : i32
      %scan3A_343 = arith.addi %scan3A_294, %scan3A_342 : i32
      %get3A_344 = arith.index_cast %scan3A_343 : i32 to index
      %get3A_345 = arith.constant 0 : index
      %get3A_346 = tpu.vector_load %arg17[%get3A_344, %get3A_345] {strides = array<i32>} : memref<1024x16xf32, #tpu.memory_space<vmem>>, vector<16xf32>,
      %broadcast_in_dim3A_347 = vector.broadcast %scan3A_343 : i32 to vector<16xi32>
      tpu.vector_store_idx %arg12[%iota3A, %broadcast_in_dim3A_347], %get3A_346 : memref<16x128xf32, #tpu.memory_space<vmem>>[vector<16xi32>, vector<16xi32>], vector<16xf32>,
      %scan3A_348 = arith.constant 0 : i32
      scf.yield %scan3A_348 : i32
    }
    %scan3A_155 = arith.constant 128 : i32
    %mul3A_156 = arith.constant 640 : i32
    %mul3A_157 = arith.muli %arg1, %mul3A_156 : i32
    %add3A_158 = arith.constant 0 : i32
    %add3A_159 = arith.addi %mul3A_157, %add3A_158 : i32
    "tpu.region"() ({
      %run_scoped3A = tpu.sem_alloc : memref<!tpu.dma_semaphore, #tpu.memory_space<semaphore_mem>>
      %dma_start3A_294 = arith.constant 0 : i32
      %dma_start3A_295 = tpu.memref_slice %arg7[%arg0, %dma_start3A_294, %add3A_159] : memref<2x16x10240xf32, #tpu.memory_space<hbm>> -> memref<1x16x128xf32, #tpu.memory_space<hbm>>
      %dma_start3A_296 = tpu.memref_squeeze %dma_start3A_295 : memref<1x16x128xf32, #tpu.memory_space<hbm>> -> memref<16x128xf32, #tpu.memory_space<hbm>>
      %dma_start3A_297 = arith.constant 0 : i32
      %dma_start3A_298 = tpu.memref_slice %arg7[%arg0, %dma_start3A_297, %add3A_159] : memref<2x16x10240xf32, #tpu.memory_space<hbm>> -> memref<1x16x128xf32, #tpu.memory_space<hbm>>
      %dma_start3A_299 = tpu.memref_squeeze %dma_start3A_298 : memref<1x16x128xf32, #tpu.memory_space<hbm>> -> memref<16x128xf32, #tpu.memory_space<hbm>>
      tpu.enqueue_dma source(%arg12 : memref<16x128xf32, #tpu.memory_space<vmem>>) target(%dma_start3A_299 : memref<16x128xf32, #tpu.memory_space<hbm>>) target_semaphore(%run_scoped3A : memref<!tpu.dma_semaphore, #tpu.memory_space<semaphore_mem>>)
      %dma_wait3A_300 = arith.constant 0 : i32
      %dma_wait3A_301 = tpu.memref_slice %arg7[%arg0, %dma_wait3A_300, %add3A_159] : memref<2x16x10240xf32, #tpu.memory_space<hbm>> -> memref<1x16x128xf32, #tpu.memory_space<hbm>>
      %dma_wait3A_302 = tpu.memref_squeeze %dma_wait3A_301 : memref<1x16x128xf32, #tpu.memory_space<hbm>> -> memref<16x128xf32, #tpu.memory_space<hbm>>
      %dma_wait3A_303 = arith.constant 0 : i32
      %dma_wait3A_304 = tpu.memref_slice %arg7[%arg0, %dma_wait3A_303, %add3A_159] : memref<2x16x10240xf32, #tpu.memory_space<hbm>> -> memref<1x16x128xf32, #tpu.memory_space<hbm>>
      %dma_wait3A_305 = tpu.memref_squeeze %dma_wait3A_304 : memref<1x16x128xf32, #tpu.memory_space<hbm>> -> memref<16x128xf32, #tpu.memory_space<hbm>>
      tpu.wait_dma2 semaphore(%run_scoped3A : memref<!tpu.dma_semaphore, #tpu.memory_space<semaphore_mem>>) src(%arg12 : memref<16x128xf32, #tpu.memory_space<vmem>>) dst(%dma_wait3A_305 : memref<16x128xf32, #tpu.memory_space<hbm>>)
      tpu.yield
    }) : () -> ()
    %mul3A_160 = arith.constant 640 : i32
    %mul3A_161 = arith.muli %arg1, %mul3A_160 : i32
    %dma_wait3A_162 = arith.constant 0 : i32
    %dma_wait3A_163 = arith.constant 0 : i32
    %dma_wait3A_164 = tpu.memref_slice %arg22[%dma_wait3A_162, %dma_wait3A_163] : memref<1024x16xf32, #tpu.memory_space<vmem>> -> memref<128x16xf32, #tpu.memory_space<vmem>>
    %dma_wait3A_165 = arith.constant 0 : i32
    %dma_wait3A_166 = tpu.memref_slice %arg14[%mul3A_161, %dma_wait3A_165] : memref<10240x16xf32, #tpu.memory_space<vmem_shared>> -> memref<128x16xf32, #tpu.memory_space<vmem_shared>>
    %dma_wait3A_167 = arith.constant 0 : i32
    %dma_wait3A_168 = arith.constant 0 : i32
    %dma_wait3A_169 = tpu.memref_slice %arg22[%dma_wait3A_167, %dma_wait3A_168] : memref<1024x16xf32, #tpu.memory_space<vmem>> -> memref<128x16xf32, #tpu.memory_space<vmem>>
    %dma_wait3A_170 = arith.constant 0 : i32
    %dma_wait3A_171 = tpu.memref_slice %arg14[%mul3A_161, %dma_wait3A_170] : memref<10240x16xf32, #tpu.memory_space<vmem_shared>> -> memref<128x16xf32, #tpu.memory_space<vmem_shared>>
    tpu.wait_dma2 semaphore(%arg23 : memref<!tpu.dma_semaphore, #tpu.memory_space<semaphore_mem>>) src(%dma_wait3A_171 : memref<128x16xf32, #tpu.memory_space<vmem_shared>>) dst(%dma_wait3A_169 : memref<128x16xf32, #tpu.memory_space<vmem>>)
    %mul3A_172 = arith.constant 640 : i32
    %mul3A_173 = arith.muli %arg1, %mul3A_172 : i32
    %add3A_174 = arith.constant 256 : i32
    %add3A_175 = arith.addi %mul3A_173, %add3A_174 : i32
    %dma_start3A_176 = arith.constant 0 : i32
    %dma_start3A_177 = arith.constant 0 : i32
    %dma_start3A_178 = tpu.memref_slice %arg17[%dma_start3A_176, %dma_start3A_177] : memref<1024x16xf32, #tpu.memory_space<vmem>> -> memref<128x16xf32, #tpu.memory_space<vmem>>
    %dma_start3A_179 = arith.constant 0 : i32
    %dma_start3A_180 = tpu.memref_slice %arg14[%add3A_175, %dma_start3A_179] : memref<10240x16xf32, #tpu.memory_space<vmem_shared>> -> memref<128x16xf32, #tpu.memory_space<vmem_shared>>
    %dma_start3A_181 = arith.constant 0 : i32
    %dma_start3A_182 = arith.constant 0 : i32
    %dma_start3A_183 = tpu.memref_slice %arg17[%dma_start3A_181, %dma_start3A_182] : memref<1024x16xf32, #tpu.memory_space<vmem>> -> memref<128x16xf32, #tpu.memory_space<vmem>>
    %dma_start3A_184 = arith.constant 0 : i32
    %dma_start3A_185 = tpu.memref_slice %arg14[%add3A_175, %dma_start3A_184] : memref<10240x16xf32, #tpu.memory_space<vmem_shared>> -> memref<128x16xf32, #tpu.memory_space<vmem_shared>>
    tpu.enqueue_dma source(%dma_start3A_185 : memref<128x16xf32, #tpu.memory_space<vmem_shared>>) target(%dma_start3A_183 : memref<128x16xf32, #tpu.memory_space<vmem>>) target_semaphore(%arg18 : memref<!tpu.dma_semaphore, #tpu.memory_space<semaphore_mem>>)
    %scan3A_186 = arith.constant 0 : i32
    %scan3A_187 = arith.constant 0 : i32
    %scan3A_188 = arith.constant 128 : i32
    %scan3A_189 = arith.addi %scan3A_187, %scan3A_188 : i32
    %scan3A_190 = arith.constant 8 : i32
    %scan3A_191 = scf.for %scan3A_294 = %scan3A_187 to %scan3A_189 step %scan3A_190 iter_args(%scan3A_295 = %scan3A_186) -> (i32)  : i32 {
      %get3A_296 = arith.index_cast %scan3A_294 : i32 to index
      %get3A_297 = arith.constant 0 : index
      %get3A_298 = tpu.vector_load %arg22[%get3A_296, %get3A_297] {strides = array<i32>} : memref<1024x16xf32, #tpu.memory_space<vmem>>, vector<16xf32>,
      %broadcast_in_dim3A = vector.broadcast %scan3A_294 : i32 to vector<16xi32>
      tpu.vector_store_idx %arg12[%iota3A, %broadcast_in_dim3A], %get3A_298 : memref<16x128xf32, #tpu.memory_space<vmem>>[vector<16xi32>, vector<16xi32>], vector<16xf32>,
      %scan3A_299 = arith.constant 0 : i32
      %scan3A_300 = arith.constant 1 : i32
      %scan3A_301 = arith.addi %scan3A_294, %scan3A_300 : i32
      %get3A_302 = arith.index_cast %scan3A_301 : i32 to index
      %get3A_303 = arith.constant 0 : index
      %get3A_304 = tpu.vector_load %arg22[%get3A_302, %get3A_303] {strides = array<i32>} : memref<1024x16xf32, #tpu.memory_space<vmem>>, vector<16xf32>,
      %broadcast_in_dim3A_305 = vector.broadcast %scan3A_301 : i32 to vector<16xi32>
      tpu.vector_store_idx %arg12[%iota3A, %broadcast_in_dim3A_305], %get3A_304 : memref<16x128xf32, #tpu.memory_space<vmem>>[vector<16xi32>, vector<16xi32>], vector<16xf32>,
      %scan3A_306 = arith.constant 0 : i32
      %scan3A_307 = arith.constant 2 : i32
      %scan3A_308 = arith.addi %scan3A_294, %scan3A_307 : i32
      %get3A_309 = arith.index_cast %scan3A_308 : i32 to index
      %get3A_310 = arith.constant 0 : index
      %get3A_311 = tpu.vector_load %arg22[%get3A_309, %get3A_310] {strides = array<i32>} : memref<1024x16xf32, #tpu.memory_space<vmem>>, vector<16xf32>,
      %broadcast_in_dim3A_312 = vector.broadcast %scan3A_308 : i32 to vector<16xi32>
      tpu.vector_store_idx %arg12[%iota3A, %broadcast_in_dim3A_312], %get3A_311 : memref<16x128xf32, #tpu.memory_space<vmem>>[vector<16xi32>, vector<16xi32>], vector<16xf32>,
      %scan3A_313 = arith.constant 0 : i32
      %scan3A_314 = arith.constant 3 : i32
      %scan3A_315 = arith.addi %scan3A_294, %scan3A_314 : i32
      %get3A_316 = arith.index_cast %scan3A_315 : i32 to index
      %get3A_317 = arith.constant 0 : index
      %get3A_318 = tpu.vector_load %arg22[%get3A_316, %get3A_317] {strides = array<i32>} : memref<1024x16xf32, #tpu.memory_space<vmem>>, vector<16xf32>,
      %broadcast_in_dim3A_319 = vector.broadcast %scan3A_315 : i32 to vector<16xi32>
      tpu.vector_store_idx %arg12[%iota3A, %broadcast_in_dim3A_319], %get3A_318 : memref<16x128xf32, #tpu.memory_space<vmem>>[vector<16xi32>, vector<16xi32>], vector<16xf32>,
      %scan3A_320 = arith.constant 0 : i32
      %scan3A_321 = arith.constant 4 : i32
      %scan3A_322 = arith.addi %scan3A_294, %scan3A_321 : i32
      %get3A_323 = arith.index_cast %scan3A_322 : i32 to index
      %get3A_324 = arith.constant 0 : index
      %get3A_325 = tpu.vector_load %arg22[%get3A_323, %get3A_324] {strides = array<i32>} : memref<1024x16xf32, #tpu.memory_space<vmem>>, vector<16xf32>,
      %broadcast_in_dim3A_326 = vector.broadcast %scan3A_322 : i32 to vector<16xi32>
      tpu.vector_store_idx %arg12[%iota3A, %broadcast_in_dim3A_326], %get3A_325 : memref<16x128xf32, #tpu.memory_space<vmem>>[vector<16xi32>, vector<16xi32>], vector<16xf32>,
      %scan3A_327 = arith.constant 0 : i32
      %scan3A_328 = arith.constant 5 : i32
      %scan3A_329 = arith.addi %scan3A_294, %scan3A_328 : i32
      %get3A_330 = arith.index_cast %scan3A_329 : i32 to index
      %get3A_331 = arith.constant 0 : index
      %get3A_332 = tpu.vector_load %arg22[%get3A_330, %get3A_331] {strides = array<i32>} : memref<1024x16xf32, #tpu.memory_space<vmem>>, vector<16xf32>,
      %broadcast_in_dim3A_333 = vector.broadcast %scan3A_329 : i32 to vector<16xi32>
      tpu.vector_store_idx %arg12[%iota3A, %broadcast_in_dim3A_333], %get3A_332 : memref<16x128xf32, #tpu.memory_space<vmem>>[vector<16xi32>, vector<16xi32>], vector<16xf32>,
      %scan3A_334 = arith.constant 0 : i32
      %scan3A_335 = arith.constant 6 : i32
      %scan3A_336 = arith.addi %scan3A_294, %scan3A_335 : i32
      %get3A_337 = arith.index_cast %scan3A_336 : i32 to index
      %get3A_338 = arith.constant 0 : index
      %get3A_339 = tpu.vector_load %arg22[%get3A_337, %get3A_338] {strides = array<i32>} : memref<1024x16xf32, #tpu.memory_space<vmem>>, vector<16xf32>,
      %broadcast_in_dim3A_340 = vector.broadcast %scan3A_336 : i32 to vector<16xi32>
      tpu.vector_store_idx %arg12[%iota3A, %broadcast_in_dim3A_340], %get3A_339 : memref<16x128xf32, #tpu.memory_space<vmem>>[vector<16xi32>, vector<16xi32>], vector<16xf32>,
      %scan3A_341 = arith.constant 0 : i32
      %scan3A_342 = arith.constant 7 : i32
      %scan3A_343 = arith.addi %scan3A_294, %scan3A_342 : i32
      %get3A_344 = arith.index_cast %scan3A_343 : i32 to index
      %get3A_345 = arith.constant 0 : index
      %get3A_346 = tpu.vector_load %arg22[%get3A_344, %get3A_345] {strides = array<i32>} : memref<1024x16xf32, #tpu.memory_space<vmem>>, vector<16xf32>,
      %broadcast_in_dim3A_347 = vector.broadcast %scan3A_343 : i32 to vector<16xi32>
      tpu.vector_store_idx %arg12[%iota3A, %broadcast_in_dim3A_347], %get3A_346 : memref<16x128xf32, #tpu.memory_space<vmem>>[vector<16xi32>, vector<16xi32>], vector<16xf32>,
      %scan3A_348 = arith.constant 0 : i32
      scf.yield %scan3A_348 : i32
    }
    %scan3A_192 = arith.constant 128 : i32
    %mul3A_193 = arith.constant 640 : i32
    %mul3A_194 = arith.muli %arg1, %mul3A_193 : i32
    %add3A_195 = arith.constant 128 : i32
    %add3A_196 = arith.addi %mul3A_194, %add3A_195 : i32
    "tpu.region"() ({
      %run_scoped3A = tpu.sem_alloc : memref<!tpu.dma_semaphore, #tpu.memory_space<semaphore_mem>>
      %dma_start3A_294 = arith.constant 0 : i32
      %dma_start3A_295 = tpu.memref_slice %arg7[%arg0, %dma_start3A_294, %add3A_196] : memref<2x16x10240xf32, #tpu.memory_space<hbm>> -> memref<1x16x128xf32, #tpu.memory_space<hbm>>
      %dma_start3A_296 = tpu.memref_squeeze %dma_start3A_295 : memref<1x16x128xf32, #tpu.memory_space<hbm>> -> memref<16x128xf32, #tpu.memory_space<hbm>>
      %dma_start3A_297 = arith.constant 0 : i32
      %dma_start3A_298 = tpu.memref_slice %arg7[%arg0, %dma_start3A_297, %add3A_196] : memref<2x16x10240xf32, #tpu.memory_space<hbm>> -> memref<1x16x128xf32, #tpu.memory_space<hbm>>
      %dma_start3A_299 = tpu.memref_squeeze %dma_start3A_298 : memref<1x16x128xf32, #tpu.memory_space<hbm>> -> memref<16x128xf32, #tpu.memory_space<hbm>>
      tpu.enqueue_dma source(%arg12 : memref<16x128xf32, #tpu.memory_space<vmem>>) target(%dma_start3A_299 : memref<16x128xf32, #tpu.memory_space<hbm>>) target_semaphore(%run_scoped3A : memref<!tpu.dma_semaphore, #tpu.memory_space<semaphore_mem>>)
      %dma_wait3A_300 = arith.constant 0 : i32
      %dma_wait3A_301 = tpu.memref_slice %arg7[%arg0, %dma_wait3A_300, %add3A_196] : memref<2x16x10240xf32, #tpu.memory_space<hbm>> -> memref<1x16x128xf32, #tpu.memory_space<hbm>>
      %dma_wait3A_302 = tpu.memref_squeeze %dma_wait3A_301 : memref<1x16x128xf32, #tpu.memory_space<hbm>> -> memref<16x128xf32, #tpu.memory_space<hbm>>
      %dma_wait3A_303 = arith.constant 0 : i32
      %dma_wait3A_304 = tpu.memref_slice %arg7[%arg0, %dma_wait3A_303, %add3A_196] : memref<2x16x10240xf32, #tpu.memory_space<hbm>> -> memref<1x16x128xf32, #tpu.memory_space<hbm>>
      %dma_wait3A_305 = tpu.memref_squeeze %dma_wait3A_304 : memref<1x16x128xf32, #tpu.memory_space<hbm>> -> memref<16x128xf32, #tpu.memory_space<hbm>>
      tpu.wait_dma2 semaphore(%run_scoped3A : memref<!tpu.dma_semaphore, #tpu.memory_space<semaphore_mem>>) src(%arg12 : memref<16x128xf32, #tpu.memory_space<vmem>>) dst(%dma_wait3A_305 : memref<16x128xf32, #tpu.memory_space<hbm>>)
      tpu.yield
    }) : () -> ()
    %mul3A_197 = arith.constant 640 : i32
    %mul3A_198 = arith.muli %arg1, %mul3A_197 : i32
    %dma_wait3A_199 = arith.constant 0 : i32
    %dma_wait3A_200 = arith.constant 0 : i32
    %dma_wait3A_201 = tpu.memref_slice %arg17[%dma_wait3A_199, %dma_wait3A_200] : memref<1024x16xf32, #tpu.memory_space<vmem>> -> memref<128x16xf32, #tpu.memory_space<vmem>>
    %dma_wait3A_202 = arith.constant 0 : i32
    %dma_wait3A_203 = tpu.memref_slice %arg14[%mul3A_198, %dma_wait3A_202] : memref<10240x16xf32, #tpu.memory_space<vmem_shared>> -> memref<128x16xf32, #tpu.memory_space<vmem_shared>>
    %dma_wait3A_204 = arith.constant 0 : i32
    %dma_wait3A_205 = arith.constant 0 : i32
    %dma_wait3A_206 = tpu.memref_slice %arg17[%dma_wait3A_204, %dma_wait3A_205] : memref<1024x16xf32, #tpu.memory_space<vmem>> -> memref<128x16xf32, #tpu.memory_space<vmem>>
    %dma_wait3A_207 = arith.constant 0 : i32
    %dma_wait3A_208 = tpu.memref_slice %arg14[%mul3A_198, %dma_wait3A_207] : memref<10240x16xf32, #tpu.memory_space<vmem_shared>> -> memref<128x16xf32, #tpu.memory_space<vmem_shared>>
    tpu.wait_dma2 semaphore(%arg18 : memref<!tpu.dma_semaphore, #tpu.memory_space<semaphore_mem>>) src(%dma_wait3A_208 : memref<128x16xf32, #tpu.memory_space<vmem_shared>>) dst(%dma_wait3A_206 : memref<128x16xf32, #tpu.memory_space<vmem>>)
    %mul3A_209 = arith.constant 640 : i32
    %mul3A_210 = arith.muli %arg1, %mul3A_209 : i32
    %add3A_211 = arith.constant 384 : i32
    %add3A_212 = arith.addi %mul3A_210, %add3A_211 : i32
    %dma_start3A_213 = arith.constant 0 : i32
    %dma_start3A_214 = arith.constant 0 : i32
    %dma_start3A_215 = tpu.memref_slice %arg22[%dma_start3A_213, %dma_start3A_214] : memref<1024x16xf32, #tpu.memory_space<vmem>> -> memref<128x16xf32, #tpu.memory_space<vmem>>
    %dma_start3A_216 = arith.constant 0 : i32
    %dma_start3A_217 = tpu.memref_slice %arg14[%add3A_212, %dma_start3A_216] : memref<10240x16xf32, #tpu.memory_space<vmem_shared>> -> memref<128x16xf32, #tpu.memory_space<vmem_shared>>
    %dma_start3A_218 = arith.constant 0 : i32
    %dma_start3A_219 = arith.constant 0 : i32
    %dma_start3A_220 = tpu.memref_slice %arg22[%dma_start3A_218, %dma_start3A_219] : memref<1024x16xf32, #tpu.memory_space<vmem>> -> memref<128x16xf32, #tpu.memory_space<vmem>>
    %dma_start3A_221 = arith.constant 0 : i32
    %dma_start3A_222 = tpu.memref_slice %arg14[%add3A_212, %dma_start3A_221] : memref<10240x16xf32, #tpu.memory_space<vmem_shared>> -> memref<128x16xf32, #tpu.memory_space<vmem_shared>>
    tpu.enqueue_dma source(%dma_start3A_222 : memref<128x16xf32, #tpu.memory_space<vmem_shared>>) target(%dma_start3A_220 : memref<128x16xf32, #tpu.memory_space<vmem>>) target_semaphore(%arg23 : memref<!tpu.dma_semaphore, #tpu.memory_space<semaphore_mem>>)
    %scan3A_223 = arith.constant 0 : i32
    %scan3A_224 = arith.constant 0 : i32
    %scan3A_225 = arith.constant 128 : i32
    %scan3A_226 = arith.addi %scan3A_224, %scan3A_225 : i32
    %scan3A_227 = arith.constant 8 : i32
    %scan3A_228 = scf.for %scan3A_294 = %scan3A_224 to %scan3A_226 step %scan3A_227 iter_args(%scan3A_295 = %scan3A_223) -> (i32)  : i32 {
      %get3A_296 = arith.index_cast %scan3A_294 : i32 to index
      %get3A_297 = arith.constant 0 : index
      %get3A_298 = tpu.vector_load %arg17[%get3A_296, %get3A_297] {strides = array<i32>} : memref<1024x16xf32, #tpu.memory_space<vmem>>, vector<16xf32>,
      %broadcast_in_dim3A = vector.broadcast %scan3A_294 : i32 to vector<16xi32>
      tpu.vector_store_idx %arg12[%iota3A, %broadcast_in_dim3A], %get3A_298 : memref<16x128xf32, #tpu.memory_space<vmem>>[vector<16xi32>, vector<16xi32>], vector<16xf32>,
      %scan3A_299 = arith.constant 0 : i32
      %scan3A_300 = arith.constant 1 : i32
      %scan3A_301 = arith.addi %scan3A_294, %scan3A_300 : i32
      %get3A_302 = arith.index_cast %scan3A_301 : i32 to index
      %get3A_303 = arith.constant 0 : index
      %get3A_304 = tpu.vector_load %arg17[%get3A_302, %get3A_303] {strides = array<i32>} : memref<1024x16xf32, #tpu.memory_space<vmem>>, vector<16xf32>,
      %broadcast_in_dim3A_305 = vector.broadcast %scan3A_301 : i32 to vector<16xi32>
      tpu.vector_store_idx %arg12[%iota3A, %broadcast_in_dim3A_305], %get3A_304 : memref<16x128xf32, #tpu.memory_space<vmem>>[vector<16xi32>, vector<16xi32>], vector<16xf32>,
      %scan3A_306 = arith.constant 0 : i32
      %scan3A_307 = arith.constant 2 : i32
      %scan3A_308 = arith.addi %scan3A_294, %scan3A_307 : i32
      %get3A_309 = arith.index_cast %scan3A_308 : i32 to index
      %get3A_310 = arith.constant 0 : index
      %get3A_311 = tpu.vector_load %arg17[%get3A_309, %get3A_310] {strides = array<i32>} : memref<1024x16xf32, #tpu.memory_space<vmem>>, vector<16xf32>,
      %broadcast_in_dim3A_312 = vector.broadcast %scan3A_308 : i32 to vector<16xi32>
      tpu.vector_store_idx %arg12[%iota3A, %broadcast_in_dim3A_312], %get3A_311 : memref<16x128xf32, #tpu.memory_space<vmem>>[vector<16xi32>, vector<16xi32>], vector<16xf32>,
      %scan3A_313 = arith.constant 0 : i32
      %scan3A_314 = arith.constant 3 : i32
      %scan3A_315 = arith.addi %scan3A_294, %scan3A_314 : i32
      %get3A_316 = arith.index_cast %scan3A_315 : i32 to index
      %get3A_317 = arith.constant 0 : index
      %get3A_318 = tpu.vector_load %arg17[%get3A_316, %get3A_317] {strides = array<i32>} : memref<1024x16xf32, #tpu.memory_space<vmem>>, vector<16xf32>,
      %broadcast_in_dim3A_319 = vector.broadcast %scan3A_315 : i32 to vector<16xi32>
      tpu.vector_store_idx %arg12[%iota3A, %broadcast_in_dim3A_319], %get3A_318 : memref<16x128xf32, #tpu.memory_space<vmem>>[vector<16xi32>, vector<16xi32>], vector<16xf32>,
      %scan3A_320 = arith.constant 0 : i32
      %scan3A_321 = arith.constant 4 : i32
      %scan3A_322 = arith.addi %scan3A_294, %scan3A_321 : i32
      %get3A_323 = arith.index_cast %scan3A_322 : i32 to index
      %get3A_324 = arith.constant 0 : index
      %get3A_325 = tpu.vector_load %arg17[%get3A_323, %get3A_324] {strides = array<i32>} : memref<1024x16xf32, #tpu.memory_space<vmem>>, vector<16xf32>,
      %broadcast_in_dim3A_326 = vector.broadcast %scan3A_322 : i32 to vector<16xi32>
      tpu.vector_store_idx %arg12[%iota3A, %broadcast_in_dim3A_326], %get3A_325 : memref<16x128xf32, #tpu.memory_space<vmem>>[vector<16xi32>, vector<16xi32>], vector<16xf32>,
      %scan3A_327 = arith.constant 0 : i32
      %scan3A_328 = arith.constant 5 : i32
      %scan3A_329 = arith.addi %scan3A_294, %scan3A_328 : i32
      %get3A_330 = arith.index_cast %scan3A_329 : i32 to index
      %get3A_331 = arith.constant 0 : index
      %get3A_332 = tpu.vector_load %arg17[%get3A_330, %get3A_331] {strides = array<i32>} : memref<1024x16xf32, #tpu.memory_space<vmem>>, vector<16xf32>,
      %broadcast_in_dim3A_333 = vector.broadcast %scan3A_329 : i32 to vector<16xi32>
      tpu.vector_store_idx %arg12[%iota3A, %broadcast_in_dim3A_333], %get3A_332 : memref<16x128xf32, #tpu.memory_space<vmem>>[vector<16xi32>, vector<16xi32>], vector<16xf32>,
      %scan3A_334 = arith.constant 0 : i32
      %scan3A_335 = arith.constant 6 : i32
      %scan3A_336 = arith.addi %scan3A_294, %scan3A_335 : i32
      %get3A_337 = arith.index_cast %scan3A_336 : i32 to index
      %get3A_338 = arith.constant 0 : index
      %get3A_339 = tpu.vector_load %arg17[%get3A_337, %get3A_338] {strides = array<i32>} : memref<1024x16xf32, #tpu.memory_space<vmem>>, vector<16xf32>,
      %broadcast_in_dim3A_340 = vector.broadcast %scan3A_336 : i32 to vector<16xi32>
      tpu.vector_store_idx %arg12[%iota3A, %broadcast_in_dim3A_340], %get3A_339 : memref<16x128xf32, #tpu.memory_space<vmem>>[vector<16xi32>, vector<16xi32>], vector<16xf32>,
      %scan3A_341 = arith.constant 0 : i32
      %scan3A_342 = arith.constant 7 : i32
      %scan3A_343 = arith.addi %scan3A_294, %scan3A_342 : i32
      %get3A_344 = arith.index_cast %scan3A_343 : i32 to index
      %get3A_345 = arith.constant 0 : index
      %get3A_346 = tpu.vector_load %arg17[%get3A_344, %get3A_345] {strides = array<i32>} : memref<1024x16xf32, #tpu.memory_space<vmem>>, vector<16xf32>,
      %broadcast_in_dim3A_347 = vector.broadcast %scan3A_343 : i32 to vector<16xi32>
      tpu.vector_store_idx %arg12[%iota3A, %broadcast_in_dim3A_347], %get3A_346 : memref<16x128xf32, #tpu.memory_space<vmem>>[vector<16xi32>, vector<16xi32>], vector<16xf32>,
      %scan3A_348 = arith.constant 0 : i32
      scf.yield %scan3A_348 : i32
    }
    %scan3A_229 = arith.constant 128 : i32
    %mul3A_230 = arith.constant 640 : i32
    %mul3A_231 = arith.muli %arg1, %mul3A_230 : i32
    %add3A_232 = arith.constant 256 : i32
    %add3A_233 = arith.addi %mul3A_231, %add3A_232 : i32
    "tpu.region"() ({
      %run_scoped3A = tpu.sem_alloc : memref<!tpu.dma_semaphore, #tpu.memory_space<semaphore_mem>>
      %dma_start3A_294 = arith.constant 0 : i32
      %dma_start3A_295 = tpu.memref_slice %arg7[%arg0, %dma_start3A_294, %add3A_233] : memref<2x16x10240xf32, #tpu.memory_space<hbm>> -> memref<1x16x128xf32, #tpu.memory_space<hbm>>
      %dma_start3A_296 = tpu.memref_squeeze %dma_start3A_295 : memref<1x16x128xf32, #tpu.memory_space<hbm>> -> memref<16x128xf32, #tpu.memory_space<hbm>>
      %dma_start3A_297 = arith.constant 0 : i32
      %dma_start3A_298 = tpu.memref_slice %arg7[%arg0, %dma_start3A_297, %add3A_233] : memref<2x16x10240xf32, #tpu.memory_space<hbm>> -> memref<1x16x128xf32, #tpu.memory_space<hbm>>
      %dma_start3A_299 = tpu.memref_squeeze %dma_start3A_298 : memref<1x16x128xf32, #tpu.memory_space<hbm>> -> memref<16x128xf32, #tpu.memory_space<hbm>>
      tpu.enqueue_dma source(%arg12 : memref<16x128xf32, #tpu.memory_space<vmem>>) target(%dma_start3A_299 : memref<16x128xf32, #tpu.memory_space<hbm>>) target_semaphore(%run_scoped3A : memref<!tpu.dma_semaphore, #tpu.memory_space<semaphore_mem>>)
      %dma_wait3A_300 = arith.constant 0 : i32
      %dma_wait3A_301 = tpu.memref_slice %arg7[%arg0, %dma_wait3A_300, %add3A_233] : memref<2x16x10240xf32, #tpu.memory_space<hbm>> -> memref<1x16x128xf32, #tpu.memory_space<hbm>>
      %dma_wait3A_302 = tpu.memref_squeeze %dma_wait3A_301 : memref<1x16x128xf32, #tpu.memory_space<hbm>> -> memref<16x128xf32, #tpu.memory_space<hbm>>
      %dma_wait3A_303 = arith.constant 0 : i32
      %dma_wait3A_304 = tpu.memref_slice %arg7[%arg0, %dma_wait3A_303, %add3A_233] : memref<2x16x10240xf32, #tpu.memory_space<hbm>> -> memref<1x16x128xf32, #tpu.memory_space<hbm>>
      %dma_wait3A_305 = tpu.memref_squeeze %dma_wait3A_304 : memref<1x16x128xf32, #tpu.memory_space<hbm>> -> memref<16x128xf32, #tpu.memory_space<hbm>>
      tpu.wait_dma2 semaphore(%run_scoped3A : memref<!tpu.dma_semaphore, #tpu.memory_space<semaphore_mem>>) src(%arg12 : memref<16x128xf32, #tpu.memory_space<vmem>>) dst(%dma_wait3A_305 : memref<16x128xf32, #tpu.memory_space<hbm>>)
      tpu.yield
    }) : () -> ()
    %mul3A_234 = arith.constant 640 : i32
    %mul3A_235 = arith.muli %arg1, %mul3A_234 : i32
    %dma_wait3A_236 = arith.constant 0 : i32
    %dma_wait3A_237 = arith.constant 0 : i32
    %dma_wait3A_238 = tpu.memref_slice %arg22[%dma_wait3A_236, %dma_wait3A_237] : memref<1024x16xf32, #tpu.memory_space<vmem>> -> memref<128x16xf32, #tpu.memory_space<vmem>>
    %dma_wait3A_239 = arith.constant 0 : i32
    %dma_wait3A_240 = tpu.memref_slice %arg14[%mul3A_235, %dma_wait3A_239] : memref<10240x16xf32, #tpu.memory_space<vmem_shared>> -> memref<128x16xf32, #tpu.memory_space<vmem_shared>>
    %dma_wait3A_241 = arith.constant 0 : i32
    %dma_wait3A_242 = arith.constant 0 : i32
    %dma_wait3A_243 = tpu.memref_slice %arg22[%dma_wait3A_241, %dma_wait3A_242] : memref<1024x16xf32, #tpu.memory_space<vmem>> -> memref<128x16xf32, #tpu.memory_space<vmem>>
    %dma_wait3A_244 = arith.constant 0 : i32
    %dma_wait3A_245 = tpu.memref_slice %arg14[%mul3A_235, %dma_wait3A_244] : memref<10240x16xf32, #tpu.memory_space<vmem_shared>> -> memref<128x16xf32, #tpu.memory_space<vmem_shared>>
    tpu.wait_dma2 semaphore(%arg23 : memref<!tpu.dma_semaphore, #tpu.memory_space<semaphore_mem>>) src(%dma_wait3A_245 : memref<128x16xf32, #tpu.memory_space<vmem_shared>>) dst(%dma_wait3A_243 : memref<128x16xf32, #tpu.memory_space<vmem>>)
    %mul3A_246 = arith.constant 640 : i32
    %mul3A_247 = arith.muli %arg1, %mul3A_246 : i32
    %add3A_248 = arith.constant 512 : i32
    %add3A_249 = arith.addi %mul3A_247, %add3A_248 : i32
    %dma_start3A_250 = arith.constant 0 : i32
    %dma_start3A_251 = arith.constant 0 : i32
    %dma_start3A_252 = tpu.memref_slice %arg17[%dma_start3A_250, %dma_start3A_251] : memref<1024x16xf32, #tpu.memory_space<vmem>> -> memref<128x16xf32, #tpu.memory_space<vmem>>
    %dma_start3A_253 = arith.constant 0 : i32
    %dma_start3A_254 = tpu.memref_slice %arg14[%add3A_249, %dma_start3A_253] : memref<10240x16xf32, #tpu.memory_space<vmem_shared>> -> memref<128x16xf32, #tpu.memory_space<vmem_shared>>
    %dma_start3A_255 = arith.constant 0 : i32
    %dma_start3A_256 = arith.constant 0 : i32
    %dma_start3A_257 = tpu.memref_slice %arg17[%dma_start3A_255, %dma_start3A_256] : memref<1024x16xf32, #tpu.memory_space<vmem>> -> memref<128x16xf32, #tpu.memory_space<vmem>>
    %dma_start3A_258 = arith.constant 0 : i32
    %dma_start3A_259 = tpu.memref_slice %arg14[%add3A_249, %dma_start3A_258] : memref<10240x16xf32, #tpu.memory_space<vmem_shared>> -> memref<128x16xf32, #tpu.memory_space<vmem_shared>>
    tpu.enqueue_dma source(%dma_start3A_259 : memref<128x16xf32, #tpu.memory_space<vmem_shared>>) target(%dma_start3A_257 : memref<128x16xf32, #tpu.memory_space<vmem>>) target_semaphore(%arg18 : memref<!tpu.dma_semaphore, #tpu.memory_space<semaphore_mem>>)
    %scan3A_260 = arith.constant 0 : i32
    %scan3A_261 = arith.constant 0 : i32
    %scan3A_262 = arith.constant 128 : i32
    %scan3A_263 = arith.addi %scan3A_261, %scan3A_262 : i32
    %scan3A_264 = arith.constant 8 : i32
    %scan3A_265 = scf.for %scan3A_294 = %scan3A_261 to %scan3A_263 step %scan3A_264 iter_args(%scan3A_295 = %scan3A_260) -> (i32)  : i32 {
      %get3A_296 = arith.index_cast %scan3A_294 : i32 to index
      %get3A_297 = arith.constant 0 : index
      %get3A_298 = tpu.vector_load %arg22[%get3A_296, %get3A_297] {strides = array<i32>} : memref<1024x16xf32, #tpu.memory_space<vmem>>, vector<16xf32>,
      %broadcast_in_dim3A = vector.broadcast %scan3A_294 : i32 to vector<16xi32>
      tpu.vector_store_idx %arg12[%iota3A, %broadcast_in_dim3A], %get3A_298 : memref<16x128xf32, #tpu.memory_space<vmem>>[vector<16xi32>, vector<16xi32>], vector<16xf32>,
      %scan3A_299 = arith.constant 0 : i32
      %scan3A_300 = arith.constant 1 : i32
      %scan3A_301 = arith.addi %scan3A_294, %scan3A_300 : i32
      %get3A_302 = arith.index_cast %scan3A_301 : i32 to index
      %get3A_303 = arith.constant 0 : index
      %get3A_304 = tpu.vector_load %arg22[%get3A_302, %get3A_303] {strides = array<i32>} : memref<1024x16xf32, #tpu.memory_space<vmem>>, vector<16xf32>,
      %broadcast_in_dim3A_305 = vector.broadcast %scan3A_301 : i32 to vector<16xi32>
      tpu.vector_store_idx %arg12[%iota3A, %broadcast_in_dim3A_305], %get3A_304 : memref<16x128xf32, #tpu.memory_space<vmem>>[vector<16xi32>, vector<16xi32>], vector<16xf32>,
      %scan3A_306 = arith.constant 0 : i32
      %scan3A_307 = arith.constant 2 : i32
      %scan3A_308 = arith.addi %scan3A_294, %scan3A_307 : i32
      %get3A_309 = arith.index_cast %scan3A_308 : i32 to index
      %get3A_310 = arith.constant 0 : index
      %get3A_311 = tpu.vector_load %arg22[%get3A_309, %get3A_310] {strides = array<i32>} : memref<1024x16xf32, #tpu.memory_space<vmem>>, vector<16xf32>,
      %broadcast_in_dim3A_312 = vector.broadcast %scan3A_308 : i32 to vector<16xi32>
      tpu.vector_store_idx %arg12[%iota3A, %broadcast_in_dim3A_312], %get3A_311 : memref<16x128xf32, #tpu.memory_space<vmem>>[vector<16xi32>, vector<16xi32>], vector<16xf32>,
      %scan3A_313 = arith.constant 0 : i32
      %scan3A_314 = arith.constant 3 : i32
      %scan3A_315 = arith.addi %scan3A_294, %scan3A_314 : i32
      %get3A_316 = arith.index_cast %scan3A_315 : i32 to index
      %get3A_317 = arith.constant 0 : index
      %get3A_318 = tpu.vector_load %arg22[%get3A_316, %get3A_317] {strides = array<i32>} : memref<1024x16xf32, #tpu.memory_space<vmem>>, vector<16xf32>,
      %broadcast_in_dim3A_319 = vector.broadcast %scan3A_315 : i32 to vector<16xi32>
      tpu.vector_store_idx %arg12[%iota3A, %broadcast_in_dim3A_319], %get3A_318 : memref<16x128xf32, #tpu.memory_space<vmem>>[vector<16xi32>, vector<16xi32>], vector<16xf32>,
      %scan3A_320 = arith.constant 0 : i32
      %scan3A_321 = arith.constant 4 : i32
      %scan3A_322 = arith.addi %scan3A_294, %scan3A_321 : i32
      %get3A_323 = arith.index_cast %scan3A_322 : i32 to index
      %get3A_324 = arith.constant 0 : index
      %get3A_325 = tpu.vector_load %arg22[%get3A_323, %get3A_324] {strides = array<i32>} : memref<1024x16xf32, #tpu.memory_space<vmem>>, vector<16xf32>,
      %broadcast_in_dim3A_326 = vector.broadcast %scan3A_322 : i32 to vector<16xi32>
      tpu.vector_store_idx %arg12[%iota3A, %broadcast_in_dim3A_326], %get3A_325 : memref<16x128xf32, #tpu.memory_space<vmem>>[vector<16xi32>, vector<16xi32>], vector<16xf32>,
      %scan3A_327 = arith.constant 0 : i32
      %scan3A_328 = arith.constant 5 : i32
      %scan3A_329 = arith.addi %scan3A_294, %scan3A_328 : i32
      %get3A_330 = arith.index_cast %scan3A_329 : i32 to index
      %get3A_331 = arith.constant 0 : index
      %get3A_332 = tpu.vector_load %arg22[%get3A_330, %get3A_331] {strides = array<i32>} : memref<1024x16xf32, #tpu.memory_space<vmem>>, vector<16xf32>,
      %broadcast_in_dim3A_333 = vector.broadcast %scan3A_329 : i32 to vector<16xi32>
      tpu.vector_store_idx %arg12[%iota3A, %broadcast_in_dim3A_333], %get3A_332 : memref<16x128xf32, #tpu.memory_space<vmem>>[vector<16xi32>, vector<16xi32>], vector<16xf32>,
      %scan3A_334 = arith.constant 0 : i32
      %scan3A_335 = arith.constant 6 : i32
      %scan3A_336 = arith.addi %scan3A_294, %scan3A_335 : i32
      %get3A_337 = arith.index_cast %scan3A_336 : i32 to index
      %get3A_338 = arith.constant 0 : index
      %get3A_339 = tpu.vector_load %arg22[%get3A_337, %get3A_338] {strides = array<i32>} : memref<1024x16xf32, #tpu.memory_space<vmem>>, vector<16xf32>,
      %broadcast_in_dim3A_340 = vector.broadcast %scan3A_336 : i32 to vector<16xi32>
      tpu.vector_store_idx %arg12[%iota3A, %broadcast_in_dim3A_340], %get3A_339 : memref<16x128xf32, #tpu.memory_space<vmem>>[vector<16xi32>, vector<16xi32>], vector<16xf32>,
      %scan3A_341 = arith.constant 0 : i32
      %scan3A_342 = arith.constant 7 : i32
      %scan3A_343 = arith.addi %scan3A_294, %scan3A_342 : i32
      %get3A_344 = arith.index_cast %scan3A_343 : i32 to index
      %get3A_345 = arith.constant 0 : index
      %get3A_346 = tpu.vector_load %arg22[%get3A_344, %get3A_345] {strides = array<i32>} : memref<1024x16xf32, #tpu.memory_space<vmem>>, vector<16xf32>,
      %broadcast_in_dim3A_347 = vector.broadcast %scan3A_343 : i32 to vector<16xi32>
      tpu.vector_store_idx %arg12[%iota3A, %broadcast_in_dim3A_347], %get3A_346 : memref<16x128xf32, #tpu.memory_space<vmem>>[vector<16xi32>, vector<16xi32>], vector<16xf32>,
      %scan3A_348 = arith.constant 0 : i32
      scf.yield %scan3A_348 : i32
    }
    %scan3A_266 = arith.constant 128 : i32
    %mul3A_267 = arith.constant 640 : i32
    %mul3A_268 = arith.muli %arg1, %mul3A_267 : i32
    %add3A_269 = arith.constant 384 : i32
    %add3A_270 = arith.addi %mul3A_268, %add3A_269 : i32
    "tpu.region"() ({
      %run_scoped3A = tpu.sem_alloc : memref<!tpu.dma_semaphore, #tpu.memory_space<semaphore_mem>>
      %dma_start3A_294 = arith.constant 0 : i32
      %dma_start3A_295 = tpu.memref_slice %arg7[%arg0, %dma_start3A_294, %add3A_270] : memref<2x16x10240xf32, #tpu.memory_space<hbm>> -> memref<1x16x128xf32, #tpu.memory_space<hbm>>
      %dma_start3A_296 = tpu.memref_squeeze %dma_start3A_295 : memref<1x16x128xf32, #tpu.memory_space<hbm>> -> memref<16x128xf32, #tpu.memory_space<hbm>>
      %dma_start3A_297 = arith.constant 0 : i32
      %dma_start3A_298 = tpu.memref_slice %arg7[%arg0, %dma_start3A_297, %add3A_270] : memref<2x16x10240xf32, #tpu.memory_space<hbm>> -> memref<1x16x128xf32, #tpu.memory_space<hbm>>
      %dma_start3A_299 = tpu.memref_squeeze %dma_start3A_298 : memref<1x16x128xf32, #tpu.memory_space<hbm>> -> memref<16x128xf32, #tpu.memory_space<hbm>>
      tpu.enqueue_dma source(%arg12 : memref<16x128xf32, #tpu.memory_space<vmem>>) target(%dma_start3A_299 : memref<16x128xf32, #tpu.memory_space<hbm>>) target_semaphore(%run_scoped3A : memref<!tpu.dma_semaphore, #tpu.memory_space<semaphore_mem>>)
      %dma_wait3A_300 = arith.constant 0 : i32
      %dma_wait3A_301 = tpu.memref_slice %arg7[%arg0, %dma_wait3A_300, %add3A_270] : memref<2x16x10240xf32, #tpu.memory_space<hbm>> -> memref<1x16x128xf32, #tpu.memory_space<hbm>>
      %dma_wait3A_302 = tpu.memref_squeeze %dma_wait3A_301 : memref<1x16x128xf32, #tpu.memory_space<hbm>> -> memref<16x128xf32, #tpu.memory_space<hbm>>
      %dma_wait3A_303 = arith.constant 0 : i32
      %dma_wait3A_304 = tpu.memref_slice %arg7[%arg0, %dma_wait3A_303, %add3A_270] : memref<2x16x10240xf32, #tpu.memory_space<hbm>> -> memref<1x16x128xf32, #tpu.memory_space<hbm>>
      %dma_wait3A_305 = tpu.memref_squeeze %dma_wait3A_304 : memref<1x16x128xf32, #tpu.memory_space<hbm>> -> memref<16x128xf32, #tpu.memory_space<hbm>>
      tpu.wait_dma2 semaphore(%run_scoped3A : memref<!tpu.dma_semaphore, #tpu.memory_space<semaphore_mem>>) src(%arg12 : memref<16x128xf32, #tpu.memory_space<vmem>>) dst(%dma_wait3A_305 : memref<16x128xf32, #tpu.memory_space<hbm>>)
      tpu.yield
    }) : () -> ()
    %mul3A_271 = arith.constant 640 : i32
    %mul3A_272 = arith.muli %arg1, %mul3A_271 : i32
    %dma_wait3A_273 = arith.constant 0 : i32
    %dma_wait3A_274 = arith.constant 0 : i32
    %dma_wait3A_275 = tpu.memref_slice %arg17[%dma_wait3A_273, %dma_wait3A_274] : memref<1024x16xf32, #tpu.memory_space<vmem>> -> memref<128x16xf32, #tpu.memory_space<vmem>>
    %dma_wait3A_276 = arith.constant 0 : i32
    %dma_wait3A_277 = tpu.memref_slice %arg14[%mul3A_272, %dma_wait3A_276] : memref<10240x16xf32, #tpu.memory_space<vmem_shared>> -> memref<128x16xf32, #tpu.memory_space<vmem_shared>>
    %dma_wait3A_278 = arith.constant 0 : i32
    %dma_wait3A_279 = arith.constant 0 : i32
    %dma_wait3A_280 = tpu.memref_slice %arg17[%dma_wait3A_278, %dma_wait3A_279] : memref<1024x16xf32, #tpu.memory_space<vmem>> -> memref<128x16xf32, #tpu.memory_space<vmem>>
    %dma_wait3A_281 = arith.constant 0 : i32
    %dma_wait3A_282 = tpu.memref_slice %arg14[%mul3A_272, %dma_wait3A_281] : memref<10240x16xf32, #tpu.memory_space<vmem_shared>> -> memref<128x16xf32, #tpu.memory_space<vmem_shared>>
    tpu.wait_dma2 semaphore(%arg18 : memref<!tpu.dma_semaphore, #tpu.memory_space<semaphore_mem>>) src(%dma_wait3A_282 : memref<128x16xf32, #tpu.memory_space<vmem_shared>>) dst(%dma_wait3A_280 : memref<128x16xf32, #tpu.memory_space<vmem>>)
    %scan3A_283 = arith.constant 0 : i32
    %scan3A_284 = arith.constant 0 : i32
    %scan3A_285 = arith.constant 128 : i32
    %scan3A_286 = arith.addi %scan3A_284, %scan3A_285 : i32
    %scan3A_287 = arith.constant 8 : i32
    %scan3A_288 = scf.for %scan3A_294 = %scan3A_284 to %scan3A_286 step %scan3A_287 iter_args(%scan3A_295 = %scan3A_283) -> (i32)  : i32 {
      %get3A_296 = arith.index_cast %scan3A_294 : i32 to index
      %get3A_297 = arith.constant 0 : index
      %get3A_298 = tpu.vector_load %arg17[%get3A_296, %get3A_297] {strides = array<i32>} : memref<1024x16xf32, #tpu.memory_space<vmem>>, vector<16xf32>,
      %broadcast_in_dim3A = vector.broadcast %scan3A_294 : i32 to vector<16xi32>
      tpu.vector_store_idx %arg12[%iota3A, %broadcast_in_dim3A], %get3A_298 : memref<16x128xf32, #tpu.memory_space<vmem>>[vector<16xi32>, vector<16xi32>], vector<16xf32>,
      %scan3A_299 = arith.constant 0 : i32
      %scan3A_300 = arith.constant 1 : i32
      %scan3A_301 = arith.addi %scan3A_294, %scan3A_300 : i32
      %get3A_302 = arith.index_cast %scan3A_301 : i32 to index
      %get3A_303 = arith.constant 0 : index
      %get3A_304 = tpu.vector_load %arg17[%get3A_302, %get3A_303] {strides = array<i32>} : memref<1024x16xf32, #tpu.memory_space<vmem>>, vector<16xf32>,
      %broadcast_in_dim3A_305 = vector.broadcast %scan3A_301 : i32 to vector<16xi32>
      tpu.vector_store_idx %arg12[%iota3A, %broadcast_in_dim3A_305], %get3A_304 : memref<16x128xf32, #tpu.memory_space<vmem>>[vector<16xi32>, vector<16xi32>], vector<16xf32>,
      %scan3A_306 = arith.constant 0 : i32
      %scan3A_307 = arith.constant 2 : i32
      %scan3A_308 = arith.addi %scan3A_294, %scan3A_307 : i32
      %get3A_309 = arith.index_cast %scan3A_308 : i32 to index
      %get3A_310 = arith.constant 0 : index
      %get3A_311 = tpu.vector_load %arg17[%get3A_309, %get3A_310] {strides = array<i32>} : memref<1024x16xf32, #tpu.memory_space<vmem>>, vector<16xf32>,
      %broadcast_in_dim3A_312 = vector.broadcast %scan3A_308 : i32 to vector<16xi32>
      tpu.vector_store_idx %arg12[%iota3A, %broadcast_in_dim3A_312], %get3A_311 : memref<16x128xf32, #tpu.memory_space<vmem>>[vector<16xi32>, vector<16xi32>], vector<16xf32>,
      %scan3A_313 = arith.constant 0 : i32
      %scan3A_314 = arith.constant 3 : i32
      %scan3A_315 = arith.addi %scan3A_294, %scan3A_314 : i32
      %get3A_316 = arith.index_cast %scan3A_315 : i32 to index
      %get3A_317 = arith.constant 0 : index
      %get3A_318 = tpu.vector_load %arg17[%get3A_316, %get3A_317] {strides = array<i32>} : memref<1024x16xf32, #tpu.memory_space<vmem>>, vector<16xf32>,
      %broadcast_in_dim3A_319 = vector.broadcast %scan3A_315 : i32 to vector<16xi32>
      tpu.vector_store_idx %arg12[%iota3A, %broadcast_in_dim3A_319], %get3A_318 : memref<16x128xf32, #tpu.memory_space<vmem>>[vector<16xi32>, vector<16xi32>], vector<16xf32>,
      %scan3A_320 = arith.constant 0 : i32
      %scan3A_321 = arith.constant 4 : i32
      %scan3A_322 = arith.addi %scan3A_294, %scan3A_321 : i32
      %get3A_323 = arith.index_cast %scan3A_322 : i32 to index
      %get3A_324 = arith.constant 0 : index
      %get3A_325 = tpu.vector_load %arg17[%get3A_323, %get3A_324] {strides = array<i32>} : memref<1024x16xf32, #tpu.memory_space<vmem>>, vector<16xf32>,
      %broadcast_in_dim3A_326 = vector.broadcast %scan3A_322 : i32 to vector<16xi32>
      tpu.vector_store_idx %arg12[%iota3A, %broadcast_in_dim3A_326], %get3A_325 : memref<16x128xf32, #tpu.memory_space<vmem>>[vector<16xi32>, vector<16xi32>], vector<16xf32>,
      %scan3A_327 = arith.constant 0 : i32
      %scan3A_328 = arith.constant 5 : i32
      %scan3A_329 = arith.addi %scan3A_294, %scan3A_328 : i32
      %get3A_330 = arith.index_cast %scan3A_329 : i32 to index
      %get3A_331 = arith.constant 0 : index
      %get3A_332 = tpu.vector_load %arg17[%get3A_330, %get3A_331] {strides = array<i32>} : memref<1024x16xf32, #tpu.memory_space<vmem>>, vector<16xf32>,
      %broadcast_in_dim3A_333 = vector.broadcast %scan3A_329 : i32 to vector<16xi32>
      tpu.vector_store_idx %arg12[%iota3A, %broadcast_in_dim3A_333], %get3A_332 : memref<16x128xf32, #tpu.memory_space<vmem>>[vector<16xi32>, vector<16xi32>], vector<16xf32>,
      %scan3A_334 = arith.constant 0 : i32
      %scan3A_335 = arith.constant 6 : i32
      %scan3A_336 = arith.addi %scan3A_294, %scan3A_335 : i32
      %get3A_337 = arith.index_cast %scan3A_336 : i32 to index
      %get3A_338 = arith.constant 0 : index
      %get3A_339 = tpu.vector_load %arg17[%get3A_337, %get3A_338] {strides = array<i32>} : memref<1024x16xf32, #tpu.memory_space<vmem>>, vector<16xf32>,
      %broadcast_in_dim3A_340 = vector.broadcast %scan3A_336 : i32 to vector<16xi32>
      tpu.vector_store_idx %arg12[%iota3A, %broadcast_in_dim3A_340], %get3A_339 : memref<16x128xf32, #tpu.memory_space<vmem>>[vector<16xi32>, vector<16xi32>], vector<16xf32>,
      %scan3A_341 = arith.constant 0 : i32
      %scan3A_342 = arith.constant 7 : i32
      %scan3A_343 = arith.addi %scan3A_294, %scan3A_342 : i32
      %get3A_344 = arith.index_cast %scan3A_343 : i32 to index
      %get3A_345 = arith.constant 0 : index
      %get3A_346 = tpu.vector_load %arg17[%get3A_344, %get3A_345] {strides = array<i32>} : memref<1024x16xf32, #tpu.memory_space<vmem>>, vector<16xf32>,
      %broadcast_in_dim3A_347 = vector.broadcast %scan3A_343 : i32 to vector<16xi32>
      tpu.vector_store_idx %arg12[%iota3A, %broadcast_in_dim3A_347], %get3A_346 : memref<16x128xf32, #tpu.memory_space<vmem>>[vector<16xi32>, vector<16xi32>], vector<16xf32>,
      %scan3A_348 = arith.constant 0 : i32
      scf.yield %scan3A_348 : i32
    }
    %scan3A_289 = arith.constant 128 : i32
    %mul3A_290 = arith.constant 640 : i32
    %mul3A_291 = arith.muli %arg1, %mul3A_290 : i32
    %add3A_292 = arith.constant 512 : i32
    %add3A_293 = arith.addi %mul3A_291, %add3A_292 : i32
    "tpu.region"() ({
      %run_scoped3A = tpu.sem_alloc : memref<!tpu.dma_semaphore, #tpu.memory_space<semaphore_mem>>
      %dma_start3A_294 = arith.constant 0 : i32
      %dma_start3A_295 = tpu.memref_slice %arg7[%arg0, %dma_start3A_294, %add3A_293] : memref<2x16x10240xf32, #tpu.memory_space<hbm>> -> memref<1x16x128xf32, #tpu.memory_space<hbm>>
      %dma_start3A_296 = tpu.memref_squeeze %dma_start3A_295 : memref<1x16x128xf32, #tpu.memory_space<hbm>> -> memref<16x128xf32, #tpu.memory_space<hbm>>
      %dma_start3A_297 = arith.constant 0 : i32
      %dma_start3A_298 = tpu.memref_slice %arg7[%arg0, %dma_start3A_297, %add3A_293] : memref<2x16x10240xf32, #tpu.memory_space<hbm>> -> memref<1x16x128xf32, #tpu.memory_space<hbm>>
      %dma_start3A_299 = tpu.memref_squeeze %dma_start3A_298 : memref<1x16x128xf32, #tpu.memory_space<hbm>> -> memref<16x128xf32, #tpu.memory_space<hbm>>
      tpu.enqueue_dma source(%arg12 : memref<16x128xf32, #tpu.memory_space<vmem>>) target(%dma_start3A_299 : memref<16x128xf32, #tpu.memory_space<hbm>>) target_semaphore(%run_scoped3A : memref<!tpu.dma_semaphore, #tpu.memory_space<semaphore_mem>>)
      %dma_wait3A_300 = arith.constant 0 : i32
      %dma_wait3A_301 = tpu.memref_slice %arg7[%arg0, %dma_wait3A_300, %add3A_293] : memref<2x16x10240xf32, #tpu.memory_space<hbm>> -> memref<1x16x128xf32, #tpu.memory_space<hbm>>
      %dma_wait3A_302 = tpu.memref_squeeze %dma_wait3A_301 : memref<1x16x128xf32, #tpu.memory_space<hbm>> -> memref<16x128xf32, #tpu.memory_space<hbm>>
      %dma_wait3A_303 = arith.constant 0 : i32
      %dma_wait3A_304 = tpu.memref_slice %arg7[%arg0, %dma_wait3A_303, %add3A_293] : memref<2x16x10240xf32, #tpu.memory_space<hbm>> -> memref<1x16x128xf32, #tpu.memory_space<hbm>>
      %dma_wait3A_305 = tpu.memref_squeeze %dma_wait3A_304 : memref<1x16x128xf32, #tpu.memory_space<hbm>> -> memref<16x128xf32, #tpu.memory_space<hbm>>
      tpu.wait_dma2 semaphore(%run_scoped3A : memref<!tpu.dma_semaphore, #tpu.memory_space<semaphore_mem>>) src(%arg12 : memref<16x128xf32, #tpu.memory_space<vmem>>) dst(%dma_wait3A_305 : memref<16x128xf32, #tpu.memory_space<hbm>>)
      tpu.yield
    }) : () -> ()
    return
  }
}

module attributes {stable_mosaic.version = 14 : i64} {
  func.func @_tc_mm1_body(%arg0: memref<10000x128xf32, #tpu.memory_space<vmem>>, %arg1: memref<128x16xf32, #tpu.memory_space<vmem>>, %arg2: memref<10240x16xf32, #tpu.memory_space<vmem>>) attributes {dimension_semantics = [], scalar_prefetch = 0 : i64, scratch_operands = 0 : i64, tpu.core_type = #tpu.core_type<tc>} {
    %get3A = arith.constant 0 : index
    %get3A_0 = arith.constant 0 : index
    %get3A_1 = vector.load %arg0[%get3A, %get3A_0] : memref<10000x128xf32, #tpu.memory_space<vmem>>, vector<10000x128xf32>
    %get3A_2 = arith.constant 0 : index
    %get3A_3 = arith.constant 0 : index
    %get3A_4 = vector.load %arg1[%get3A_2, %get3A_3] : memref<128x16xf32, #tpu.memory_space<vmem>>, vector<128x16xf32>
    %dot_general3A = arith.constant dense<0.000000e+00> : vector<10000x16xf32>
    %dot_general3A_5 = tpu.matmul %get3A_1, %get3A_4, %dot_general3A {dimension_numbers = #tpu.dot_dimension_numbers<[1], [0], [0], [1], [0, 0, 1, 1], [], []>, transpose_lhs_hint = false} : vector<10000x128xf32>, vector<128x16xf32>, vector<10000x16xf32> -> vector<10000x16xf32>
    %jit3A = arith.constant 0 : i32
    %convert_element_type3A = arith.sitofp %jit3A : i32 to f32
    %pad3A = vector.broadcast %convert_element_type3A : f32 to vector<240x16xf32>
    %pad3A_6 = tpu.concatenate %dot_general3A_5, %pad3A in 0 : vector<10000x16xf32>, vector<240x16xf32> -> vector<10240x16xf32>
    %swap3A = arith.constant 0 : index
    %swap3A_7 = arith.constant 0 : index
    %swap3A_8 = vector.load %arg2[%swap3A, %swap3A_7] : memref<10240x16xf32, #tpu.memory_space<vmem>>, vector<10240x16xf32>
    tpu.vector_store %arg2[%swap3A, %swap3A_7], %pad3A_6 {strides = array<i32>} : memref<10240x16xf32, #tpu.memory_space<vmem>>, vector<10240x16xf32>,
    return
  }
}

module attributes {stable_mosaic.version = 14 : i64} {
  func.func @_tc_out_body(%arg0: memref<2x16x10240xf32, #tpu.memory_space<vmem>>, %arg1: memref<10240xf32, #tpu.memory_space<vmem>>, %arg2: memref<16x7xf32, #tpu.memory_space<vmem>>, %arg3: memref<7xf32, #tpu.memory_space<vmem>>, %arg4: memref<7x10240xf32, #tpu.memory_space<vmem>>) attributes {dimension_semantics = [], scalar_prefetch = 0 : i64, scratch_operands = 0 : i64, tpu.core_type = #tpu.core_type<tc>} {
    %get3A = arith.constant 0 : index
    %get3A_0 = arith.constant 0 : index
    %get3A_1 = arith.constant 0 : index
    %get3A_2 = vector.load %arg0[%get3A, %get3A_0, %get3A_1] : memref<2x16x10240xf32, #tpu.memory_space<vmem>>, vector<1x16x10240xf32>
    %get3A_3 = vector.shape_cast %get3A_2 : vector<1x16x10240xf32> to vector<16x10240xf32>
    %get3A_4 = arith.constant 1 : index
    %get3A_5 = arith.constant 0 : index
    %get3A_6 = arith.constant 0 : index
    %get3A_7 = vector.load %arg0[%get3A_4, %get3A_5, %get3A_6] : memref<2x16x10240xf32, #tpu.memory_space<vmem>>, vector<1x16x10240xf32>
    %get3A_8 = vector.shape_cast %get3A_7 : vector<1x16x10240xf32> to vector<16x10240xf32>
    %add3A = arith.addf %get3A_3, %get3A_8 : vector<16x10240xf32>
    %get3A_9 = arith.constant 0 : index
    %get3A_10 = vector.load %arg1[%get3A_9] : memref<10240xf32, #tpu.memory_space<vmem>>, vector<10240xf32>
    %broadcast_in_dim3A = vector.shape_cast %get3A_10 : vector<10240xf32> to vector<1x10240xf32>
    %mul3A = vector.broadcast %broadcast_in_dim3A : vector<1x10240xf32> to vector<16x10240xf32>
    %mul3A_11 = arith.mulf %add3A, %mul3A : vector<16x10240xf32>
    %get3A_12 = arith.constant 0 : index
    %get3A_13 = arith.constant 0 : index
    %get3A_14 = vector.load %arg2[%get3A_12, %get3A_13] : memref<16x7xf32, #tpu.memory_space<vmem>>, vector<16x7xf32>
    %dot_general3A = arith.constant dense<0.000000e+00> : vector<7x10240xf32>
    %dot_general3A_15 = tpu.matmul %get3A_14, %mul3A_11, %dot_general3A {dimension_numbers = #tpu.dot_dimension_numbers<[0], [0], [1], [1], [0, 1, 1, 1], [], []>, transpose_lhs_hint = false} : vector<16x7xf32>, vector<16x10240xf32>, vector<7x10240xf32> -> vector<7x10240xf32>
    %get3A_16 = arith.constant 0 : index
    %get3A_17 = vector.load %arg3[%get3A_16] : memref<7xf32, #tpu.memory_space<vmem>>, vector<7xf32>
    %broadcast_in_dim3A_18 = vector.shape_cast %get3A_17 : vector<7xf32> to vector<7x1xf32>
    %add3A_19 = vector.broadcast %broadcast_in_dim3A_18 : vector<7x1xf32> to vector<7x10240xf32>
    %add3A_20 = arith.addf %dot_general3A_15, %add3A_19 : vector<7x10240xf32>
    %reduce_max3A = arith.constant dense<0xFF800000> : vector<10240xf32>
    %reduce_max3A_21 = vector.multi_reduction <maximumf>, %add3A_20, %reduce_max3A [0] : vector<7x10240xf32> to vector<10240xf32>
    %broadcast_in_dim3A_22 = vector.shape_cast %reduce_max3A_21 : vector<10240xf32> to vector<1x10240xf32>
    %sub3A = vector.broadcast %broadcast_in_dim3A_22 : vector<1x10240xf32> to vector<7x10240xf32>
    %sub3A_23 = arith.subf %add3A_20, %sub3A : vector<7x10240xf32>
    %exp3A = math.exp %sub3A_23 : vector<7x10240xf32>
    %reduce_sum3A = arith.constant dense<0.000000e+00> : vector<10240xf32>
    %reduce_sum3A_24 = vector.multi_reduction <add>, %exp3A, %reduce_sum3A [0] : vector<7x10240xf32> to vector<10240xf32>
    %broadcast_in_dim3A_25 = vector.shape_cast %reduce_sum3A_24 : vector<10240xf32> to vector<1x10240xf32>
    %log3A = math.log %broadcast_in_dim3A_25 : vector<1x10240xf32>
    %sub3A_26 = vector.broadcast %log3A : vector<1x10240xf32> to vector<7x10240xf32>
    %sub3A_27 = arith.subf %sub3A_23, %sub3A_26 : vector<7x10240xf32>
    %swap3A = arith.constant 0 : index
    %swap3A_28 = arith.constant 0 : index
    %swap3A_29 = vector.load %arg4[%swap3A, %swap3A_28] : memref<7x10240xf32, #tpu.memory_space<vmem>>, vector<7x10240xf32>
    tpu.vector_store %arg4[%swap3A, %swap3A_28], %sub3A_27 {strides = array<i32>} : memref<7x10240xf32, #tpu.memory_space<vmem>>, vector<7x10240xf32>,
    return
  }
}

</mosaic_0001>

<sc_bundles>
// kernel: kernel.10.cloned.1.call-start
scs
__scs_entry_jumppad:
0x0: {  	(pc) =	sbr.rel $0x88, $3  }
0x1: {  	(tag) =	ssettag $0x0;
	lr =	simm.s32 $0x1  }
0x2: {  	[smem:$0x3F9B] =	sst lr;
	_ =	strace $0xD0000000  }
0x3: {  	_ = 	snop  }
0x4: {  	_ = 	snop  }
0x5: {  	_ = 	snop  }
0x6: {  	_ = 	snop  }
0x7: {  	_ = 	snop  }
__scs_overlays_trampoline_lowered:
0x8: {  	[smem:$0x3FAA] =	sst s0  }
0x9: {  	[smem:$0x3FAB] =	sst s1  }
0xa: {  	[smem:$0x3FAC] =	sst s2  }
0xb: {  	[smem:$0x3FAD] =	sst s3  }
0xc: {  	[smem:$0x3FAE] =	sst s4  }
0xd: {  	[smem:$0x3FAF] =	sst s5  }
0xe: {  	[smem:$0x3FB0] =	sst s6  }
0xf: {  	[smem:$0x3FB1] =	sst s7  }
0x10: {  	[smem:$0x3FB2] =	sst s8  }
0x11: {  	[smem:$0x3FB3] =	sst s9;
	s0 =	simm.s32 @!p0 $0x0  }
0x12: {  	s1 =	sld [smem:$0x3F99];
	s0 =	simm.s32 @p0 $0x1  }
0x13: {  	[smem:$0x3FB4] =	sst s0;
	s0 =	simm.s32 @!p1 $0x0  }
0x14: {  	s2 =	sld [smem:$0x3F98];
	s0 =	simm.s32 @p1 $0x1  }
0x15: {  	[smem:$0x3FB5] =	sst s0;
	s0 =	simm.s32 @!p2 $0x0  }
0x16: {  	s3 =	sld [smem:$0x3FDB];
	s0 =	simm.s32 @p2 $0x1  }
0x17: {  	s4 =	simm.s32 $0x1BF5;
	[smem:$0x3FB7] =	sst s0  }
0x18: {  	s0 =	sld [smem:$0x3F9A];
	_ =	swait.ge [sflag:s4], $0x0  }
0x19: {  	s7 =	sld [smem:$0x3F9B]  }
0x1a: {  	s8 =	sadd.s32 $0xFFFFE003, lr  }
0x1b: {  	s9 =	sadd.s32 $0xFFFFFEF7, lr;
	s5 =	simm.s32 $0xFFFFFFFF;
	p2 =	slt.u32 s8, $0xFFFFF086  }
0x1c: {  	p1 =	slt.u32 s9, $0xF7A;
	s5 =	simm.s32 @!p2 $0x0  }
0x1d: {  	s5 =	simm.s32 @p1 $0x1;
	p0 =	seq.s32 s7, s2  }
0x1e: {  	s7 =	smul.u32 @!p0 $0xF7A, s2;
	p2 =	seq.s32 @!p0 s5, $0x0  }
0x1f: {  	s9 =	smul.u32 $0xF7A, s1;
	s8 =	simm.s32 @!p0 $0x1BF5;
	p2 =	por !p2, p0  }
0x20: {  	[sflag:s8] =	ssyncset.s32 @!p0 $0xFFFFF086;
	s6 =	sadd.s32 @!p0 s3, s7;
	s7 =	simm.s32 @!p0 $0x108  }
0x21: {  	s3 =	sadd.s32 s3, s9;
	s6 =	sadd.s32 @!p0 $0x88, s6;
	s7 =	simm.s32 @p2 $0x1082  }
0x22: {  	[simem:s7], [sflag:s8] =	dma.local @!p0 [hbm:s6], $0xF7A  }
0x23: {  	s9 =	sor.u32 $0xD0000000, s2;
	s6 =	simm.s32 $0x108;
	_ =	swait.ge @!p0 [sflag:s8], $0x0  }
0x24: {  	s3 =	sadd.s32 $0x88, s3;
	s6 =	simm.s32 @!p1 $0x1082;
	[sflag:s4] =	ssyncset.s32 $0xFFFFF086  }
0x25: {  	[simem:s6], [sflag:s4] =	dma.local [hbm:s3], $0xF7A  }
0x26: {  	[smem:$0x3F9B] =	sst s1;
	(tag) =	ssettag s2;
	_ =	strace s9  }
0x27: {  	s1 =	sld [smem:$0x3FAB]  }
0x28: {  	s2 =	sld [smem:$0x3FAC]  }
0x29: {  	s4 =	sld [smem:$0x3FAE]  }
0x2a: {  	p0 =	seq.s32 s5, $0x0;
	s5 =	sld [smem:$0x3FAF]  }
0x2b: {  	s6 =	sld [smem:$0x3FB0]  }
0x2c: {  	s7 =	sld [smem:$0x3FB1]  }
0x2d: {  	s3 =	simm.s32 $0x108;
	s8 =	sld [smem:$0x3FB2]  }
0x2e: {  	s3 =	simm.s32 @!p0 $0x1082;
	s9 =	sld [smem:$0x3FB3]  }
0x2f: {  	lr =	sadd.s32 s0, s3;
	s0 =	sld [smem:$0x3FAA]  }
0x30: {  	s3 =	sld [smem:$0x3FAD]  }
0x31: {  	[smem:$0x3FB6] =	sst s10  }
0x32: {  	s10 =	sld [smem:$0x3FB4];
	_ =	sdelay $0x3  }
0x33: {  	p0 =	seq.s32 s10, $0x1;
	s10 =	sld [smem:$0x3FB6];
	_ =	sdelay $0x3  }
0x34: {  	[smem:$0x3FB6] =	sst s10  }
0x35: {  	s10 =	sld [smem:$0x3FB5];
	_ =	sdelay $0x3  }
0x36: {  	p1 =	seq.s32 s10, $0x1;
	s10 =	sld [smem:$0x3FB6];
	_ =	sdelay $0x3  }
0x37: {  	[smem:$0x3FB6] =	sst s10  }
0x38: {  	s10 =	sld [smem:$0x3FB7]  }
0x39: {  	_ = 	snop;
	(pc) =	sbr.ind lr, $3  }
0x3a: {  	_ = 	snop  }
0x3b: {  	_ = 	snop  }
0x3c: {  	p2 =	seq.s32 s10, $0x1;
	s10 =	sld [smem:$0x3FB6]  }
0x3d: {  	_ =	shalt  }
0x3e: {  	_ =	shalt  }
0x3f: {  	_ =	shalt  }
0x40: {  	_ =	shalt  }
0x41: {  	_ =	shalt  }
0x42: {  	_ =	shalt  }
0x43: {  	_ =	shalt  }
0x44: {  	_ =	shalt  }
0x45: {  	_ =	shalt  }
0x46: {  	_ =	shalt  }
0x47: {  	_ =	shalt  }
0x48: {  	_ =	shalt  }
0x49: {  	_ =	shalt  }
0x4a: {  	_ =	shalt  }
0x4b: {  	_ =	shalt  }
0x4c: {  	_ =	shalt  }
0x4d: {  	_ =	shalt  }
0x4e: {  	_ =	shalt  }
0x4f: {  	_ =	shalt  }
0x50: {  	_ =	shalt  }
0x51: {  	_ =	shalt  }
0x52: {  	_ =	shalt  }
0x53: {  	_ =	shalt  }
0x54: {  	_ =	shalt  }
0x55: {  	_ =	shalt  }
0x56: {  	_ =	shalt  }
0x57: {  	_ =	shalt  }
0x58: {  	_ =	shalt  }
0x59: {  	_ =	shalt  }
0x5a: {  	_ =	shalt  }
0x5b: {  	_ =	shalt  }
0x5c: {  	_ =	shalt  }
0x5d: {  	_ =	shalt  }
0x5e: {  	_ =	shalt  }
0x5f: {  	_ =	shalt  }
0x60: {  	_ =	shalt  }
0x61: {  	_ =	shalt  }
0x62: {  	_ =	shalt  }
0x63: {  	_ =	shalt  }
0x64: {  	_ =	shalt  }
0x65: {  	_ =	shalt  }
0x66: {  	_ =	shalt  }
0x67: {  	_ =	shalt  }
0x68: {  	_ =	shalt  }
0x69: {  	_ =	shalt  }
0x6a: {  	_ =	shalt  }
0x6b: {  	_ =	shalt  }
0x6c: {  	_ =	shalt  }
0x6d: {  	_ =	shalt  }
0x6e: {  	_ =	shalt  }
0x6f: {  	_ =	shalt  }
0x70: {  	_ =	shalt  }
0x71: {  	_ =	shalt  }
0x72: {  	_ =	shalt  }
0x73: {  	_ =	shalt  }
0x74: {  	_ =	shalt  }
0x75: {  	_ =	shalt  }
0x76: {  	_ =	shalt  }
0x77: {  	_ =	shalt  }
0x78: {  	_ =	shalt  }
0x79: {  	_ =	shalt  }
0x7a: {  	_ =	shalt  }
0x7b: {  	_ =	shalt  }
0x7c: {  	_ =	shalt  }
0x7d: {  	_ =	shalt  }
0x7e: {  	_ =	shalt  }
0x7f: {  	_ =	shalt  }
0x80: {  	_ =	shalt  }
0x81: {  	_ =	shalt  }
0x82: {  	_ =	shalt  }
0x83: {  	_ =	shalt  }
0x84: {  	_ =	shalt  }
0x85: {  	_ =	shalt  }
0x86: {  	_ =	shalt  }
0x87: {  	_ =	shalt  }
.Lfunc_end0:
.L_simem_size_0:
called_computation.1_lowered:
.L_overlay_start_0:
0x88: {  	s2 =	sld [smem:$0x3FD9]  }
0x89: {  	s3 =	sld [smem:$0x3FFE];
	_ =	sdelay $0x1  }
0x8a: {  	s1 =	srdreg.scid  }
0x8b: {  	s0 =	sand.u32 $0x1, s1  }
0x8c: {  	s17 =	sshll.u32 s0, $0xA;
	s2 =	sadd.s32 s3, s2  }
0x8d: {  	s2 =	sadd.s32 s2, s17  }
0x8e: {  	[smem:$0x3FC2] =	sst s2  }
0x8f: {  	_ = 	snop  }
0x90: {  	s2 =	sld [smem:$0x3FD0];
	(tm) =	ssettm $0x1  }
0x91: {  	s18 =	sld [smem:$0x3FFB];
	_ =	sdelay $0x3  }
0x92: {  	_ =	strace s18  }
0x93: {  	s3 =	sld [smem:$0x3FFC];
	_ =	sdelay $0x3  }
0x94: {  	_ =	strace s3  }
0x95: {  	s3 =	sld [smem:$0x3FFD];
	_ =	sdelay $0x3  }
0x96: {  	_ =	strace s3  }
0x97: {  	_ =	strace $0x8FFFFFFF  }
0x98: {  	s19 =	sld [smem:$0x3FDB];
	_ =	sdelay $0x1  }
0x99: {  	s4 =	simm.s32 $_scs_section_size  }
0x9a: {  	s5 =	simm.s32 $_size__tile_overlayer_lowered;
	s6 =	simm.s32 $_tile_overlayer_lowered  }
0x9b: {  	s22 =	simm.s32 $0x1BFF;
	s21 =	sshll.u32 s6, $0x1;
	s3 =	sadd.s32 s4, s19  }
0x9c: {  	s7 =	simm.s32 $0x0;
	s20 =	sshll.u32 s5, $0x1;
	s5 =	sadd.s32 s21, s3  }
0x9d: {  	[timem:s7], [sflag:s22] =	dma.local [hbm:s5], s20  }
0x9e: {  	_ =	swait.ge [sflag:s22], s20  }
0x9f: {  	s4 =	ssub.s32 $0x0, s20;
	[sflag:s22] =	ssyncset.done $0x0  }
0xa0: {  	[sflag:s22] =	ssyncadd.s32 s4;
	_ =	sdelay $0x1  }
0xa1: {  	s23 =	simm.s32 $0x1B8B  }
0xa2: {  	_ =	swait.ge [sflag:s23], $0x1  }
0xa3: {  	[sflag:s23] =	ssyncset.done $0x0  }
0xa4: {  	s25 =	simm.s32 $0x1B8E;
	s24 =	sld [smem:$0x3FFE];
	[sflag:s23] =	ssyncadd.s32 $0xFFFFFFFF  }
0xa5: {  	s26 =	simm.s32 $execute0_lowered;
	[smem:$0x3FD2] =	sst s25  }
0xa6: {  	s5 =	sshll.u32 s26, $0x1;
	_ =	strace $0x80000049;
	[dreg:$0x1] =	wrdreg $0xFFFFFFFF  }
0xa7: {  	s28 =	simm.s32 $_size_execute0_lowered;
	s3 =	sadd.s32 s3, s5;
	[dreg:$0x0] =	wrdreg $0x0  }
0xa8: {  	s5 =	sshll.u32 s28, $0x1;
	[dreg:$0x2] =	wrdreg s3  }
0xa9: {  	[dreg:$0x3] =	wrdreg s5  }
0xaa: {  	[dreg:$0x4] =	wrdreg $0xC0  }
0xab: {  	_ =	task [dreg:s7], $0x5FFFF  }
0xac: {  	[dreg:$0x1] =	wrdreg $0xFFFFFFFF  }
0xad: {  	[dreg:$0x0] =	wrdreg $0x60  }
0xae: {  	[dreg:$0x2] =	wrdreg s24  }
0xaf: {  	[dreg:$0x3] =	wrdreg s2  }
0xb0: {  	[dreg:$0x4] =	wrdreg $0x2D000  }
0xb1: {  	[dreg:$0x5] =	wrdreg $0x55000  }
0xb2: {  	[dreg:$0x6] =	wrdreg $0x9  }
0xb3: {  	_ =	task.clear_ibuf [dreg:s7], $0x7FFFF;
	_ =	strace $0x90000049  }
0xb4: {  	s29 =	simm.s32 $0x9;
	_ =	strace $0x8000004B  }
0xb5: {  	_ =	swait.ge [sflag:s29], $0x1  }
0xb6: {  	[sflag:s29] =	ssyncadd.s32 $0xFFFFFFFF  }
0xb7: {  	_ =	strace $0x9000004B  }
0xb8: {  	_ =	sfence  }
0xb9: {  	s30 =	sld [smem:$0x0];
	_ =	sdelay $0x2  }
0xba: {  	s31 =	sshll.u32 s1, $0xD;
	s1 =	sshrl.u32 s1, $0x2  }
0xbb: {  	s3 =	sand.u32 $0x4000, s31;
	s1 =	sadd.s32 s1, s30  }
0xbc: {  	s0 =	sor.u32 s3, s0;
	s1 =	sshll.u32 s1, $0x11  }
0xbd: {  	s0 =	sor.u32 s1, s0  }
0xbe: {  	s0 =	sadd.s32 $0x8F2B, s0  }
0xbf: {  	[sflag:s0] =	ssyncadd.remote.s32 $0x1  }
0xc0: {  	_ =	sfence.sel $0xFFFF  }
0xc1: {  	[dreg:$0x0] =	wrdreg $0xFFFFFFFF;
	(pc) =	sbr.abs _section_cstart, $3  }
0xc2: {  	[dreg:$0x1] =	wrdreg $0xFFFFFFFF  }
0xc3: {  	_ =	task.clear_ibuf [dreg:s7], $0x2FFFF;
	_ =	strace $0x9FFFFFFF  }
0xc4: {  	(tm) =	ssettm $0x7FFFFFFF  }
0xc5: {  	_ =	shalt  }
tec
execute0_lowered:
.L_overlay_start_1:
0x0: {  	(tag) =	ssettag $0x1  }
0x1: {  	s0 =	rddreg [dreg:$0x0]  }
0x2: {  	s2 =	rddreg [dreg:$0x1]  }
0x3: {  	s1 =	rddreg [dreg:$0x2]  }
0x4: {  	s3 =	rddreg [dreg:$0x3];
	s4 =	simm.s32 $0x0;
	s15 =	stileid.u32  }
0x5: {  	s6 =	srdreg.scid;
	s30 =	simm.s32 $0x5;
	s31 =	simm.s32 $0x500  }
0x6: {  	[smem:$0x7FF] =	sst s4;
	s7 =	smul.u32 $0x2800, s15;
	s5 =	sadd.s32 $0xBA00, s0  }
0x7: {  	s8 =	smul.u32 $0x280, s15;
	s9 =	sand.u32 $0x1, s6;
	s6 =	sadd.s32 $0x1A00, s0  }
0x8: {  	s12 =	sadd.s32 $0x1AA00, s0;
	_ =	strace $0x8000004A;
	s11 =	smul.u32 $0x2800, s9  }
0x9: {  	s26 =	ssub.s32 $0x2, s9;
	s14 =	sshll.u32 s9, $0x4;
	s20 =	smul.u32 $0x28000, s9  }
0xa: {  	p0 =	seq.s32 s9, $0x1;
	s9 =	simm.s32 $0xC500;
	s10 =	sshrl.u32 s7, $0x3  }
0xb: {  	s13 =	sshrl.u32 s8, $0x3;
	s16 =	sshrl.u32 s26, $0x1;
	s17 =	sor.u32 s15, s14  }
0xc: {  	s19 =	sadd.s32 s7, s1;
	s22 =	sadd.s32 $0x800, s7;
	s14 =	sadd.s32 $0x1000, s7  }
0xd: {  	s10 =	sadd.s32 s10, s0;
	s0 =	sadd.s32 s13, s0;
	s8 =	sadd.s32 s8, s11  }
0xe: {  	s11 =	ssub.s32 s26, s16;
	[dreg:$0x7] =	wrdreg s19;
	s21 =	smul.u32 $0x2800, s17  }
0xf: {  	s24 =	sadd.s32 s20, s22;
	s17 =	sadd.s32 $0x1800, s7;
	s22 =	sadd.s32 s22, s3  }
0x10: {  	s8 =	sshrl.u32 s8, $0x3;
	s18 =	sadd.s32 $0x15A00, s10;
	s10 =	sadd.s32 s7, s3  }
0x11: {  	s0 =	sadd.s32 $0x24A00, s0;
	s26 =	sshrl.u32 s24, $0x3;
	[dreg:$0x12] =	wrdreg s22  }
0x12: {  	s16 =	sadd.s32 s20, s17;
	s24 =	sadd.s32 s17, s3;
	[dreg:$0x6] =	wrdreg s18  }
0x13: {  	s17 =	simm.s32 $0x0;
	s2 =	sadd.s32 s2, s8;
	[dreg:$0x8] =	wrdreg s0  }
0x14: {  	s0 =	sadd.s32 s7, s20;
	s8 =	sshrl.u32 s21, $0x3;
	s18 =	sadd.s32 s20, s14  }
0x15: {  	s7 =	sadd.s32 $0x2000, s7;
	s16 =	sshrl.u32 s16, $0x3;
	[dreg:$0x14] =	wrdreg s24  }
0x16: {  	[dreg:$0x5] =	wrdreg s2;
	s23 =	sshrl.u32 s0, $0x3;
	s25 =	sadd.s32 s5, s8  }
0x17: {  	s15 =	sshrl.u32 s18, $0x3;
	s2 =	sadd.s32 s20, s7;
	s19 =	sadd.s32 s12, s16  }
0x18: {  	s20 =	sadd.s32 s6, s8;
	s21 =	sor.u32 $0x80, s8;
	[dreg:$0x9] =	wrdreg s25  }
0x19: {  	s7 =	sadd.s32 s7, s3;
	s29 =	sadd.s32 $0x800, s0;
	[dreg:$0xd] =	wrdreg s19  }
0x1a: {  	s16 =	simm.s32 $0x3;
	s13 =	sadd.s32 s12, s23;
	[dreg:$0xf] =	wrdreg s20  }
0x1b: {  	s15 =	sadd.s32 s12, s15;
	s2 =	sshrl.u32 s2, $0x3;
	[dreg:$0x15] =	wrdreg s7  }
0x1c: {  	s8 =	sadd.s32 s5, s21;
	s23 =	sadd.s32 s14, s3;
	[dreg:$0xa] =	wrdreg s13  }
0x1d: {  	s25 =	sadd.s32 $0xC00, s0;
	s0 =	simm.s32 $0x7D00;
	[dreg:$0xc] =	wrdreg s15  }
0x1e: {  	s7 =	simm.s32 $0x400;
	s14 =	simm.s32 $0xCD00;
	[dreg:$0x10] =	wrdreg s8  }
0x1f: {  	s13 =	sadd.s32 s12, s26;
	s2 =	sadd.s32 s12, s2;
	[dreg:$0x13] =	wrdreg s23  }
0x20: {  	s26 =	smax.u32 s11, $0x1;
	s11 =	simm.s32 $0x2;
	[dreg:$0xb] =	wrdreg s13  }
0x21: {  	s8 =	simm.s32 $0x8500;
	s12 =	simm.s32 $0xC900;
	[dreg:$0xe] =	wrdreg s2  }
0x22: {  	s15 =	simm.s32 $0x1;
	s2 =	sadd.s32 s6, s21;
	[dreg:$0x16] =	wrdreg s26  }
0x23: {  	s13 =	simm.s32 $0x4;
	[dreg:$0x11] =	wrdreg s2;
	s2 =	sshrl.u32 s25, $0x3  }
0x24: {  	v0 =	vimm.f32 $0.0e+00;
	s26 =	sadd.s32 s2, s6;
	s28 =	sadd.s32 s2, s5;
	s2 =	simm.s32 $0x8100  }
.LBB2_1:
0x25: {  	s18 =	rddreg [dreg:$0x5]  }
0x26: {  	[tilespmem:s4], [sflag:$0x5] =	stream.linear.gather [hbm4b:s18+s4], $0x280, $0x38;
	[tilespmem:$0x10D00] =	vst v63  }
0x27: {  	_ =	swait.ge [sflag:s30], $0x280  }
0x28: {  	[sflag:s30] =	ssyncset.done $0x0  }
0x29: {  	s25 =	rddreg [dreg:$0x6];
	[sflag:s30] =	ssyncadd.s32 $0xFFFFFD80  }
0x2a: {  	[tilespmem:s31], [sflag:$0x5] =	stream.linear.gather [hbm4b:s25+s4], $0x2800, $0x38;
	[tilespmem:$0x10D00] =	vst v63  }
0x2b: {  	_ =	swait.ge [sflag:s30], $0x2800  }
0x2c: {  	[sflag:s30] =	ssyncset.done $0x0  }
0x2d: {  	s19 =	simm.s32 $0x0;
	[sflag:s30] =	ssyncadd.s32 $0xFFFFD800  }
0x2e: {  	v1 =	vld [tilespmem:s19+$0x0];
	_ =	sdelay $0x4  }
0x2f: {  	s18 =	simm.s32 $0x10;
	v1 =	vadd.f32 $1.000000000e+00, v1  }
0x30: {  	v2 =	vld [tilespmem:s18+$0x0]  }
0x31: {  	v3 =	vshrl.u32 v1, $0x1;
	v4 =	vmul.f32 $5.000000000e-01, v1  }
0x32: {  	v1 =	vsub.s32 $0x5F3759DF, v3  }
0x33: {  	v3 =	vmul.f32 v1, v4  }
0x34: {  	s20 =	simm.s32 $0x20  }
0x35: {  	v5 =	vld [tilespmem:s20+$0x0];
	v2 =	vadd.f32 $1.000000000e+00, v2;
	v3 =	vmul.f32 v1, v3;
	_ =	sdelay $0x1  }
0x36: {  	v6 =	vshrl.u32 v2, $0x1;
	v8 =	vmul.f32 $5.000000000e-01, v2;
	v2 =	vsub.f32 $1.500000000e+00, v3  }
0x37: {  	v3 =	vsub.s32 $0x5F3759DF, v6  }
0x38: {  	v6 =	vmul.f32 v3, v8;
	v2 =	vmul.f32 v1, v2  }
0x39: {  	s21 =	simm.s32 $0x30;
	v1 =	vadd.f32 $1.000000000e+00, v5  }
0x3a: {  	v5 =	vld [tilespmem:s21+$0x0];
	v6 =	vmul.f32 v3, v6;
	v7 =	vmul.f32 v2, v4  }
0x3b: {  	v9 =	vshrl.u32 v1, $0x1;
	v1 =	vmul.f32 $5.000000000e-01, v1  }
0x3c: {  	v6 =	vsub.f32 $1.500000000e+00, v6;
	v9 =	vsub.s32 $0x5F3759DF, v9;
	v7 =	vmul.f32 v7, v2  }
0x3d: {  	v10 =	vmul.f32 v9, v1  }
0x3e: {  	v3 =	vmul.f32 v3, v6;
	v6 =	vsub.f32 $1.500000000e+00, v7  }
0x3f: {  	v5 =	vadd.f32 $1.000000000e+00, v5;
	v10 =	vmul.f32 v9, v10  }
0x40: {  	s22 =	simm.s32 $0x40;
	v11 =	vmul.f32 v3, v8;
	v6 =	vmul.f32 v6, v2  }
0x41: {  	v7 =	vld [tilespmem:s22+$0x0];
	v12 =	vshrl.u32 v5, $0x1;
	v2 =	vmul.f32 $5.000000000e-01, v5;
	v5 =	vsub.f32 $1.500000000e+00, v10  }
0x42: {  	v13 =	vsub.s32 $0x5F3759DF, v12;
	v10 =	vmul.f32 v11, v3;
	v4 =	vmul.f32 v6, v4  }
0x43: {  	v11 =	vmul.f32 v13, v2;
	v5 =	vmul.f32 v9, v5  }
0x44: {  	v9 =	vsub.f32 $1.500000000e+00, v10;
	v4 =	vmul.f32 v4, v6  }
0x45: {  	v10 =	vmul.f32 v13, v11;
	v11 =	vmul.f32 v5, v1  }
0x46: {  	s23 =	simm.s32 $0x50;
	v7 =	vadd.f32 $1.000000000e+00, v7;
	v3 =	vmul.f32 v9, v3  }
0x47: {  	v14 =	vsub.f32 $1.500000000e+00, v4;
	v15 =	vsub.f32 $1.500000000e+00, v10;
	v10 =	vmul.f32 v11, v5;
	v11 =	vld [tilespmem:s23+$0x0]  }
0x48: {  	v12 =	vshrl.u32 v7, $0x1;
	v4 =	vmul.f32 $5.000000000e-01, v7  }
0x49: {  	v7 =	vsub.s32 $0x5F3759DF, v12;
	v9 =	vmul.f32 v3, v8;
	v6 =	vmul.f32 v14, v6  }
0x4a: {  	s24 =	simm.s32 $0x180;
	v12 =	vmul.f32 v7, v4;
	v8 =	vmul.f32 v13, v15  }
.LBB2_2:
0x4b: {  	s25 =	sshra.s32 s24, $0x2  }
0x4c: {  	v13 =	vadd.f32 $1.000000000e+00, v11;
	v10 =	vsub.f32 $1.500000000e+00, v10;
	v9 =	vmul.f32 v9, v3;
	[tilespmem:s19+$0x280] =	vst v6;
	s19 =	smov.u32 s18;
	s18 =	smov.u32 s20;
	p1 =	sne.s32 s24, $0x9C0  }
.Ltmp0:
0x4d: {  	s20 =	smov.u32 s21;
	s21 =	smov.u32 s22;
	v11 =	vld [tilespmem:s25+$0x0];
	v6 =	vmul.f32 v7, v12;
	v12 =	vmul.f32 v8, v2;
	(pc) =	sbr.rel @p1 .LBB2_2-.Ltmp0, $4  }
0x4e: {  	s24 =	sadd.s32 $0x40, s24;
	s22 =	smov.u32 s23;
	v14 =	vshrl.u32 v13, $0x1;
	v15 =	vmul.f32 v10, v5;
	v16 =	vsub.f32 $1.500000000e+00, v9;
	v5 =	vmovc v8  }
0x4f: {  	s23 =	smov.u32 s25;
	v13 =	vmul.f32 $5.000000000e-01, v13;
	v8 =	vsub.f32 $1.500000000e+00, v6;
	v10 =	vmul.f32 v12, v5  }
0x50: {  	v14 =	vsub.s32 $0x5F3759DF, v14;
	v9 =	vmul.f32 v15, v1;
	v6 =	vmul.f32 v16, v3;
	v3 =	vmovc v15;
	v1 =	vmovc v2  }
0x51: {  	v12 =	vmul.f32 v14, v13;
	v2 =	vmovc v4;
	v4 =	vmovc v13;
	v8 =	vmul.f32 v7, v8;
	v7 =	vmov v14  }
0x52: {  	v11 =	vadd.f32 $1.000000000e+00, v11;
	_ =	sdelay $0x1  }
0x53: {  	v13 =	vshrl.u32 v11, $0x1;
	v11 =	vmul.f32 $5.000000000e-01, v11  }
0x54: {  	v13 =	vsub.s32 $0x5F3759DF, v13  }
0x55: {  	v14 =	vmul.f32 v13, v11  }
0x56: {  	v12 =	vmul.f32 v7, v12  }
0x57: {  	v14 =	vmul.f32 v13, v14  }
0x58: {  	v12 =	vsub.f32 $1.500000000e+00, v12  }
0x59: {  	v14 =	vsub.f32 $1.500000000e+00, v14  }
0x5a: {  	v55 =	vmul.f32 v7, v12  }
0x5b: {  	v56 =	vmul.f32 v8, v2;
	v13 =	vmul.f32 v13, v14  }
0x5c: {  	v57 =	vmul.f32 v55, v4  }
0x5d: {  	v12 =	vmul.f32 v56, v8;
	v15 =	vmul.f32 v13, v11  }
0x5e: {  	v10 =	vsub.f32 $1.500000000e+00, v10;
	v14 =	vmul.f32 v57, v55  }
0x5f: {  	v12 =	vsub.f32 $1.500000000e+00, v12;
	v15 =	vmul.f32 v15, v13  }
0x60: {  	v5 =	vmul.f32 v10, v5;
	v58 =	vsub.f32 $1.500000000e+00, v14  }
0x61: {  	v9 =	vmul.f32 v9, v3;
	v59 =	vmul.f32 v12, v8;
	v60 =	vsub.f32 $1.500000000e+00, v15  }
0x62: {  	v1 =	vmul.f32 v5, v1;
	v7 =	vmul.f32 v58, v55  }
0x63: {  	v2 =	vmul.f32 v59, v2;
	v61 =	vmul.f32 v60, v13  }
0x64: {  	v1 =	vmul.f32 v1, v5;
	v62 =	vmul.f32 v7, v4  }
0x65: {  	v9 =	vsub.f32 $1.500000000e+00, v9;
	v2 =	vmul.f32 v2, v59;
	v11 =	vmul.f32 v61, v11  }
0x66: {  	v1 =	vsub.f32 $1.500000000e+00, v1;
	v4 =	vmul.f32 v62, v7  }
0x67: {  	v3 =	vmul.f32 v9, v3;
	v2 =	vsub.f32 $1.500000000e+00, v2;
	v63 =	vmul.f32 v11, v61  }
0x68: {  	[tilespmem:s19+$0x280] =	vst v6;
	v1 =	vmul.f32 v1, v5;
	v4 =	vsub.f32 $1.500000000e+00, v4  }
0x69: {  	[tilespmem:s18+$0x280] =	vst v3;
	v2 =	vmul.f32 v2, v59;
	v3 =	vsub.f32 $1.500000000e+00, v63  }
0x6a: {  	[tilespmem:s20+$0x280] =	vst v1;
	v1 =	vmul.f32 v4, v7  }
0x6b: {  	[tilespmem:s21+$0x280] =	vst v2;
	v2 =	vmul.f32 v3, v61  }
0x6c: {  	[tilespmem:s22+$0x280] =	vst v1  }
0x6d: {  	s18 =	simm.s32 $0x580;
	[tilespmem:s23+$0x280] =	vst v2  }
0x6e: {  	s19 =	simm.s32 $0x580;
	s20 =	simm.s32 $0x40;
	s21 =	simm.s32 $0x0;
	v1 =	vld [tilespmem:s18+$0xFFFFFFB0]  }
.LBB2_4:
0x6f: {  	p1 =	sne.s32 s20, $0x9C0;
	v2 =	vld [tilespmem:s21+$0x280]  }
0x70: {  	v3 =	vld [tilespmem:s18+$0xFFFFFF90]  }
0x71: {  	v4 =	vld [tilespmem:s18+$0xFFFFFF80]  }
0x72: {  	v5 =	vld [tilespmem:s18+$0xFFFFFFA0]  }
0x73: {  	v6 =	vld [tilespmem:s18+$0xFFFFFFF0]  }
0x74: {  	v7 =	vbroadcast v2, $0x0;
	v8 =	vbroadcast v2, $0x1;
	v9 =	vld [tilespmem:s18+$0xFFFFFFD0]  }
0x75: {  	v10 =	vbroadcast v2, $0x2;
	v11 =	vbroadcast v2, $0x3;
	v12 =	vld [tilespmem:s18+$0xFFFFFFC0]  }
0x76: {  	v4 =	vmul.f32 v7, v4;
	v3 =	vmul.f32 v3, v8;
	v7 =	vld [tilespmem:s18+$0xFFFFFFE0]  }
0x77: {  	v1 =	vmul.f32 v1, v11;
	v5 =	vmul.f32 v5, v10;
	v8 =	vld [tilespmem:s18+$0x30]  }
0x78: {  	v10 =	vbroadcast v2, $0x5;
	[tilespmem:s18+$0xFFFFFF80] =	vst v4;
	v4 =	vbroadcast v2, $0x4;
	v11 =	vld [tilespmem:s18+$0x10]  }
0x79: {  	v13 =	vbroadcast v2, $0x7;
	[tilespmem:s18+$0xFFFFFF90] =	vst v3;
	v3 =	vbroadcast v2, $0x6;
	v14 =	vld [tilespmem:s18+$0x0]  }
0x7a: {  	[tilespmem:s18+$0xFFFFFFA0] =	vst v5;
	v4 =	vmul.f32 v12, v4;
	v5 =	vmul.f32 v9, v10;
	v9 =	vld [tilespmem:s18+$0x20]  }
0x7b: {  	[tilespmem:s18+$0xFFFFFFB0] =	vst v1;
	v1 =	vmul.f32 v7, v3;
	v3 =	vmul.f32 v6, v13;
	v6 =	vld [tilespmem:s18+$0x70]  }
0x7c: {  	v7 =	vbroadcast v2, $0x9;
	[tilespmem:s18+$0xFFFFFFC0] =	vst v4;
	v4 =	vbroadcast v2, $0x8;
	v10 =	vld [tilespmem:s18+$0x50]  }
0x7d: {  	v12 =	vbroadcast v2, $0xB;
	[tilespmem:s18+$0xFFFFFFD0] =	vst v5;
	v5 =	vbroadcast v2, $0xA;
	v13 =	vld [tilespmem:s18+$0x40]  }
0x7e: {  	[tilespmem:s18+$0xFFFFFFE0] =	vst v1;
	v1 =	vmul.f32 v14, v4;
	v4 =	vmul.f32 v11, v7;
	v7 =	vld [tilespmem:s18+$0x60]  }
0x7f: {  	[tilespmem:s18+$0xFFFFFFF0] =	vst v3;
	v3 =	vmul.f32 v9, v5;
	v5 =	vmul.f32 v8, v12  }
0x80: {  	v8 =	vbroadcast v2, $0xD;
	[tilespmem:s18+$0x0] =	vst v1;
	v1 =	vbroadcast v2, $0xC  }
0x81: {  	[tilespmem:s18+$0x10] =	vst v4;
	v4 =	vbroadcast v2, $0xE;
	v2 =	vbroadcast v2, $0xF  }
0x82: {  	[tilespmem:s18+$0x20] =	vst v3;
	v1 =	vmul.f32 v13, v1;
	v3 =	vmul.f32 v10, v8  }
.Ltmp1:
0x83: {  	[tilespmem:s18+$0x30] =	vst v5;
	v4 =	vmul.f32 v7, v4;
	v2 =	vmul.f32 v6, v2;
	(pc) =	sbr.rel @p1 .LBB2_4-.Ltmp1, $4  }
0x84: {  	[tilespmem:s18+$0x40] =	vst v1  }
0x85: {  	[tilespmem:s18+$0x50] =	vst v3  }
0x86: {  	s18 =	sadd.s32 $0x100, s18;
	[tilespmem:s19+$0x60] =	vst v4  }
0x87: {  	s21 =	sshra.s32 s20, $0x2;
	s20 =	sadd.s32 $0x40, s20;
	v1 =	vld [tilespmem:s18+$0xFFFFFFB0];
	[tilespmem:s19+$0x70] =	vst v2;
	s19 =	smov.u32 s18  }
0x88: {  	v2 =	vld [tilespmem:s21+$0x280];
	_ =	sdelay $0x1  }
0x89: {  	v3 =	vld [tilespmem:s18+$0xFFFFFF80]  }
0x8a: {  	v4 =	vld [tilespmem:s18+$0xFFFFFF90]  }
0x8b: {  	v5 =	vld [tilespmem:s18+$0xFFFFFFA0]  }
0x8c: {  	v6 =	vbroadcast v2, $0x0  }
0x8d: {  	v9 =	vld [tilespmem:s18+$0xFFFFFFD0];
	v7 =	vbroadcast v2, $0x1  }
0x8e: {  	v8 =	vld [tilespmem:s18+$0xFFFFFFC0];
	v10 =	vbroadcast v2, $0x2;
	v3 =	vmul.f32 v6, v3  }
0x8f: {  	v48 =	vld [tilespmem:s18+$0xFFFFFFE0];
	v47 =	vbroadcast v2, $0x3;
	v4 =	vmul.f32 v4, v7  }
0x90: {  	v51 =	vld [tilespmem:s18+$0x10];
	v49 =	vbroadcast v2, $0x5;
	v5 =	vmul.f32 v5, v10;
	[tilespmem:s18+$0xFFFFFF80] =	vst v3  }
0x91: {  	v11 =	vld [tilespmem:s18+$0xFFFFFFF0];
	v1 =	vmul.f32 v1, v47;
	v3 =	vbroadcast v2, $0x4;
	[tilespmem:s18+$0xFFFFFF90] =	vst v4  }
0x92: {  	v50 =	vld [tilespmem:s18+$0x0];
	v12 =	vbroadcast v2, $0x6;
	v6 =	vmul.f32 v9, v49;
	[tilespmem:s18+$0xFFFFFFA0] =	vst v5  }
0x93: {  	v56 =	vld [tilespmem:s18+$0x50];
	v54 =	vbroadcast v2, $0x9;
	[tilespmem:s18+$0xFFFFFFB0] =	vst v1;
	v3 =	vmul.f32 v8, v3  }
0x94: {  	v53 =	vld [tilespmem:s18+$0x20];
	v52 =	vbroadcast v2, $0x7;
	v7 =	vmul.f32 v48, v12;
	[tilespmem:s18+$0xFFFFFFD0] =	vst v6  }
0x95: {  	v59 =	vmul.f32 v51, v54;
	v1 =	vld [tilespmem:s18+$0x30];
	[tilespmem:s18+$0xFFFFFFC0] =	vst v3;
	v3 =	vbroadcast v2, $0x8  }
0x96: {  	v55 =	vld [tilespmem:s18+$0x40];
	v62 =	vbroadcast v2, $0xD;
	v5 =	vmul.f32 v11, v52;
	[tilespmem:s18+$0xFFFFFFE0] =	vst v7  }
0x97: {  	v60 =	vld [tilespmem:s18+$0x60];
	v57 =	vbroadcast v2, $0xA;
	[tilespmem:s18+$0x10] =	vst v59;
	v3 =	vmul.f32 v50, v3  }
0x98: {  	v61 =	vld [tilespmem:s18+$0x70];
	v58 =	vbroadcast v2, $0xB;
	v4 =	vmul.f32 v56, v62;
	[tilespmem:s18+$0xFFFFFFF0] =	vst v5  }
0x99: {  	v8 =	vmul.f32 v53, v57;
	[tilespmem:s18+$0x0] =	vst v3;
	v3 =	vbroadcast v2, $0xC  }
0x9a: {  	v63 =	vbroadcast v2, $0xE;
	[tilespmem:s18+$0x50] =	vst v4;
	v1 =	vmul.f32 v1, v58  }
0x9b: {  	[tilespmem:s18+$0x20] =	vst v8;
	v2 =	vbroadcast v2, $0xF;
	v3 =	vmul.f32 v55, v3  }
0x9c: {  	[tilespmem:s18+$0x30] =	vst v1;
	v1 =	vmul.f32 v60, v63  }
0x9d: {  	v2 =	vmul.f32 v61, v2;
	[tilespmem:s18+$0x40] =	vst v3  }
0x9e: {  	[tilespmem:s19+$0x60] =	vst v1  }
.Ltmp2:
0x9f: {  	s25 =	rddreg [dreg:$0x7];
	[tilespmem:s19+$0x70] =	vst v2;
	(pc) =	sbr.rel @!p0 .LBB2_13-.Ltmp2, $4  }
0xa0: {  	[spmem:s25] =	stream.linear.scatter [tilespmem:s31], [sflag:$0x5], $0x2800, $0x38;
	[tilespmem:$0x10D00] =	vst v63  }
0xa1: {  	_ =	swait.ge [sflag:s30], $0x2800  }
0xa2: {  	[sflag:s30] =	ssyncset.done $0x0  }
0xa3: {  	[sflag:s30] =	ssyncadd.s32 $0xFFFFD800  }
0xa4: {  	s18 =	simm.s32 $0x540  }
0xa5: {  	[tilespmem:s18+$0xFFFFFFC0] =	vst v0  }
0xa6: {  	[tilespmem:s18+$0x30] =	vst v0  }
0xa7: {  	[tilespmem:s18+$0x20] =	vst v0  }
0xa8: {  	[tilespmem:s18+$0x10] =	vst v0  }
0xa9: {  	[tilespmem:s18+$0x0] =	vst v0  }
0xaa: {  	[tilespmem:s18+$0xFFFFFFF0] =	vst v0  }
0xab: {  	s19 =	simm.s32 $0x0;
	[tilespmem:s18+$0xFFFFFFE0] =	vst v0  }
.LBB2_7:
0xac: {  	s19 =	sadd.s32 $0x8, s19;
	[tilespmem:s18+$0xFFFFFFD0] =	vst v0;
	s18 =	sadd.s32 $0x80, s18  }
0xad: {  	[tilespmem:s18+$0xFFFFFFC0] =	vst v0;
	p1 =	slt.u32 s19, $0x278  }
0xae: {  	[tilespmem:s18+$0x30] =	vst v0  }
.Ltmp3:
0xaf: {  	[tilespmem:s18+$0x20] =	vst v0;
	(pc) =	sbr.rel @p1 .LBB2_7-.Ltmp3, $4  }
0xb0: {  	[tilespmem:s18+$0x10] =	vst v0  }
0xb1: {  	[tilespmem:s18+$0x0] =	vst v0  }
0xb2: {  	[tilespmem:s18+$0xFFFFFFF0] =	vst v0  }
0xb3: {  	[tilespmem:s18+$0xFFFFFFE0] =	vst v0  }
.Ltmp4:
0xb4: {  	[tilespmem:s18+$0xFFFFFFD0] =	vst v0;
	(pc) =	sbr.rel .LBB2_9-.Ltmp4, $4  }
0xb5: {  	[spmem:s10] =	stream.linear.scatter [tilespmem:s31], [sflag:$0x5], $0x2800, $0x38;
	[tilespmem:$0x10D00] =	vst v63  }
0xb6: {  	_ =	swait.ge [sflag:s30], $0x2800  }
0xb7: {  	[sflag:s30] =	ssyncset.done $0x0  }
0xb8: {  	[sflag:s30] =	ssyncadd.s32 $0xFFFFD800  }
.LBB2_13:
0xb9: {  	[spmem:s10] =	stream.linear.scatter [tilespmem:s31], [sflag:$0x5], $0x2800, $0x38;
	[tilespmem:$0x10D00] =	vst v63  }
0xba: {  	_ =	swait.ge [sflag:s30], $0x2800  }
0xbb: {  	[sflag:s30] =	ssyncset.done $0x0  }
0xbc: {  	s19 =	simm.s32 $0x280;
	s18 =	rddreg [dreg:$0x8];
	[sflag:s30] =	ssyncadd.s32 $0xFFFFD800  }
0xbd: {  	[hbm4b:s18+s4] =	stream.linear.scatter [tilespmem:s19], [sflag:$0x5], $0x280, $0x38;
	[tilespmem:$0x10D00] =	vst v63  }
0xbe: {  	_ =	swait.ge [sflag:s30], $0x280  }
0xbf: {  	[sflag:s30] =	ssyncset.done $0x0  }
0xc0: {  	[sflag:s30] =	ssyncadd.s32 $0xFFFFFD80  }
.LBB2_9:
0xc1: {  	[bflag:$0x0] =	sbarrier.arrive $0xFFFF  }
0xc2: {  	s18 =	simm.s32 $0x0;
	s19 =	rddreg [dreg:$0x9]  }
0xc3: {  	[tilespmem:s0], [sflag:$0x2] =	stream.linear.gather [hbm4b:s19+s18], $0x400, $0x38;
	[tilespmem:$0x10D00] =	vst v63  }
0xc4: {  	s25 =	rddreg [dreg:$0xf]  }
0xc5: {  	[tilespmem:s2], [sflag:$0x2] =	stream.linear.gather [hbm4b:s25+s18], $0x400, $0x38;
	[tilespmem:$0x10D00] =	vst v63  }
0xc6: {  	_ =	swait.ge [sflag:s11], $0x400  }
0xc7: {  	[sflag:s11] =	ssyncset.done $0x0  }
0xc8: {  	[sflag:s11] =	ssyncadd.s32 $0xFFFFFC00  }
0xc9: {  	_ =	swait.ge [sflag:s11], $0x400  }
0xca: {  	[sflag:s11] =	ssyncset.done $0x0  }
0xcb: {  	[sflag:s11] =	ssyncadd.s32 $0xFFFFFC00  }
0xcc: {  	[tilespmem:s8], [sflag:$0x1] =	stream.indirect.gather [spmem:s1], $0x10, s0, s7, $0xb8;
	[tilespmem:$0x10D00] =	vst v63  }
0xcd: {  	s20 =	rddreg [dreg:$0x10]  }
0xce: {  	[tilespmem:s9], [sflag:$0x4] =	stream.linear.gather [hbm4b:s20+s18], $0x400, $0x38;
	[tilespmem:$0x10D00] =	vst v63  }
0xcf: {  	s21 =	rddreg [dreg:$0x11]  }
0xd0: {  	[tilespmem:s12], [sflag:$0x4] =	stream.linear.gather [hbm4b:s21+s18], $0x400, $0x38;
	[tilespmem:$0x10D00] =	vst v63  }
0xd1: {  	_ =	swait.ge [sflag:s13], $0x400  }
0xd2: {  	[sflag:s13] =	ssyncset.done $0x0  }
0xd3: {  	[sflag:s13] =	ssyncadd.s32 $0xFFFFFC00  }
0xd4: {  	_ =	swait.ge [sflag:s13], $0x400  }
0xd5: {  	[sflag:s13] =	ssyncset.done $0x0  }
0xd6: {  	[sflag:s13] =	ssyncadd.s32 $0xFFFFFC00  }
0xd7: {  	[tilespmem:s14], [sflag:$0x3] =	stream.indirect.gather [spmem:s1], $0x10, s9, s7, $0xb8;
	[tilespmem:$0x10D00] =	vst v63  }
0xd8: {  	_ =	swait.ge [sflag:s15], $0x4000  }
0xd9: {  	[sflag:s15] =	ssyncset.done $0x0  }
0xda: {  	[sflag:s15] =	ssyncadd.s32 $0xFFFFC000  }
0xdb: {  	[spmem:s3] =	stream.indirect.scatter.add.f32 [tilespmem:s8], [sflag:$0x5], $0x10, s2, s7, $0xb8;
	[tilespmem:$0x10D00] =	vst v63  }
0xdc: {  	_ =	swait.ge [sflag:s30], $0x4000  }
0xdd: {  	s22 =	sshrl.u32 s29, $0x3;
	[sflag:s30] =	ssyncset.done $0x0  }
0xde: {  	s23 =	sadd.s32 s5, s22;
	[sflag:s30] =	ssyncadd.s32 $0xFFFFC000  }
0xdf: {  	[tilespmem:s0], [sflag:$0x2] =	stream.linear.gather [hbm4b:s23+s4], $0x400, $0x38;
	[tilespmem:$0x10D00] =	vst v63  }
0xe0: {  	s18 =	sadd.s32 s6, s22  }
0xe1: {  	[tilespmem:s2], [sflag:$0x2] =	stream.linear.gather [hbm4b:s18+s4], $0x400, $0x38;
	[tilespmem:$0x10D00] =	vst v63  }
0xe2: {  	_ =	swait.ge [sflag:s16], $0x4000  }
0xe3: {  	[sflag:s16] =	ssyncset.done $0x0  }
0xe4: {  	[sflag:s16] =	ssyncadd.s32 $0xFFFFC000  }
0xe5: {  	[spmem:s3] =	stream.indirect.scatter.add.f32 [tilespmem:s14], [sflag:$0x5], $0x10, s12, s7, $0xb8;
	[tilespmem:$0x10D00] =	vst v63  }
0xe6: {  	_ =	swait.ge [sflag:s30], $0x4000  }
0xe7: {  	[sflag:s30] =	ssyncset.done $0x0  }
0xe8: {  	s24 =	sadd.s32 $0x0, s28;
	[sflag:s30] =	ssyncadd.s32 $0xFFFFC000  }
0xe9: {  	[tilespmem:s9], [sflag:$0x4] =	stream.linear.gather [hbm4b:s24+s4], $0x400, $0x38;
	[tilespmem:$0x10D00] =	vst v63  }
0xea: {  	s25 =	sadd.s32 $0x0, s26  }
0xeb: {  	[tilespmem:s12], [sflag:$0x4] =	stream.linear.gather [hbm4b:s25+s4], $0x400, $0x38;
	[tilespmem:$0x10D00] =	vst v63  }
0xec: {  	_ =	swait.ge [sflag:s11], $0x400  }
0xed: {  	[sflag:s11] =	ssyncset.done $0x0  }
0xee: {  	[sflag:s11] =	ssyncadd.s32 $0xFFFFFC00  }
0xef: {  	_ =	swait.ge [sflag:s11], $0x400  }
0xf0: {  	[sflag:s11] =	ssyncset.done $0x0  }
0xf1: {  	s19 =	sadd.s32 $0x800, s29;
	s18 =	simm.s32 $0x100;
	[sflag:s11] =	ssyncadd.s32 $0xFFFFFC00  }
.LBB2_10:
0xf2: {  	[tilespmem:s8], [sflag:$0x1] =	stream.indirect.gather [spmem:s1], $0x10, s0, s7, $0xb8;
	[tilespmem:$0x10D00] =	vst v63  }
0xf3: {  	s20 =	smov.u32 s18  }
0xf4: {  	p1 =	sne.s32 s18, $0x300;
	s18 =	sadd.s32 $0x100, s18;
	_ =	swait.ge [sflag:s13], $0x400  }
0xf5: {  	[sflag:s13] =	ssyncset.done $0x0  }
0xf6: {  	[sflag:s13] =	ssyncadd.s32 $0xFFFFFC00  }
0xf7: {  	_ =	swait.ge [sflag:s13], $0x400  }
0xf8: {  	[sflag:s13] =	ssyncset.done $0x0  }
0xf9: {  	[sflag:s13] =	ssyncadd.s32 $0xFFFFFC00  }
0xfa: {  	[tilespmem:s14], [sflag:$0x3] =	stream.indirect.gather [spmem:s1], $0x10, s9, s7, $0xb8;
	[tilespmem:$0x10D00] =	vst v63  }
0xfb: {  	_ =	swait.ge [sflag:s15], $0x4000  }
0xfc: {  	[sflag:s15] =	ssyncset.done $0x0  }
0xfd: {  	[sflag:s15] =	ssyncadd.s32 $0xFFFFC000  }
0xfe: {  	[spmem:s3] =	stream.indirect.scatter.add.f32 [tilespmem:s8], [sflag:$0x5], $0x10, s2, s7, $0xb8;
	[tilespmem:$0x10D00] =	vst v63  }
0xff: {  	_ =	swait.ge [sflag:s30], $0x4000  }
0x100: {  	s21 =	sshrl.u32 s19, $0x3;
	[sflag:s30] =	ssyncset.done $0x0  }
0x101: {  	s22 =	sadd.s32 s5, s21;
	[sflag:s30] =	ssyncadd.s32 $0xFFFFC000  }
0x102: {  	[tilespmem:s0], [sflag:$0x2] =	stream.linear.gather [hbm4b:s22+s4], $0x400, $0x38;
	[tilespmem:$0x10D00] =	vst v63  }
0x103: {  	s21 =	sadd.s32 s6, s21  }
0x104: {  	[tilespmem:s2], [sflag:$0x2] =	stream.linear.gather [hbm4b:s21+s4], $0x400, $0x38;
	[tilespmem:$0x10D00] =	vst v63  }
0x105: {  	_ =	swait.ge [sflag:s16], $0x4000  }
0x106: {  	[sflag:s16] =	ssyncset.done $0x0  }
0x107: {  	[sflag:s16] =	ssyncadd.s32 $0xFFFFC000  }
0x108: {  	[spmem:s3] =	stream.indirect.scatter.add.f32 [tilespmem:s14], [sflag:$0x5], $0x10, s12, s7, $0xb8;
	[tilespmem:$0x10D00] =	vst v63  }
0x109: {  	_ =	swait.ge [sflag:s30], $0x4000  }
0x10a: {  	[sflag:s30] =	ssyncset.done $0x0  }
0x10b: {  	s21 =	sadd.s32 s20, s28;
	[sflag:s30] =	ssyncadd.s32 $0xFFFFC000  }
0x10c: {  	[tilespmem:s9], [sflag:$0x4] =	stream.linear.gather [hbm4b:s21+s4], $0x400, $0x38;
	[tilespmem:$0x10D00] =	vst v63  }
0x10d: {  	s20 =	sadd.s32 s20, s26  }
0x10e: {  	[tilespmem:s12], [sflag:$0x4] =	stream.linear.gather [hbm4b:s20+s4], $0x400, $0x38;
	[tilespmem:$0x10D00] =	vst v63  }
0x10f: {  	_ =	swait.ge [sflag:s11], $0x400  }
.Ltmp5:
0x110: {  	[sflag:s11] =	ssyncset.done $0x0;
	(pc) =	sbr.rel @p1 .LBB2_10-.Ltmp5, $4  }
0x111: {  	[sflag:s11] =	ssyncadd.s32 $0xFFFFFC00  }
0x112: {  	_ =	swait.ge [sflag:s11], $0x400  }
0x113: {  	[sflag:s11] =	ssyncset.done $0x0  }
0x114: {  	s19 =	sadd.s32 $0x800, s19;
	[sflag:s11] =	ssyncadd.s32 $0xFFFFFC00  }
0x115: {  	[tilespmem:s8], [sflag:$0x1] =	stream.indirect.gather [spmem:s1], $0x10, s0, s7, $0xb8;
	[tilespmem:$0x10D00] =	vst v63  }
0x116: {  	_ =	swait.ge [sflag:s13], $0x400  }
0x117: {  	[sflag:s13] =	ssyncset.done $0x0  }
0x118: {  	[sflag:s13] =	ssyncadd.s32 $0xFFFFFC00  }
0x119: {  	_ =	swait.ge [sflag:s13], $0x400  }
0x11a: {  	[sflag:s13] =	ssyncset.done $0x0  }
0x11b: {  	[sflag:s13] =	ssyncadd.s32 $0xFFFFFC00  }
0x11c: {  	[tilespmem:s14], [sflag:$0x3] =	stream.indirect.gather [spmem:s1], $0x10, s9, s7, $0xb8;
	[tilespmem:$0x10D00] =	vst v63  }
0x11d: {  	_ =	swait.ge [sflag:s15], $0x4000  }
0x11e: {  	[sflag:s15] =	ssyncset.done $0x0  }
0x11f: {  	[sflag:s15] =	ssyncadd.s32 $0xFFFFC000  }
0x120: {  	[spmem:s3] =	stream.indirect.scatter.add.f32 [tilespmem:s8], [sflag:$0x5], $0x10, s2, s7, $0xb8;
	[tilespmem:$0x10D00] =	vst v63  }
0x121: {  	_ =	swait.ge [sflag:s30], $0x4000  }
0x122: {  	[sflag:s30] =	ssyncset.done $0x0  }
0x123: {  	[sflag:s30] =	ssyncadd.s32 $0xFFFFC000  }
0x124: {  	_ =	swait.ge [sflag:s16], $0x4000  }
0x125: {  	[sflag:s16] =	ssyncset.done $0x0  }
0x126: {  	[sflag:s16] =	ssyncadd.s32 $0xFFFFC000  }
0x127: {  	[spmem:s3] =	stream.indirect.scatter.add.f32 [tilespmem:s14], [sflag:$0x5], $0x10, s12, s7, $0xb8;
	[tilespmem:$0x10D00] =	vst v63  }
0x128: {  	_ =	swait.ge [sflag:s30], $0x4000  }
0x129: {  	[sflag:s30] =	ssyncset.done $0x0  }
0x12a: {  	[sflag:s30] =	ssyncadd.s32 $0xFFFFC000  }
0x12b: {  	[bflag:$0x0] =	sbarrier.arrive $0xFFFF  }
0x12c: {  	[tilespmem:s8], [sflag:$0x5] =	stream.linear.gather [spmem:s10], $0x800, $0x38;
	[tilespmem:$0x10D00] =	vst v63  }
0x12d: {  	_ =	swait.ge [sflag:s30], $0x800  }
0x12e: {  	[sflag:s30] =	ssyncset.done $0x0  }
0x12f: {  	s18 =	rddreg [dreg:$0xa];
	[sflag:s30] =	ssyncadd.s32 $0xFFFFF800  }
0x130: {  	[hbm4b:s18+s4] =	stream.linear.scatter [tilespmem:s8], [sflag:$0x1], $0x800, $0x38;
	[tilespmem:$0x10D00] =	vst v63  }
0x131: {  	s24 =	rddreg [dreg:$0x12]  }
0x132: {  	[tilespmem:s14], [sflag:$0x5] =	stream.linear.gather [spmem:s24], $0x800, $0x38;
	[tilespmem:$0x10D00] =	vst v63  }
0x133: {  	_ =	swait.ge [sflag:s30], $0x800  }
0x134: {  	[sflag:s30] =	ssyncset.done $0x0  }
0x135: {  	[sflag:s30] =	ssyncadd.s32 $0xFFFFF800  }
0x136: {  	_ =	swait.ge [sflag:s15], $0x800  }
0x137: {  	[sflag:s15] =	ssyncset.done $0x0  }
0x138: {  	s25 =	rddreg [dreg:$0xb];
	[sflag:s15] =	ssyncadd.s32 $0xFFFFF800  }
0x139: {  	[hbm4b:s25+s4] =	stream.linear.scatter [tilespmem:s14], [sflag:$0x3], $0x800, $0x38;
	[tilespmem:$0x10D00] =	vst v63  }
0x13a: {  	s19 =	rddreg [dreg:$0x13]  }
0x13b: {  	[tilespmem:s8], [sflag:$0x5] =	stream.linear.gather [spmem:s19], $0x800, $0x38;
	[tilespmem:$0x10D00] =	vst v63  }
0x13c: {  	_ =	swait.ge [sflag:s30], $0x800  }
0x13d: {  	[sflag:s30] =	ssyncset.done $0x0  }
0x13e: {  	[sflag:s30] =	ssyncadd.s32 $0xFFFFF800  }
0x13f: {  	_ =	swait.ge [sflag:s16], $0x800  }
0x140: {  	[sflag:s16] =	ssyncset.done $0x0  }
0x141: {  	s20 =	rddreg [dreg:$0xc];
	[sflag:s16] =	ssyncadd.s32 $0xFFFFF800  }
0x142: {  	[hbm4b:s20+s4] =	stream.linear.scatter [tilespmem:s8], [sflag:$0x1], $0x800, $0x38;
	[tilespmem:$0x10D00] =	vst v63  }
0x143: {  	s21 =	rddreg [dreg:$0x14]  }
0x144: {  	[tilespmem:s14], [sflag:$0x5] =	stream.linear.gather [spmem:s21], $0x800, $0x38;
	[tilespmem:$0x10D00] =	vst v63  }
0x145: {  	_ =	swait.ge [sflag:s30], $0x800  }
0x146: {  	[sflag:s30] =	ssyncset.done $0x0  }
0x147: {  	[sflag:s30] =	ssyncadd.s32 $0xFFFFF800  }
0x148: {  	_ =	swait.ge [sflag:s15], $0x800  }
0x149: {  	[sflag:s15] =	ssyncset.done $0x0  }
0x14a: {  	s22 =	rddreg [dreg:$0xd];
	[sflag:s15] =	ssyncadd.s32 $0xFFFFF800  }
0x14b: {  	[hbm4b:s22+s4] =	stream.linear.scatter [tilespmem:s14], [sflag:$0x3], $0x800, $0x38;
	[tilespmem:$0x10D00] =	vst v63  }
0x14c: {  	s23 =	rddreg [dreg:$0x15]  }
0x14d: {  	[tilespmem:s8], [sflag:$0x5] =	stream.linear.gather [spmem:s23], $0x800, $0x38;
	[tilespmem:$0x10D00] =	vst v63  }
0x14e: {  	_ =	swait.ge [sflag:s30], $0x800  }
0x14f: {  	[sflag:s30] =	ssyncset.done $0x0  }
0x150: {  	[sflag:s30] =	ssyncadd.s32 $0xFFFFF800  }
0x151: {  	_ =	swait.ge [sflag:s16], $0x800  }
0x152: {  	[sflag:s16] =	ssyncset.done $0x0  }
0x153: {  	s24 =	rddreg [dreg:$0xe];
	[sflag:s16] =	ssyncadd.s32 $0xFFFFF800  }
0x154: {  	[hbm4b:s24+s4] =	stream.linear.scatter [tilespmem:s8], [sflag:$0x1], $0x800, $0x38;
	[tilespmem:$0x10D00] =	vst v63  }
0x155: {  	_ =	swait.ge [sflag:s15], $0x800  }
0x156: {  	s17 =	sadd.s32 $0x1, s17;
	s25 =	rddreg [dreg:$0x16]  }
0x157: {  	p1 =	sne.s32 s17, s25  }
.Ltmp6:
0x158: {  	_ = 	snop;
	(pc) =	sbr.rel @p1 .LBB2_1-.Ltmp6, $3  }
0x159: {  	_ =	sdelay $0x1  }
0x15a: {  	[sflag:s15] =	ssyncset.done $0x0  }
0x15b: {  	[sflag:s15] =	ssyncadd.s32 $0xFFFFF800  }
0x15c: {  	_ =	sfence.sel $0x180000  }
0x15d: {  	[bflag:$0x0] =	sbarrier.arrive $0xFFFF  }
0x15e: {  	_ =	strace $0x9000004A  }
0x15f: {  	s0 =	stileid.u32;
	[bflag:$0x2] =	sbarrier.arrive $0xFFFF  }
0x160: {  	p0 =	sne.s32 s0, $0x0;
	s0 =	rddreg [dreg:$0x4]  }
0x161: {  	s0 =	sadd.s32 @!p0 $0x100000, s0  }
0x162: {  	[sflag:s0] =	ssyncadd.tile.s32 @!p0 $0x1;
	_ =	shalt  }
.Lfunc_end2:
_tile_overlayer_lowered:
.L_overlay_start_2:
0x163: {  	(tag) =	ssettag $0x2  }
0x164: {  	s0 =	rddreg [dreg:$0x0];
	s2 =	stileid.u32  }
0x165: {  	s1 =	rddreg [dreg:$0x1];
	p0 =	sne.s32 s2, $0x0  }
0x166: {  	s3 =	rddreg [dreg:$0x2];
	[bflag:$0x3] =	sbarrier.arrive $0xFFFF;
	s2 =	simm.s32 @!p0 $0x1C05  }
0x167: {  	[timem:s3], [sflag:s2] =	dma.local @!p0 [hbm:s0], s1  }
0x168: {  	s0 =	simm.s32 @!p0 $0x5  }
0x169: {  	_ =	swait.ge @!p0 [sflag:s0], s1  }
0x16a: {  	s1 =	ssub.s32 @!p0 $0x0, s1;
	[sflag:s0] =	ssyncset.done @!p0 $0x0  }
0x16b: {  	[sflag:s0] =	ssyncadd.s32 @!p0 s1  }
0x16c: {  	[bflag:$0x3] =	sbarrier.arrive $0xFFFF  }
0x16d: {  	_ =	shalt  }

// kernel: kernel.13.cloned.1.call-start
scs
__scs_entry_jumppad:
0x0: {  	(pc) =	sbr.rel $0x88, $3  }
0x1: {  	(tag) =	ssettag $0x0;
	lr =	simm.s32 $0x1  }
0x2: {  	[smem:$0x3F9B] =	sst lr;
	_ =	strace $0xD0000000  }
0x3: {  	_ = 	snop  }
0x4: {  	_ = 	snop  }
0x5: {  	_ = 	snop  }
0x6: {  	_ = 	snop  }
0x7: {  	_ = 	snop  }
__scs_overlays_trampoline_lowered:
0x8: {  	[smem:$0x3FAA] =	sst s0  }
0x9: {  	[smem:$0x3FAB] =	sst s1  }
0xa: {  	[smem:$0x3FAC] =	sst s2  }
0xb: {  	[smem:$0x3FAD] =	sst s3  }
0xc: {  	[smem:$0x3FAE] =	sst s4  }
0xd: {  	[smem:$0x3FAF] =	sst s5  }
0xe: {  	[smem:$0x3FB0] =	sst s6  }
0xf: {  	[smem:$0x3FB1] =	sst s7  }
0x10: {  	[smem:$0x3FB2] =	sst s8  }
0x11: {  	[smem:$0x3FB3] =	sst s9;
	s0 =	simm.s32 @!p0 $0x0  }
0x12: {  	s1 =	sld [smem:$0x3F99];
	s0 =	simm.s32 @p0 $0x1  }
0x13: {  	[smem:$0x3FB4] =	sst s0;
	s0 =	simm.s32 @!p1 $0x0  }
0x14: {  	s2 =	sld [smem:$0x3F98];
	s0 =	simm.s32 @p1 $0x1  }
0x15: {  	[smem:$0x3FB5] =	sst s0;
	s0 =	simm.s32 @!p2 $0x0  }
0x16: {  	s3 =	sld [smem:$0x3FDB];
	s0 =	simm.s32 @p2 $0x1  }
0x17: {  	s4 =	simm.s32 $0x1BF5;
	[smem:$0x3FB7] =	sst s0  }
0x18: {  	s0 =	sld [smem:$0x3F9A];
	_ =	swait.ge [sflag:s4], $0x0  }
0x19: {  	s7 =	sld [smem:$0x3F9B]  }
0x1a: {  	s8 =	sadd.s32 $0xFFFFE003, lr  }
0x1b: {  	s9 =	sadd.s32 $0xFFFFFEF7, lr;
	s5 =	simm.s32 $0xFFFFFFFF;
	p2 =	slt.u32 s8, $0xFFFFF086  }
0x1c: {  	p1 =	slt.u32 s9, $0xF7A;
	s5 =	simm.s32 @!p2 $0x0  }
0x1d: {  	s5 =	simm.s32 @p1 $0x1;
	p0 =	seq.s32 s7, s2  }
0x1e: {  	s7 =	smul.u32 @!p0 $0xF7A, s2;
	p2 =	seq.s32 @!p0 s5, $0x0  }
0x1f: {  	s9 =	smul.u32 $0xF7A, s1;
	s8 =	simm.s32 @!p0 $0x1BF5;
	p2 =	por !p2, p0  }
0x20: {  	[sflag:s8] =	ssyncset.s32 @!p0 $0xFFFFF086;
	s6 =	sadd.s32 @!p0 s3, s7;
	s7 =	simm.s32 @!p0 $0x108  }
0x21: {  	s3 =	sadd.s32 s3, s9;
	s6 =	sadd.s32 @!p0 $0x88, s6;
	s7 =	simm.s32 @p2 $0x1082  }
0x22: {  	[simem:s7], [sflag:s8] =	dma.local @!p0 [hbm:s6], $0xF7A  }
0x23: {  	s9 =	sor.u32 $0xD0000000, s2;
	s6 =	simm.s32 $0x108;
	_ =	swait.ge @!p0 [sflag:s8], $0x0  }
0x24: {  	s3 =	sadd.s32 $0x88, s3;
	s6 =	simm.s32 @!p1 $0x1082;
	[sflag:s4] =	ssyncset.s32 $0xFFFFF086  }
0x25: {  	[simem:s6], [sflag:s4] =	dma.local [hbm:s3], $0xF7A  }
0x26: {  	[smem:$0x3F9B] =	sst s1;
	(tag) =	ssettag s2;
	_ =	strace s9  }
0x27: {  	s1 =	sld [smem:$0x3FAB]  }
0x28: {  	s2 =	sld [smem:$0x3FAC]  }
0x29: {  	s4 =	sld [smem:$0x3FAE]  }
0x2a: {  	p0 =	seq.s32 s5, $0x0;
	s5 =	sld [smem:$0x3FAF]  }
0x2b: {  	s6 =	sld [smem:$0x3FB0]  }
0x2c: {  	s7 =	sld [smem:$0x3FB1]  }
0x2d: {  	s3 =	simm.s32 $0x108;
	s8 =	sld [smem:$0x3FB2]  }
0x2e: {  	s3 =	simm.s32 @!p0 $0x1082;
	s9 =	sld [smem:$0x3FB3]  }
0x2f: {  	lr =	sadd.s32 s0, s3;
	s0 =	sld [smem:$0x3FAA]  }
0x30: {  	s3 =	sld [smem:$0x3FAD]  }
0x31: {  	[smem:$0x3FB6] =	sst s10  }
0x32: {  	s10 =	sld [smem:$0x3FB4];
	_ =	sdelay $0x3  }
0x33: {  	p0 =	seq.s32 s10, $0x1;
	s10 =	sld [smem:$0x3FB6];
	_ =	sdelay $0x3  }
0x34: {  	[smem:$0x3FB6] =	sst s10  }
0x35: {  	s10 =	sld [smem:$0x3FB5];
	_ =	sdelay $0x3  }
0x36: {  	p1 =	seq.s32 s10, $0x1;
	s10 =	sld [smem:$0x3FB6];
	_ =	sdelay $0x3  }
0x37: {  	[smem:$0x3FB6] =	sst s10  }
0x38: {  	s10 =	sld [smem:$0x3FB7]  }
0x39: {  	_ = 	snop;
	(pc) =	sbr.ind lr, $3  }
0x3a: {  	_ = 	snop  }
0x3b: {  	_ = 	snop  }
0x3c: {  	p2 =	seq.s32 s10, $0x1;
	s10 =	sld [smem:$0x3FB6]  }
0x3d: {  	_ =	shalt  }
0x3e: {  	_ =	shalt  }
0x3f: {  	_ =	shalt  }
0x40: {  	_ =	shalt  }
0x41: {  	_ =	shalt  }
0x42: {  	_ =	shalt  }
0x43: {  	_ =	shalt  }
0x44: {  	_ =	shalt  }
0x45: {  	_ =	shalt  }
0x46: {  	_ =	shalt  }
0x47: {  	_ =	shalt  }
0x48: {  	_ =	shalt  }
0x49: {  	_ =	shalt  }
0x4a: {  	_ =	shalt  }
0x4b: {  	_ =	shalt  }
0x4c: {  	_ =	shalt  }
0x4d: {  	_ =	shalt  }
0x4e: {  	_ =	shalt  }
0x4f: {  	_ =	shalt  }
0x50: {  	_ =	shalt  }
0x51: {  	_ =	shalt  }
0x52: {  	_ =	shalt  }
0x53: {  	_ =	shalt  }
0x54: {  	_ =	shalt  }
0x55: {  	_ =	shalt  }
0x56: {  	_ =	shalt  }
0x57: {  	_ =	shalt  }
0x58: {  	_ =	shalt  }
0x59: {  	_ =	shalt  }
0x5a: {  	_ =	shalt  }
0x5b: {  	_ =	shalt  }
0x5c: {  	_ =	shalt  }
0x5d: {  	_ =	shalt  }
0x5e: {  	_ =	shalt  }
0x5f: {  	_ =	shalt  }
0x60: {  	_ =	shalt  }
0x61: {  	_ =	shalt  }
0x62: {  	_ =	shalt  }
0x63: {  	_ =	shalt  }
0x64: {  	_ =	shalt  }
0x65: {  	_ =	shalt  }
0x66: {  	_ =	shalt  }
0x67: {  	_ =	shalt  }
0x68: {  	_ =	shalt  }
0x69: {  	_ =	shalt  }
0x6a: {  	_ =	shalt  }
0x6b: {  	_ =	shalt  }
0x6c: {  	_ =	shalt  }
0x6d: {  	_ =	shalt  }
0x6e: {  	_ =	shalt  }
0x6f: {  	_ =	shalt  }
0x70: {  	_ =	shalt  }
0x71: {  	_ =	shalt  }
0x72: {  	_ =	shalt  }
0x73: {  	_ =	shalt  }
0x74: {  	_ =	shalt  }
0x75: {  	_ =	shalt  }
0x76: {  	_ =	shalt  }
0x77: {  	_ =	shalt  }
0x78: {  	_ =	shalt  }
0x79: {  	_ =	shalt  }
0x7a: {  	_ =	shalt  }
0x7b: {  	_ =	shalt  }
0x7c: {  	_ =	shalt  }
0x7d: {  	_ =	shalt  }
0x7e: {  	_ =	shalt  }
0x7f: {  	_ =	shalt  }
0x80: {  	_ =	shalt  }
0x81: {  	_ =	shalt  }
0x82: {  	_ =	shalt  }
0x83: {  	_ =	shalt  }
0x84: {  	_ =	shalt  }
0x85: {  	_ =	shalt  }
0x86: {  	_ =	shalt  }
0x87: {  	_ =	shalt  }
.Lfunc_end0:
.L_simem_size_0:
called_computation.2_lowered:
.L_overlay_start_0:
0x88: {  	s2 =	sld [smem:$0x3FD9]  }
0x89: {  	s3 =	sld [smem:$0x3FFE];
	_ =	sdelay $0x1  }
0x8a: {  	s1 =	srdreg.scid  }
0x8b: {  	s0 =	sand.u32 $0x1, s1  }
0x8c: {  	s17 =	sshll.u32 s0, $0xA;
	s2 =	sadd.s32 s3, s2  }
0x8d: {  	s2 =	sadd.s32 s2, s17  }
0x8e: {  	[smem:$0x3FC2] =	sst s2  }
0x8f: {  	_ = 	snop  }
0x90: {  	s2 =	sld [smem:$0x3FC6];
	(tm) =	ssettm $0x1  }
0x91: {  	s18 =	sld [smem:$0x3FFB];
	_ =	sdelay $0x3  }
0x92: {  	_ =	strace s18  }
0x93: {  	s3 =	sld [smem:$0x3FFC];
	_ =	sdelay $0x3  }
0x94: {  	_ =	strace s3  }
0x95: {  	s3 =	sld [smem:$0x3FFD];
	_ =	sdelay $0x3  }
0x96: {  	_ =	strace s3  }
0x97: {  	_ =	strace $0x8FFFFFFF  }
0x98: {  	s19 =	sld [smem:$0x3FDB];
	_ =	sdelay $0x1  }
0x99: {  	s4 =	simm.s32 $_scs_section_size  }
0x9a: {  	s5 =	simm.s32 $_size__tile_overlayer_lowered;
	s6 =	simm.s32 $_tile_overlayer_lowered  }
0x9b: {  	s22 =	simm.s32 $0x1BFF;
	s21 =	sshll.u32 s6, $0x1;
	s3 =	sadd.s32 s4, s19  }
0x9c: {  	s7 =	simm.s32 $0x0;
	s20 =	sshll.u32 s5, $0x1;
	s5 =	sadd.s32 s21, s3  }
0x9d: {  	[timem:s7], [sflag:s22] =	dma.local [hbm:s5], s20  }
0x9e: {  	_ =	swait.ge [sflag:s22], s20  }
0x9f: {  	s4 =	ssub.s32 $0x0, s20;
	[sflag:s22] =	ssyncset.done $0x0  }
0xa0: {  	[sflag:s22] =	ssyncadd.s32 s4;
	_ =	sdelay $0x1  }
0xa1: {  	s23 =	simm.s32 $0x1B8B  }
0xa2: {  	_ =	swait.ge [sflag:s23], $0x1  }
0xa3: {  	[sflag:s23] =	ssyncset.done $0x0  }
0xa4: {  	s25 =	simm.s32 $0x1B8E;
	s24 =	sld [smem:$0x3FFE];
	[sflag:s23] =	ssyncadd.s32 $0xFFFFFFFF  }
0xa5: {  	s26 =	simm.s32 $execute0_lowered;
	[smem:$0x3FD2] =	sst s25  }
0xa6: {  	s5 =	sshll.u32 s26, $0x1;
	_ =	strace $0x8000004C;
	[dreg:$0x1] =	wrdreg $0xFFFFFFFF  }
0xa7: {  	s28 =	simm.s32 $_size_execute0_lowered;
	s3 =	sadd.s32 s3, s5;
	[dreg:$0x0] =	wrdreg $0x0  }
0xa8: {  	s5 =	sshll.u32 s28, $0x1;
	[dreg:$0x2] =	wrdreg s3  }
0xa9: {  	[dreg:$0x3] =	wrdreg s5  }
0xaa: {  	[dreg:$0x4] =	wrdreg $0xC0  }
0xab: {  	_ =	task [dreg:s7], $0x5FFFF  }
0xac: {  	[dreg:$0x1] =	wrdreg $0xFFFFFFFF  }
0xad: {  	[dreg:$0x0] =	wrdreg $0x60  }
0xae: {  	[dreg:$0x2] =	wrdreg s24  }
0xaf: {  	[dreg:$0x3] =	wrdreg s2  }
0xb0: {  	[dreg:$0x4] =	wrdreg $0x5A900  }
0xb1: {  	[dreg:$0x5] =	wrdreg $0x82900  }
0xb2: {  	[dreg:$0x6] =	wrdreg $0x9  }
0xb3: {  	_ =	task.clear_ibuf [dreg:s7], $0x7FFFF;
	_ =	strace $0x9000004C  }
0xb4: {  	s29 =	simm.s32 $0x9;
	_ =	strace $0x8000004E  }
0xb5: {  	_ =	swait.ge [sflag:s29], $0x1  }
0xb6: {  	[sflag:s29] =	ssyncadd.s32 $0xFFFFFFFF  }
0xb7: {  	_ =	strace $0x9000004E  }
0xb8: {  	_ =	sfence  }
0xb9: {  	s30 =	sld [smem:$0x0];
	_ =	sdelay $0x2  }
0xba: {  	s31 =	sshll.u32 s1, $0xD;
	s1 =	sshrl.u32 s1, $0x2  }
0xbb: {  	s3 =	sand.u32 $0x4000, s31;
	s1 =	sadd.s32 s1, s30  }
0xbc: {  	s0 =	sor.u32 s3, s0;
	s1 =	sshll.u32 s1, $0x11  }
0xbd: {  	s0 =	sor.u32 s1, s0  }
0xbe: {  	s0 =	sadd.s32 $0x8F2B, s0  }
0xbf: {  	[sflag:s0] =	ssyncadd.remote.s32 $0x1  }
0xc0: {  	_ =	sfence.sel $0xFFFF  }
0xc1: {  	[dreg:$0x0] =	wrdreg $0xFFFFFFFF;
	(pc) =	sbr.abs _section_cstart, $3  }
0xc2: {  	[dreg:$0x1] =	wrdreg $0xFFFFFFFF  }
0xc3: {  	_ =	task.clear_ibuf [dreg:s7], $0x2FFFF;
	_ =	strace $0x9FFFFFFF  }
0xc4: {  	(tm) =	ssettm $0x7FFFFFFF  }
0xc5: {  	_ =	shalt  }
tec
execute0_lowered:
.L_overlay_start_1:
0x0: {  	(tag) =	ssettag $0x1  }
0x1: {  	s0 =	rddreg [dreg:$0x0]  }
0x2: {  	s3 =	rddreg [dreg:$0x2]  }
0x3: {  	s4 =	rddreg [dreg:$0x3]  }
0x4: {  	s5 =	simm.s32 $0x0;
	s13 =	stileid.u32;
	s8 =	srdreg.scid  }
0x5: {  	s31 =	simm.s32 $0x2800;
	[smem:$0x7FF] =	sst s5;
	s1 =	smul.u32 $0x2800, s13  }
0x6: {  	s2 =	smul.u32 $0x280, s13;
	s6 =	sadd.s32 $0xBA00, s0;
	s8 =	sand.u32 $0x1, s8  }
0x7: {  	s7 =	sadd.s32 $0x1A00, s0;
	_ =	strace $0x8000004D;
	s11 =	ssub.s32 $0x2, s8  }
0x8: {  	s16 =	sshll.u32 s8, $0x4;
	s18 =	smul.u32 $0x28000, s8;
	p0 =	seq.s32 s8, $0x1  }
0x9: {  	s9 =	sshrl.u32 s1, $0x3;
	s10 =	sshrl.u32 s2, $0x3;
	s12 =	sshrl.u32 s11, $0x1  }
0xa: {  	s20 =	sadd.s32 s1, s3;
	s21 =	sadd.s32 $0x80, s2;
	s25 =	sadd.s32 $0x100, s2  }
0xb: {  	s26 =	sadd.s32 $0x180, s2;
	s9 =	sadd.s32 s9, s0;
	s10 =	sadd.s32 s10, s0  }
0xc: {  	s0 =	sadd.s32 $0x25000, s0;
	s11 =	ssub.s32 s11, s12;
	s12 =	sor.u32 s13, s16  }
0xd: {  	[dreg:$0x8] =	wrdreg s20;
	s22 =	sor.u32 s2, s18;
	s24 =	sor.u32 s18, s21  }
0xe: {  	s2 =	sadd.s32 $0x200, s2;
	s14 =	sor.u32 s18, s25;
	s15 =	sor.u32 s18, s26  }
0xf: {  	s8 =	sshll.u32 s21, $0x4;
	s13 =	simm.s32 $0xF290;
	s17 =	sadd.s32 $0x1AA00, s9  }
0x10: {  	s9 =	sadd.s32 $0x1FA00, s9;
	s19 =	sadd.s32 $0x24A00, s10;
	s23 =	smul.u32 $0x2800, s12  }
0x11: {  	s12 =	sshrl.u32 s24, $0x3;
	s16 =	sor.u32 s18, s2;
	s14 =	sshrl.u32 s14, $0x3  }
0x12: {  	s15 =	sshrl.u32 s15, $0x3;
	s20 =	sadd.s32 s8, s4;
	[dreg:$0x5] =	wrdreg s17  }
0x13: {  	s2 =	sshll.u32 s2, $0x4;
	s8 =	simm.s32 $0xAA90;
	[dreg:$0x6] =	wrdreg s9  }
0x14: {  	[dreg:$0x7] =	wrdreg s19;
	s9 =	sshrl.u32 s22, $0x3;
	s12 =	sadd.s32 s0, s12  }
0x15: {  	s16 =	sshrl.u32 s16, $0x3;
	s14 =	sadd.s32 s0, s14;
	s15 =	sadd.s32 s0, s15  }
0x16: {  	s17 =	sadd.s32 s1, s4;
	s1 =	sadd.s32 s1, s18;
	[dreg:$0x12] =	wrdreg s20  }
0x17: {  	s22 =	sshll.u32 s26, $0x4;
	s24 =	sadd.s32 s2, s4;
	[dreg:$0xa] =	wrdreg s12  }
0x18: {  	s26 =	smax.u32 s11, $0x1;
	s2 =	simm.s32 $0x3;
	[dreg:$0xb] =	wrdreg s14  }
0x19: {  	s11 =	simm.s32 $0x400;
	s20 =	simm.s32 $0x0;
	[dreg:$0xc] =	wrdreg s15  }
0x1a: {  	s9 =	sadd.s32 s0, s9;
	s0 =	sadd.s32 s0, s16;
	[dreg:$0x15] =	wrdreg s24  }
0x1b: {  	s16 =	sshrl.u32 s23, $0x3;
	s23 =	sadd.s32 $0xC00, s1;
	[dreg:$0x16] =	wrdreg s26  }
0x1c: {  	s30 =	sadd.s32 $0x800, s1;
	s1 =	simm.s32 $0x1;
	s12 =	simm.s32 $0xB290  }
0x1d: {  	s14 =	simm.s32 $0xF690;
	s15 =	simm.s32 $0x4;
	[dreg:$0x9] =	wrdreg s9  }
0x1e: {  	[dreg:$0xd] =	wrdreg s0;
	s10 =	sadd.s32 s6, s16;
	s18 =	sadd.s32 s7, s16  }
0x1f: {  	s0 =	sor.u32 $0x80, s16;
	s9 =	sshll.u32 s25, $0x4;
	[dreg:$0xe] =	wrdreg s10  }
0x20: {  	v0 =	vlaneseq.u32;
	s25 =	sshrl.u32 s23, $0x3;
	s16 =	simm.s32 $0xFA90;
	[dreg:$0xf] =	wrdreg s18  }
0x21: {  	v0 =	vmul.u32 $0x80, v0;
	s19 =	sadd.s32 s6, s0;
	s0 =	sadd.s32 s7, s0;
	s21 =	sadd.s32 s9, s4  }
0x22: {  	v2 =	vimm.s32 $0x0;
	vm0 =	vcmask $0x300;
	s28 =	sadd.s32 s25, s7;
	s29 =	sadd.s32 s25, s6;
	[dreg:$0x10] =	wrdreg s19  }
0x23: {  	v1 =	vimm.f32 $0.0e+00;
	v2 =	vsel vm0, $0x3, v2;
	v3 =	vor.u32 $0x1, v0;
	s9 =	simm.s32 $0xAE90;
	s10 =	simm.s32 $0x2;
	[dreg:$0x11] =	wrdreg s0  }
0x24: {  	v4 =	vor.u32 $0x2, v0;
	v5 =	vor.u32 $0x3, v0;
	v6 =	vor.u32 $0x4, v0;
	s18 =	simm.s32 $0x5290;
	[dreg:$0x13] =	wrdreg s21;
	s0 =	sadd.s32 s22, s4  }
0x25: {  	v7 =	vor.u32 $0x5, v0;
	v8 =	vor.u32 $0x6, v0;
	v9 =	vor.u32 $0x7, v0;
	s19 =	simm.s32 $0x80;
	[dreg:$0x14] =	wrdreg s0;
	s0 =	simm.s32 $0x5  }
.LBB2_1:
0x26: {  	s21 =	rddreg [dreg:$0x5]  }
0x27: {  	[tilespmem:s5], [sflag:$0x1] =	stream.linear.gather [hbm4b:s21+s5], $0x2800, $0x38;
	[tilespmem:$0x13A90] =	vst v63  }
0x28: {  	s24 =	rddreg [dreg:$0x6]  }
0x29: {  	[tilespmem:s31], [sflag:$0x3] =	stream.linear.gather [hbm4b:s24+s5], $0x2800, $0x38;
	[tilespmem:$0x13A90] =	vst v63  }
0x2a: {  	s22 =	simm.s32 $0x5000;
	s25 =	rddreg [dreg:$0x7]  }
0x2b: {  	[tilespmem:s22], [sflag:$0x5] =	stream.linear.gather [hbm4b:s25+s5], $0x280, $0x38;
	[tilespmem:$0x13A90] =	vst v63  }
0x2c: {  	_ =	swait.ge [sflag:s0], $0x280  }
0x2d: {  	[sflag:s0] =	ssyncset.done $0x0  }
0x2e: {  	[sflag:s0] =	ssyncadd.s32 $0xFFFFFD80  }
0x2f: {  	s23 =	simm.s32 $0x5280;
	s26 =	rddreg [dreg:$0x1]  }
0x30: {  	[tilespmem:s23], [sflag:$0x5] =	stream.linear.gather [hbm4b:s26+s5], $0x10, $0x38;
	[tilespmem:$0x13A90] =	vst v63  }
0x31: {  	_ =	swait.ge [sflag:s0], $0x10  }
0x32: {  	[sflag:s0] =	ssyncset.done $0x0  }
0x33: {  	[sflag:s0] =	ssyncadd.s32 $0xFFFFFFF0  }
0x34: {  	_ =	swait.ge [sflag:s1], $0x2800  }
0x35: {  	[sflag:s1] =	ssyncset.done $0x0  }
0x36: {  	[sflag:s1] =	ssyncadd.s32 $0xFFFFD800  }
0x37: {  	_ =	swait.ge [sflag:s2], $0x2800  }
0x38: {  	[sflag:s2] =	ssyncset.done $0x0  }
0x39: {  	[sflag:s2] =	ssyncadd.s32 $0xFFFFD800  }
0x3a: {  	s21 =	simm.s32 $0x0;
	v10 =	vld [tilespmem:$0x5280]  }
0x3b: {  	v11 =	vld [tilespmem:s21+$0x28F0]  }
0x3c: {  	v13 =	vld [tilespmem:s21+$0x2860]  }
0x3d: {  	v15 =	vld [tilespmem:s21+$0x2880]  }
0x3e: {  	v16 =	vld [tilespmem:s21+$0x28E0]  }
0x3f: {  	v12 =	vld [tilespmem:s21+$0x2890]  }
0x40: {  	v19 =	vld [tilespmem:s21+$0x2820]  }
0x41: {  	v14 =	vld [tilespmem:s21+$0x2830]  }
0x42: {  	v17 =	vld [tilespmem:s21+$0x30]  }
0x43: {  	v20 =	vld [tilespmem:s21+$0x60]  }
0x44: {  	v27 =	vld [tilespmem:s22+$0x0]  }
0x45: {  	v21 =	vld [tilespmem:s21+$0x90]  }
0x46: {  	v24 =	vld [tilespmem:s21+$0x2810]  }
0x47: {  	v32 =	vld [tilespmem:s21+$0x10]  }
0x48: {  	v34 =	vld [tilespmem:s21+$0x2800]  }
0x49: {  	v35 =	vld [tilespmem:s21+$0x0];
	v14 =	vadd.f32 v14, v17;
	v17 =	vbroadcast v27, $0x3  }
0x4a: {  	v22 =	vld [tilespmem:s21+$0x28A0]  }
0x4b: {  	v25 =	vld [tilespmem:s21+$0x2870];
	v14 =	vmul.f32 v14, v17  }
0x4c: {  	v12 =	vadd.f32 v12, v21;
	v21 =	vld [tilespmem:s21+$0x70];
	v36 =	vbroadcast v27, $0x9  }
0x4d: {  	v28 =	vld [tilespmem:s21+$0xF0];
	v38 =	vbroadcast v27, $0x1;
	v14 =	vadd.f32 v14, v10  }
0x4e: {  	v31 =	vld [tilespmem:s21+$0x80];
	v24 =	vadd.f32 v24, v32;
	v34 =	vadd.f32 v34, v35;
	v12 =	vmul.f32 v12, v36  }
0x4f: {  	v46 =	vld [tilespmem:s21+$0x2840];
	v47 =	vbroadcast v27, $0x0;
	v40 =	vbroadcast v27, $0x7;
	v14 =	vmax.f32 v14, $0.0e+00  }
0x50: {  	v39 =	vld [tilespmem:s21+$0xC0];
	v24 =	vmul.f32 v24, v38;
	v12 =	vadd.f32 v12, v10;
	v14 =	vmul.f32 v14, v17  }
0x51: {  	v49 =	vbroadcast v27, $0xC;
	v50 =	vbroadcast v27, $0x4;
	v21 =	vadd.f32 v25, v21;
	v17 =	vld [tilespmem:s21+$0x28C0]  }
0x52: {  	v25 =	vmul.f32 v34, v47;
	v12 =	vmax.f32 v12, $0.0e+00;
	[tilespmem:s21+$0x30] =	vst v14;
	v14 =	vadd.f32 v24, v10;
	v24 =	vld [tilespmem:s21+$0x40]  }
0x53: {  	v23 =	vld [tilespmem:s21+$0x20];
	v11 =	vadd.f32 v11, v28;
	v12 =	vmul.f32 v12, v36;
	v21 =	vmul.f32 v21, v40  }
0x54: {  	v29 =	vld [tilespmem:s21+$0xA0];
	v20 =	vadd.f32 v13, v20;
	v25 =	vadd.f32 v25, v10;
	v14 =	vmax.f32 v14, $0.0e+00  }
0x55: {  	v18 =	vld [tilespmem:s21+$0x28B0];
	v15 =	vadd.f32 v15, v31;
	[tilespmem:s21+$0x90] =	vst v12;
	v12 =	vadd.f32 v21, v10;
	v14 =	vmul.f32 v14, v38  }
0x56: {  	v26 =	vld [tilespmem:s21+$0xB0];
	v21 =	vmax.f32 v25, $0.0e+00;
	v25 =	vbroadcast v27, $0xF;
	v17 =	vadd.f32 v17, v39  }
0x57: {  	v30 =	vld [tilespmem:s21+$0xE0];
	v52 =	vbroadcast v27, $0x8;
	v21 =	vmul.f32 v21, v47;
	[tilespmem:s21+$0x10] =	vst v14;
	v14 =	vadd.f32 v46, v24  }
0x58: {  	v33 =	vld [tilespmem:s21+$0xD0];
	v19 =	vadd.f32 v19, v23;
	v11 =	vmul.f32 v11, v25;
	v17 =	vmul.f32 v17, v49  }
0x59: {  	v37 =	vld [tilespmem:s21+$0x28D0];
	s22 =	simm.s32 $0x100;
	v22 =	vadd.f32 v22, v29;
	v51 =	vmax.f32 v12, $0.0e+00;
	v32 =	vmul.f32 v14, v50  }
0x5a: {  	v53 =	vadd.f32 v11, v10;
	v12 =	vld [tilespmem:s22+$0x28F0];
	[tilespmem:s21+$0x0] =	vst v21;
	v21 =	vbroadcast v27, $0x6;
	v17 =	vadd.f32 v17, v10  }
0x5b: {  	v48 =	vld [tilespmem:s21+$0x2850];
	v15 =	vmul.f32 v15, v52;
	v28 =	vmul.f32 v51, v40;
	v32 =	vadd.f32 v32, v10  }
0x5c: {  	v24 =	vld [tilespmem:s21+$0x50];
	v31 =	vmax.f32 v53, $0.0e+00;
	v20 =	vmul.f32 v20, v21;
	v13 =	vmax.f32 v17, $0.0e+00  }
0x5d: {  	v14 =	vld [tilespmem:s22+$0x2860];
	[tilespmem:s21+$0x70] =	vst v28;
	v23 =	vmul.f32 v31, v25;
	v17 =	vmul.f32 v13, v49;
	v32 =	vmax.f32 v32, $0.0e+00  }
0x5e: {  	v25 =	vbroadcast v27, $0x2;
	v11 =	vld [tilespmem:s22+$0x28E0];
	v20 =	vadd.f32 v20, v10;
	v32 =	vmul.f32 v32, v50  }
0x5f: {  	v26 =	vadd.f32 v18, v26;
	v55 =	vbroadcast v27, $0xA;
	v54 =	vadd.f32 v15, v10;
	v13 =	vld [tilespmem:s22+$0x2880];
	[tilespmem:s21+$0xC0] =	vst v17  }
0x60: {  	v56 =	vadd.f32 v37, v33;
	v19 =	vmul.f32 v19, v25;
	v20 =	vmax.f32 v20, $0.0e+00;
	v17 =	vld [tilespmem:s22+$0x2890];
	[tilespmem:s21+$0x40] =	vst v32  }
0x61: {  	v20 =	vmul.f32 v20, v21;
	v21 =	vmax.f32 v54, $0.0e+00;
	v15 =	vld [tilespmem:s22+$0x28B0];
	[tilespmem:s21+$0xF0] =	vst v23;
	v23 =	vbroadcast v27, $0xB  }
0x62: {  	v57 =	vbroadcast v27, $0xE;
	v16 =	vadd.f32 v16, v30;
	v28 =	vmul.f32 v21, v52  }
0x63: {  	v19 =	vadd.f32 v19, v10;
	v18 =	vld [tilespmem:s22+$0x2820];
	[tilespmem:s21+$0x60] =	vst v20;
	v20 =	vbroadcast v27, $0xD;
	v26 =	vmul.f32 v26, v23  }
0x64: {  	v58 =	vmul.f32 v22, v55;
	v16 =	vmul.f32 v16, v57  }
0x65: {  	v19 =	vmax.f32 v19, $0.0e+00;
	v21 =	vld [tilespmem:s22+$0x2830];
	[tilespmem:s21+$0x80] =	vst v28;
	v59 =	vmul.f32 v56, v20;
	v26 =	vadd.f32 v26, v10  }
0x66: {  	v60 =	vadd.f32 v48, v24;
	v25 =	vmul.f32 v19, v25;
	v27 =	vbroadcast v27, $0x5;
	v22 =	vld [tilespmem:s22+$0x30]  }
0x67: {  	v61 =	vadd.f32 v58, v10;
	v19 =	vld [tilespmem:s22+$0x60];
	v28 =	vadd.f32 v59, v10;
	v26 =	vmax.f32 v26, $0.0e+00  }
0x68: {  	v24 =	vld [tilespmem:s22+$0x90];
	[tilespmem:s21+$0x20] =	vst v25;
	v25 =	vmul.f32 v60, v27;
	v26 =	vmul.f32 v26, v23  }
0x69: {  	v62 =	vmax.f32 v61, $0.0e+00;
	v28 =	vmax.f32 v28, $0.0e+00  }
0x6a: {  	v25 =	vadd.f32 v25, v10;
	v23 =	vld [tilespmem:s22+$0x28A0];
	v20 =	vmul.f32 v28, v20;
	[tilespmem:s21+$0xB0] =	vst v26;
	v26 =	vadd.f32 v16, v10  }
0x6b: {  	v28 =	vmul.f32 v62, v55  }
0x6c: {  	v63 =	vmax.f32 v25, $0.0e+00;
	v16 =	vld [tilespmem:s22+$0x20];
	[tilespmem:s21+$0xD0] =	vst v20;
	v26 =	vmax.f32 v26, $0.0e+00  }
0x6d: {  	s24 =	simm.s32 $0x5010;
	s25 =	simm.s32 $0x5010;
	s23 =	simm.s32 $0x800;
	v20 =	vld [tilespmem:s22+$0x2810];
	[tilespmem:s21+$0xA0] =	vst v28;
	v25 =	vmul.f32 v26, v57;
	v26 =	vmul.f32 v63, v27  }
.LBB2_2:
0x6e: {  	p1 =	sne.s32 s23, $0x9C00  }
0x6f: {  	v27 =	vld [tilespmem:s22+$0x2870];
	s25 =	sadd.s32 $0x10, s25;
	[tilespmem:s21+$0xE0] =	vst v25;
	s26 =	smov.u32 s23;
	s23 =	sadd.s32 $0x400, s23  }
0x70: {  	v25 =	vld [tilespmem:s22+$0xB0];
	[tilespmem:s21+$0x50] =	vst v26;
	s21 =	smov.u32 s22  }
0x71: {  	v26 =	vld [tilespmem:s24+$0x0];
	s24 =	smov.u32 s25  }
0x72: {  	v28 =	vld [tilespmem:s21+$0xF0]  }
0x73: {  	v14 =	vadd.f32 v14, v19;
	v29 =	vld [tilespmem:s21+$0xA0]  }
0x74: {  	v17 =	vadd.f32 v17, v24;
	v24 =	vld [tilespmem:s21+$0xE0]  }
0x75: {  	v21 =	vadd.f32 v21, v22;
	v22 =	vld [tilespmem:s21+$0x80]  }
0x76: {  	v18 =	vadd.f32 v18, v16;
	v30 =	vbroadcast v26, $0x3;
	v31 =	vld [tilespmem:s21+$0xD0];
	v16 =	vbroadcast v26, $0xE  }
0x77: {  	v19 =	vbroadcast v26, $0x2;
	v33 =	vbroadcast v26, $0x9;
	v32 =	vld [tilespmem:s21+$0x70]  }
0x78: {  	v35 =	vbroadcast v26, $0x4;
	v34 =	vld [tilespmem:s21+$0x10];
	v21 =	vmul.f32 v21, v30;
	v23 =	vadd.f32 v23, v29  }
0x79: {  	v15 =	vadd.f32 v15, v25;
	v29 =	vbroadcast v26, $0x7;
	v17 =	vmul.f32 v17, v33;
	v25 =	vld [tilespmem:s21+$0x28D0]  }
0x7a: {  	v37 =	vbroadcast v26, $0x1;
	v36 =	vld [tilespmem:s21+$0x2800];
	v21 =	vadd.f32 v21, v10;
	v13 =	vadd.f32 v13, v22  }
0x7b: {  	v38 =	vbroadcast v26, $0x8;
	v12 =	vadd.f32 v12, v28;
	v28 =	vbroadcast v26, $0xF;
	v22 =	vld [tilespmem:s21+$0x0]  }
0x7c: {  	v21 =	vmax.f32 v21, $0.0e+00;
	v39 =	vld [tilespmem:s21+$0x2840];
	v27 =	vadd.f32 v27, v32;
	v32 =	vbroadcast v26, $0xB  }
0x7d: {  	v20 =	vadd.f32 v20, v34;
	v21 =	vmul.f32 v21, v30;
	v30 =	vbroadcast v26, $0xA;
	v34 =	vld [tilespmem:s21+$0x28C0]  }
0x7e: {  	v40 =	vbroadcast v26, $0x6;
	v41 =	vld [tilespmem:s21+$0xC0];
	v25 =	vadd.f32 v25, v31;
	v31 =	vbroadcast v26, $0xD  }
0x7f: {  	v17 =	vadd.f32 v17, v10;
	v20 =	vmul.f32 v20, v37;
	[tilespmem:s21+$0x30] =	vst v21;
	v21 =	vld [tilespmem:s21+$0x40];
	v23 =	vmul.f32 v23, v30  }
0x80: {  	v42 =	vbroadcast v26, $0x5;
	v22 =	vadd.f32 v36, v22;
	v36 =	vbroadcast v26, $0x0  }
0x81: {  	v27 =	vmul.f32 v27, v29;
	v25 =	vmul.f32 v25, v31;
	v20 =	vadd.f32 v20, v10  }
0x82: {  	v12 =	vmul.f32 v12, v28;
	v17 =	vmax.f32 v17, $0.0e+00;
	v22 =	vmul.f32 v22, v36  }
0x83: {  	v26 =	vbroadcast v26, $0xC;
	v20 =	vmax.f32 v20, $0.0e+00;
	v34 =	vadd.f32 v34, v41  }
0x84: {  	v14 =	vmul.f32 v14, v40;
	v22 =	vadd.f32 v22, v10;
	v21 =	vadd.f32 v39, v21  }
0x85: {  	v17 =	vmul.f32 v17, v33;
	v27 =	vadd.f32 v27, v10;
	v33 =	vmul.f32 v34, v26  }
0x86: {  	v20 =	vmul.f32 v20, v37;
	v22 =	vmax.f32 v22, $0.0e+00;
	v21 =	vmul.f32 v21, v35  }
0x87: {  	v27 =	vmax.f32 v27, $0.0e+00;
	v22 =	vmul.f32 v22, v36;
	v34 =	vld [tilespmem:s21+$0x2850];
	[tilespmem:s21+$0x90] =	vst v17;
	v17 =	vadd.f32 v33, v10  }
0x88: {  	s22 =	sshra.s32 s26, $0x2;
	v27 =	vmul.f32 v27, v29;
	v29 =	vadd.f32 v12, v10;
	[tilespmem:s21+$0x10] =	vst v20;
	v20 =	vadd.f32 v21, v10;
	v21 =	vld [tilespmem:s21+$0x50]  }
0x89: {  	v33 =	vmul.f32 v13, v38;
	v12 =	vld [tilespmem:s22+$0x28F0];
	[tilespmem:s21+$0x0] =	vst v22;
	v22 =	vadd.f32 v14, v10;
	v13 =	vmax.f32 v17, $0.0e+00  }
0x8a: {  	v14 =	vld [tilespmem:s22+$0x2860];
	v17 =	vmax.f32 v20, $0.0e+00;
	[tilespmem:s21+$0x70] =	vst v27;
	v20 =	vmul.f32 v13, v26;
	v26 =	vmax.f32 v29, $0.0e+00  }
0x8b: {  	v29 =	vadd.f32 v33, v10;
	v13 =	vld [tilespmem:s22+$0x2880];
	v27 =	vmul.f32 v17, v35;
	v26 =	vmul.f32 v26, v28  }
0x8c: {  	v18 =	vmul.f32 v18, v19;
	v33 =	vmul.f32 v15, v32;
	v22 =	vmax.f32 v22, $0.0e+00;
	v28 =	vld [tilespmem:s22+$0x28E0];
	[tilespmem:s21+$0xC0] =	vst v20  }
0x8d: {  	v11 =	vadd.f32 v11, v24;
	v20 =	vmul.f32 v22, v40;
	v22 =	vmax.f32 v29, $0.0e+00;
	v17 =	vld [tilespmem:s22+$0x2890];
	[tilespmem:s21+$0x40] =	vst v27  }
0x8e: {  	v24 =	vadd.f32 v18, v10;
	v22 =	vmul.f32 v22, v38;
	v27 =	vadd.f32 v33, v10;
	v15 =	vld [tilespmem:s22+$0x28B0];
	[tilespmem:s21+$0xF0] =	vst v26  }
0x8f: {  	v29 =	vmul.f32 v11, v16;
	v26 =	vadd.f32 v34, v21;
	v18 =	vld [tilespmem:s22+$0x2820];
	[tilespmem:s21+$0x60] =	vst v20;
	v20 =	vadd.f32 v23, v10  }
0x90: {  	v25 =	vadd.f32 v25, v10;
	v23 =	vmax.f32 v24, $0.0e+00;
	v24 =	vmax.f32 v27, $0.0e+00;
	v21 =	vld [tilespmem:s22+$0x2830];
	[tilespmem:s21+$0x80] =	vst v22  }
0x91: {  	v27 =	vadd.f32 v29, v10;
	v23 =	vmul.f32 v23, v19;
	v26 =	vmul.f32 v26, v42;
	v22 =	vld [tilespmem:s22+$0x30];
	v11 =	vmovc v28  }
.Ltmp0:
0x92: {  	v25 =	vmax.f32 v25, $0.0e+00;
	v20 =	vmax.f32 v20, $0.0e+00;
	v28 =	vmul.f32 v24, v32;
	v19 =	vld [tilespmem:s22+$0x60];
	(pc) =	sbr.rel @p1 .LBB2_2-.Ltmp0, $4  }
0x93: {  	v29 =	vmul.f32 v25, v31;
	v25 =	vmax.f32 v27, $0.0e+00;
	v26 =	vadd.f32 v26, v10;
	v24 =	vld [tilespmem:s22+$0x90];
	[tilespmem:s21+$0x20] =	vst v23  }
0x94: {  	v27 =	vmul.f32 v20, v30;
	v25 =	vmul.f32 v25, v16;
	v23 =	vld [tilespmem:s22+$0x28A0];
	[tilespmem:s21+$0xB0] =	vst v28  }
0x95: {  	v26 =	vmax.f32 v26, $0.0e+00;
	v16 =	vld [tilespmem:s22+$0x20];
	[tilespmem:s21+$0xD0] =	vst v29  }
0x96: {  	v26 =	vmul.f32 v26, v42;
	v20 =	vld [tilespmem:s22+$0x2810];
	[tilespmem:s21+$0xA0] =	vst v27  }
0x97: {  	v27 =	vld [tilespmem:s22+$0x2870];
	[tilespmem:s21+$0xE0] =	vst v25  }
0x98: {  	v25 =	vld [tilespmem:s22+$0xB0];
	[tilespmem:s21+$0x50] =	vst v26  }
0x99: {  	v26 =	vld [tilespmem:s24+$0x0]  }
0x9a: {  	v28 =	vld [tilespmem:s22+$0xF0]  }
0x9b: {  	v29 =	vld [tilespmem:s22+$0xA0]  }
0x9c: {  	v31 =	vld [tilespmem:s22+$0x80]  }
0x9d: {  	v32 =	vld [tilespmem:s22+$0xD0]  }
0x9e: {  	v33 =	vld [tilespmem:s22+$0x70]  }
0x9f: {  	v21 =	vadd.f32 v21, v22;
	v34 =	vld [tilespmem:s22+$0x10]  }
0xa0: {  	v14 =	vadd.f32 v14, v19;
	v36 =	vld [tilespmem:s22+$0x28D0];
	v53 =	vbroadcast v26, $0x3;
	v19 =	vbroadcast v26, $0xE  }
0xa1: {  	v17 =	vadd.f32 v17, v24;
	v37 =	vld [tilespmem:s22+$0x2800];
	v24 =	vbroadcast v26, $0x2;
	v54 =	vbroadcast v26, $0x9  }
0xa2: {  	v38 =	vld [tilespmem:s22+$0x0];
	v16 =	vadd.f32 v18, v16;
	v35 =	vbroadcast v26, $0x4;
	v55 =	vbroadcast v26, $0x7  }
0xa3: {  	v39 =	vld [tilespmem:s22+$0x2840];
	v23 =	vadd.f32 v23, v29;
	v56 =	vbroadcast v26, $0x1;
	v57 =	vbroadcast v26, $0x8  }
0xa4: {  	v59 =	vld [tilespmem:s22+$0x28C0];
	v13 =	vadd.f32 v13, v31;
	v58 =	vbroadcast v26, $0xF;
	v60 =	vbroadcast v26, $0xB  }
0xa5: {  	v61 =	vld [tilespmem:s22+$0xC0];
	v12 =	vadd.f32 v12, v28;
	v40 =	vbroadcast v26, $0xA;
	v41 =	vbroadcast v26, $0x6  }
0xa6: {  	v63 =	vld [tilespmem:s22+$0x40];
	v27 =	vadd.f32 v27, v33;
	v62 =	vbroadcast v26, $0xD;
	v45 =	vbroadcast v26, $0x0  }
0xa7: {  	v20 =	vadd.f32 v20, v34;
	v42 =	vbroadcast v26, $0x5;
	v26 =	vbroadcast v26, $0xC  }
0xa8: {  	v30 =	vld [tilespmem:s22+$0xE0];
	v32 =	vadd.f32 v36, v32;
	v21 =	vmul.f32 v21, v53;
	v17 =	vmul.f32 v17, v54  }
0xa9: {  	v37 =	vadd.f32 v37, v38;
	v20 =	vmul.f32 v20, v56;
	v23 =	vmul.f32 v23, v40  }
0xaa: {  	v22 =	vadd.f32 v59, v61;
	v27 =	vmul.f32 v27, v55;
	v32 =	vmul.f32 v32, v62  }
0xab: {  	v36 =	vadd.f32 v39, v63;
	v37 =	vmul.f32 v37, v45;
	v12 =	vmul.f32 v12, v58  }
0xac: {  	v15 =	vadd.f32 v15, v25;
	v14 =	vmul.f32 v14, v41;
	v22 =	vmul.f32 v22, v26  }
0xad: {  	v11 =	vadd.f32 v11, v30;
	v48 =	vmul.f32 v36, v35;
	v13 =	vmul.f32 v13, v57  }
0xae: {  	v16 =	vmul.f32 v16, v24;
	v15 =	vmul.f32 v15, v60;
	v21 =	vadd.f32 v21, v10  }
0xaf: {  	v11 =	vmul.f32 v11, v19;
	v17 =	vadd.f32 v17, v10;
	v20 =	vadd.f32 v20, v10  }
0xb0: {  	v46 =	vadd.f32 v37, v10;
	v27 =	vadd.f32 v27, v10;
	v21 =	vmax.f32 v21, $0.0e+00  }
0xb1: {  	v22 =	vadd.f32 v22, v10;
	v17 =	vmax.f32 v17, $0.0e+00;
	v21 =	vmul.f32 v21, v53  }
0xb2: {  	v50 =	vadd.f32 v48, v10;
	v20 =	vmax.f32 v20, $0.0e+00;
	v17 =	vmul.f32 v17, v54  }
0xb3: {  	v49 =	vld [tilespmem:s22+$0x2850];
	v12 =	vadd.f32 v12, v10;
	v47 =	vmax.f32 v46, $0.0e+00;
	v20 =	vmul.f32 v20, v56;
	[tilespmem:s22+$0x30] =	vst v21  }
0xb4: {  	v52 =	vld [tilespmem:s22+$0x50];
	v14 =	vadd.f32 v14, v10;
	v27 =	vmax.f32 v27, $0.0e+00;
	v18 =	vmul.f32 v47, v45;
	[tilespmem:s22+$0x90] =	vst v17  }
0xb5: {  	v13 =	vadd.f32 v13, v10;
	v12 =	vmax.f32 v12, $0.0e+00;
	v27 =	vmul.f32 v27, v55;
	[tilespmem:s22+$0x10] =	vst v20  }
0xb6: {  	v11 =	vadd.f32 v11, v10;
	v14 =	vmax.f32 v14, $0.0e+00;
	v12 =	vmul.f32 v12, v58;
	[tilespmem:s22+$0x0] =	vst v18  }
0xb7: {  	v15 =	vadd.f32 v15, v10;
	v13 =	vmax.f32 v13, $0.0e+00;
	v14 =	vmul.f32 v14, v41;
	[tilespmem:s22+$0x70] =	vst v27  }
0xb8: {  	v16 =	vadd.f32 v16, v10;
	v11 =	vmax.f32 v11, $0.0e+00;
	v13 =	vmul.f32 v13, v57;
	[tilespmem:s22+$0xF0] =	vst v12  }
0xb9: {  	v53 =	vadd.f32 v49, v52;
	v57 =	vmax.f32 v15, $0.0e+00;
	v11 =	vmul.f32 v11, v19;
	[tilespmem:s22+$0x60] =	vst v14  }
0xba: {  	v51 =	vmax.f32 v22, $0.0e+00;
	v55 =	vmax.f32 v16, $0.0e+00;
	v59 =	vmul.f32 v57, v60;
	[tilespmem:s22+$0x80] =	vst v13  }
0xbb: {  	v56 =	vadd.f32 v32, v10;
	v20 =	vmul.f32 v51, v26;
	v58 =	vmul.f32 v53, v42;
	[tilespmem:s22+$0xE0] =	vst v11  }
0xbc: {  	v54 =	vadd.f32 v23, v10;
	v17 =	vmax.f32 v50, $0.0e+00;
	v12 =	vmul.f32 v55, v24;
	[tilespmem:s22+$0xB0] =	vst v59  }
0xbd: {  	v60 =	vmax.f32 v56, $0.0e+00;
	v17 =	vmul.f32 v17, v35;
	[tilespmem:s22+$0xC0] =	vst v20;
	v10 =	vadd.f32 v58, v10  }
0xbe: {  	v61 =	vmax.f32 v54, $0.0e+00;
	v62 =	vmul.f32 v60, v62;
	[tilespmem:s22+$0x20] =	vst v12  }
0xbf: {  	v63 =	vmul.f32 v61, v40;
	[tilespmem:s22+$0x40] =	vst v17;
	v10 =	vmax.f32 v10, $0.0e+00  }
0xc0: {  	[tilespmem:s22+$0xD0] =	vst v62;
	v10 =	vmul.f32 v10, v42  }
0xc1: {  	[tilespmem:s22+$0xA0] =	vst v63  }
.Ltmp1:
0xc2: {  	s26 =	rddreg [dreg:$0x8];
	[tilespmem:s22+$0x50] =	vst v10;
	(pc) =	sbr.rel @!p0 .LBB2_7-.Ltmp1, $4  }
0xc3: {  	[spmem:s26] =	stream.linear.scatter [tilespmem:s5], [sflag:$0x5], $0x2800, $0x38;
	[tilespmem:$0x13A90] =	vst v63  }
0xc4: {  	_ =	swait.ge [sflag:s0], $0x2800  }
0xc5: {  	[sflag:s0] =	ssyncset.done $0x0  }
0xc6: {  	[sflag:s0] =	ssyncadd.s32 $0xFFFFD800  }
0xc7: {  	s21 =	simm.s32 $0x40  }
0xc8: {  	[tilespmem:s21+$0xFFFFFFC0] =	vst v1  }
0xc9: {  	[tilespmem:s21+$0x30] =	vst v1  }
0xca: {  	[tilespmem:s21+$0x20] =	vst v1  }
0xcb: {  	[tilespmem:s21+$0x10] =	vst v1  }
0xcc: {  	[tilespmem:s21+$0x0] =	vst v1  }
0xcd: {  	[tilespmem:s21+$0xFFFFFFF0] =	vst v1  }
0xce: {  	s22 =	simm.s32 $0x0;
	[tilespmem:s21+$0xFFFFFFE0] =	vst v1  }
.LBB2_5:
0xcf: {  	s22 =	sadd.s32 $0x8, s22;
	[tilespmem:s21+$0xFFFFFFD0] =	vst v1;
	s21 =	sadd.s32 $0x80, s21  }
0xd0: {  	[tilespmem:s21+$0xFFFFFFC0] =	vst v1;
	p1 =	slt.u32 s22, $0x278  }
0xd1: {  	[tilespmem:s21+$0x30] =	vst v1  }
.Ltmp2:
0xd2: {  	[tilespmem:s21+$0x20] =	vst v1;
	(pc) =	sbr.rel @p1 .LBB2_5-.Ltmp2, $4  }
0xd3: {  	[tilespmem:s21+$0x10] =	vst v1  }
0xd4: {  	[tilespmem:s21+$0x0] =	vst v1  }
0xd5: {  	[tilespmem:s21+$0xFFFFFFF0] =	vst v1  }
0xd6: {  	[tilespmem:s21+$0xFFFFFFE0] =	vst v1  }
0xd7: {  	[tilespmem:s21+$0xFFFFFFD0] =	vst v1  }
.LBB2_7:
0xd8: {  	s21 =	simm.s32 $0x0  }
0xd9: {  	[spmem:s17] =	stream.linear.scatter [tilespmem:s21], [sflag:$0x5], $0x2800, $0x38;
	[tilespmem:$0x13A90] =	vst v63  }
0xda: {  	_ =	swait.ge [sflag:s0], $0x2800  }
0xdb: {  	[sflag:s0] =	ssyncset.done $0x0  }
0xdc: {  	[sflag:s0] =	ssyncadd.s32 $0xFFFFD800  }
0xdd: {  	[bflag:$0x0] =	sbarrier.arrive $0xFFFF  }
0xde: {  	s22 =	rddreg [dreg:$0xe]  }
0xdf: {  	[tilespmem:s8], [sflag:$0x2] =	stream.linear.gather [hbm4b:s22+s21], $0x400, $0x38;
	[tilespmem:$0x13A90] =	vst v63  }
0xe0: {  	s24 =	rddreg [dreg:$0xf]  }
0xe1: {  	[tilespmem:s9], [sflag:$0x2] =	stream.linear.gather [hbm4b:s24+s21], $0x400, $0x38;
	[tilespmem:$0x13A90] =	vst v63  }
0xe2: {  	_ =	swait.ge [sflag:s10], $0x400  }
0xe3: {  	[sflag:s10] =	ssyncset.done $0x0  }
0xe4: {  	[sflag:s10] =	ssyncadd.s32 $0xFFFFFC00  }
0xe5: {  	_ =	swait.ge [sflag:s10], $0x400  }
0xe6: {  	[sflag:s10] =	ssyncset.done $0x0  }
0xe7: {  	[sflag:s10] =	ssyncadd.s32 $0xFFFFFC00  }
0xe8: {  	[tilespmem:s12], [sflag:$0x1] =	stream.indirect.gather [spmem:s3], $0x10, s8, s11, $0xb8;
	[tilespmem:$0x13A90] =	vst v63  }
0xe9: {  	s25 =	rddreg [dreg:$0x10]  }
0xea: {  	[tilespmem:s13], [sflag:$0x4] =	stream.linear.gather [hbm4b:s25+s21], $0x400, $0x38;
	[tilespmem:$0x13A90] =	vst v63  }
0xeb: {  	s26 =	rddreg [dreg:$0x11]  }
0xec: {  	[tilespmem:s14], [sflag:$0x4] =	stream.linear.gather [hbm4b:s26+s21], $0x400, $0x38;
	[tilespmem:$0x13A90] =	vst v63  }
0xed: {  	_ =	swait.ge [sflag:s15], $0x400  }
0xee: {  	[sflag:s15] =	ssyncset.done $0x0  }
0xef: {  	[sflag:s15] =	ssyncadd.s32 $0xFFFFFC00  }
0xf0: {  	_ =	swait.ge [sflag:s15], $0x400  }
0xf1: {  	[sflag:s15] =	ssyncset.done $0x0  }
0xf2: {  	[sflag:s15] =	ssyncadd.s32 $0xFFFFFC00  }
0xf3: {  	[tilespmem:s16], [sflag:$0x3] =	stream.indirect.gather [spmem:s3], $0x10, s13, s11, $0xb8;
	[tilespmem:$0x13A90] =	vst v63  }
0xf4: {  	_ =	swait.ge [sflag:s1], $0x4000  }
0xf5: {  	[sflag:s1] =	ssyncset.done $0x0  }
0xf6: {  	[sflag:s1] =	ssyncadd.s32 $0xFFFFC000  }
0xf7: {  	[spmem:s4] =	stream.indirect.scatter.add.f32 [tilespmem:s12], [sflag:$0x5], $0x10, s9, s11, $0xb8;
	[tilespmem:$0x13A90] =	vst v63  }
0xf8: {  	_ =	swait.ge [sflag:s0], $0x4000  }
0xf9: {  	s23 =	sshrl.u32 s30, $0x3;
	[sflag:s0] =	ssyncset.done $0x0  }
0xfa: {  	s24 =	sadd.s32 s6, s23;
	[sflag:s0] =	ssyncadd.s32 $0xFFFFC000  }
0xfb: {  	[tilespmem:s8], [sflag:$0x2] =	stream.linear.gather [hbm4b:s24+s5], $0x400, $0x38;
	[tilespmem:$0x13A90] =	vst v63  }
0xfc: {  	s21 =	sadd.s32 s7, s23  }
0xfd: {  	[tilespmem:s9], [sflag:$0x2] =	stream.linear.gather [hbm4b:s21+s5], $0x400, $0x38;
	[tilespmem:$0x13A90] =	vst v63  }
0xfe: {  	_ =	swait.ge [sflag:s2], $0x4000  }
0xff: {  	[sflag:s2] =	ssyncset.done $0x0  }
0x100: {  	[sflag:s2] =	ssyncadd.s32 $0xFFFFC000  }
0x101: {  	[spmem:s4] =	stream.indirect.scatter.add.f32 [tilespmem:s16], [sflag:$0x5], $0x10, s14, s11, $0xb8;
	[tilespmem:$0x13A90] =	vst v63  }
0x102: {  	_ =	swait.ge [sflag:s0], $0x4000  }
0x103: {  	[sflag:s0] =	ssyncset.done $0x0  }
0x104: {  	s25 =	sadd.s32 $0x0, s29;
	[sflag:s0] =	ssyncadd.s32 $0xFFFFC000  }
0x105: {  	[tilespmem:s13], [sflag:$0x4] =	stream.linear.gather [hbm4b:s25+s5], $0x400, $0x38;
	[tilespmem:$0x13A90] =	vst v63  }
0x106: {  	s26 =	sadd.s32 $0x0, s28  }
0x107: {  	[tilespmem:s14], [sflag:$0x4] =	stream.linear.gather [hbm4b:s26+s5], $0x400, $0x38;
	[tilespmem:$0x13A90] =	vst v63  }
0x108: {  	_ =	swait.ge [sflag:s10], $0x400  }
0x109: {  	[sflag:s10] =	ssyncset.done $0x0  }
0x10a: {  	[sflag:s10] =	ssyncadd.s32 $0xFFFFFC00  }
0x10b: {  	_ =	swait.ge [sflag:s10], $0x400  }
0x10c: {  	[sflag:s10] =	ssyncset.done $0x0  }
0x10d: {  	s22 =	sadd.s32 $0x800, s30;
	s21 =	simm.s32 $0x100;
	[sflag:s10] =	ssyncadd.s32 $0xFFFFFC00  }
.LBB2_8:
0x10e: {  	[tilespmem:s12], [sflag:$0x1] =	stream.indirect.gather [spmem:s3], $0x10, s8, s11, $0xb8;
	[tilespmem:$0x13A90] =	vst v63  }
0x10f: {  	s23 =	smov.u32 s21  }
0x110: {  	p1 =	sne.s32 s21, $0x300;
	s21 =	sadd.s32 $0x100, s21;
	_ =	swait.ge [sflag:s15], $0x400  }
0x111: {  	[sflag:s15] =	ssyncset.done $0x0  }
0x112: {  	[sflag:s15] =	ssyncadd.s32 $0xFFFFFC00  }
0x113: {  	_ =	swait.ge [sflag:s15], $0x400  }
0x114: {  	[sflag:s15] =	ssyncset.done $0x0  }
0x115: {  	[sflag:s15] =	ssyncadd.s32 $0xFFFFFC00  }
0x116: {  	[tilespmem:s16], [sflag:$0x3] =	stream.indirect.gather [spmem:s3], $0x10, s13, s11, $0xb8;
	[tilespmem:$0x13A90] =	vst v63  }
0x117: {  	_ =	swait.ge [sflag:s1], $0x4000  }
0x118: {  	[sflag:s1] =	ssyncset.done $0x0  }
0x119: {  	[sflag:s1] =	ssyncadd.s32 $0xFFFFC000  }
0x11a: {  	[spmem:s4] =	stream.indirect.scatter.add.f32 [tilespmem:s12], [sflag:$0x5], $0x10, s9, s11, $0xb8;
	[tilespmem:$0x13A90] =	vst v63  }
0x11b: {  	_ =	swait.ge [sflag:s0], $0x4000  }
0x11c: {  	s24 =	sshrl.u32 s22, $0x3;
	[sflag:s0] =	ssyncset.done $0x0  }
0x11d: {  	s25 =	sadd.s32 s6, s24;
	[sflag:s0] =	ssyncadd.s32 $0xFFFFC000  }
0x11e: {  	[tilespmem:s8], [sflag:$0x2] =	stream.linear.gather [hbm4b:s25+s5], $0x400, $0x38;
	[tilespmem:$0x13A90] =	vst v63  }
0x11f: {  	s24 =	sadd.s32 s7, s24  }
0x120: {  	[tilespmem:s9], [sflag:$0x2] =	stream.linear.gather [hbm4b:s24+s5], $0x400, $0x38;
	[tilespmem:$0x13A90] =	vst v63  }
0x121: {  	_ =	swait.ge [sflag:s2], $0x4000  }
0x122: {  	[sflag:s2] =	ssyncset.done $0x0  }
0x123: {  	[sflag:s2] =	ssyncadd.s32 $0xFFFFC000  }
0x124: {  	[spmem:s4] =	stream.indirect.scatter.add.f32 [tilespmem:s16], [sflag:$0x5], $0x10, s14, s11, $0xb8;
	[tilespmem:$0x13A90] =	vst v63  }
0x125: {  	_ =	swait.ge [sflag:s0], $0x4000  }
0x126: {  	[sflag:s0] =	ssyncset.done $0x0  }
0x127: {  	s24 =	sadd.s32 s23, s29;
	[sflag:s0] =	ssyncadd.s32 $0xFFFFC000  }
0x128: {  	[tilespmem:s13], [sflag:$0x4] =	stream.linear.gather [hbm4b:s24+s5], $0x400, $0x38;
	[tilespmem:$0x13A90] =	vst v63  }
0x129: {  	s23 =	sadd.s32 s23, s28  }
0x12a: {  	[tilespmem:s14], [sflag:$0x4] =	stream.linear.gather [hbm4b:s23+s5], $0x400, $0x38;
	[tilespmem:$0x13A90] =	vst v63  }
0x12b: {  	_ =	swait.ge [sflag:s10], $0x400  }
.Ltmp3:
0x12c: {  	[sflag:s10] =	ssyncset.done $0x0;
	(pc) =	sbr.rel @p1 .LBB2_8-.Ltmp3, $4  }
0x12d: {  	[sflag:s10] =	ssyncadd.s32 $0xFFFFFC00  }
0x12e: {  	_ =	swait.ge [sflag:s10], $0x400  }
0x12f: {  	[sflag:s10] =	ssyncset.done $0x0  }
0x130: {  	s22 =	sadd.s32 $0x800, s22;
	[sflag:s10] =	ssyncadd.s32 $0xFFFFFC00  }
0x131: {  	[tilespmem:s12], [sflag:$0x1] =	stream.indirect.gather [spmem:s3], $0x10, s8, s11, $0xb8;
	[tilespmem:$0x13A90] =	vst v63  }
0x132: {  	_ =	swait.ge [sflag:s15], $0x400  }
0x133: {  	[sflag:s15] =	ssyncset.done $0x0  }
0x134: {  	[sflag:s15] =	ssyncadd.s32 $0xFFFFFC00  }
0x135: {  	_ =	swait.ge [sflag:s15], $0x400  }
0x136: {  	[sflag:s15] =	ssyncset.done $0x0  }
0x137: {  	[sflag:s15] =	ssyncadd.s32 $0xFFFFFC00  }
0x138: {  	[tilespmem:s16], [sflag:$0x3] =	stream.indirect.gather [spmem:s3], $0x10, s13, s11, $0xb8;
	[tilespmem:$0x13A90] =	vst v63  }
0x139: {  	_ =	swait.ge [sflag:s1], $0x4000  }
0x13a: {  	[sflag:s1] =	ssyncset.done $0x0  }
0x13b: {  	[sflag:s1] =	ssyncadd.s32 $0xFFFFC000  }
0x13c: {  	[spmem:s4] =	stream.indirect.scatter.add.f32 [tilespmem:s12], [sflag:$0x5], $0x10, s9, s11, $0xb8;
	[tilespmem:$0x13A90] =	vst v63  }
0x13d: {  	_ =	swait.ge [sflag:s0], $0x4000  }
0x13e: {  	[sflag:s0] =	ssyncset.done $0x0  }
0x13f: {  	[sflag:s0] =	ssyncadd.s32 $0xFFFFC000  }
0x140: {  	_ =	swait.ge [sflag:s2], $0x4000  }
0x141: {  	[sflag:s2] =	ssyncset.done $0x0  }
0x142: {  	[sflag:s2] =	ssyncadd.s32 $0xFFFFC000  }
0x143: {  	[spmem:s4] =	stream.indirect.scatter.add.f32 [tilespmem:s16], [sflag:$0x5], $0x10, s14, s11, $0xb8;
	[tilespmem:$0x13A90] =	vst v63  }
0x144: {  	_ =	swait.ge [sflag:s0], $0x4000  }
0x145: {  	[sflag:s0] =	ssyncset.done $0x0  }
0x146: {  	[sflag:s0] =	ssyncadd.s32 $0xFFFFC000  }
0x147: {  	s21 =	simm.s32 $0x0;
	[bflag:$0x0] =	sbarrier.arrive $0xFFFF  }
0x148: {  	v10 =	vmov s21;
	[tilespmem:s12], [sflag:$0x1] =	stream.linear.gather [spmem:s17], $0x800, $0x38;
	[tilespmem:$0x13A90] =	vst v63  }
0x149: {  	v10 =	vshrl.u32 v10, $0x3;
	_ =	swait.ge [sflag:s1], $0x800  }
0x14a: {  	v10 =	vshll.u32 v10, v2;
	[sflag:s1] =	ssyncset.done $0x0  }
0x14b: {  	s22 =	simm.s32 $0xB2D0;
	v10 =	vbroadcast v10, $0x0;
	s24 =	rddreg [dreg:$0x12];
	[sflag:s1] =	ssyncadd.s32 $0xFFFFF800  }
0x14c: {  	[tilespmem:s16], [sflag:$0x3] =	stream.linear.gather [spmem:s24], $0x800, $0x38;
	[tilespmem:$0x13A90] =	vst v63  }
0x14d: {  	s25 =	simm.s32 $0x1;
	v10 =	vor.u32 v0, v10;
	v11 =	vld [tilespmem:s22+$0xFFFFFFC0]  }
0x14e: {  	v12 =	vmov s25  }
0x14f: {  	v12 =	vshrl.u32 v12, $0x3  }
0x150: {  	v12 =	vshll.u32 v12, v2  }
0x151: {  	v12 =	vbroadcast v12, $0x0  }
0x152: {  	[tilespmem:v10+s18+$0x0] =	vst.idx.msk $0xffff, v11  }
0x153: {  	s26 =	simm.s32 $0x2;
	v11 =	vor.u32 v3, v12;
	v10 =	vld [tilespmem:s22+$0xFFFFFFD0]  }
0x154: {  	v12 =	vmov s26  }
0x155: {  	v12 =	vshrl.u32 v12, $0x3  }
0x156: {  	v12 =	vshll.u32 v12, v2  }
0x157: {  	v12 =	vbroadcast v12, $0x0  }
0x158: {  	[tilespmem:v11+s18+$0x0] =	vst.idx.msk $0xffff, v10  }
0x159: {  	s23 =	simm.s32 $0x3;
	v11 =	vor.u32 v4, v12;
	v10 =	vld [tilespmem:s22+$0xFFFFFFE0]  }
0x15a: {  	v12 =	vmov s23  }
0x15b: {  	v12 =	vshrl.u32 v12, $0x3  }
0x15c: {  	v12 =	vshll.u32 v12, v2  }
0x15d: {  	v12 =	vbroadcast v12, $0x0  }
0x15e: {  	[tilespmem:v11+s18+$0x0] =	vst.idx.msk $0xffff, v10  }
0x15f: {  	s24 =	simm.s32 $0x4;
	v11 =	vor.u32 v5, v12;
	v10 =	vld [tilespmem:s22+$0xFFFFFFF0]  }
0x160: {  	v12 =	vmov s24  }
0x161: {  	v12 =	vshrl.u32 v12, $0x3  }
0x162: {  	v12 =	vshll.u32 v12, v2  }
0x163: {  	v12 =	vbroadcast v12, $0x0  }
0x164: {  	[tilespmem:v11+s18+$0x0] =	vst.idx.msk $0xffff, v10  }
0x165: {  	s25 =	simm.s32 $0x5;
	v11 =	vor.u32 v6, v12;
	v10 =	vld [tilespmem:s22+$0x0]  }
0x166: {  	v12 =	vmov s25  }
0x167: {  	v12 =	vshrl.u32 v12, $0x3  }
0x168: {  	v12 =	vshll.u32 v12, v2  }
0x169: {  	v12 =	vbroadcast v12, $0x0  }
0x16a: {  	[tilespmem:v11+s18+$0x0] =	vst.idx.msk $0xffff, v10  }
0x16b: {  	s26 =	simm.s32 $0x6;
	v11 =	vor.u32 v7, v12;
	v10 =	vld [tilespmem:s22+$0x10]  }
0x16c: {  	v12 =	vmov s26  }
0x16d: {  	v12 =	vshrl.u32 v12, $0x3  }
0x16e: {  	v12 =	vshll.u32 v12, v2  }
0x16f: {  	v12 =	vbroadcast v12, $0x0  }
0x170: {  	[tilespmem:v11+s18+$0x0] =	vst.idx.msk $0xffff, v10  }
0x171: {  	v11 =	vor.u32 v8, v12;
	v10 =	vld [tilespmem:s22+$0x20];
	_ =	sdelay $0x4  }
0x172: {  	s23 =	simm.s32 $0x7;
	[tilespmem:v11+s18+$0x0] =	vst.idx.msk $0xffff, v10  }
0x173: {  	s21 =	simm.s32 $0x8;
	v11 =	vor.u32 s23, v9;
	v10 =	vld [tilespmem:s22+$0x30]  }
0x174: {  	v12 =	vmov s21;
	s23 =	simm.s32 $0x10  }
.LBB2_10:
0x175: {  	p1 =	slt.u32 s23, $0x78;
	v12 =	vshrl.u32 v12, $0x3  }
0x176: {  	v12 =	vshll.u32 v12, v2  }
0x177: {  	v12 =	vbroadcast v12, $0x0  }
0x178: {  	s22 =	sadd.s32 $0x80, s22;
	[tilespmem:v11+s18+$0x0] =	vst.idx.msk $0xffff, v10  }
0x179: {  	s24 =	sadd.s32 $0x1, s21;
	v10 =	vld [tilespmem:s22+$0xFFFFFFC0];
	v11 =	vor.u32 v0, v12  }
0x17a: {  	v12 =	vmov s24  }
0x17b: {  	v12 =	vshrl.u32 v12, $0x3  }
0x17c: {  	v12 =	vshll.u32 v12, v2  }
0x17d: {  	v12 =	vbroadcast v12, $0x0  }
0x17e: {  	[tilespmem:v11+s18+$0x0] =	vst.idx.msk $0xffff, v10  }
0x17f: {  	s24 =	sadd.s32 $0x2, s21;
	v11 =	vor.u32 v3, v12;
	v10 =	vld [tilespmem:s22+$0xFFFFFFD0]  }
0x180: {  	v12 =	vmov s24  }
0x181: {  	v12 =	vshrl.u32 v12, $0x3  }
0x182: {  	v12 =	vshll.u32 v12, v2  }
0x183: {  	v12 =	vbroadcast v12, $0x0  }
0x184: {  	[tilespmem:v11+s18+$0x0] =	vst.idx.msk $0xffff, v10  }
0x185: {  	s24 =	sadd.s32 $0x3, s21;
	v11 =	vor.u32 v4, v12;
	v10 =	vld [tilespmem:s22+$0xFFFFFFE0]  }
0x186: {  	v12 =	vmov s24  }
0x187: {  	v12 =	vshrl.u32 v12, $0x3  }
0x188: {  	v12 =	vshll.u32 v12, v2  }
0x189: {  	v12 =	vbroadcast v12, $0x0  }
0x18a: {  	[tilespmem:v11+s18+$0x0] =	vst.idx.msk $0xffff, v10  }
0x18b: {  	s24 =	sadd.s32 $0x4, s21;
	v11 =	vor.u32 v5, v12;
	v10 =	vld [tilespmem:s22+$0xFFFFFFF0]  }
0x18c: {  	v12 =	vmov s24  }
0x18d: {  	v12 =	vshrl.u32 v12, $0x3  }
0x18e: {  	v12 =	vshll.u32 v12, v2  }
0x18f: {  	v12 =	vbroadcast v12, $0x0  }
0x190: {  	[tilespmem:v11+s18+$0x0] =	vst.idx.msk $0xffff, v10  }
0x191: {  	s24 =	sadd.s32 $0x5, s21;
	v11 =	vor.u32 v6, v12;
	v10 =	vld [tilespmem:s22+$0x0]  }
0x192: {  	v12 =	vmov s24  }
0x193: {  	v12 =	vshrl.u32 v12, $0x3  }
0x194: {  	v12 =	vshll.u32 v12, v2  }
0x195: {  	v12 =	vbroadcast v12, $0x0  }
0x196: {  	[tilespmem:v11+s18+$0x0] =	vst.idx.msk $0xffff, v10  }
0x197: {  	s24 =	sadd.s32 $0x6, s21;
	v11 =	vor.u32 v7, v12;
	v10 =	vld [tilespmem:s22+$0x10]  }
0x198: {  	v12 =	vmov s24  }
0x199: {  	v12 =	vshrl.u32 v12, $0x3  }
0x19a: {  	v12 =	vshll.u32 v12, v2  }
0x19b: {  	v12 =	vbroadcast v12, $0x0  }
0x19c: {  	[tilespmem:v11+s18+$0x0] =	vst.idx.msk $0xffff, v10  }
0x19d: {  	v11 =	vor.u32 v8, v12;
	v10 =	vld [tilespmem:s22+$0x20];
	_ =	sdelay $0x2  }
.Ltmp4:
0x19e: {  	(pc) =	sbr.rel @p1 .LBB2_10-.Ltmp4, $4  }
0x19f: {  	_ = 	snop  }
0x1a0: {  	s24 =	sadd.s32 $0x7, s21;
	s21 =	smov.u32 s23;
	[tilespmem:v11+s18+$0x0] =	vst.idx.msk $0xffff, v10  }
0x1a1: {  	v11 =	vor.u32 s24, v9;
	v10 =	vld [tilespmem:s22+$0x30]  }
0x1a2: {  	s23 =	sadd.s32 $0x8, s23;
	v12 =	vmov s21  }
0x1a3: {  	_ = 	snop  }
0x1a4: {  	v12 =	vshrl.u32 v12, $0x3  }
0x1a5: {  	v12 =	vshll.u32 v12, v2  }
0x1a6: {  	v12 =	vbroadcast v12, $0x0  }
0x1a7: {  	s22 =	sadd.s32 $0x80, s22;
	[tilespmem:v11+s18+$0x0] =	vst.idx.msk $0xffff, v10  }
0x1a8: {  	s23 =	sadd.s32 $0x1, s21;
	v10 =	vld [tilespmem:s22+$0xFFFFFFC0];
	v11 =	vor.u32 v0, v12  }
0x1a9: {  	v12 =	vmov s23  }
0x1aa: {  	v12 =	vshrl.u32 v12, $0x3  }
0x1ab: {  	v12 =	vshll.u32 v12, v2  }
0x1ac: {  	v12 =	vbroadcast v12, $0x0  }
0x1ad: {  	[tilespmem:v11+s18+$0x0] =	vst.idx.msk $0xffff, v10  }
0x1ae: {  	s26 =	sadd.s32 $0x2, s21;
	v11 =	vor.u32 v3, v12;
	v10 =	vld [tilespmem:s22+$0xFFFFFFD0]  }
0x1af: {  	v12 =	vmov s26  }
0x1b0: {  	v12 =	vshrl.u32 v12, $0x3  }
0x1b1: {  	v12 =	vshll.u32 v12, v2  }
0x1b2: {  	v12 =	vbroadcast v12, $0x0  }
0x1b3: {  	[tilespmem:v11+s18+$0x0] =	vst.idx.msk $0xffff, v10  }
0x1b4: {  	s24 =	sadd.s32 $0x3, s21;
	v11 =	vor.u32 v4, v12;
	v10 =	vld [tilespmem:s22+$0xFFFFFFE0]  }
0x1b5: {  	v12 =	vmov s24  }
0x1b6: {  	v12 =	vshrl.u32 v12, $0x3  }
0x1b7: {  	v12 =	vshll.u32 v12, v2  }
0x1b8: {  	v12 =	vbroadcast v12, $0x0  }
0x1b9: {  	[tilespmem:v11+s18+$0x0] =	vst.idx.msk $0xffff, v10  }
0x1ba: {  	s25 =	sadd.s32 $0x4, s21;
	v11 =	vor.u32 v5, v12;
	v10 =	vld [tilespmem:s22+$0xFFFFFFF0]  }
0x1bb: {  	v12 =	vmov s25  }
0x1bc: {  	v12 =	vshrl.u32 v12, $0x3  }
0x1bd: {  	v12 =	vshll.u32 v12, v2  }
0x1be: {  	v12 =	vbroadcast v12, $0x0  }
0x1bf: {  	[tilespmem:v11+s18+$0x0] =	vst.idx.msk $0xffff, v10  }
0x1c0: {  	s26 =	sadd.s32 $0x5, s21;
	v11 =	vor.u32 v6, v12;
	v10 =	vld [tilespmem:s22+$0x0]  }
0x1c1: {  	v12 =	vmov s26  }
0x1c2: {  	v12 =	vshrl.u32 v12, $0x3  }
0x1c3: {  	v12 =	vshll.u32 v12, v2  }
0x1c4: {  	v12 =	vbroadcast v12, $0x0  }
0x1c5: {  	[tilespmem:v11+s18+$0x0] =	vst.idx.msk $0xffff, v10  }
0x1c6: {  	s24 =	sadd.s32 $0x6, s21;
	v11 =	vor.u32 v7, v12;
	v10 =	vld [tilespmem:s22+$0x10]  }
0x1c7: {  	v12 =	vmov s24  }
0x1c8: {  	v12 =	vshrl.u32 v12, $0x3  }
0x1c9: {  	v12 =	vshll.u32 v12, v2  }
0x1ca: {  	v12 =	vbroadcast v12, $0x0  }
0x1cb: {  	[tilespmem:v11+s18+$0x0] =	vst.idx.msk $0xffff, v10  }
0x1cc: {  	v11 =	vor.u32 v8, v12;
	v10 =	vld [tilespmem:s22+$0x20];
	_ =	sdelay $0x4  }
0x1cd: {  	s25 =	sadd.s32 $0x7, s21;
	[tilespmem:v11+s18+$0x0] =	vst.idx.msk $0xffff, v10  }
0x1ce: {  	v11 =	vor.u32 s25, v9;
	v10 =	vld [tilespmem:s22+$0x30];
	_ =	sdelay $0x4  }
0x1cf: {  	s26 =	rddreg [dreg:$0x9];
	[tilespmem:v11+s18+$0x0] =	vst.idx.msk $0xffff, v10  }
0x1d0: {  	[hbm4b:s26+s19] =	stream.strided.scatter [tilespmem:s18], [sflag:$0x5], $0x800, s31, s19, $0x38;
	[tilespmem:$0x13A90] =	vst v63  }
0x1d1: {  	_ =	swait.ge [sflag:s0], $0x800  }
0x1d2: {  	s22 =	simm.s32 $0x0;
	[sflag:s0] =	ssyncset.done $0x0  }
0x1d3: {  	v10 =	vmov s22;
	[sflag:s0] =	ssyncadd.s32 $0xFFFFF800  }
0x1d4: {  	v10 =	vshrl.u32 v10, $0x3;
	_ =	swait.ge [sflag:s2], $0x800  }
0x1d5: {  	v10 =	vshll.u32 v10, v2;
	[sflag:s2] =	ssyncset.done $0x0  }
0x1d6: {  	s22 =	simm.s32 $0xFAD0;
	v10 =	vbroadcast v10, $0x0;
	s23 =	rddreg [dreg:$0x13];
	[sflag:s2] =	ssyncadd.s32 $0xFFFFF800  }
0x1d7: {  	[tilespmem:s12], [sflag:$0x1] =	stream.linear.gather [spmem:s23], $0x800, $0x38;
	[tilespmem:$0x13A90] =	vst v63  }
0x1d8: {  	s24 =	simm.s32 $0x1;
	v10 =	vor.u32 v0, v10;
	v11 =	vld [tilespmem:s22+$0xFFFFFFC0]  }
0x1d9: {  	v12 =	vmov s24  }
0x1da: {  	v12 =	vshrl.u32 v12, $0x3  }
0x1db: {  	v12 =	vshll.u32 v12, v2  }
0x1dc: {  	v12 =	vbroadcast v12, $0x0  }
0x1dd: {  	[tilespmem:v10+s18+$0x0] =	vst.idx.msk $0xffff, v11  }
0x1de: {  	s25 =	simm.s32 $0x2;
	v11 =	vor.u32 v3, v12;
	v10 =	vld [tilespmem:s22+$0xFFFFFFD0]  }
0x1df: {  	v12 =	vmov s25  }
0x1e0: {  	v12 =	vshrl.u32 v12, $0x3  }
0x1e1: {  	v12 =	vshll.u32 v12, v2  }
0x1e2: {  	v12 =	vbroadcast v12, $0x0  }
0x1e3: {  	[tilespmem:v11+s18+$0x0] =	vst.idx.msk $0xffff, v10  }
0x1e4: {  	s26 =	simm.s32 $0x3;
	v11 =	vor.u32 v4, v12;
	v10 =	vld [tilespmem:s22+$0xFFFFFFE0]  }
0x1e5: {  	v12 =	vmov s26  }
0x1e6: {  	v12 =	vshrl.u32 v12, $0x3  }
0x1e7: {  	v12 =	vshll.u32 v12, v2  }
0x1e8: {  	v12 =	vbroadcast v12, $0x0  }
0x1e9: {  	[tilespmem:v11+s18+$0x0] =	vst.idx.msk $0xffff, v10  }
0x1ea: {  	s23 =	simm.s32 $0x4;
	v11 =	vor.u32 v5, v12;
	v10 =	vld [tilespmem:s22+$0xFFFFFFF0]  }
0x1eb: {  	v12 =	vmov s23  }
0x1ec: {  	v12 =	vshrl.u32 v12, $0x3  }
0x1ed: {  	v12 =	vshll.u32 v12, v2  }
0x1ee: {  	v12 =	vbroadcast v12, $0x0  }
0x1ef: {  	[tilespmem:v11+s18+$0x0] =	vst.idx.msk $0xffff, v10  }
0x1f0: {  	s24 =	simm.s32 $0x5;
	v11 =	vor.u32 v6, v12;
	v10 =	vld [tilespmem:s22+$0x0]  }
0x1f1: {  	v12 =	vmov s24  }
0x1f2: {  	v12 =	vshrl.u32 v12, $0x3  }
0x1f3: {  	v12 =	vshll.u32 v12, v2  }
0x1f4: {  	v12 =	vbroadcast v12, $0x0  }
0x1f5: {  	[tilespmem:v11+s18+$0x0] =	vst.idx.msk $0xffff, v10  }
0x1f6: {  	s25 =	simm.s32 $0x6;
	v11 =	vor.u32 v7, v12;
	v10 =	vld [tilespmem:s22+$0x10]  }
0x1f7: {  	v12 =	vmov s25  }
0x1f8: {  	v12 =	vshrl.u32 v12, $0x3  }
0x1f9: {  	v12 =	vshll.u32 v12, v2  }
0x1fa: {  	v12 =	vbroadcast v12, $0x0  }
0x1fb: {  	[tilespmem:v11+s18+$0x0] =	vst.idx.msk $0xffff, v10  }
0x1fc: {  	v11 =	vor.u32 v8, v12;
	v10 =	vld [tilespmem:s22+$0x20];
	_ =	sdelay $0x4  }
0x1fd: {  	s26 =	simm.s32 $0x7;
	[tilespmem:v11+s18+$0x0] =	vst.idx.msk $0xffff, v10  }
0x1fe: {  	s21 =	simm.s32 $0x8;
	v11 =	vor.u32 s26, v9;
	v10 =	vld [tilespmem:s22+$0x30]  }
0x1ff: {  	s23 =	simm.s32 $0x10;
	v12 =	vmov s21  }
.LBB2_12:
0x200: {  	p1 =	slt.u32 s23, $0x78;
	v12 =	vshrl.u32 v12, $0x3  }
0x201: {  	v12 =	vshll.u32 v12, v2  }
0x202: {  	v12 =	vbroadcast v12, $0x0  }
0x203: {  	s22 =	sadd.s32 $0x80, s22;
	[tilespmem:v11+s18+$0x0] =	vst.idx.msk $0xffff, v10  }
0x204: {  	s24 =	sadd.s32 $0x1, s21;
	v10 =	vld [tilespmem:s22+$0xFFFFFFC0];
	v11 =	vor.u32 v0, v12  }
0x205: {  	v12 =	vmov s24  }
0x206: {  	v12 =	vshrl.u32 v12, $0x3  }
0x207: {  	v12 =	vshll.u32 v12, v2  }
0x208: {  	v12 =	vbroadcast v12, $0x0  }
0x209: {  	[tilespmem:v11+s18+$0x0] =	vst.idx.msk $0xffff, v10  }
0x20a: {  	s24 =	sadd.s32 $0x2, s21;
	v11 =	vor.u32 v3, v12;
	v10 =	vld [tilespmem:s22+$0xFFFFFFD0]  }
0x20b: {  	v12 =	vmov s24  }
0x20c: {  	v12 =	vshrl.u32 v12, $0x3  }
0x20d: {  	v12 =	vshll.u32 v12, v2  }
0x20e: {  	v12 =	vbroadcast v12, $0x0  }
0x20f: {  	[tilespmem:v11+s18+$0x0] =	vst.idx.msk $0xffff, v10  }
0x210: {  	s24 =	sadd.s32 $0x3, s21;
	v11 =	vor.u32 v4, v12;
	v10 =	vld [tilespmem:s22+$0xFFFFFFE0]  }
0x211: {  	v12 =	vmov s24  }
0x212: {  	v12 =	vshrl.u32 v12, $0x3  }
0x213: {  	v12 =	vshll.u32 v12, v2  }
0x214: {  	v12 =	vbroadcast v12, $0x0  }
0x215: {  	[tilespmem:v11+s18+$0x0] =	vst.idx.msk $0xffff, v10  }
0x216: {  	s24 =	sadd.s32 $0x4, s21;
	v11 =	vor.u32 v5, v12;
	v10 =	vld [tilespmem:s22+$0xFFFFFFF0]  }
0x217: {  	v12 =	vmov s24  }
0x218: {  	v12 =	vshrl.u32 v12, $0x3  }
0x219: {  	v12 =	vshll.u32 v12, v2  }
0x21a: {  	v12 =	vbroadcast v12, $0x0  }
0x21b: {  	[tilespmem:v11+s18+$0x0] =	vst.idx.msk $0xffff, v10  }
0x21c: {  	s24 =	sadd.s32 $0x5, s21;
	v11 =	vor.u32 v6, v12;
	v10 =	vld [tilespmem:s22+$0x0]  }
0x21d: {  	v12 =	vmov s24  }
0x21e: {  	v12 =	vshrl.u32 v12, $0x3  }
0x21f: {  	v12 =	vshll.u32 v12, v2  }
0x220: {  	v12 =	vbroadcast v12, $0x0  }
0x221: {  	[tilespmem:v11+s18+$0x0] =	vst.idx.msk $0xffff, v10  }
0x222: {  	s24 =	sadd.s32 $0x6, s21;
	v11 =	vor.u32 v7, v12;
	v10 =	vld [tilespmem:s22+$0x10]  }
0x223: {  	v12 =	vmov s24  }
0x224: {  	v12 =	vshrl.u32 v12, $0x3  }
0x225: {  	v12 =	vshll.u32 v12, v2  }
0x226: {  	v12 =	vbroadcast v12, $0x0  }
0x227: {  	[tilespmem:v11+s18+$0x0] =	vst.idx.msk $0xffff, v10  }
0x228: {  	v11 =	vor.u32 v8, v12;
	v10 =	vld [tilespmem:s22+$0x20];
	_ =	sdelay $0x2  }
.Ltmp5:
0x229: {  	(pc) =	sbr.rel @p1 .LBB2_12-.Ltmp5, $4  }
0x22a: {  	_ = 	snop  }
0x22b: {  	s24 =	sadd.s32 $0x7, s21;
	s21 =	smov.u32 s23;
	[tilespmem:v11+s18+$0x0] =	vst.idx.msk $0xffff, v10  }
0x22c: {  	v11 =	vor.u32 s24, v9;
	v10 =	vld [tilespmem:s22+$0x30]  }
0x22d: {  	s23 =	sadd.s32 $0x8, s23;
	v12 =	vmov s21  }
0x22e: {  	_ = 	snop  }
0x22f: {  	v12 =	vshrl.u32 v12, $0x3  }
0x230: {  	v12 =	vshll.u32 v12, v2  }
0x231: {  	v12 =	vbroadcast v12, $0x0  }
0x232: {  	s22 =	sadd.s32 $0x80, s22;
	[tilespmem:v11+s18+$0x0] =	vst.idx.msk $0xffff, v10  }
0x233: {  	s23 =	sadd.s32 $0x1, s21;
	v10 =	vld [tilespmem:s22+$0xFFFFFFC0];
	v11 =	vor.u32 v0, v12  }
0x234: {  	v12 =	vmov s23  }
0x235: {  	v12 =	vshrl.u32 v12, $0x3  }
0x236: {  	v12 =	vshll.u32 v12, v2  }
0x237: {  	v12 =	vbroadcast v12, $0x0  }
0x238: {  	[tilespmem:v11+s18+$0x0] =	vst.idx.msk $0xffff, v10  }
0x239: {  	s26 =	sadd.s32 $0x2, s21;
	v11 =	vor.u32 v3, v12;
	v10 =	vld [tilespmem:s22+$0xFFFFFFD0]  }
0x23a: {  	v12 =	vmov s26  }
0x23b: {  	v12 =	vshrl.u32 v12, $0x3  }
0x23c: {  	v12 =	vshll.u32 v12, v2  }
0x23d: {  	v12 =	vbroadcast v12, $0x0  }
0x23e: {  	[tilespmem:v11+s18+$0x0] =	vst.idx.msk $0xffff, v10  }
0x23f: {  	s24 =	sadd.s32 $0x3, s21;
	v11 =	vor.u32 v4, v12;
	v10 =	vld [tilespmem:s22+$0xFFFFFFE0]  }
0x240: {  	v12 =	vmov s24  }
0x241: {  	v12 =	vshrl.u32 v12, $0x3  }
0x242: {  	v12 =	vshll.u32 v12, v2  }
0x243: {  	v12 =	vbroadcast v12, $0x0  }
0x244: {  	[tilespmem:v11+s18+$0x0] =	vst.idx.msk $0xffff, v10  }
0x245: {  	s25 =	sadd.s32 $0x4, s21;
	v11 =	vor.u32 v5, v12;
	v10 =	vld [tilespmem:s22+$0xFFFFFFF0]  }
0x246: {  	v12 =	vmov s25  }
0x247: {  	v12 =	vshrl.u32 v12, $0x3  }
0x248: {  	v12 =	vshll.u32 v12, v2  }
0x249: {  	v12 =	vbroadcast v12, $0x0  }
0x24a: {  	[tilespmem:v11+s18+$0x0] =	vst.idx.msk $0xffff, v10  }
0x24b: {  	s26 =	sadd.s32 $0x5, s21;
	v11 =	vor.u32 v6, v12;
	v10 =	vld [tilespmem:s22+$0x0]  }
0x24c: {  	v12 =	vmov s26  }
0x24d: {  	v12 =	vshrl.u32 v12, $0x3  }
0x24e: {  	v12 =	vshll.u32 v12, v2  }
0x24f: {  	v12 =	vbroadcast v12, $0x0  }
0x250: {  	[tilespmem:v11+s18+$0x0] =	vst.idx.msk $0xffff, v10  }
0x251: {  	s24 =	sadd.s32 $0x6, s21;
	v11 =	vor.u32 v7, v12;
	v10 =	vld [tilespmem:s22+$0x10]  }
0x252: {  	v12 =	vmov s24  }
0x253: {  	v12 =	vshrl.u32 v12, $0x3  }
0x254: {  	v12 =	vshll.u32 v12, v2  }
0x255: {  	v12 =	vbroadcast v12, $0x0  }
0x256: {  	[tilespmem:v11+s18+$0x0] =	vst.idx.msk $0xffff, v10  }
0x257: {  	v11 =	vor.u32 v8, v12;
	v10 =	vld [tilespmem:s22+$0x20];
	_ =	sdelay $0x4  }
0x258: {  	s25 =	sadd.s32 $0x7, s21;
	[tilespmem:v11+s18+$0x0] =	vst.idx.msk $0xffff, v10  }
0x259: {  	v11 =	vor.u32 s25, v9;
	v10 =	vld [tilespmem:s22+$0x30];
	_ =	sdelay $0x4  }
0x25a: {  	s26 =	rddreg [dreg:$0xa];
	[tilespmem:v11+s18+$0x0] =	vst.idx.msk $0xffff, v10  }
0x25b: {  	[hbm4b:s26+s19] =	stream.strided.scatter [tilespmem:s18], [sflag:$0x5], $0x800, s31, s19, $0x38;
	[tilespmem:$0x13A90] =	vst v63  }
0x25c: {  	_ =	swait.ge [sflag:s0], $0x800  }
0x25d: {  	s22 =	simm.s32 $0x0;
	[sflag:s0] =	ssyncset.done $0x0  }
0x25e: {  	v10 =	vmov s22;
	[sflag:s0] =	ssyncadd.s32 $0xFFFFF800  }
0x25f: {  	v10 =	vshrl.u32 v10, $0x3;
	_ =	swait.ge [sflag:s1], $0x800  }
0x260: {  	v10 =	vshll.u32 v10, v2;
	[sflag:s1] =	ssyncset.done $0x0  }
0x261: {  	s22 =	simm.s32 $0xB2D0;
	v10 =	vbroadcast v10, $0x0;
	s23 =	rddreg [dreg:$0x14];
	[sflag:s1] =	ssyncadd.s32 $0xFFFFF800  }
0x262: {  	[tilespmem:s16], [sflag:$0x3] =	stream.linear.gather [spmem:s23], $0x800, $0x38;
	[tilespmem:$0x13A90] =	vst v63  }
0x263: {  	s24 =	simm.s32 $0x1;
	v10 =	vor.u32 v0, v10;
	v11 =	vld [tilespmem:s22+$0xFFFFFFC0]  }
0x264: {  	v12 =	vmov s24  }
0x265: {  	v12 =	vshrl.u32 v12, $0x3  }
0x266: {  	v12 =	vshll.u32 v12, v2  }
0x267: {  	v12 =	vbroadcast v12, $0x0  }
0x268: {  	[tilespmem:v10+s18+$0x0] =	vst.idx.msk $0xffff, v11  }
0x269: {  	s25 =	simm.s32 $0x2;
	v11 =	vor.u32 v3, v12;
	v10 =	vld [tilespmem:s22+$0xFFFFFFD0]  }
0x26a: {  	v12 =	vmov s25  }
0x26b: {  	v12 =	vshrl.u32 v12, $0x3  }
0x26c: {  	v12 =	vshll.u32 v12, v2  }
0x26d: {  	v12 =	vbroadcast v12, $0x0  }
0x26e: {  	[tilespmem:v11+s18+$0x0] =	vst.idx.msk $0xffff, v10  }
0x26f: {  	s26 =	simm.s32 $0x3;
	v11 =	vor.u32 v4, v12;
	v10 =	vld [tilespmem:s22+$0xFFFFFFE0]  }
0x270: {  	v12 =	vmov s26  }
0x271: {  	v12 =	vshrl.u32 v12, $0x3  }
0x272: {  	v12 =	vshll.u32 v12, v2  }
0x273: {  	v12 =	vbroadcast v12, $0x0  }
0x274: {  	[tilespmem:v11+s18+$0x0] =	vst.idx.msk $0xffff, v10  }
0x275: {  	s23 =	simm.s32 $0x4;
	v11 =	vor.u32 v5, v12;
	v10 =	vld [tilespmem:s22+$0xFFFFFFF0]  }
0x276: {  	v12 =	vmov s23  }
0x277: {  	v12 =	vshrl.u32 v12, $0x3  }
0x278: {  	v12 =	vshll.u32 v12, v2  }
0x279: {  	v12 =	vbroadcast v12, $0x0  }
0x27a: {  	[tilespmem:v11+s18+$0x0] =	vst.idx.msk $0xffff, v10  }
0x27b: {  	s24 =	simm.s32 $0x5;
	v11 =	vor.u32 v6, v12;
	v10 =	vld [tilespmem:s22+$0x0]  }
0x27c: {  	v12 =	vmov s24  }
0x27d: {  	v12 =	vshrl.u32 v12, $0x3  }
0x27e: {  	v12 =	vshll.u32 v12, v2  }
0x27f: {  	v12 =	vbroadcast v12, $0x0  }
0x280: {  	[tilespmem:v11+s18+$0x0] =	vst.idx.msk $0xffff, v10  }
0x281: {  	s25 =	simm.s32 $0x6;
	v11 =	vor.u32 v7, v12;
	v10 =	vld [tilespmem:s22+$0x10]  }
0x282: {  	v12 =	vmov s25  }
0x283: {  	v12 =	vshrl.u32 v12, $0x3  }
0x284: {  	v12 =	vshll.u32 v12, v2  }
0x285: {  	v12 =	vbroadcast v12, $0x0  }
0x286: {  	[tilespmem:v11+s18+$0x0] =	vst.idx.msk $0xffff, v10  }
0x287: {  	v11 =	vor.u32 v8, v12;
	v10 =	vld [tilespmem:s22+$0x20];
	_ =	sdelay $0x4  }
0x288: {  	s26 =	simm.s32 $0x7;
	[tilespmem:v11+s18+$0x0] =	vst.idx.msk $0xffff, v10  }
0x289: {  	s21 =	simm.s32 $0x8;
	v11 =	vor.u32 s26, v9;
	v10 =	vld [tilespmem:s22+$0x30]  }
0x28a: {  	s23 =	simm.s32 $0x10;
	v12 =	vmov s21  }
.LBB2_14:
0x28b: {  	p1 =	slt.u32 s23, $0x78;
	v12 =	vshrl.u32 v12, $0x3  }
0x28c: {  	v12 =	vshll.u32 v12, v2  }
0x28d: {  	v12 =	vbroadcast v12, $0x0  }
0x28e: {  	s22 =	sadd.s32 $0x80, s22;
	[tilespmem:v11+s18+$0x0] =	vst.idx.msk $0xffff, v10  }
0x28f: {  	s24 =	sadd.s32 $0x1, s21;
	v10 =	vld [tilespmem:s22+$0xFFFFFFC0];
	v11 =	vor.u32 v0, v12  }
0x290: {  	v12 =	vmov s24  }
0x291: {  	v12 =	vshrl.u32 v12, $0x3  }
0x292: {  	v12 =	vshll.u32 v12, v2  }
0x293: {  	v12 =	vbroadcast v12, $0x0  }
0x294: {  	[tilespmem:v11+s18+$0x0] =	vst.idx.msk $0xffff, v10  }
0x295: {  	s24 =	sadd.s32 $0x2, s21;
	v11 =	vor.u32 v3, v12;
	v10 =	vld [tilespmem:s22+$0xFFFFFFD0]  }
0x296: {  	v12 =	vmov s24  }
0x297: {  	v12 =	vshrl.u32 v12, $0x3  }
0x298: {  	v12 =	vshll.u32 v12, v2  }
0x299: {  	v12 =	vbroadcast v12, $0x0  }
0x29a: {  	[tilespmem:v11+s18+$0x0] =	vst.idx.msk $0xffff, v10  }
0x29b: {  	s24 =	sadd.s32 $0x3, s21;
	v11 =	vor.u32 v4, v12;
	v10 =	vld [tilespmem:s22+$0xFFFFFFE0]  }
0x29c: {  	v12 =	vmov s24  }
0x29d: {  	v12 =	vshrl.u32 v12, $0x3  }
0x29e: {  	v12 =	vshll.u32 v12, v2  }
0x29f: {  	v12 =	vbroadcast v12, $0x0  }
0x2a0: {  	[tilespmem:v11+s18+$0x0] =	vst.idx.msk $0xffff, v10  }
0x2a1: {  	s24 =	sadd.s32 $0x4, s21;
	v11 =	vor.u32 v5, v12;
	v10 =	vld [tilespmem:s22+$0xFFFFFFF0]  }
0x2a2: {  	v12 =	vmov s24  }
0x2a3: {  	v12 =	vshrl.u32 v12, $0x3  }
0x2a4: {  	v12 =	vshll.u32 v12, v2  }
0x2a5: {  	v12 =	vbroadcast v12, $0x0  }
0x2a6: {  	[tilespmem:v11+s18+$0x0] =	vst.idx.msk $0xffff, v10  }
0x2a7: {  	s24 =	sadd.s32 $0x5, s21;
	v11 =	vor.u32 v6, v12;
	v10 =	vld [tilespmem:s22+$0x0]  }
0x2a8: {  	v12 =	vmov s24  }
0x2a9: {  	v12 =	vshrl.u32 v12, $0x3  }
0x2aa: {  	v12 =	vshll.u32 v12, v2  }
0x2ab: {  	v12 =	vbroadcast v12, $0x0  }
0x2ac: {  	[tilespmem:v11+s18+$0x0] =	vst.idx.msk $0xffff, v10  }
0x2ad: {  	s24 =	sadd.s32 $0x6, s21;
	v11 =	vor.u32 v7, v12;
	v10 =	vld [tilespmem:s22+$0x10]  }
0x2ae: {  	v12 =	vmov s24  }
0x2af: {  	v12 =	vshrl.u32 v12, $0x3  }
0x2b0: {  	v12 =	vshll.u32 v12, v2  }
0x2b1: {  	v12 =	vbroadcast v12, $0x0  }
0x2b2: {  	[tilespmem:v11+s18+$0x0] =	vst.idx.msk $0xffff, v10  }
0x2b3: {  	v11 =	vor.u32 v8, v12;
	v10 =	vld [tilespmem:s22+$0x20];
	_ =	sdelay $0x2  }
.Ltmp6:
0x2b4: {  	(pc) =	sbr.rel @p1 .LBB2_14-.Ltmp6, $4  }
0x2b5: {  	_ = 	snop  }
0x2b6: {  	s24 =	sadd.s32 $0x7, s21;
	s21 =	smov.u32 s23;
	[tilespmem:v11+s18+$0x0] =	vst.idx.msk $0xffff, v10  }
0x2b7: {  	v11 =	vor.u32 s24, v9;
	v10 =	vld [tilespmem:s22+$0x30]  }
0x2b8: {  	s23 =	sadd.s32 $0x8, s23;
	v12 =	vmov s21  }
0x2b9: {  	_ = 	snop  }
0x2ba: {  	v12 =	vshrl.u32 v12, $0x3  }
0x2bb: {  	v12 =	vshll.u32 v12, v2  }
0x2bc: {  	v12 =	vbroadcast v12, $0x0  }
0x2bd: {  	s22 =	sadd.s32 $0x80, s22;
	[tilespmem:v11+s18+$0x0] =	vst.idx.msk $0xffff, v10  }
0x2be: {  	s23 =	sadd.s32 $0x1, s21;
	v10 =	vld [tilespmem:s22+$0xFFFFFFC0];
	v11 =	vor.u32 v0, v12  }
0x2bf: {  	v12 =	vmov s23  }
0x2c0: {  	v12 =	vshrl.u32 v12, $0x3  }
0x2c1: {  	v12 =	vshll.u32 v12, v2  }
0x2c2: {  	v12 =	vbroadcast v12, $0x0  }
0x2c3: {  	[tilespmem:v11+s18+$0x0] =	vst.idx.msk $0xffff, v10  }
0x2c4: {  	s26 =	sadd.s32 $0x2, s21;
	v11 =	vor.u32 v3, v12;
	v10 =	vld [tilespmem:s22+$0xFFFFFFD0]  }
0x2c5: {  	v12 =	vmov s26  }
0x2c6: {  	v12 =	vshrl.u32 v12, $0x3  }
0x2c7: {  	v12 =	vshll.u32 v12, v2  }
0x2c8: {  	v12 =	vbroadcast v12, $0x0  }
0x2c9: {  	[tilespmem:v11+s18+$0x0] =	vst.idx.msk $0xffff, v10  }
0x2ca: {  	s24 =	sadd.s32 $0x3, s21;
	v11 =	vor.u32 v4, v12;
	v10 =	vld [tilespmem:s22+$0xFFFFFFE0]  }
0x2cb: {  	v12 =	vmov s24  }
0x2cc: {  	v12 =	vshrl.u32 v12, $0x3  }
0x2cd: {  	v12 =	vshll.u32 v12, v2  }
0x2ce: {  	v12 =	vbroadcast v12, $0x0  }
0x2cf: {  	[tilespmem:v11+s18+$0x0] =	vst.idx.msk $0xffff, v10  }
0x2d0: {  	s25 =	sadd.s32 $0x4, s21;
	v11 =	vor.u32 v5, v12;
	v10 =	vld [tilespmem:s22+$0xFFFFFFF0]  }
0x2d1: {  	v12 =	vmov s25  }
0x2d2: {  	v12 =	vshrl.u32 v12, $0x3  }
0x2d3: {  	v12 =	vshll.u32 v12, v2  }
0x2d4: {  	v12 =	vbroadcast v12, $0x0  }
0x2d5: {  	[tilespmem:v11+s18+$0x0] =	vst.idx.msk $0xffff, v10  }
0x2d6: {  	s26 =	sadd.s32 $0x5, s21;
	v11 =	vor.u32 v6, v12;
	v10 =	vld [tilespmem:s22+$0x0]  }
0x2d7: {  	v12 =	vmov s26  }
0x2d8: {  	v12 =	vshrl.u32 v12, $0x3  }
0x2d9: {  	v12 =	vshll.u32 v12, v2  }
0x2da: {  	v12 =	vbroadcast v12, $0x0  }
0x2db: {  	[tilespmem:v11+s18+$0x0] =	vst.idx.msk $0xffff, v10  }
0x2dc: {  	s24 =	sadd.s32 $0x6, s21;
	v11 =	vor.u32 v7, v12;
	v10 =	vld [tilespmem:s22+$0x10]  }
0x2dd: {  	v12 =	vmov s24  }
0x2de: {  	v12 =	vshrl.u32 v12, $0x3  }
0x2df: {  	v12 =	vshll.u32 v12, v2  }
0x2e0: {  	v12 =	vbroadcast v12, $0x0  }
0x2e1: {  	[tilespmem:v11+s18+$0x0] =	vst.idx.msk $0xffff, v10  }
0x2e2: {  	v11 =	vor.u32 v8, v12;
	v10 =	vld [tilespmem:s22+$0x20];
	_ =	sdelay $0x4  }
0x2e3: {  	s25 =	sadd.s32 $0x7, s21;
	[tilespmem:v11+s18+$0x0] =	vst.idx.msk $0xffff, v10  }
0x2e4: {  	v11 =	vor.u32 s25, v9;
	v10 =	vld [tilespmem:s22+$0x30];
	_ =	sdelay $0x4  }
0x2e5: {  	s26 =	rddreg [dreg:$0xb];
	[tilespmem:v11+s18+$0x0] =	vst.idx.msk $0xffff, v10  }
0x2e6: {  	[hbm4b:s26+s19] =	stream.strided.scatter [tilespmem:s18], [sflag:$0x5], $0x800, s31, s19, $0x38;
	[tilespmem:$0x13A90] =	vst v63  }
0x2e7: {  	_ =	swait.ge [sflag:s0], $0x800  }
0x2e8: {  	s22 =	simm.s32 $0x0;
	[sflag:s0] =	ssyncset.done $0x0  }
0x2e9: {  	v10 =	vmov s22;
	[sflag:s0] =	ssyncadd.s32 $0xFFFFF800  }
0x2ea: {  	v10 =	vshrl.u32 v10, $0x3;
	_ =	swait.ge [sflag:s2], $0x800  }
0x2eb: {  	v10 =	vshll.u32 v10, v2;
	[sflag:s2] =	ssyncset.done $0x0  }
0x2ec: {  	s22 =	simm.s32 $0xFAD0;
	v10 =	vbroadcast v10, $0x0;
	s23 =	rddreg [dreg:$0x15];
	[sflag:s2] =	ssyncadd.s32 $0xFFFFF800  }
0x2ed: {  	[tilespmem:s12], [sflag:$0x1] =	stream.linear.gather [spmem:s23], $0x800, $0x38;
	[tilespmem:$0x13A90] =	vst v63  }
0x2ee: {  	s24 =	simm.s32 $0x1;
	v10 =	vor.u32 v0, v10;
	v11 =	vld [tilespmem:s22+$0xFFFFFFC0]  }
0x2ef: {  	v12 =	vmov s24  }
0x2f0: {  	v12 =	vshrl.u32 v12, $0x3  }
0x2f1: {  	v12 =	vshll.u32 v12, v2  }
0x2f2: {  	v12 =	vbroadcast v12, $0x0  }
0x2f3: {  	[tilespmem:v10+s18+$0x0] =	vst.idx.msk $0xffff, v11  }
0x2f4: {  	s25 =	simm.s32 $0x2;
	v11 =	vor.u32 v3, v12;
	v10 =	vld [tilespmem:s22+$0xFFFFFFD0]  }
0x2f5: {  	v12 =	vmov s25  }
0x2f6: {  	v12 =	vshrl.u32 v12, $0x3  }
0x2f7: {  	v12 =	vshll.u32 v12, v2  }
0x2f8: {  	v12 =	vbroadcast v12, $0x0  }
0x2f9: {  	[tilespmem:v11+s18+$0x0] =	vst.idx.msk $0xffff, v10  }
0x2fa: {  	s26 =	simm.s32 $0x3;
	v11 =	vor.u32 v4, v12;
	v10 =	vld [tilespmem:s22+$0xFFFFFFE0]  }
0x2fb: {  	v12 =	vmov s26  }
0x2fc: {  	v12 =	vshrl.u32 v12, $0x3  }
0x2fd: {  	v12 =	vshll.u32 v12, v2  }
0x2fe: {  	v12 =	vbroadcast v12, $0x0  }
0x2ff: {  	[tilespmem:v11+s18+$0x0] =	vst.idx.msk $0xffff, v10  }
0x300: {  	s23 =	simm.s32 $0x4;
	v11 =	vor.u32 v5, v12;
	v10 =	vld [tilespmem:s22+$0xFFFFFFF0]  }
0x301: {  	v12 =	vmov s23  }
0x302: {  	v12 =	vshrl.u32 v12, $0x3  }
0x303: {  	v12 =	vshll.u32 v12, v2  }
0x304: {  	v12 =	vbroadcast v12, $0x0  }
0x305: {  	[tilespmem:v11+s18+$0x0] =	vst.idx.msk $0xffff, v10  }
0x306: {  	s24 =	simm.s32 $0x5;
	v11 =	vor.u32 v6, v12;
	v10 =	vld [tilespmem:s22+$0x0]  }
0x307: {  	v12 =	vmov s24  }
0x308: {  	v12 =	vshrl.u32 v12, $0x3  }
0x309: {  	v12 =	vshll.u32 v12, v2  }
0x30a: {  	v12 =	vbroadcast v12, $0x0  }
0x30b: {  	[tilespmem:v11+s18+$0x0] =	vst.idx.msk $0xffff, v10  }
0x30c: {  	s25 =	simm.s32 $0x6;
	v11 =	vor.u32 v7, v12;
	v10 =	vld [tilespmem:s22+$0x10]  }
0x30d: {  	v12 =	vmov s25  }
0x30e: {  	v12 =	vshrl.u32 v12, $0x3  }
0x30f: {  	v12 =	vshll.u32 v12, v2  }
0x310: {  	v12 =	vbroadcast v12, $0x0  }
0x311: {  	[tilespmem:v11+s18+$0x0] =	vst.idx.msk $0xffff, v10  }
0x312: {  	v11 =	vor.u32 v8, v12;
	v10 =	vld [tilespmem:s22+$0x20];
	_ =	sdelay $0x4  }
0x313: {  	s26 =	simm.s32 $0x7;
	[tilespmem:v11+s18+$0x0] =	vst.idx.msk $0xffff, v10  }
0x314: {  	s21 =	simm.s32 $0x8;
	v11 =	vor.u32 s26, v9;
	v10 =	vld [tilespmem:s22+$0x30]  }
0x315: {  	s23 =	simm.s32 $0x10;
	v12 =	vmov s21  }
.LBB2_16:
0x316: {  	p1 =	slt.u32 s23, $0x78;
	v12 =	vshrl.u32 v12, $0x3  }
0x317: {  	v12 =	vshll.u32 v12, v2  }
0x318: {  	v12 =	vbroadcast v12, $0x0  }
0x319: {  	s22 =	sadd.s32 $0x80, s22;
	[tilespmem:v11+s18+$0x0] =	vst.idx.msk $0xffff, v10  }
0x31a: {  	s24 =	sadd.s32 $0x1, s21;
	v10 =	vld [tilespmem:s22+$0xFFFFFFC0];
	v11 =	vor.u32 v0, v12  }
0x31b: {  	v12 =	vmov s24  }
0x31c: {  	v12 =	vshrl.u32 v12, $0x3  }
0x31d: {  	v12 =	vshll.u32 v12, v2  }
0x31e: {  	v12 =	vbroadcast v12, $0x0  }
0x31f: {  	[tilespmem:v11+s18+$0x0] =	vst.idx.msk $0xffff, v10  }
0x320: {  	s24 =	sadd.s32 $0x2, s21;
	v11 =	vor.u32 v3, v12;
	v10 =	vld [tilespmem:s22+$0xFFFFFFD0]  }
0x321: {  	v12 =	vmov s24  }
0x322: {  	v12 =	vshrl.u32 v12, $0x3  }
0x323: {  	v12 =	vshll.u32 v12, v2  }
0x324: {  	v12 =	vbroadcast v12, $0x0  }
0x325: {  	[tilespmem:v11+s18+$0x0] =	vst.idx.msk $0xffff, v10  }
0x326: {  	s24 =	sadd.s32 $0x3, s21;
	v11 =	vor.u32 v4, v12;
	v10 =	vld [tilespmem:s22+$0xFFFFFFE0]  }
0x327: {  	v12 =	vmov s24  }
0x328: {  	v12 =	vshrl.u32 v12, $0x3  }
0x329: {  	v12 =	vshll.u32 v12, v2  }
0x32a: {  	v12 =	vbroadcast v12, $0x0  }
0x32b: {  	[tilespmem:v11+s18+$0x0] =	vst.idx.msk $0xffff, v10  }
0x32c: {  	s24 =	sadd.s32 $0x4, s21;
	v11 =	vor.u32 v5, v12;
	v10 =	vld [tilespmem:s22+$0xFFFFFFF0]  }
0x32d: {  	v12 =	vmov s24  }
0x32e: {  	v12 =	vshrl.u32 v12, $0x3  }
0x32f: {  	v12 =	vshll.u32 v12, v2  }
0x330: {  	v12 =	vbroadcast v12, $0x0  }
0x331: {  	[tilespmem:v11+s18+$0x0] =	vst.idx.msk $0xffff, v10  }
0x332: {  	s24 =	sadd.s32 $0x5, s21;
	v11 =	vor.u32 v6, v12;
	v10 =	vld [tilespmem:s22+$0x0]  }
0x333: {  	v12 =	vmov s24  }
0x334: {  	v12 =	vshrl.u32 v12, $0x3  }
0x335: {  	v12 =	vshll.u32 v12, v2  }
0x336: {  	v12 =	vbroadcast v12, $0x0  }
0x337: {  	[tilespmem:v11+s18+$0x0] =	vst.idx.msk $0xffff, v10  }
0x338: {  	s24 =	sadd.s32 $0x6, s21;
	v11 =	vor.u32 v7, v12;
	v10 =	vld [tilespmem:s22+$0x10]  }
0x339: {  	v12 =	vmov s24  }
0x33a: {  	v12 =	vshrl.u32 v12, $0x3  }
0x33b: {  	v12 =	vshll.u32 v12, v2  }
0x33c: {  	v12 =	vbroadcast v12, $0x0  }
0x33d: {  	[tilespmem:v11+s18+$0x0] =	vst.idx.msk $0xffff, v10  }
0x33e: {  	v11 =	vor.u32 v8, v12;
	v10 =	vld [tilespmem:s22+$0x20];
	_ =	sdelay $0x2  }
.Ltmp7:
0x33f: {  	(pc) =	sbr.rel @p1 .LBB2_16-.Ltmp7, $4  }
0x340: {  	_ = 	snop  }
0x341: {  	s24 =	sadd.s32 $0x7, s21;
	s21 =	smov.u32 s23;
	[tilespmem:v11+s18+$0x0] =	vst.idx.msk $0xffff, v10  }
0x342: {  	v11 =	vor.u32 s24, v9;
	v10 =	vld [tilespmem:s22+$0x30]  }
0x343: {  	s23 =	sadd.s32 $0x8, s23;
	v12 =	vmov s21  }
0x344: {  	_ = 	snop  }
0x345: {  	v12 =	vshrl.u32 v12, $0x3  }
0x346: {  	v12 =	vshll.u32 v12, v2  }
0x347: {  	v12 =	vbroadcast v12, $0x0  }
0x348: {  	s22 =	sadd.s32 $0x80, s22;
	[tilespmem:v11+s18+$0x0] =	vst.idx.msk $0xffff, v10  }
0x349: {  	s23 =	sadd.s32 $0x1, s21;
	v10 =	vld [tilespmem:s22+$0xFFFFFFC0];
	v11 =	vor.u32 v0, v12  }
0x34a: {  	v12 =	vmov s23  }
0x34b: {  	v12 =	vshrl.u32 v12, $0x3  }
0x34c: {  	v12 =	vshll.u32 v12, v2  }
0x34d: {  	v12 =	vbroadcast v12, $0x0  }
0x34e: {  	[tilespmem:v11+s18+$0x0] =	vst.idx.msk $0xffff, v10  }
0x34f: {  	s24 =	sadd.s32 $0x2, s21;
	v11 =	vor.u32 v3, v12;
	v10 =	vld [tilespmem:s22+$0xFFFFFFD0]  }
0x350: {  	v12 =	vmov s24  }
0x351: {  	v12 =	vshrl.u32 v12, $0x3  }
0x352: {  	v12 =	vshll.u32 v12, v2  }
0x353: {  	v12 =	vbroadcast v12, $0x0  }
0x354: {  	[tilespmem:v11+s18+$0x0] =	vst.idx.msk $0xffff, v10  }
0x355: {  	s25 =	sadd.s32 $0x3, s21;
	v11 =	vor.u32 v4, v12;
	v10 =	vld [tilespmem:s22+$0xFFFFFFE0]  }
0x356: {  	v12 =	vmov s25  }
0x357: {  	v12 =	vshrl.u32 v12, $0x3  }
0x358: {  	v12 =	vshll.u32 v12, v2  }
0x359: {  	v12 =	vbroadcast v12, $0x0  }
0x35a: {  	[tilespmem:v11+s18+$0x0] =	vst.idx.msk $0xffff, v10  }
0x35b: {  	s26 =	sadd.s32 $0x4, s21;
	v11 =	vor.u32 v5, v12;
	v10 =	vld [tilespmem:s22+$0xFFFFFFF0]  }
0x35c: {  	v12 =	vmov s26  }
0x35d: {  	v12 =	vshrl.u32 v12, $0x3  }
0x35e: {  	v12 =	vshll.u32 v12, v2  }
0x35f: {  	v12 =	vbroadcast v12, $0x0  }
0x360: {  	[tilespmem:v11+s18+$0x0] =	vst.idx.msk $0xffff, v10  }
0x361: {  	s24 =	sadd.s32 $0x5, s21;
	v11 =	vor.u32 v6, v12;
	v10 =	vld [tilespmem:s22+$0x0]  }
0x362: {  	v12 =	vmov s24  }
0x363: {  	v12 =	vshrl.u32 v12, $0x3  }
0x364: {  	v12 =	vshll.u32 v12, v2  }
0x365: {  	v12 =	vbroadcast v12, $0x0  }
0x366: {  	[tilespmem:v11+s18+$0x0] =	vst.idx.msk $0xffff, v10  }
0x367: {  	s25 =	sadd.s32 $0x6, s21;
	v11 =	vor.u32 v7, v12;
	v10 =	vld [tilespmem:s22+$0x10]  }
0x368: {  	v12 =	vmov s25  }
0x369: {  	v12 =	vshrl.u32 v12, $0x3  }
0x36a: {  	v12 =	vshll.u32 v12, v2  }
0x36b: {  	v12 =	vbroadcast v12, $0x0  }
0x36c: {  	[tilespmem:v11+s18+$0x0] =	vst.idx.msk $0xffff, v10  }
0x36d: {  	v11 =	vor.u32 v8, v12;
	v10 =	vld [tilespmem:s22+$0x20];
	_ =	sdelay $0x4  }
0x36e: {  	s26 =	sadd.s32 $0x7, s21;
	[tilespmem:v11+s18+$0x0] =	vst.idx.msk $0xffff, v10  }
0x36f: {  	v11 =	vor.u32 s26, v9;
	v10 =	vld [tilespmem:s22+$0x30];
	_ =	sdelay $0x4  }
0x370: {  	s22 =	rddreg [dreg:$0xc];
	[tilespmem:v11+s18+$0x0] =	vst.idx.msk $0xffff, v10  }
0x371: {  	[hbm4b:s22+s19] =	stream.strided.scatter [tilespmem:s18], [sflag:$0x5], $0x800, s31, s19, $0x38;
	[tilespmem:$0x13A90] =	vst v63  }
0x372: {  	s23 =	simm.s32 $0x0;
	_ =	swait.ge [sflag:s0], $0x800  }
0x373: {  	v10 =	vmov s23;
	[sflag:s0] =	ssyncset.done $0x0  }
0x374: {  	v10 =	vshrl.u32 v10, $0x3;
	[sflag:s0] =	ssyncadd.s32 $0xFFFFF800  }
0x375: {  	v10 =	vshll.u32 v10, v2;
	_ =	swait.ge [sflag:s1], $0x800  }
0x376: {  	v10 =	vbroadcast v10, $0x0;
	[sflag:s1] =	ssyncset.done $0x0  }
0x377: {  	s22 =	simm.s32 $0xB2D0;
	[sflag:s1] =	ssyncadd.s32 $0xFFFFF800  }
0x378: {  	s24 =	simm.s32 $0x1;
	v10 =	vor.u32 v0, v10;
	v11 =	vld [tilespmem:s22+$0xFFFFFFC0]  }
0x379: {  	v12 =	vmov s24  }
0x37a: {  	v12 =	vshrl.u32 v12, $0x3  }
0x37b: {  	v12 =	vshll.u32 v12, v2  }
0x37c: {  	v12 =	vbroadcast v12, $0x0  }
0x37d: {  	[tilespmem:v10+s18+$0x0] =	vst.idx.msk $0xffff, v11  }
0x37e: {  	s25 =	simm.s32 $0x2;
	v11 =	vor.u32 v3, v12;
	v10 =	vld [tilespmem:s22+$0xFFFFFFD0]  }
0x37f: {  	v12 =	vmov s25  }
0x380: {  	v12 =	vshrl.u32 v12, $0x3  }
0x381: {  	v12 =	vshll.u32 v12, v2  }
0x382: {  	v12 =	vbroadcast v12, $0x0  }
0x383: {  	[tilespmem:v11+s18+$0x0] =	vst.idx.msk $0xffff, v10  }
0x384: {  	s26 =	simm.s32 $0x3;
	v11 =	vor.u32 v4, v12;
	v10 =	vld [tilespmem:s22+$0xFFFFFFE0]  }
0x385: {  	v12 =	vmov s26  }
0x386: {  	v12 =	vshrl.u32 v12, $0x3  }
0x387: {  	v12 =	vshll.u32 v12, v2  }
0x388: {  	v12 =	vbroadcast v12, $0x0  }
0x389: {  	[tilespmem:v11+s18+$0x0] =	vst.idx.msk $0xffff, v10  }
0x38a: {  	s23 =	simm.s32 $0x4;
	v11 =	vor.u32 v5, v12;
	v10 =	vld [tilespmem:s22+$0xFFFFFFF0]  }
0x38b: {  	v12 =	vmov s23  }
0x38c: {  	v12 =	vshrl.u32 v12, $0x3  }
0x38d: {  	v12 =	vshll.u32 v12, v2  }
0x38e: {  	v12 =	vbroadcast v12, $0x0  }
0x38f: {  	[tilespmem:v11+s18+$0x0] =	vst.idx.msk $0xffff, v10  }
0x390: {  	s24 =	simm.s32 $0x5;
	v11 =	vor.u32 v6, v12;
	v10 =	vld [tilespmem:s22+$0x0]  }
0x391: {  	v12 =	vmov s24  }
0x392: {  	v12 =	vshrl.u32 v12, $0x3  }
0x393: {  	v12 =	vshll.u32 v12, v2  }
0x394: {  	v12 =	vbroadcast v12, $0x0  }
0x395: {  	[tilespmem:v11+s18+$0x0] =	vst.idx.msk $0xffff, v10  }
0x396: {  	s25 =	simm.s32 $0x6;
	v11 =	vor.u32 v7, v12;
	v10 =	vld [tilespmem:s22+$0x10]  }
0x397: {  	v12 =	vmov s25  }
0x398: {  	v12 =	vshrl.u32 v12, $0x3  }
0x399: {  	v12 =	vshll.u32 v12, v2  }
0x39a: {  	v12 =	vbroadcast v12, $0x0  }
0x39b: {  	[tilespmem:v11+s18+$0x0] =	vst.idx.msk $0xffff, v10  }
0x39c: {  	v11 =	vor.u32 v8, v12;
	v10 =	vld [tilespmem:s22+$0x20];
	_ =	sdelay $0x4  }
0x39d: {  	s26 =	simm.s32 $0x7;
	[tilespmem:v11+s18+$0x0] =	vst.idx.msk $0xffff, v10  }
0x39e: {  	s21 =	simm.s32 $0x8;
	v11 =	vor.u32 s26, v9;
	v10 =	vld [tilespmem:s22+$0x30]  }
0x39f: {  	s23 =	simm.s32 $0x10;
	v12 =	vmov s21  }
.LBB2_18:
0x3a0: {  	p1 =	slt.u32 s23, $0x78;
	v12 =	vshrl.u32 v12, $0x3  }
0x3a1: {  	v12 =	vshll.u32 v12, v2  }
0x3a2: {  	v12 =	vbroadcast v12, $0x0  }
0x3a3: {  	s22 =	sadd.s32 $0x80, s22;
	[tilespmem:v11+s18+$0x0] =	vst.idx.msk $0xffff, v10  }
0x3a4: {  	s24 =	sadd.s32 $0x1, s21;
	v10 =	vld [tilespmem:s22+$0xFFFFFFC0];
	v11 =	vor.u32 v0, v12  }
0x3a5: {  	v12 =	vmov s24  }
0x3a6: {  	v12 =	vshrl.u32 v12, $0x3  }
0x3a7: {  	v12 =	vshll.u32 v12, v2  }
0x3a8: {  	v12 =	vbroadcast v12, $0x0  }
0x3a9: {  	[tilespmem:v11+s18+$0x0] =	vst.idx.msk $0xffff, v10  }
0x3aa: {  	s24 =	sadd.s32 $0x2, s21;
	v11 =	vor.u32 v3, v12;
	v10 =	vld [tilespmem:s22+$0xFFFFFFD0]  }
0x3ab: {  	v12 =	vmov s24  }
0x3ac: {  	v12 =	vshrl.u32 v12, $0x3  }
0x3ad: {  	v12 =	vshll.u32 v12, v2  }
0x3ae: {  	v12 =	vbroadcast v12, $0x0  }
0x3af: {  	[tilespmem:v11+s18+$0x0] =	vst.idx.msk $0xffff, v10  }
0x3b0: {  	s24 =	sadd.s32 $0x3, s21;
	v11 =	vor.u32 v4, v12;
	v10 =	vld [tilespmem:s22+$0xFFFFFFE0]  }
0x3b1: {  	v12 =	vmov s24  }
0x3b2: {  	v12 =	vshrl.u32 v12, $0x3  }
0x3b3: {  	v12 =	vshll.u32 v12, v2  }
0x3b4: {  	v12 =	vbroadcast v12, $0x0  }
0x3b5: {  	[tilespmem:v11+s18+$0x0] =	vst.idx.msk $0xffff, v10  }
0x3b6: {  	s24 =	sadd.s32 $0x4, s21;
	v11 =	vor.u32 v5, v12;
	v10 =	vld [tilespmem:s22+$0xFFFFFFF0]  }
0x3b7: {  	v12 =	vmov s24  }
0x3b8: {  	v12 =	vshrl.u32 v12, $0x3  }
0x3b9: {  	v12 =	vshll.u32 v12, v2  }
0x3ba: {  	v12 =	vbroadcast v12, $0x0  }
0x3bb: {  	[tilespmem:v11+s18+$0x0] =	vst.idx.msk $0xffff, v10  }
0x3bc: {  	s24 =	sadd.s32 $0x5, s21;
	v11 =	vor.u32 v6, v12;
	v10 =	vld [tilespmem:s22+$0x0]  }
0x3bd: {  	v12 =	vmov s24  }
0x3be: {  	v12 =	vshrl.u32 v12, $0x3  }
0x3bf: {  	v12 =	vshll.u32 v12, v2  }
0x3c0: {  	v12 =	vbroadcast v12, $0x0  }
0x3c1: {  	[tilespmem:v11+s18+$0x0] =	vst.idx.msk $0xffff, v10  }
0x3c2: {  	s24 =	sadd.s32 $0x6, s21;
	v11 =	vor.u32 v7, v12;
	v10 =	vld [tilespmem:s22+$0x10]  }
0x3c3: {  	v12 =	vmov s24  }
0x3c4: {  	v12 =	vshrl.u32 v12, $0x3  }
0x3c5: {  	v12 =	vshll.u32 v12, v2  }
0x3c6: {  	v12 =	vbroadcast v12, $0x0  }
0x3c7: {  	[tilespmem:v11+s18+$0x0] =	vst.idx.msk $0xffff, v10  }
0x3c8: {  	v11 =	vor.u32 v8, v12;
	v10 =	vld [tilespmem:s22+$0x20];
	_ =	sdelay $0x2  }
.Ltmp8:
0x3c9: {  	(pc) =	sbr.rel @p1 .LBB2_18-.Ltmp8, $4  }
0x3ca: {  	_ = 	snop  }
0x3cb: {  	s24 =	sadd.s32 $0x7, s21;
	s21 =	smov.u32 s23;
	[tilespmem:v11+s18+$0x0] =	vst.idx.msk $0xffff, v10  }
0x3cc: {  	v11 =	vor.u32 s24, v9;
	v10 =	vld [tilespmem:s22+$0x30]  }
0x3cd: {  	s23 =	sadd.s32 $0x8, s23;
	v12 =	vmov s21  }
0x3ce: {  	_ = 	snop  }
0x3cf: {  	v12 =	vshrl.u32 v12, $0x3  }
0x3d0: {  	v12 =	vshll.u32 v12, v2  }
0x3d1: {  	v12 =	vbroadcast v12, $0x0  }
0x3d2: {  	s22 =	sadd.s32 $0x80, s22;
	[tilespmem:v11+s18+$0x0] =	vst.idx.msk $0xffff, v10  }
0x3d3: {  	s23 =	sadd.s32 $0x1, s21;
	v10 =	vld [tilespmem:s22+$0xFFFFFFC0];
	v11 =	vor.u32 v0, v12  }
0x3d4: {  	v58 =	vmov s23  }
0x3d5: {  	v12 =	vshrl.u32 v58, $0x3  }
0x3d6: {  	v12 =	vshll.u32 v12, v2  }
0x3d7: {  	v12 =	vbroadcast v12, $0x0  }
0x3d8: {  	[tilespmem:v11+s18+$0x0] =	vst.idx.msk $0xffff, v10  }
0x3d9: {  	s25 =	sadd.s32 $0x2, s21;
	v11 =	vor.u32 v3, v12;
	v10 =	vld [tilespmem:s22+$0xFFFFFFD0]  }
0x3da: {  	v59 =	vmov s25  }
0x3db: {  	v12 =	vshrl.u32 v59, $0x3  }
0x3dc: {  	v12 =	vshll.u32 v12, v2  }
0x3dd: {  	v12 =	vbroadcast v12, $0x0  }
0x3de: {  	[tilespmem:v11+s18+$0x0] =	vst.idx.msk $0xffff, v10  }
0x3df: {  	s26 =	sadd.s32 $0x3, s21;
	v11 =	vor.u32 v4, v12;
	v10 =	vld [tilespmem:s22+$0xFFFFFFE0]  }
0x3e0: {  	v60 =	vmov s26  }
0x3e1: {  	v12 =	vshrl.u32 v60, $0x3  }
0x3e2: {  	v12 =	vshll.u32 v12, v2  }
0x3e3: {  	v12 =	vbroadcast v12, $0x0  }
0x3e4: {  	[tilespmem:v11+s18+$0x0] =	vst.idx.msk $0xffff, v10  }
0x3e5: {  	s24 =	sadd.s32 $0x4, s21;
	v11 =	vor.u32 v5, v12;
	v10 =	vld [tilespmem:s22+$0xFFFFFFF0]  }
0x3e6: {  	v61 =	vmov s24  }
0x3e7: {  	v12 =	vshrl.u32 v61, $0x3  }
0x3e8: {  	v12 =	vshll.u32 v12, v2  }
0x3e9: {  	v12 =	vbroadcast v12, $0x0  }
0x3ea: {  	[tilespmem:v11+s18+$0x0] =	vst.idx.msk $0xffff, v10  }
0x3eb: {  	s25 =	sadd.s32 $0x5, s21;
	v11 =	vor.u32 v6, v12;
	v10 =	vld [tilespmem:s22+$0x0]  }
0x3ec: {  	v62 =	vmov s25  }
0x3ed: {  	v12 =	vshrl.u32 v62, $0x3  }
0x3ee: {  	v12 =	vshll.u32 v12, v2  }
0x3ef: {  	v12 =	vbroadcast v12, $0x0  }
0x3f0: {  	[tilespmem:v11+s18+$0x0] =	vst.idx.msk $0xffff, v10  }
0x3f1: {  	s26 =	sadd.s32 $0x6, s21;
	v11 =	vor.u32 v7, v12;
	v10 =	vld [tilespmem:s22+$0x10]  }
0x3f2: {  	v63 =	vmov s26  }
0x3f3: {  	v12 =	vshrl.u32 v63, $0x3  }
0x3f4: {  	v12 =	vshll.u32 v12, v2  }
0x3f5: {  	v12 =	vbroadcast v12, $0x0  }
0x3f6: {  	[tilespmem:v11+s18+$0x0] =	vst.idx.msk $0xffff, v10  }
0x3f7: {  	v11 =	vor.u32 v8, v12;
	v10 =	vld [tilespmem:s22+$0x20];
	_ =	sdelay $0x4  }
0x3f8: {  	s24 =	sadd.s32 $0x7, s21;
	[tilespmem:v11+s18+$0x0] =	vst.idx.msk $0xffff, v10  }
0x3f9: {  	v11 =	vor.u32 s24, v9;
	v10 =	vld [tilespmem:s22+$0x30];
	_ =	sdelay $0x4  }
0x3fa: {  	s25 =	rddreg [dreg:$0xd];
	[tilespmem:v11+s18+$0x0] =	vst.idx.msk $0xffff, v10  }
0x3fb: {  	[hbm4b:s25+s19] =	stream.strided.scatter [tilespmem:s18], [sflag:$0x5], $0x800, s31, s19, $0x38;
	[tilespmem:$0x13A90] =	vst v63  }
0x3fc: {  	_ =	swait.ge [sflag:s0], $0x800  }
0x3fd: {  	s20 =	sadd.s32 $0x1, s20;
	s26 =	rddreg [dreg:$0x16]  }
0x3fe: {  	p1 =	sne.s32 s20, s26  }
.Ltmp9:
0x3ff: {  	_ = 	snop;
	(pc) =	sbr.rel @p1 .LBB2_1-.Ltmp9, $3  }
0x400: {  	_ =	sdelay $0x1  }
0x401: {  	[sflag:s0] =	ssyncset.done $0x0  }
0x402: {  	[sflag:s0] =	ssyncadd.s32 $0xFFFFF800  }
0x403: {  	_ =	sfence.sel $0x180000  }
0x404: {  	[bflag:$0x0] =	sbarrier.arrive $0xFFFF  }
0x405: {  	_ =	strace $0x9000004D  }
0x406: {  	s0 =	stileid.u32;
	[bflag:$0x2] =	sbarrier.arrive $0xFFFF  }
0x407: {  	p0 =	sne.s32 s0, $0x0;
	s0 =	rddreg [dreg:$0x4]  }
0x408: {  	s0 =	sadd.s32 @!p0 $0x100000, s0  }
0x409: {  	[sflag:s0] =	ssyncadd.tile.s32 @!p0 $0x1;
	_ =	shalt  }
.Lfunc_end2:
_tile_overlayer_lowered:
.L_overlay_start_2:
0x40a: {  	(tag) =	ssettag $0x2  }
0x40b: {  	s0 =	rddreg [dreg:$0x0];
	s2 =	stileid.u32  }
0x40c: {  	s1 =	rddreg [dreg:$0x1];
	p0 =	sne.s32 s2, $0x0  }
0x40d: {  	s3 =	rddreg [dreg:$0x2];
	[bflag:$0x3] =	sbarrier.arrive $0xFFFF;
	s2 =	simm.s32 @!p0 $0x1C05  }
0x40e: {  	[timem:s3], [sflag:s2] =	dma.local @!p0 [hbm:s0], s1  }
0x40f: {  	s0 =	simm.s32 @!p0 $0x5  }
0x410: {  	_ =	swait.ge @!p0 [sflag:s0], s1  }
0x411: {  	s1 =	ssub.s32 @!p0 $0x0, s1;
	[sflag:s0] =	ssyncset.done @!p0 $0x0  }
0x412: {  	[sflag:s0] =	ssyncadd.s32 @!p0 s1  }
0x413: {  	[bflag:$0x3] =	sbarrier.arrive $0xFFFF  }
0x414: {  	_ =	shalt  }

// kernel: kernel.7.cloned.1.call-start
scs
__scs_entry_jumppad:
0x0: {  	(pc) =	sbr.rel $0x88, $3  }
0x1: {  	(tag) =	ssettag $0x0;
	lr =	simm.s32 $0x1  }
0x2: {  	[smem:$0x3F9B] =	sst lr;
	_ =	strace $0xD0000000  }
0x3: {  	_ = 	snop  }
0x4: {  	_ = 	snop  }
0x5: {  	_ = 	snop  }
0x6: {  	_ = 	snop  }
0x7: {  	_ = 	snop  }
__scs_overlays_trampoline_lowered:
0x8: {  	[smem:$0x3FAA] =	sst s0  }
0x9: {  	[smem:$0x3FAB] =	sst s1  }
0xa: {  	[smem:$0x3FAC] =	sst s2  }
0xb: {  	[smem:$0x3FAD] =	sst s3  }
0xc: {  	[smem:$0x3FAE] =	sst s4  }
0xd: {  	[smem:$0x3FAF] =	sst s5  }
0xe: {  	[smem:$0x3FB0] =	sst s6  }
0xf: {  	[smem:$0x3FB1] =	sst s7  }
0x10: {  	[smem:$0x3FB2] =	sst s8  }
0x11: {  	[smem:$0x3FB3] =	sst s9;
	s0 =	simm.s32 @!p0 $0x0  }
0x12: {  	s1 =	sld [smem:$0x3F99];
	s0 =	simm.s32 @p0 $0x1  }
0x13: {  	[smem:$0x3FB4] =	sst s0;
	s0 =	simm.s32 @!p1 $0x0  }
0x14: {  	s2 =	sld [smem:$0x3F98];
	s0 =	simm.s32 @p1 $0x1  }
0x15: {  	[smem:$0x3FB5] =	sst s0;
	s0 =	simm.s32 @!p2 $0x0  }
0x16: {  	s3 =	sld [smem:$0x3FDB];
	s0 =	simm.s32 @p2 $0x1  }
0x17: {  	s4 =	simm.s32 $0x1BF5;
	[smem:$0x3FB7] =	sst s0  }
0x18: {  	s0 =	sld [smem:$0x3F9A];
	_ =	swait.ge [sflag:s4], $0x0  }
0x19: {  	s7 =	sld [smem:$0x3F9B]  }
0x1a: {  	s8 =	sadd.s32 $0xFFFFE003, lr  }
0x1b: {  	s9 =	sadd.s32 $0xFFFFFEF7, lr;
	s5 =	simm.s32 $0xFFFFFFFF;
	p2 =	slt.u32 s8, $0xFFFFF086  }
0x1c: {  	p1 =	slt.u32 s9, $0xF7A;
	s5 =	simm.s32 @!p2 $0x0  }
0x1d: {  	s5 =	simm.s32 @p1 $0x1;
	p0 =	seq.s32 s7, s2  }
0x1e: {  	s7 =	smul.u32 @!p0 $0xF7A, s2;
	p2 =	seq.s32 @!p0 s5, $0x0  }
0x1f: {  	s9 =	smul.u32 $0xF7A, s1;
	s8 =	simm.s32 @!p0 $0x1BF5;
	p2 =	por !p2, p0  }
0x20: {  	[sflag:s8] =	ssyncset.s32 @!p0 $0xFFFFF086;
	s6 =	sadd.s32 @!p0 s3, s7;
	s7 =	simm.s32 @!p0 $0x108  }
0x21: {  	s3 =	sadd.s32 s3, s9;
	s6 =	sadd.s32 @!p0 $0x88, s6;
	s7 =	simm.s32 @p2 $0x1082  }
0x22: {  	[simem:s7], [sflag:s8] =	dma.local @!p0 [hbm:s6], $0xF7A  }
0x23: {  	s9 =	sor.u32 $0xD0000000, s2;
	s6 =	simm.s32 $0x108;
	_ =	swait.ge @!p0 [sflag:s8], $0x0  }
0x24: {  	s3 =	sadd.s32 $0x88, s3;
	s6 =	simm.s32 @!p1 $0x1082;
	[sflag:s4] =	ssyncset.s32 $0xFFFFF086  }
0x25: {  	[simem:s6], [sflag:s4] =	dma.local [hbm:s3], $0xF7A  }
0x26: {  	[smem:$0x3F9B] =	sst s1;
	(tag) =	ssettag s2;
	_ =	strace s9  }
0x27: {  	s1 =	sld [smem:$0x3FAB]  }
0x28: {  	s2 =	sld [smem:$0x3FAC]  }
0x29: {  	s4 =	sld [smem:$0x3FAE]  }
0x2a: {  	p0 =	seq.s32 s5, $0x0;
	s5 =	sld [smem:$0x3FAF]  }
0x2b: {  	s6 =	sld [smem:$0x3FB0]  }
0x2c: {  	s7 =	sld [smem:$0x3FB1]  }
0x2d: {  	s3 =	simm.s32 $0x108;
	s8 =	sld [smem:$0x3FB2]  }
0x2e: {  	s3 =	simm.s32 @!p0 $0x1082;
	s9 =	sld [smem:$0x3FB3]  }
0x2f: {  	lr =	sadd.s32 s0, s3;
	s0 =	sld [smem:$0x3FAA]  }
0x30: {  	s3 =	sld [smem:$0x3FAD]  }
0x31: {  	[smem:$0x3FB6] =	sst s10  }
0x32: {  	s10 =	sld [smem:$0x3FB4];
	_ =	sdelay $0x3  }
0x33: {  	p0 =	seq.s32 s10, $0x1;
	s10 =	sld [smem:$0x3FB6];
	_ =	sdelay $0x3  }
0x34: {  	[smem:$0x3FB6] =	sst s10  }
0x35: {  	s10 =	sld [smem:$0x3FB5];
	_ =	sdelay $0x3  }
0x36: {  	p1 =	seq.s32 s10, $0x1;
	s10 =	sld [smem:$0x3FB6];
	_ =	sdelay $0x3  }
0x37: {  	[smem:$0x3FB6] =	sst s10  }
0x38: {  	s10 =	sld [smem:$0x3FB7]  }
0x39: {  	_ = 	snop;
	(pc) =	sbr.ind lr, $3  }
0x3a: {  	_ = 	snop  }
0x3b: {  	_ = 	snop  }
0x3c: {  	p2 =	seq.s32 s10, $0x1;
	s10 =	sld [smem:$0x3FB6]  }
0x3d: {  	_ =	shalt  }
0x3e: {  	_ =	shalt  }
0x3f: {  	_ =	shalt  }
0x40: {  	_ =	shalt  }
0x41: {  	_ =	shalt  }
0x42: {  	_ =	shalt  }
0x43: {  	_ =	shalt  }
0x44: {  	_ =	shalt  }
0x45: {  	_ =	shalt  }
0x46: {  	_ =	shalt  }
0x47: {  	_ =	shalt  }
0x48: {  	_ =	shalt  }
0x49: {  	_ =	shalt  }
0x4a: {  	_ =	shalt  }
0x4b: {  	_ =	shalt  }
0x4c: {  	_ =	shalt  }
0x4d: {  	_ =	shalt  }
0x4e: {  	_ =	shalt  }
0x4f: {  	_ =	shalt  }
0x50: {  	_ =	shalt  }
0x51: {  	_ =	shalt  }
0x52: {  	_ =	shalt  }
0x53: {  	_ =	shalt  }
0x54: {  	_ =	shalt  }
0x55: {  	_ =	shalt  }
0x56: {  	_ =	shalt  }
0x57: {  	_ =	shalt  }
0x58: {  	_ =	shalt  }
0x59: {  	_ =	shalt  }
0x5a: {  	_ =	shalt  }
0x5b: {  	_ =	shalt  }
0x5c: {  	_ =	shalt  }
0x5d: {  	_ =	shalt  }
0x5e: {  	_ =	shalt  }
0x5f: {  	_ =	shalt  }
0x60: {  	_ =	shalt  }
0x61: {  	_ =	shalt  }
0x62: {  	_ =	shalt  }
0x63: {  	_ =	shalt  }
0x64: {  	_ =	shalt  }
0x65: {  	_ =	shalt  }
0x66: {  	_ =	shalt  }
0x67: {  	_ =	shalt  }
0x68: {  	_ =	shalt  }
0x69: {  	_ =	shalt  }
0x6a: {  	_ =	shalt  }
0x6b: {  	_ =	shalt  }
0x6c: {  	_ =	shalt  }
0x6d: {  	_ =	shalt  }
0x6e: {  	_ =	shalt  }
0x6f: {  	_ =	shalt  }
0x70: {  	_ =	shalt  }
0x71: {  	_ =	shalt  }
0x72: {  	_ =	shalt  }
0x73: {  	_ =	shalt  }
0x74: {  	_ =	shalt  }
0x75: {  	_ =	shalt  }
0x76: {  	_ =	shalt  }
0x77: {  	_ =	shalt  }
0x78: {  	_ =	shalt  }
0x79: {  	_ =	shalt  }
0x7a: {  	_ =	shalt  }
0x7b: {  	_ =	shalt  }
0x7c: {  	_ =	shalt  }
0x7d: {  	_ =	shalt  }
0x7e: {  	_ =	shalt  }
0x7f: {  	_ =	shalt  }
0x80: {  	_ =	shalt  }
0x81: {  	_ =	shalt  }
0x82: {  	_ =	shalt  }
0x83: {  	_ =	shalt  }
0x84: {  	_ =	shalt  }
0x85: {  	_ =	shalt  }
0x86: {  	_ =	shalt  }
0x87: {  	_ =	shalt  }
.Lfunc_end0:
.L_simem_size_0:
called_computation_lowered:
.L_overlay_start_0:
0x88: {  	s2 =	sld [smem:$0x3FD9]  }
0x89: {  	s3 =	sld [smem:$0x3FFE];
	_ =	sdelay $0x1  }
0x8a: {  	s1 =	srdreg.scid  }
0x8b: {  	s0 =	sand.u32 $0x1, s1  }
0x8c: {  	s17 =	sshll.u32 s0, $0xA;
	s2 =	sadd.s32 s3, s2  }
0x8d: {  	s2 =	sadd.s32 s2, s17  }
0x8e: {  	[smem:$0x3FC2] =	sst s2  }
0x8f: {  	_ = 	snop  }
0x90: {  	s2 =	sld [smem:$0x3FD0];
	(tm) =	ssettm $0x1  }
0x91: {  	s18 =	sld [smem:$0x3FFB];
	_ =	sdelay $0x3  }
0x92: {  	_ =	strace s18  }
0x93: {  	s3 =	sld [smem:$0x3FFC];
	_ =	sdelay $0x3  }
0x94: {  	_ =	strace s3  }
0x95: {  	s3 =	sld [smem:$0x3FFD];
	_ =	sdelay $0x3  }
0x96: {  	_ =	strace s3  }
0x97: {  	_ =	strace $0x8FFFFFFF  }
0x98: {  	s19 =	sld [smem:$0x3FDB];
	_ =	sdelay $0x1  }
0x99: {  	s4 =	simm.s32 $_scs_section_size  }
0x9a: {  	s5 =	simm.s32 $_size__tile_overlayer_lowered;
	s6 =	simm.s32 $_tile_overlayer_lowered  }
0x9b: {  	s22 =	simm.s32 $0x1BFF;
	s21 =	sshll.u32 s6, $0x1;
	s3 =	sadd.s32 s4, s19  }
0x9c: {  	s7 =	simm.s32 $0x0;
	s20 =	sshll.u32 s5, $0x1;
	s5 =	sadd.s32 s21, s3  }
0x9d: {  	[timem:s7], [sflag:s22] =	dma.local [hbm:s5], s20  }
0x9e: {  	_ =	swait.ge [sflag:s22], s20  }
0x9f: {  	s4 =	ssub.s32 $0x0, s20;
	[sflag:s22] =	ssyncset.done $0x0  }
0xa0: {  	[sflag:s22] =	ssyncadd.s32 s4;
	_ =	sdelay $0x1  }
0xa1: {  	s23 =	simm.s32 $0x1B8B  }
0xa2: {  	_ =	swait.ge [sflag:s23], $0x1  }
0xa3: {  	[sflag:s23] =	ssyncset.done $0x0  }
0xa4: {  	s25 =	simm.s32 $0x1B8E;
	s24 =	sld [smem:$0x3FFE];
	[sflag:s23] =	ssyncadd.s32 $0xFFFFFFFF  }
0xa5: {  	s26 =	simm.s32 $execute0_lowered;
	[smem:$0x3FD2] =	sst s25  }
0xa6: {  	s5 =	sshll.u32 s26, $0x1;
	_ =	strace $0x80000046;
	[dreg:$0x1] =	wrdreg $0xFFFFFFFF  }
0xa7: {  	s28 =	simm.s32 $_size_execute0_lowered;
	s3 =	sadd.s32 s3, s5;
	[dreg:$0x0] =	wrdreg $0x0  }
0xa8: {  	s5 =	sshll.u32 s28, $0x1;
	[dreg:$0x2] =	wrdreg s3  }
0xa9: {  	[dreg:$0x3] =	wrdreg s5  }
0xaa: {  	[dreg:$0x4] =	wrdreg $0xC0  }
0xab: {  	_ =	task [dreg:s7], $0x5FFFF  }
0xac: {  	[dreg:$0x1] =	wrdreg $0xFFFFFFFF  }
0xad: {  	[dreg:$0x0] =	wrdreg $0x60  }
0xae: {  	[dreg:$0x2] =	wrdreg s24  }
0xaf: {  	[dreg:$0x3] =	wrdreg s2  }
0xb0: {  	[dreg:$0x4] =	wrdreg $0x52800  }
0xb1: {  	[dreg:$0x5] =	wrdreg $0x9  }
0xb2: {  	_ =	task.clear_ibuf [dreg:s7], $0x6FFFF;
	_ =	strace $0x90000046  }
0xb3: {  	s29 =	simm.s32 $0x9;
	_ =	strace $0x80000048  }
0xb4: {  	_ =	swait.ge [sflag:s29], $0x1  }
0xb5: {  	[sflag:s29] =	ssyncadd.s32 $0xFFFFFFFF  }
0xb6: {  	_ =	strace $0x90000048  }
0xb7: {  	_ =	sfence  }
0xb8: {  	s30 =	sld [smem:$0x0];
	_ =	sdelay $0x2  }
0xb9: {  	s31 =	sshll.u32 s1, $0xD;
	s1 =	sshrl.u32 s1, $0x2  }
0xba: {  	s3 =	sand.u32 $0x4000, s31;
	s1 =	sadd.s32 s1, s30  }
0xbb: {  	s0 =	sor.u32 s3, s0;
	s1 =	sshll.u32 s1, $0x11  }
0xbc: {  	s0 =	sor.u32 s1, s0  }
0xbd: {  	s0 =	sadd.s32 $0x8F2B, s0  }
0xbe: {  	[sflag:s0] =	ssyncadd.remote.s32 $0x1  }
0xbf: {  	_ =	sfence.sel $0xFFFF  }
0xc0: {  	[dreg:$0x0] =	wrdreg $0xFFFFFFFF;
	(pc) =	sbr.abs _section_cstart, $3  }
0xc1: {  	[dreg:$0x1] =	wrdreg $0xFFFFFFFF  }
0xc2: {  	_ =	task.clear_ibuf [dreg:s7], $0x2FFFF;
	_ =	strace $0x9FFFFFFF  }
0xc3: {  	(tm) =	ssettm $0x7FFFFFFF  }
tec
execute0_lowered:
.L_overlay_start_1:
0x0: {  	(tag) =	ssettag $0x1  }
0x1: {  	s4 =	rddreg [dreg:$0x0]  }
0x2: {  	s7 =	rddreg [dreg:$0x1]  }
0x3: {  	s2 =	rddreg [dreg:$0x2]  }
0x4: {  	s0 =	rddreg [dreg:$0x3];
	s1 =	stileid.u32  }
0x5: {  	s3 =	simm.s32 $0x0;
	s5 =	srdreg.scid;
	s6 =	smul.u32 $0x280, s1  }
0x6: {  	[smem:$0x7FF] =	sst s3;
	s9 =	smul.u32 $0x2800, s1  }
0x7: {  	s5 =	sand.u32 $0x1, s5;
	s10 =	sadd.s32 $0x1A00, s4;
	s11 =	smul.u32 $0x500, s1  }
0x8: {  	_ =	strace $0x80000047;
	s8 =	ssub.s32 $0x2, s5;
	s5 =	smul.u32 $0x2800, s5  }
0x9: {  	s30 =	sshrl.u32 s8, $0x1;
	s9 =	sshrl.u32 s9, $0x3;
	s4 =	sadd.s32 s6, s2  }
0xa: {  	s8 =	ssub.s32 s8, s30;
	s9 =	sadd.s32 s10, s9;
	s12 =	sadd.s32 s6, s5  }
0xb: {  	s5 =	sadd.s32 s10, s11;
	s10 =	simm.s32 $0x1;
	s11 =	simm.s32 $0x2800  }
0xc: {  	s6 =	sadd.s32 $0x5000, s9;
	s31 =	sshrl.u32 s12, $0x3;
	s8 =	smax.u32 s8, $0x1  }
0xd: {  	v0 =	vimm.f32 $1.000000000e+00;
	v1 =	vimm.f32 $0.0e+00;
	s9 =	simm.s32 $0x5000;
	s12 =	simm.s32 $0x0;
	s7 =	sadd.s32 s7, s31  }
.LBB2_1:
0xe: {  	s13 =	simm.s32 $0x2840  }
0xf: {  	[tilespmem:s13+$0xFFFFFFC0] =	vst v0  }
0x10: {  	[tilespmem:s13+$0x30] =	vst v0  }
0x11: {  	[tilespmem:s13+$0x20] =	vst v0  }
0x12: {  	[tilespmem:s13+$0x10] =	vst v0  }
0x13: {  	[tilespmem:s13+$0x0] =	vst v0  }
0x14: {  	[tilespmem:s13+$0xFFFFFFF0] =	vst v0  }
0x15: {  	s14 =	simm.s32 $0x0;
	[tilespmem:s13+$0xFFFFFFE0] =	vst v0  }
.LBB2_2:
0x16: {  	s14 =	sadd.s32 $0x8, s14;
	[tilespmem:s13+$0xFFFFFFD0] =	vst v0;
	s13 =	sadd.s32 $0x80, s13  }
0x17: {  	[tilespmem:s13+$0xFFFFFFC0] =	vst v0;
	p0 =	slt.u32 s14, $0x278  }
0x18: {  	[tilespmem:s13+$0x30] =	vst v0  }
.Ltmp0:
0x19: {  	[tilespmem:s13+$0x20] =	vst v0;
	(pc) =	sbr.rel @p0 .LBB2_2-.Ltmp0, $4  }
0x1a: {  	[tilespmem:s13+$0x10] =	vst v0  }
0x1b: {  	[tilespmem:s13+$0x0] =	vst v0  }
0x1c: {  	[tilespmem:s13+$0xFFFFFFF0] =	vst v0  }
0x1d: {  	[tilespmem:s13+$0xFFFFFFE0] =	vst v0  }
0x1e: {  	[tilespmem:s13+$0xFFFFFFD0] =	vst v0  }
0x1f: {  	[tilespmem:$0x5000] =	vst v1  }
0x20: {  	[tilespmem:$0x5010] =	vst v1  }
0x21: {  	[tilespmem:$0x5020] =	vst v1  }
0x22: {  	[tilespmem:$0x5030] =	vst v1  }
0x23: {  	[tilespmem:$0x5040] =	vst v1  }
0x24: {  	[tilespmem:$0x5050] =	vst v1  }
0x25: {  	[tilespmem:$0x5060] =	vst v1  }
0x26: {  	[tilespmem:$0x5070] =	vst v1  }
0x27: {  	[tilespmem:$0x5080] =	vst v1  }
0x28: {  	[tilespmem:$0x5090] =	vst v1  }
0x29: {  	[tilespmem:$0x50A0] =	vst v1  }
0x2a: {  	[tilespmem:$0x50B0] =	vst v1  }
0x2b: {  	[tilespmem:$0x50C0] =	vst v1  }
0x2c: {  	[tilespmem:$0x50D0] =	vst v1  }
0x2d: {  	[tilespmem:$0x50E0] =	vst v1  }
0x2e: {  	[tilespmem:$0x50F0] =	vst v1  }
0x2f: {  	[tilespmem:$0x5100] =	vst v1  }
0x30: {  	[tilespmem:$0x5110] =	vst v1  }
0x31: {  	[tilespmem:$0x5120] =	vst v1  }
0x32: {  	[tilespmem:$0x5130] =	vst v1  }
0x33: {  	[tilespmem:$0x5140] =	vst v1  }
0x34: {  	[tilespmem:$0x5150] =	vst v1  }
0x35: {  	[tilespmem:$0x5160] =	vst v1  }
0x36: {  	[tilespmem:$0x5170] =	vst v1  }
0x37: {  	[tilespmem:$0x5180] =	vst v1  }
0x38: {  	[tilespmem:$0x5190] =	vst v1  }
0x39: {  	[tilespmem:$0x51A0] =	vst v1  }
0x3a: {  	[tilespmem:$0x51B0] =	vst v1  }
0x3b: {  	[tilespmem:$0x51C0] =	vst v1  }
0x3c: {  	[tilespmem:$0x51D0] =	vst v1  }
0x3d: {  	[tilespmem:$0x51E0] =	vst v1  }
0x3e: {  	[tilespmem:$0x51F0] =	vst v1  }
0x3f: {  	[tilespmem:$0x5200] =	vst v1  }
0x40: {  	[tilespmem:$0x5210] =	vst v1  }
0x41: {  	[tilespmem:$0x5220] =	vst v1  }
0x42: {  	[tilespmem:$0x5230] =	vst v1  }
0x43: {  	[tilespmem:$0x5240] =	vst v1  }
0x44: {  	[tilespmem:$0x5250] =	vst v1  }
0x45: {  	[tilespmem:$0x5260] =	vst v1  }
0x46: {  	[tilespmem:$0x5270] =	vst v1  }
0x47: {  	[spmem:s4] =	stream.linear.scatter [tilespmem:s9], [sflag:$0x1], $0x280, $0x38;
	[tilespmem:$0x5500] =	vst v63  }
0x48: {  	_ =	swait.ge [sflag:s10], $0x280  }
0x49: {  	[sflag:s10] =	ssyncset.done $0x0  }
0x4a: {  	[sflag:s10] =	ssyncadd.s32 $0xFFFFFD80  }
0x4b: {  	[bflag:$0x0] =	sbarrier.arrive $0xFFFF  }
0x4c: {  	[tilespmem:s3], [sflag:$0x1] =	stream.linear.gather [hbm4b:s5+s3], $0x2800, $0x38;
	[tilespmem:$0x5500] =	vst v63  }
0x4d: {  	_ =	swait.ge [sflag:s10], $0x2800  }
0x4e: {  	[sflag:s10] =	ssyncset.done $0x0  }
0x4f: {  	[sflag:s10] =	ssyncadd.s32 $0xFFFFD800  }
0x50: {  	[spmem:s2] =	stream.indirect.scatter.add.f32 [tilespmem:s11], [sflag:$0x1], $0x1, s3, s11, $0xb8;
	[tilespmem:$0x5500] =	vst v63  }
0x51: {  	_ =	swait.ge [sflag:s10], $0x2800  }
0x52: {  	[sflag:s10] =	ssyncset.done $0x0  }
0x53: {  	[sflag:s10] =	ssyncadd.s32 $0xFFFFD800  }
0x54: {  	[tilespmem:s3], [sflag:$0x1] =	stream.linear.gather [hbm4b:s6+s3], $0x2800, $0x38;
	[tilespmem:$0x5500] =	vst v63  }
0x55: {  	_ =	swait.ge [sflag:s10], $0x2800  }
0x56: {  	[sflag:s10] =	ssyncset.done $0x0  }
0x57: {  	[sflag:s10] =	ssyncadd.s32 $0xFFFFD800  }
0x58: {  	[spmem:s2] =	stream.indirect.scatter.add.f32 [tilespmem:s11], [sflag:$0x1], $0x1, s3, s11, $0xb8;
	[tilespmem:$0x5500] =	vst v63  }
0x59: {  	_ =	swait.ge [sflag:s10], $0x2800  }
0x5a: {  	[sflag:s10] =	ssyncset.done $0x0  }
0x5b: {  	[sflag:s10] =	ssyncadd.s32 $0xFFFFD800  }
0x5c: {  	[bflag:$0x0] =	sbarrier.arrive $0xFFFF  }
0x5d: {  	[tilespmem:s9], [sflag:$0x1] =	stream.linear.gather [spmem:s4], $0x280, $0x38;
	[tilespmem:$0x5500] =	vst v63  }
0x5e: {  	s12 =	sadd.s32 $0x1, s12;
	_ =	swait.ge [sflag:s10], $0x280  }
0x5f: {  	p0 =	sne.s32 s12, s8;
	[sflag:s10] =	ssyncset.done $0x0  }
.Ltmp1:
0x60: {  	[sflag:s10] =	ssyncadd.s32 $0xFFFFFD80;
	(pc) =	sbr.rel @p0 .LBB2_1-.Ltmp1, $4  }
0x61: {  	[hbm4b:s7+s3] =	stream.linear.scatter [tilespmem:s9], [sflag:$0x1], $0x280, $0x38;
	[tilespmem:$0x5500] =	vst v63  }
0x62: {  	_ =	swait.ge [sflag:s10], $0x280  }
0x63: {  	[sflag:s10] =	ssyncset.done $0x0  }
0x64: {  	[sflag:s10] =	ssyncadd.s32 $0xFFFFFD80  }
0x65: {  	_ =	sfence.sel $0x180000  }
0x66: {  	[bflag:$0x0] =	sbarrier.arrive $0xFFFF  }
0x67: {  	p0 =	sne.s32 s1, $0x0;
	_ =	strace $0x90000047  }
0x68: {  	s0 =	sadd.s32 @!p0 $0x100000, s0;
	[bflag:$0x2] =	sbarrier.arrive $0xFFFF  }
0x69: {  	[sflag:s0] =	ssyncadd.tile.s32 @!p0 $0x1;
	_ =	shalt  }
.Lfunc_end2:
_tile_overlayer_lowered:
.L_overlay_start_2:
0x6a: {  	(tag) =	ssettag $0x2  }
0x6b: {  	s0 =	rddreg [dreg:$0x0];
	s2 =	stileid.u32  }
0x6c: {  	s1 =	rddreg [dreg:$0x1];
	p0 =	sne.s32 s2, $0x0  }
0x6d: {  	s3 =	rddreg [dreg:$0x2];
	[bflag:$0x3] =	sbarrier.arrive $0xFFFF;
	s2 =	simm.s32 @!p0 $0x1C01  }
0x6e: {  	[timem:s3], [sflag:s2] =	dma.local @!p0 [hbm:s0], s1  }
0x6f: {  	s0 =	simm.s32 @!p0 $0x1  }
0x70: {  	_ =	swait.ge @!p0 [sflag:s0], s1  }
0x71: {  	s1 =	ssub.s32 @!p0 $0x0, s1;
	[sflag:s0] =	ssyncset.done @!p0 $0x0  }
0x72: {  	[sflag:s0] =	ssyncadd.s32 @!p0 s1  }
0x73: {  	[bflag:$0x3] =	sbarrier.arrive $0xFFFF  }
0x74: {  	_ =	shalt  }

</sc_bundles>
